<compile_context>
chip_gen: v7x
topology: tpu7x:2x2x1
jax: 0.10.2.dev20260603
libtpu: 0.0.44.dev20260713+nightly
codegen_flags: <defaults>
</compile_context>

<pallas_src>
import functools

import jax
import jax.numpy as jnp
from jax import lax
from jax.experimental import pallas as pl
from jax.experimental.pallas import tpu as pltpu
from jax.experimental.pallas import tpu_sc as plsc

N = 10000
E = 320000
F = 128
H = 20
D = 32
C = 10

NC, NS = 2, 16
NPAD = 10112
TRASH = 10000
RPT = NPAD // NS

EP = 327680
EPC = EP // NC
EPT = EPC // NS
EROWS = EP // 128



CH = 512
IR = CH // 128
NH = EPT // CH // 2


def _agg_pass(y_hbm, src_hbm, dst_hbm, z_hbm, out_hbm,
              ia_s, ia_d, ib_s, ib_d, buf0, buf1,
              gs0, gs1, ss0, ss1, acc_sh, c, s):
    row0 = pl.multiple_of(s * RPT, 8)
    r2 = pl.multiple_of(row0 + 512, 8)

    def _init(src):
        pltpu.sync_copy(src.at[pl.ds(row0, 512)], buf0)
        pltpu.sync_copy(buf0, acc_sh.at[pl.ds(row0, 512)])
        pltpu.sync_copy(src.at[pl.ds(r2, RPT - 512)],
                        buf1.at[pl.ds(0, RPT - 512)])
        pltpu.sync_copy(buf1.at[pl.ds(0, RPT - 512)],
                        acc_sh.at[pl.ds(r2, RPT - 512)])

    @pl.when(c == 0)
    def _():
        _init(y_hbm)

    @pl.when(c == 1)
    def _():
        _init(z_hbm)

    plsc.subcore_barrier()

    erow0 = (c * EPC + s * EPT) // 128

    def g_desc(i_s, buf, sem, j):
        return pltpu.make_async_copy(
            y_hbm.at[i_s.at[j]], buf.at[pl.ds(j * 128, 128)], sem)

    def s_desc(i_d, buf, sem, j):
        return pltpu.make_async_copy(
            buf.at[pl.ds(j * 128, 128)], acc_sh.at[i_d.at[j]], sem)

    rb0 = pl.multiple_of(erow0, 8)
    pltpu.sync_copy(src_hbm.at[pl.ds(rb0, IR)], ia_s)
    pltpu.sync_copy(dst_hbm.at[pl.ds(rb0, IR)], ia_d)
    for j in range(IR):
        g_desc(ia_s, buf0, gs0, j).start()

    def body(i, carry):
        ca = 2 * i
        @pl.when(i > 0)
        def _():
            for j in range(IR):
                s_desc(ib_d, buf1, ss1, j).wait()
        rbb = pl.multiple_of(erow0 + (ca + 1) * IR, 4)
        pltpu.sync_copy(src_hbm.at[pl.ds(rbb, IR)], ib_s)
        pltpu.sync_copy(dst_hbm.at[pl.ds(rbb, IR)], ib_d)
        for j in range(IR):
            g_desc(ia_s, buf0, gs0, j).wait()
        for j in range(IR):
            s_desc(ia_d, buf0, ss0, j).start(add=True)
        for j in range(IR):
            g_desc(ib_s, buf1, gs1, j).start()
        for j in range(IR):
            g_desc(ib_s, buf1, gs1, j).wait()
        for j in range(IR):
            s_desc(ib_d, buf1, ss1, j).start(add=True)
        for j in range(IR):
            s_desc(ia_d, buf0, ss0, j).wait()
        @pl.when(i < NH - 1)
        def _():
            rba = pl.multiple_of(erow0 + (ca + 2) * IR, 8)
            pltpu.sync_copy(src_hbm.at[pl.ds(rba, IR)], ia_s)
            pltpu.sync_copy(dst_hbm.at[pl.ds(rba, IR)], ia_d)
            for j in range(IR):
                g_desc(ia_s, buf0, gs0, j).start()
        return carry

    lax.fori_loop(0, NH, body, 0)
    for j in range(IR):
        s_desc(ib_d, buf1, ss1, j).wait()

    plsc.subcore_barrier()
    pltpu.sync_copy(acc_sh.at[pl.ds(row0, 512)], buf0)
    pltpu.sync_copy(buf0, out_hbm.at[pl.ds(row0, 512)])
    pltpu.sync_copy(acc_sh.at[pl.ds(r2, RPT - 512)], buf1.at[pl.ds(0, RPT - 512)])
    pltpu.sync_copy(buf1.at[pl.ds(0, RPT - 512)], out_hbm.at[pl.ds(r2, RPT - 512)])
    plsc.subcore_barrier()


def _sc_agg32_body(y_hbm, src_hbm, dst_hbm, z_hbm, out_hbm,
                   ia_s, ia_d, ib_s, ib_d, buf0, buf1, gs0, gs1, ss0, ss1,
                   acc_sh):
    c = lax.axis_index("c")
    s = lax.axis_index("s")
    _agg_pass(y_hbm, src_hbm, dst_hbm, z_hbm, out_hbm.at[c],
              ia_s, ia_d, ib_s, ib_d, buf0, buf1, gs0, gs1, ss0, ss1,
              acc_sh, c, s)


def _sc_agg128_body(xlo_hbm, xhi_hbm, src_hbm, dst_hbm, z_hbm, out_hbm,
                    ia_s, ia_d, ib_s, ib_d, buf0, buf1, gs0, gs1, ss0, ss1,
                    acc_sh):
    c = lax.axis_index("c")
    s = lax.axis_index("s")
    for half, x_hbm in enumerate((xlo_hbm, xhi_hbm)):
        out = out_hbm.at[c].at[:, pl.ds(64 * half, 64)]
        _agg_pass(x_hbm, src_hbm, dst_hbm, z_hbm, out,
                  ia_s, ia_d, ib_s, ib_d, buf0, buf1, gs0, gs1, ss0, ss1,
                  acc_sh, c, s)


_sc_agg_cache = {}


def _get_sc(width):
    if width not in _sc_agg_cache:
        mesh = plsc.VectorSubcoreMesh(core_axis_name="c", subcore_axis_name="s",
                                      num_cores=NC, num_subcores=NS)
        params = pltpu.CompilerParams(use_tc_tiling_on_sc=False)
        scratch = [
            pltpu.VMEM((IR, 128), jnp.int32),
            pltpu.VMEM((IR, 128), jnp.int32),
            pltpu.VMEM((IR, 128), jnp.int32),
            pltpu.VMEM((IR, 128), jnp.int32),
            pltpu.VMEM((CH, width), jnp.float32),
            pltpu.VMEM((CH, width), jnp.float32),
            pltpu.SemaphoreType.DMA,
            pltpu.SemaphoreType.DMA,
            pltpu.SemaphoreType.DMA,
            pltpu.SemaphoreType.DMA,
            pltpu.VMEM_SHARED((NPAD, width), jnp.float32),
        ]
        if width == 32:
            out_t = jax.ShapeDtypeStruct((NC, NPAD, 32), jnp.float32)
            body = _sc_agg32_body
        else:
            out_t = jax.ShapeDtypeStruct((NC, NPAD, 128), jnp.float32)
            body = _sc_agg128_body
        _sc_agg_cache[width] = functools.partial(
            pl.kernel, out_type=out_t, mesh=mesh,
            scratch_types=scratch, compiler_params=params)(body)
    return _sc_agg_cache[width]


def _sc_agg(y, src2d, dst2d, zpad):
    return _get_sc(32)(y, src2d, dst2d, zpad)


def _sc_agg_x(xlo, xhi, src2d, dst2d, z64):
    return _get_sc(64)(xlo, xhi, src2d, dst2d, z64)



def _tc0_body(e_ref, de_ref):
    src = e_ref[0]
    dst = e_ref[1]
    de_ref[...] = jnp.where(src != dst, dst, TRASH)


def _tc0(e3d):
    return pl.pallas_call(
        _tc0_body,
        out_shape=jax.ShapeDtypeStruct((EROWS, 128), jnp.int32),
    )(e3d)


def _bn(h, g, b):
    mu = jnp.mean(h, axis=0, keepdims=True)
    var = jnp.mean((h - mu) ** 2, axis=0, keepdims=True)
    return (h - mu) / jnp.sqrt(var + 1e-5) * g + b


def _layer1_body(part_ref, w1_ref, b1_ref, w2_ref, b2_ref,
                 g_ref, bb_ref, out_ref, opad_ref):
    agg = part_ref[0, pl.ds(0, N), :] + part_ref[1, pl.ds(0, N), :]
    h = jnp.dot(agg, w1_ref[...], preferred_element_type=jnp.float32) + b1_ref[...]
    h = jnp.maximum(h, 0.0)
    h = jnp.dot(h, w2_ref[...], preferred_element_type=jnp.float32) + b2_ref[...]
    h = jnp.maximum(h, 0.0)
    out = _bn(h, g_ref[...], bb_ref[...])
    out_ref[...] = out
    opad_ref[pl.ds(0, N), :] = out
    opad_ref[pl.ds(N, NPAD - N), :] = jnp.zeros((NPAD - N, D), jnp.float32)


def _layer1(part, w1p, b1p, w2p, b2p, gp, bp):
    return pl.pallas_call(
        _layer1_body,
        out_shape=[
            jax.ShapeDtypeStruct((N, D), jnp.float32),
            jax.ShapeDtypeStruct((NPAD, D), jnp.float32),
        ],
    )(part, w1p, b1p, w2p, b2p, gp, bp)


def _layer_mid_body(part_ref, w1_ref, b1_ref, w2_ref, b2_ref,
                    g_ref, bb_ref, out_ref, opad_ref):
    agg = part_ref[0, pl.ds(0, N), :] + part_ref[1, pl.ds(0, N), :]
    h = jnp.dot(agg, w1_ref[...], preferred_element_type=jnp.float32) + b1_ref[...]
    h = jnp.maximum(h, 0.0)
    h = jnp.dot(h, w2_ref[...], preferred_element_type=jnp.float32) + b2_ref[...]
    h = jnp.maximum(h, 0.0)
    out = _bn(h, g_ref[...], bb_ref[...])
    out_ref[...] = out
    opad_ref[pl.ds(0, N), :] = out
    opad_ref[pl.ds(N, NPAD - N), :] = jnp.zeros((NPAD - N, D), jnp.float32)


def _layer_mid(part, w1p, b1p, w2p, b2p, gp, bp):
    return pl.pallas_call(
        _layer_mid_body,
        out_shape=[
            jax.ShapeDtypeStruct((N, D), jnp.float32),
            jax.ShapeDtypeStruct((NPAD, D), jnp.float32),
        ],
    )(part, w1p, b1p, w2p, b2p, gp, bp)


def _tc_final_body(part_ref, w1_ref, b1_ref, w2_ref, b2_ref,
                   o1_ref, o2_ref, l1_ref, l2_ref, l3_ref, lb_ref, out_ref):
    agg = part_ref[0, pl.ds(0, N), :] + part_ref[1, pl.ds(0, N), :]
    h = jnp.dot(agg, w1_ref[...], preferred_element_type=jnp.float32) + b1_ref[...]
    h = jnp.maximum(h, 0.0)
    h = jnp.dot(h, w2_ref[...], preferred_element_type=jnp.float32) + b2_ref[...]
    out3 = jnp.maximum(h, 0.0)
    acc = jnp.dot(o1_ref[...], l1_ref[...], preferred_element_type=jnp.float32)
    acc += jnp.dot(o2_ref[...], l2_ref[...], preferred_element_type=jnp.float32)
    acc += jnp.dot(out3, l3_ref[...], preferred_element_type=jnp.float32)
    out_ref[...] = acc + lb_ref[...]


def _tc_final(part, w1p, b1p, w2p, b2p, o1, o2, l1p, l2p, l3p, lb):
    return pl.pallas_call(
        _tc_final_body,
        out_shape=jax.ShapeDtypeStruct((N, C), jnp.float32),
    )(part, w1p, b1p, w2p, b2p, o1, o2, l1p, l2p, l3p, lb)



def _pad_w(w):
    fi, fo = w.shape
    return jnp.pad(w, ((0, 0), (0, D - fo)))


def _pad_w_rows(w):
    fi, fo = w.shape
    return jnp.pad(w, ((0, D - fi), (0, D - fo)))


def _pad_b(b):
    return jnp.pad(b, (0, D - b.shape[0]))[None, :]


def kernel(x, edge_index, w11, b11, w12, b12, w21, b21, w22, b22,
           w31, b31, w32, b32, bn1_g, bn1_b, bn2_g, bn2_b, lin_w, lin_b):
    nt = NC * NS
    ppt = (EP - E) // nt
    ei3 = edge_index.reshape(2, nt, E // nt)
    k = jnp.arange(nt * ppt, dtype=jnp.int32)
    pad_src = (N + (k % (NPAD - N))).reshape(nt, ppt)
    pad_dst = k.reshape(nt, ppt)
    pad_blk = jnp.stack([pad_src, pad_dst])
    e_pad = jnp.concatenate([ei3, pad_blk], axis=2).reshape(2, EP)
    e3d = e_pad.reshape(2, EROWS, 128)
    zpad = jnp.zeros((NPAD, D), jnp.float32)

    w11p = _pad_w(w11)
    w12p, w21p, w22p, w31p, w32p = (
        _pad_w_rows(w) for w in (w12, w21, w22, w31, w32))
    b11p, b12p, b21p, b22p, b31p, b32p = (
        _pad_b(b) for b in (b11, b12, b21, b22, b31, b32))
    g1p, bb1p, g2p, bb2p = (_pad_b(v) for v in (bn1_g, bn1_b, bn2_g, bn2_b))
    l1p = jnp.pad(lin_w[0:H], ((0, D - H), (0, 0)))
    l2p = jnp.pad(lin_w[H:2 * H], ((0, D - H), (0, 0)))
    l3p = jnp.pad(lin_w[2 * H:3 * H], ((0, D - H), (0, 0)))
    lbp = lin_b[None, :]

    dst_eff = _tc0(e3d)
    src2d = e3d[0]
    xlo = jnp.pad(x[:, :F // 2], ((0, NPAD - N), (0, 0)))
    xhi = jnp.pad(x[:, F // 2:], ((0, NPAD - N), (0, 0)))
    z64 = jnp.zeros((NPAD, F // 2), jnp.float32)
    part1 = _sc_agg_x(xlo, xhi, src2d, dst_eff, z64)
    out1, o1pad = _layer1(part1, w11p, b11p, w12p, b12p, g1p, bb1p)

    part2 = _sc_agg(o1pad, src2d, dst_eff, zpad)
    out2, o2pad = _layer_mid(part2, w21p, b21p, w22p, b22p, g2p, bb2p)

    part3 = _sc_agg(o2pad, src2d, dst_eff, zpad)
    return _tc_final(part3, w31p, b31p, w32p, b32p, out1, out2,
                     l1p, l2p, l3p, lbp)

# --- scband reference (transcript-rebuilt; emitter-appended) ---
"""Pipeline reference for scband-node-gin-70944269795973 (READ-ONLY COPY).

The authoritative reference and input builder live on the scoring server;
editing this copy changes nothing except your own understanding.
"""

import jax, jax.numpy as jnp
import numpy as np

N_NODES = 10000
N_EDGES = 320000
NUM_FEATURES = 128
HIDDEN = 20
NUM_CLASSES = 10


def _gin_agg(x, src, dst, wmask):
    # GINConv_mask with edge_weight=None: remove self loops, add self loops with
    # weight (1 + eps) = 1.0 (eps=0). Equivalent: zero-weight src==dst edges via
    # wmask, sum-aggregate to dst, then add x for the appended self loops.
    msgs = x[src] * wmask[:, None]
    agg = jax.ops.segment_sum(msgs, dst, num_segments=N_NODES)
    return agg + x


def _mlp(h, w1, b1, w2, b2):
    # get_gin: Linear -> ReLU -> Linear -> ReLU
    h = jax.nn.relu(h @ w1 + b1)
    h = jax.nn.relu(h @ w2 + b2)
    return h


def _bn(h, g, b):
    # BatchNorm1d in training mode: batch statistics over nodes, biased variance
    mu = jnp.mean(h, axis=0)
    var = jnp.var(h, axis=0)
    return (h - mu) / jnp.sqrt(var + 1e-5) * g + b


def setup_inputs(seed: int = 0):
    key = jax.random.key(seed)
    ks = jax.random.split(key, 12)
    inp = {}
    inp["x"] = jax.random.normal(ks[0], (N_NODES, NUM_FEATURES), dtype=jnp.float32)
    inp["edge_index"] = jax.random.randint(ks[1], (2, N_EDGES), 0, N_NODES, dtype=jnp.int32)

    def lin(k, fan_in, fan_out):
        bound = 1.0 / np.sqrt(fan_in)
        kw, kb = jax.random.split(k)
        w = jax.random.uniform(kw, (fan_in, fan_out), minval=-bound, maxval=bound, dtype=jnp.float32)
        b = jax.random.uniform(kb, (fan_out,), minval=-bound, maxval=bound, dtype=jnp.float32)
        return w, b

    inp["w11"], inp["b11"] = lin(ks[2], NUM_FEATURES, HIDDEN)
    inp["w12"], inp["b12"] = lin(ks[3], HIDDEN, HIDDEN)
    inp["w21"], inp["b21"] = lin(ks[4], HIDDEN, HIDDEN)
    inp["w22"], inp["b22"] = lin(ks[5], HIDDEN, HIDDEN)
    inp["w31"], inp["b31"] = lin(ks[6], HIDDEN, HIDDEN)
    inp["w32"], inp["b32"] = lin(ks[7], HIDDEN, HIDDEN)
    inp["bn1_g"] = jnp.ones((HIDDEN,), jnp.float32)
    inp["bn1_b"] = jnp.zeros((HIDDEN,), jnp.float32)
    inp["bn2_g"] = jnp.ones((HIDDEN,), jnp.float32)
    inp["bn2_b"] = jnp.zeros((HIDDEN,), jnp.float32)
    inp["lin_w"], inp["lin_b"] = lin(ks[8], 3 * HIDDEN, NUM_CLASSES)
    return inp


def reference(x, edge_index, w11, b11, w12, b12, w21, b21, w22, b22, w31, b31, w32, b32, bn1_g, bn1_b, bn2_g, bn2_b, lin_w, lin_b):
    src, dst = edge_index[0], edge_index[1]
    wmask = jnp.where(src != dst, 1.0, 0.0).astype(jnp.float32)

    out1 = _mlp(_gin_agg(x, src, dst, wmask), w11, b11, w12, b12)
    out1 = jax.nn.relu(out1)
    out1 = _bn(out1, bn1_g, bn1_b)

    out2 = _mlp(_gin_agg(out1, src, dst, wmask), w21, b21, w22, b22)
    out2 = jax.nn.relu(out2)
    out2 = _bn(out2, bn2_g, bn2_b)

    out3 = _mlp(_gin_agg(out2, src, dst, wmask), w31, b31, w32, b32)
    out3 = jax.nn.relu(out3)

    input_lin = jnp.concatenate([out1, out2, out3], axis=1)
    return input_lin @ lin_w + lin_b

if __name__ == "__main__":
    import jax
    _d = setup_inputs()
    print(jax.jit(kernel)(*tuple(_d.values())))

</pallas_src>

<mosaic_0001>
#map = affine_map<(d0, d1) -> (0, 0)>
#map1 = affine_map<(d0, d1) -> (0, 0, 0)>
module attributes {stable_mosaic.version = 14 : i64} {
  func.func @_sc_agg32_body(%arg0: i32, %arg1: i32, %arg2: memref<10112x32xf32, #tpu.memory_space<hbm>>, %arg3: memref<2560x128xi32, #tpu.memory_space<hbm>>, %arg4: memref<2560x128xi32, #tpu.memory_space<hbm>>, %arg5: memref<10112x32xf32, #tpu.memory_space<hbm>>, %arg6: memref<2x10112x32xf32, #tpu.memory_space<hbm>>, %arg7: memref<4x128xi32, #tpu.memory_space<vmem>>, %arg8: memref<4x128xi32, #tpu.memory_space<vmem>>, %arg9: memref<4x128xi32, #tpu.memory_space<vmem>>, %arg10: memref<4x128xi32, #tpu.memory_space<vmem>>, %arg11: memref<512x32xf32, #tpu.memory_space<vmem>>, %arg12: memref<512x32xf32, #tpu.memory_space<vmem>>, %arg13: memref<!tpu.dma_semaphore, #tpu.memory_space<semaphore_mem>>, %arg14: memref<!tpu.dma_semaphore, #tpu.memory_space<semaphore_mem>>, %arg15: memref<!tpu.dma_semaphore, #tpu.memory_space<semaphore_mem>>, %arg16: memref<!tpu.dma_semaphore, #tpu.memory_space<semaphore_mem>>, %arg17: memref<10112x32xf32, #tpu.memory_space<vmem_shared>>) attributes {dimension_semantics = [#tpu.dimension_semantics<core_parallel>, #tpu.dimension_semantics<subcore_parallel>], iteration_bounds = array<i64: 2, 16>, scalar_prefetch = 0 : i64, scratch_operands = 11 : i64, tpu.core_type = #tpu.core_type<sc_vector_subcore>, window_params = [{transform_indices = #map}, {transform_indices = #map}, {transform_indices = #map}, {transform_indices = #map}, {transform_indices = #map1}]} {
    %mul3A = arith.constant 632 : i32
    %mul3A_0 = arith.muli %arg1, %mul3A : i32
    %multiple_of3A = tpu.assume_multiple %mul3A_0, 8 : i32
    %add3A = arith.constant 512 : i32
    %add3A_1 = arith.addi %multiple_of3A, %add3A : i32
    %multiple_of3A_2 = tpu.assume_multiple %add3A_1, 8 : i32
    %eq3A = arith.constant 0 : i32
    %eq3A_3 = arith.cmpi eq, %arg0, %eq3A : i32
    %convert_element_type3A = arith.extui %eq3A_3 : i1 to i32
    %cond3A = arith.constant 0 : i32
    %cond3A_4 = arith.cmpi ne, %convert_element_type3A, %cond3A : i32
    scf.if %cond3A_4 {
      "tpu.region"() ({
        %run_scoped3A = tpu.sem_alloc : memref<!tpu.dma_semaphore, #tpu.memory_space<semaphore_mem>>
        %dma_start3A_117 = arith.constant 0 : i32
        %dma_start3A_118 = tpu.memref_slice %arg2[%multiple_of3A, %dma_start3A_117] : memref<10112x32xf32, #tpu.memory_space<hbm>> -> memref<512x32xf32, #tpu.memory_space<hbm>>
        %dma_start3A_119 = arith.constant 0 : i32
        %dma_start3A_120 = tpu.memref_slice %arg2[%multiple_of3A, %dma_start3A_119] : memref<10112x32xf32, #tpu.memory_space<hbm>> -> memref<512x32xf32, #tpu.memory_space<hbm>>
        tpu.enqueue_dma source(%dma_start3A_120 : memref<512x32xf32, #tpu.memory_space<hbm>>) target(%arg11 : memref<512x32xf32, #tpu.memory_space<vmem>>) target_semaphore(%run_scoped3A : memref<!tpu.dma_semaphore, #tpu.memory_space<semaphore_mem>>)
        %dma_wait3A_121 = arith.constant 0 : i32
        %dma_wait3A_122 = tpu.memref_slice %arg2[%multiple_of3A, %dma_wait3A_121] : memref<10112x32xf32, #tpu.memory_space<hbm>> -> memref<512x32xf32, #tpu.memory_space<hbm>>
        %dma_wait3A_123 = arith.constant 0 : i32
        %dma_wait3A_124 = tpu.memref_slice %arg2[%multiple_of3A, %dma_wait3A_123] : memref<10112x32xf32, #tpu.memory_space<hbm>> -> memref<512x32xf32, #tpu.memory_space<hbm>>
        tpu.wait_dma2 semaphore(%run_scoped3A : memref<!tpu.dma_semaphore, #tpu.memory_space<semaphore_mem>>) src(%dma_wait3A_124 : memref<512x32xf32, #tpu.memory_space<hbm>>) dst(%arg11 : memref<512x32xf32, #tpu.memory_space<vmem>>)
        tpu.yield
      }) : () -> ()
      "tpu.region"() ({
        %run_scoped3A = tpu.sem_alloc : memref<!tpu.dma_semaphore, #tpu.memory_space<semaphore_mem>>
        %dma_start3A_117 = arith.constant 0 : i32
        %dma_start3A_118 = tpu.memref_slice %arg17[%multiple_of3A, %dma_start3A_117] : memref<10112x32xf32, #tpu.memory_space<vmem_shared>> -> memref<512x32xf32, #tpu.memory_space<vmem_shared>>
        %dma_start3A_119 = arith.constant 0 : i32
        %dma_start3A_120 = tpu.memref_slice %arg17[%multiple_of3A, %dma_start3A_119] : memref<10112x32xf32, #tpu.memory_space<vmem_shared>> -> memref<512x32xf32, #tpu.memory_space<vmem_shared>>
        tpu.enqueue_dma source(%arg11 : memref<512x32xf32, #tpu.memory_space<vmem>>) target(%dma_start3A_120 : memref<512x32xf32, #tpu.memory_space<vmem_shared>>) target_semaphore(%run_scoped3A : memref<!tpu.dma_semaphore, #tpu.memory_space<semaphore_mem>>)
        %dma_wait3A_121 = arith.constant 0 : i32
        %dma_wait3A_122 = tpu.memref_slice %arg17[%multiple_of3A, %dma_wait3A_121] : memref<10112x32xf32, #tpu.memory_space<vmem_shared>> -> memref<512x32xf32, #tpu.memory_space<vmem_shared>>
        %dma_wait3A_123 = arith.constant 0 : i32
        %dma_wait3A_124 = tpu.memref_slice %arg17[%multiple_of3A, %dma_wait3A_123] : memref<10112x32xf32, #tpu.memory_space<vmem_shared>> -> memref<512x32xf32, #tpu.memory_space<vmem_shared>>
        tpu.wait_dma2 semaphore(%run_scoped3A : memref<!tpu.dma_semaphore, #tpu.memory_space<semaphore_mem>>) src(%arg11 : memref<512x32xf32, #tpu.memory_space<vmem>>) dst(%dma_wait3A_124 : memref<512x32xf32, #tpu.memory_space<vmem_shared>>)
        tpu.yield
      }) : () -> ()
      "tpu.region"() ({
        %run_scoped3A = tpu.sem_alloc : memref<!tpu.dma_semaphore, #tpu.memory_space<semaphore_mem>>
        %dma_start3A_117 = arith.constant 0 : i32
        %dma_start3A_118 = arith.constant 0 : i32
        %dma_start3A_119 = tpu.memref_slice %arg12[%dma_start3A_117, %dma_start3A_118] : memref<512x32xf32, #tpu.memory_space<vmem>> -> memref<120x32xf32, #tpu.memory_space<vmem>>
        %dma_start3A_120 = arith.constant 0 : i32
        %dma_start3A_121 = tpu.memref_slice %arg2[%multiple_of3A_2, %dma_start3A_120] : memref<10112x32xf32, #tpu.memory_space<hbm>> -> memref<120x32xf32, #tpu.memory_space<hbm>>
        %dma_start3A_122 = arith.constant 0 : i32
        %dma_start3A_123 = arith.constant 0 : i32
        %dma_start3A_124 = tpu.memref_slice %arg12[%dma_start3A_122, %dma_start3A_123] : memref<512x32xf32, #tpu.memory_space<vmem>> -> memref<120x32xf32, #tpu.memory_space<vmem>>
        %dma_start3A_125 = arith.constant 0 : i32
        %dma_start3A_126 = tpu.memref_slice %arg2[%multiple_of3A_2, %dma_start3A_125] : memref<10112x32xf32, #tpu.memory_space<hbm>> -> memref<120x32xf32, #tpu.memory_space<hbm>>
        tpu.enqueue_dma source(%dma_start3A_126 : memref<120x32xf32, #tpu.memory_space<hbm>>) target(%dma_start3A_124 : memref<120x32xf32, #tpu.memory_space<vmem>>) target_semaphore(%run_scoped3A : memref<!tpu.dma_semaphore, #tpu.memory_space<semaphore_mem>>)
        %dma_wait3A_127 = arith.constant 0 : i32
        %dma_wait3A_128 = arith.constant 0 : i32
        %dma_wait3A_129 = tpu.memref_slice %arg12[%dma_wait3A_127, %dma_wait3A_128] : memref<512x32xf32, #tpu.memory_space<vmem>> -> memref<120x32xf32, #tpu.memory_space<vmem>>
        %dma_wait3A_130 = arith.constant 0 : i32
        %dma_wait3A_131 = tpu.memref_slice %arg2[%multiple_of3A_2, %dma_wait3A_130] : memref<10112x32xf32, #tpu.memory_space<hbm>> -> memref<120x32xf32, #tpu.memory_space<hbm>>
        %dma_wait3A_132 = arith.constant 0 : i32
        %dma_wait3A_133 = arith.constant 0 : i32
        %dma_wait3A_134 = tpu.memref_slice %arg12[%dma_wait3A_132, %dma_wait3A_133] : memref<512x32xf32, #tpu.memory_space<vmem>> -> memref<120x32xf32, #tpu.memory_space<vmem>>
        %dma_wait3A_135 = arith.constant 0 : i32
        %dma_wait3A_136 = tpu.memref_slice %arg2[%multiple_of3A_2, %dma_wait3A_135] : memref<10112x32xf32, #tpu.memory_space<hbm>> -> memref<120x32xf32, #tpu.memory_space<hbm>>
        tpu.wait_dma2 semaphore(%run_scoped3A : memref<!tpu.dma_semaphore, #tpu.memory_space<semaphore_mem>>) src(%dma_wait3A_136 : memref<120x32xf32, #tpu.memory_space<hbm>>) dst(%dma_wait3A_134 : memref<120x32xf32, #tpu.memory_space<vmem>>)
        tpu.yield
      }) : () -> ()
      "tpu.region"() ({
        %run_scoped3A = tpu.sem_alloc : memref<!tpu.dma_semaphore, #tpu.memory_space<semaphore_mem>>
        %dma_start3A_117 = arith.constant 0 : i32
        %dma_start3A_118 = arith.constant 0 : i32
        %dma_start3A_119 = tpu.memref_slice %arg12[%dma_start3A_117, %dma_start3A_118] : memref<512x32xf32, #tpu.memory_space<vmem>> -> memref<120x32xf32, #tpu.memory_space<vmem>>
        %dma_start3A_120 = arith.constant 0 : i32
        %dma_start3A_121 = tpu.memref_slice %arg17[%multiple_of3A_2, %dma_start3A_120] : memref<10112x32xf32, #tpu.memory_space<vmem_shared>> -> memref<120x32xf32, #tpu.memory_space<vmem_shared>>
        %dma_start3A_122 = arith.constant 0 : i32
        %dma_start3A_123 = tpu.memref_slice %arg17[%multiple_of3A_2, %dma_start3A_122] : memref<10112x32xf32, #tpu.memory_space<vmem_shared>> -> memref<120x32xf32, #tpu.memory_space<vmem_shared>>
        %dma_start3A_124 = arith.constant 0 : i32
        %dma_start3A_125 = arith.constant 0 : i32
        %dma_start3A_126 = tpu.memref_slice %arg12[%dma_start3A_124, %dma_start3A_125] : memref<512x32xf32, #tpu.memory_space<vmem>> -> memref<120x32xf32, #tpu.memory_space<vmem>>
        tpu.enqueue_dma source(%dma_start3A_126 : memref<120x32xf32, #tpu.memory_space<vmem>>) target(%dma_start3A_123 : memref<120x32xf32, #tpu.memory_space<vmem_shared>>) target_semaphore(%run_scoped3A : memref<!tpu.dma_semaphore, #tpu.memory_space<semaphore_mem>>)
        %dma_wait3A_127 = arith.constant 0 : i32
        %dma_wait3A_128 = arith.constant 0 : i32
        %dma_wait3A_129 = tpu.memref_slice %arg12[%dma_wait3A_127, %dma_wait3A_128] : memref<512x32xf32, #tpu.memory_space<vmem>> -> memref<120x32xf32, #tpu.memory_space<vmem>>
        %dma_wait3A_130 = arith.constant 0 : i32
        %dma_wait3A_131 = tpu.memref_slice %arg17[%multiple_of3A_2, %dma_wait3A_130] : memref<10112x32xf32, #tpu.memory_space<vmem_shared>> -> memref<120x32xf32, #tpu.memory_space<vmem_shared>>
        %dma_wait3A_132 = arith.constant 0 : i32
        %dma_wait3A_133 = tpu.memref_slice %arg17[%multiple_of3A_2, %dma_wait3A_132] : memref<10112x32xf32, #tpu.memory_space<vmem_shared>> -> memref<120x32xf32, #tpu.memory_space<vmem_shared>>
        %dma_wait3A_134 = arith.constant 0 : i32
        %dma_wait3A_135 = arith.constant 0 : i32
        %dma_wait3A_136 = tpu.memref_slice %arg12[%dma_wait3A_134, %dma_wait3A_135] : memref<512x32xf32, #tpu.memory_space<vmem>> -> memref<120x32xf32, #tpu.memory_space<vmem>>
        tpu.wait_dma2 semaphore(%run_scoped3A : memref<!tpu.dma_semaphore, #tpu.memory_space<semaphore_mem>>) src(%dma_wait3A_136 : memref<120x32xf32, #tpu.memory_space<vmem>>) dst(%dma_wait3A_133 : memref<120x32xf32, #tpu.memory_space<vmem_shared>>)
        tpu.yield
      }) : () -> ()
    } else {
    }
    %eq3A_5 = arith.constant 1 : i32
    %eq3A_6 = arith.cmpi eq, %arg0, %eq3A_5 : i32
    %convert_element_type3A_7 = arith.extui %eq3A_6 : i1 to i32
    %cond3A_8 = arith.constant 0 : i32
    %cond3A_9 = arith.cmpi ne, %convert_element_type3A_7, %cond3A_8 : i32
    scf.if %cond3A_9 {
      "tpu.region"() ({
        %run_scoped3A = tpu.sem_alloc : memref<!tpu.dma_semaphore, #tpu.memory_space<semaphore_mem>>
        %dma_start3A_117 = arith.constant 0 : i32
        %dma_start3A_118 = tpu.memref_slice %arg5[%multiple_of3A, %dma_start3A_117] : memref<10112x32xf32, #tpu.memory_space<hbm>> -> memref<512x32xf32, #tpu.memory_space<hbm>>
        %dma_start3A_119 = arith.constant 0 : i32
        %dma_start3A_120 = tpu.memref_slice %arg5[%multiple_of3A, %dma_start3A_119] : memref<10112x32xf32, #tpu.memory_space<hbm>> -> memref<512x32xf32, #tpu.memory_space<hbm>>
        tpu.enqueue_dma source(%dma_start3A_120 : memref<512x32xf32, #tpu.memory_space<hbm>>) target(%arg11 : memref<512x32xf32, #tpu.memory_space<vmem>>) target_semaphore(%run_scoped3A : memref<!tpu.dma_semaphore, #tpu.memory_space<semaphore_mem>>)
        %dma_wait3A_121 = arith.constant 0 : i32
        %dma_wait3A_122 = tpu.memref_slice %arg5[%multiple_of3A, %dma_wait3A_121] : memref<10112x32xf32, #tpu.memory_space<hbm>> -> memref<512x32xf32, #tpu.memory_space<hbm>>
        %dma_wait3A_123 = arith.constant 0 : i32
        %dma_wait3A_124 = tpu.memref_slice %arg5[%multiple_of3A, %dma_wait3A_123] : memref<10112x32xf32, #tpu.memory_space<hbm>> -> memref<512x32xf32, #tpu.memory_space<hbm>>
        tpu.wait_dma2 semaphore(%run_scoped3A : memref<!tpu.dma_semaphore, #tpu.memory_space<semaphore_mem>>) src(%dma_wait3A_124 : memref<512x32xf32, #tpu.memory_space<hbm>>) dst(%arg11 : memref<512x32xf32, #tpu.memory_space<vmem>>)
        tpu.yield
      }) : () -> ()
      "tpu.region"() ({
        %run_scoped3A = tpu.sem_alloc : memref<!tpu.dma_semaphore, #tpu.memory_space<semaphore_mem>>
        %dma_start3A_117 = arith.constant 0 : i32
        %dma_start3A_118 = tpu.memref_slice %arg17[%multiple_of3A, %dma_start3A_117] : memref<10112x32xf32, #tpu.memory_space<vmem_shared>> -> memref<512x32xf32, #tpu.memory_space<vmem_shared>>
        %dma_start3A_119 = arith.constant 0 : i32
        %dma_start3A_120 = tpu.memref_slice %arg17[%multiple_of3A, %dma_start3A_119] : memref<10112x32xf32, #tpu.memory_space<vmem_shared>> -> memref<512x32xf32, #tpu.memory_space<vmem_shared>>
        tpu.enqueue_dma source(%arg11 : memref<512x32xf32, #tpu.memory_space<vmem>>) target(%dma_start3A_120 : memref<512x32xf32, #tpu.memory_space<vmem_shared>>) target_semaphore(%run_scoped3A : memref<!tpu.dma_semaphore, #tpu.memory_space<semaphore_mem>>)
        %dma_wait3A_121 = arith.constant 0 : i32
        %dma_wait3A_122 = tpu.memref_slice %arg17[%multiple_of3A, %dma_wait3A_121] : memref<10112x32xf32, #tpu.memory_space<vmem_shared>> -> memref<512x32xf32, #tpu.memory_space<vmem_shared>>
        %dma_wait3A_123 = arith.constant 0 : i32
        %dma_wait3A_124 = tpu.memref_slice %arg17[%multiple_of3A, %dma_wait3A_123] : memref<10112x32xf32, #tpu.memory_space<vmem_shared>> -> memref<512x32xf32, #tpu.memory_space<vmem_shared>>
        tpu.wait_dma2 semaphore(%run_scoped3A : memref<!tpu.dma_semaphore, #tpu.memory_space<semaphore_mem>>) src(%arg11 : memref<512x32xf32, #tpu.memory_space<vmem>>) dst(%dma_wait3A_124 : memref<512x32xf32, #tpu.memory_space<vmem_shared>>)
        tpu.yield
      }) : () -> ()
      "tpu.region"() ({
        %run_scoped3A = tpu.sem_alloc : memref<!tpu.dma_semaphore, #tpu.memory_space<semaphore_mem>>
        %dma_start3A_117 = arith.constant 0 : i32
        %dma_start3A_118 = arith.constant 0 : i32
        %dma_start3A_119 = tpu.memref_slice %arg12[%dma_start3A_117, %dma_start3A_118] : memref<512x32xf32, #tpu.memory_space<vmem>> -> memref<120x32xf32, #tpu.memory_space<vmem>>
        %dma_start3A_120 = arith.constant 0 : i32
        %dma_start3A_121 = tpu.memref_slice %arg5[%multiple_of3A_2, %dma_start3A_120] : memref<10112x32xf32, #tpu.memory_space<hbm>> -> memref<120x32xf32, #tpu.memory_space<hbm>>
        %dma_start3A_122 = arith.constant 0 : i32
        %dma_start3A_123 = arith.constant 0 : i32
        %dma_start3A_124 = tpu.memref_slice %arg12[%dma_start3A_122, %dma_start3A_123] : memref<512x32xf32, #tpu.memory_space<vmem>> -> memref<120x32xf32, #tpu.memory_space<vmem>>
        %dma_start3A_125 = arith.constant 0 : i32
        %dma_start3A_126 = tpu.memref_slice %arg5[%multiple_of3A_2, %dma_start3A_125] : memref<10112x32xf32, #tpu.memory_space<hbm>> -> memref<120x32xf32, #tpu.memory_space<hbm>>
        tpu.enqueue_dma source(%dma_start3A_126 : memref<120x32xf32, #tpu.memory_space<hbm>>) target(%dma_start3A_124 : memref<120x32xf32, #tpu.memory_space<vmem>>) target_semaphore(%run_scoped3A : memref<!tpu.dma_semaphore, #tpu.memory_space<semaphore_mem>>)
        %dma_wait3A_127 = arith.constant 0 : i32
        %dma_wait3A_128 = arith.constant 0 : i32
        %dma_wait3A_129 = tpu.memref_slice %arg12[%dma_wait3A_127, %dma_wait3A_128] : memref<512x32xf32, #tpu.memory_space<vmem>> -> memref<120x32xf32, #tpu.memory_space<vmem>>
        %dma_wait3A_130 = arith.constant 0 : i32
        %dma_wait3A_131 = tpu.memref_slice %arg5[%multiple_of3A_2, %dma_wait3A_130] : memref<10112x32xf32, #tpu.memory_space<hbm>> -> memref<120x32xf32, #tpu.memory_space<hbm>>
        %dma_wait3A_132 = arith.constant 0 : i32
        %dma_wait3A_133 = arith.constant 0 : i32
        %dma_wait3A_134 = tpu.memref_slice %arg12[%dma_wait3A_132, %dma_wait3A_133] : memref<512x32xf32, #tpu.memory_space<vmem>> -> memref<120x32xf32, #tpu.memory_space<vmem>>
        %dma_wait3A_135 = arith.constant 0 : i32
        %dma_wait3A_136 = tpu.memref_slice %arg5[%multiple_of3A_2, %dma_wait3A_135] : memref<10112x32xf32, #tpu.memory_space<hbm>> -> memref<120x32xf32, #tpu.memory_space<hbm>>
        tpu.wait_dma2 semaphore(%run_scoped3A : memref<!tpu.dma_semaphore, #tpu.memory_space<semaphore_mem>>) src(%dma_wait3A_136 : memref<120x32xf32, #tpu.memory_space<hbm>>) dst(%dma_wait3A_134 : memref<120x32xf32, #tpu.memory_space<vmem>>)
        tpu.yield
      }) : () -> ()
      "tpu.region"() ({
        %run_scoped3A = tpu.sem_alloc : memref<!tpu.dma_semaphore, #tpu.memory_space<semaphore_mem>>
        %dma_start3A_117 = arith.constant 0 : i32
        %dma_start3A_118 = arith.constant 0 : i32
        %dma_start3A_119 = tpu.memref_slice %arg12[%dma_start3A_117, %dma_start3A_118] : memref<512x32xf32, #tpu.memory_space<vmem>> -> memref<120x32xf32, #tpu.memory_space<vmem>>
        %dma_start3A_120 = arith.constant 0 : i32
        %dma_start3A_121 = tpu.memref_slice %arg17[%multiple_of3A_2, %dma_start3A_120] : memref<10112x32xf32, #tpu.memory_space<vmem_shared>> -> memref<120x32xf32, #tpu.memory_space<vmem_shared>>
        %dma_start3A_122 = arith.constant 0 : i32
        %dma_start3A_123 = tpu.memref_slice %arg17[%multiple_of3A_2, %dma_start3A_122] : memref<10112x32xf32, #tpu.memory_space<vmem_shared>> -> memref<120x32xf32, #tpu.memory_space<vmem_shared>>
        %dma_start3A_124 = arith.constant 0 : i32
        %dma_start3A_125 = arith.constant 0 : i32
        %dma_start3A_126 = tpu.memref_slice %arg12[%dma_start3A_124, %dma_start3A_125] : memref<512x32xf32, #tpu.memory_space<vmem>> -> memref<120x32xf32, #tpu.memory_space<vmem>>
        tpu.enqueue_dma source(%dma_start3A_126 : memref<120x32xf32, #tpu.memory_space<vmem>>) target(%dma_start3A_123 : memref<120x32xf32, #tpu.memory_space<vmem_shared>>) target_semaphore(%run_scoped3A : memref<!tpu.dma_semaphore, #tpu.memory_space<semaphore_mem>>)
        %dma_wait3A_127 = arith.constant 0 : i32
        %dma_wait3A_128 = arith.constant 0 : i32
        %dma_wait3A_129 = tpu.memref_slice %arg12[%dma_wait3A_127, %dma_wait3A_128] : memref<512x32xf32, #tpu.memory_space<vmem>> -> memref<120x32xf32, #tpu.memory_space<vmem>>
        %dma_wait3A_130 = arith.constant 0 : i32
        %dma_wait3A_131 = tpu.memref_slice %arg17[%multiple_of3A_2, %dma_wait3A_130] : memref<10112x32xf32, #tpu.memory_space<vmem_shared>> -> memref<120x32xf32, #tpu.memory_space<vmem_shared>>
        %dma_wait3A_132 = arith.constant 0 : i32
        %dma_wait3A_133 = tpu.memref_slice %arg17[%multiple_of3A_2, %dma_wait3A_132] : memref<10112x32xf32, #tpu.memory_space<vmem_shared>> -> memref<120x32xf32, #tpu.memory_space<vmem_shared>>
        %dma_wait3A_134 = arith.constant 0 : i32
        %dma_wait3A_135 = arith.constant 0 : i32
        %dma_wait3A_136 = tpu.memref_slice %arg12[%dma_wait3A_134, %dma_wait3A_135] : memref<512x32xf32, #tpu.memory_space<vmem>> -> memref<120x32xf32, #tpu.memory_space<vmem>>
        tpu.wait_dma2 semaphore(%run_scoped3A : memref<!tpu.dma_semaphore, #tpu.memory_space<semaphore_mem>>) src(%dma_wait3A_136 : memref<120x32xf32, #tpu.memory_space<vmem>>) dst(%dma_wait3A_133 : memref<120x32xf32, #tpu.memory_space<vmem_shared>>)
        tpu.yield
      }) : () -> ()
    } else {
    }
    %barrier3A = arith.constant 0 : index
    tpu.barrier barrier_id(%barrier3A)
    %mul3A_10 = arith.constant 163840 : i32
    %mul3A_11 = arith.muli %arg0, %mul3A_10 : i32
    %mul3A_12 = arith.constant 10240 : i32
    %mul3A_13 = arith.muli %arg1, %mul3A_12 : i32
    %add3A_14 = arith.addi %mul3A_11, %mul3A_13 : i32
    %jit3A = arith.constant 128 : i32
    %div3A = arith.divsi %add3A_14, %jit3A : i32
    %sign3A = arith.constant 0 : i32
    %sign3A_15 = arith.cmpi sgt, %add3A_14, %sign3A : i32
    %sign3A_16 = arith.extui %sign3A_15 : i1 to i32
    %sign3A_17 = arith.constant 0 : i32
    %sign3A_18 = arith.cmpi slt, %add3A_14, %sign3A_17 : i32
    %sign3A_19 = arith.extui %sign3A_18 : i1 to i32
    %sign3A_20 = arith.subi %sign3A_16, %sign3A_19 : i32
    %sign3A_21 = arith.constant 0 : i32
    %sign3A_22 = arith.cmpi sgt, %jit3A, %sign3A_21 : i32
    %sign3A_23 = arith.extui %sign3A_22 : i1 to i32
    %sign3A_24 = arith.constant 0 : i32
    %sign3A_25 = arith.cmpi slt, %jit3A, %sign3A_24 : i32
    %sign3A_26 = arith.extui %sign3A_25 : i1 to i32
    %sign3A_27 = arith.subi %sign3A_23, %sign3A_26 : i32
    %ne3A = arith.cmpi ne, %sign3A_20, %sign3A_27 : i32
    %rem3A = arith.remsi %add3A_14, %jit3A : i32
    %ne3A_28 = arith.constant 0 : i32
    %ne3A_29 = arith.cmpi ne, %rem3A, %ne3A_28 : i32
    %and3A = arith.andi %ne3A, %ne3A_29 : i1
    %sub3A = arith.constant 1 : i32
    %sub3A_30 = arith.subi %div3A, %sub3A : i32
    %select_n3A = arith.select %and3A, %sub3A_30, %div3A : i32
    %multiple_of3A_31 = tpu.assume_multiple %select_n3A, 8 : i32
    "tpu.region"() ({
      %run_scoped3A = tpu.sem_alloc : memref<!tpu.dma_semaphore, #tpu.memory_space<semaphore_mem>>
      %dma_start3A_117 = arith.constant 0 : i32
      %dma_start3A_118 = tpu.memref_slice %arg3[%multiple_of3A_31, %dma_start3A_117] : memref<2560x128xi32, #tpu.memory_space<hbm>> -> memref<4x128xi32, #tpu.memory_space<hbm>>
      %dma_start3A_119 = arith.constant 0 : i32
      %dma_start3A_120 = tpu.memref_slice %arg3[%multiple_of3A_31, %dma_start3A_119] : memref<2560x128xi32, #tpu.memory_space<hbm>> -> memref<4x128xi32, #tpu.memory_space<hbm>>
      tpu.enqueue_dma source(%dma_start3A_120 : memref<4x128xi32, #tpu.memory_space<hbm>>) target(%arg7 : memref<4x128xi32, #tpu.memory_space<vmem>>) target_semaphore(%run_scoped3A : memref<!tpu.dma_semaphore, #tpu.memory_space<semaphore_mem>>)
      %dma_wait3A_121 = arith.constant 0 : i32
      %dma_wait3A_122 = tpu.memref_slice %arg3[%multiple_of3A_31, %dma_wait3A_121] : memref<2560x128xi32, #tpu.memory_space<hbm>> -> memref<4x128xi32, #tpu.memory_space<hbm>>
      %dma_wait3A_123 = arith.constant 0 : i32
      %dma_wait3A_124 = tpu.memref_slice %arg3[%multiple_of3A_31, %dma_wait3A_123] : memref<2560x128xi32, #tpu.memory_space<hbm>> -> memref<4x128xi32, #tpu.memory_space<hbm>>
      tpu.wait_dma2 semaphore(%run_scoped3A : memref<!tpu.dma_semaphore, #tpu.memory_space<semaphore_mem>>) src(%dma_wait3A_124 : memref<4x128xi32, #tpu.memory_space<hbm>>) dst(%arg7 : memref<4x128xi32, #tpu.memory_space<vmem>>)
      tpu.yield
    }) : () -> ()
    "tpu.region"() ({
      %run_scoped3A = tpu.sem_alloc : memref<!tpu.dma_semaphore, #tpu.memory_space<semaphore_mem>>
      %dma_start3A_117 = arith.constant 0 : i32
      %dma_start3A_118 = tpu.memref_slice %arg4[%multiple_of3A_31, %dma_start3A_117] : memref<2560x128xi32, #tpu.memory_space<hbm>> -> memref<4x128xi32, #tpu.memory_space<hbm>>
      %dma_start3A_119 = arith.constant 0 : i32
      %dma_start3A_120 = tpu.memref_slice %arg4[%multiple_of3A_31, %dma_start3A_119] : memref<2560x128xi32, #tpu.memory_space<hbm>> -> memref<4x128xi32, #tpu.memory_space<hbm>>
      tpu.enqueue_dma source(%dma_start3A_120 : memref<4x128xi32, #tpu.memory_space<hbm>>) target(%arg8 : memref<4x128xi32, #tpu.memory_space<vmem>>) target_semaphore(%run_scoped3A : memref<!tpu.dma_semaphore, #tpu.memory_space<semaphore_mem>>)
      %dma_wait3A_121 = arith.constant 0 : i32
      %dma_wait3A_122 = tpu.memref_slice %arg4[%multiple_of3A_31, %dma_wait3A_121] : memref<2560x128xi32, #tpu.memory_space<hbm>> -> memref<4x128xi32, #tpu.memory_space<hbm>>
      %dma_wait3A_123 = arith.constant 0 : i32
      %dma_wait3A_124 = tpu.memref_slice %arg4[%multiple_of3A_31, %dma_wait3A_123] : memref<2560x128xi32, #tpu.memory_space<hbm>> -> memref<4x128xi32, #tpu.memory_space<hbm>>
      tpu.wait_dma2 semaphore(%run_scoped3A : memref<!tpu.dma_semaphore, #tpu.memory_space<semaphore_mem>>) src(%dma_wait3A_124 : memref<4x128xi32, #tpu.memory_space<hbm>>) dst(%arg8 : memref<4x128xi32, #tpu.memory_space<vmem>>)
      tpu.yield
    }) : () -> ()
    %dma_start3A = arith.constant 0 : i32
    %dma_start3A_32 = arith.constant 0 : i32
    %dma_start3A_33 = arith.constant 0 : i32
    %dma_start3A_34 = tpu.memref_slice %arg11[%dma_start3A_32, %dma_start3A_33] : memref<512x32xf32, #tpu.memory_space<vmem>> -> memref<128x32xf32, #tpu.memory_space<vmem>>
    %dma_start3A_35 = arith.constant 0 : i32
    %dma_start3A_36 = tpu.memref_slice %arg7[%dma_start3A, %dma_start3A_35] : memref<4x128xi32, #tpu.memory_space<vmem>> -> memref<1x128xi32, #tpu.memory_space<vmem>>
    %dma_start3A_37 = tpu.memref_squeeze %dma_start3A_36 : memref<1x128xi32, #tpu.memory_space<vmem>> -> memref<128xi32, #tpu.memory_space<vmem>>
    %dma_start3A_38 = arith.constant 0 : i32
    %dma_start3A_39 = arith.constant 0 : i32
    %dma_start3A_40 = tpu.memref_slice %arg2[%dma_start3A_38, %dma_start3A_39] : memref<10112x32xf32, #tpu.memory_space<hbm>> -> memref<10112x32xf32, #tpu.memory_space<hbm>>
    tpu.enqueue_indirect_dma source(%dma_start3A_40 : memref<10112x32xf32, #tpu.memory_space<hbm>>) target(%dma_start3A_34 : memref<128x32xf32, #tpu.memory_space<vmem>>) offsets(%dma_start3A_37 : memref<128xi32, #tpu.memory_space<vmem>>) semaphore(%arg13 : memref<!tpu.dma_semaphore, #tpu.memory_space<semaphore_mem>>)
    %dma_start3A_41 = arith.constant 1 : i32
    %dma_start3A_42 = arith.constant 128 : i32
    %dma_start3A_43 = arith.constant 0 : i32
    %dma_start3A_44 = tpu.memref_slice %arg11[%dma_start3A_42, %dma_start3A_43] : memref<512x32xf32, #tpu.memory_space<vmem>> -> memref<128x32xf32, #tpu.memory_space<vmem>>
    %dma_start3A_45 = arith.constant 0 : i32
    %dma_start3A_46 = tpu.memref_slice %arg7[%dma_start3A_41, %dma_start3A_45] : memref<4x128xi32, #tpu.memory_space<vmem>> -> memref<1x128xi32, #tpu.memory_space<vmem>>
    %dma_start3A_47 = tpu.memref_squeeze %dma_start3A_46 : memref<1x128xi32, #tpu.memory_space<vmem>> -> memref<128xi32, #tpu.memory_space<vmem>>
    %dma_start3A_48 = arith.constant 0 : i32
    %dma_start3A_49 = arith.constant 0 : i32
    %dma_start3A_50 = tpu.memref_slice %arg2[%dma_start3A_48, %dma_start3A_49] : memref<10112x32xf32, #tpu.memory_space<hbm>> -> memref<10112x32xf32, #tpu.memory_space<hbm>>
    tpu.enqueue_indirect_dma source(%dma_start3A_50 : memref<10112x32xf32, #tpu.memory_space<hbm>>) target(%dma_start3A_44 : memref<128x32xf32, #tpu.memory_space<vmem>>) offsets(%dma_start3A_47 : memref<128xi32, #tpu.memory_space<vmem>>) semaphore(%arg13 : memref<!tpu.dma_semaphore, #tpu.memory_space<semaphore_mem>>)
    %dma_start3A_51 = arith.constant 2 : i32
    %dma_start3A_52 = arith.constant 256 : i32
    %dma_start3A_53 = arith.constant 0 : i32
    %dma_start3A_54 = tpu.memref_slice %arg11[%dma_start3A_52, %dma_start3A_53] : memref<512x32xf32, #tpu.memory_space<vmem>> -> memref<128x32xf32, #tpu.memory_space<vmem>>
    %dma_start3A_55 = arith.constant 0 : i32
    %dma_start3A_56 = tpu.memref_slice %arg7[%dma_start3A_51, %dma_start3A_55] : memref<4x128xi32, #tpu.memory_space<vmem>> -> memref<1x128xi32, #tpu.memory_space<vmem>>
    %dma_start3A_57 = tpu.memref_squeeze %dma_start3A_56 : memref<1x128xi32, #tpu.memory_space<vmem>> -> memref<128xi32, #tpu.memory_space<vmem>>
    %dma_start3A_58 = arith.constant 0 : i32
    %dma_start3A_59 = arith.constant 0 : i32
    %dma_start3A_60 = tpu.memref_slice %arg2[%dma_start3A_58, %dma_start3A_59] : memref<10112x32xf32, #tpu.memory_space<hbm>> -> memref<10112x32xf32, #tpu.memory_space<hbm>>
    tpu.enqueue_indirect_dma source(%dma_start3A_60 : memref<10112x32xf32, #tpu.memory_space<hbm>>) target(%dma_start3A_54 : memref<128x32xf32, #tpu.memory_space<vmem>>) offsets(%dma_start3A_57 : memref<128xi32, #tpu.memory_space<vmem>>) semaphore(%arg13 : memref<!tpu.dma_semaphore, #tpu.memory_space<semaphore_mem>>)
    %dma_start3A_61 = arith.constant 3 : i32
    %dma_start3A_62 = arith.constant 384 : i32
    %dma_start3A_63 = arith.constant 0 : i32
    %dma_start3A_64 = tpu.memref_slice %arg11[%dma_start3A_62, %dma_start3A_63] : memref<512x32xf32, #tpu.memory_space<vmem>> -> memref<128x32xf32, #tpu.memory_space<vmem>>
    %dma_start3A_65 = arith.constant 0 : i32
    %dma_start3A_66 = tpu.memref_slice %arg7[%dma_start3A_61, %dma_start3A_65] : memref<4x128xi32, #tpu.memory_space<vmem>> -> memref<1x128xi32, #tpu.memory_space<vmem>>
    %dma_start3A_67 = tpu.memref_squeeze %dma_start3A_66 : memref<1x128xi32, #tpu.memory_space<vmem>> -> memref<128xi32, #tpu.memory_space<vmem>>
    %dma_start3A_68 = arith.constant 0 : i32
    %dma_start3A_69 = arith.constant 0 : i32
    %dma_start3A_70 = tpu.memref_slice %arg2[%dma_start3A_68, %dma_start3A_69] : memref<10112x32xf32, #tpu.memory_space<hbm>> -> memref<10112x32xf32, #tpu.memory_space<hbm>>
    tpu.enqueue_indirect_dma source(%dma_start3A_70 : memref<10112x32xf32, #tpu.memory_space<hbm>>) target(%dma_start3A_64 : memref<128x32xf32, #tpu.memory_space<vmem>>) offsets(%dma_start3A_67 : memref<128xi32, #tpu.memory_space<vmem>>) semaphore(%arg13 : memref<!tpu.dma_semaphore, #tpu.memory_space<semaphore_mem>>)
    %scan3A = arith.constant 0 : i32
    %scan3A_71 = arith.constant 0 : i32
    %scan3A_72 = arith.constant 10 : i32
    %scan3A_73 = arith.addi %scan3A_71, %scan3A_72 : i32
    %scan3A_74 = arith.constant 1 : i32
    scf.for %scan3A_117 = %scan3A_71 to %scan3A_73 step %scan3A_74  : i32 {
      %mul3A_118 = arith.constant 2 : i32
      %mul3A_119 = arith.muli %mul3A_118, %scan3A_117 : i32
      %gt3A = arith.constant 0 : i32
      %gt3A_120 = arith.cmpi sgt, %scan3A_117, %gt3A : i32
      %convert_element_type3A_121 = arith.extui %gt3A_120 : i1 to i32
      %cond3A_122 = arith.constant 0 : i32
      %cond3A_123 = arith.cmpi ne, %convert_element_type3A_121, %cond3A_122 : i32
      scf.if %cond3A_123 {
        %dma_wait3A_374 = arith.constant 0 : i32
        %dma_wait3A_375 = arith.constant 0 : i32
        %dma_wait3A_376 = arith.constant 0 : i32
        %dma_wait3A_377 = tpu.memref_slice %arg12[%dma_wait3A_375, %dma_wait3A_376] : memref<512x32xf32, #tpu.memory_space<vmem>> -> memref<128x32xf32, #tpu.memory_space<vmem>>
        %dma_wait3A_378 = arith.constant 0 : i32
        %dma_wait3A_379 = tpu.memref_slice %arg10[%dma_wait3A_374, %dma_wait3A_378] : memref<4x128xi32, #tpu.memory_space<vmem>> -> memref<1x128xi32, #tpu.memory_space<vmem>>
        %dma_wait3A_380 = tpu.memref_squeeze %dma_wait3A_379 : memref<1x128xi32, #tpu.memory_space<vmem>> -> memref<128xi32, #tpu.memory_space<vmem>>
        %dma_wait3A_381 = arith.constant 0 : i32
        %dma_wait3A_382 = arith.constant 0 : i32
        %dma_wait3A_383 = tpu.memref_slice %arg17[%dma_wait3A_381, %dma_wait3A_382] : memref<10112x32xf32, #tpu.memory_space<vmem_shared>> -> memref<10112x32xf32, #tpu.memory_space<vmem_shared>>
        tpu.wait_indirect_dma semaphore(%arg16 : memref<!tpu.dma_semaphore, #tpu.memory_space<semaphore_mem>>) src(%dma_wait3A_377 : memref<128x32xf32, #tpu.memory_space<vmem>>) dst(%dma_wait3A_383 : memref<10112x32xf32, #tpu.memory_space<vmem_shared>>)
        %dma_wait3A_384 = arith.constant 1 : i32
        %dma_wait3A_385 = arith.constant 128 : i32
        %dma_wait3A_386 = arith.constant 0 : i32
        %dma_wait3A_387 = tpu.memref_slice %arg12[%dma_wait3A_385, %dma_wait3A_386] : memref<512x32xf32, #tpu.memory_space<vmem>> -> memref<128x32xf32, #tpu.memory_space<vmem>>
        %dma_wait3A_388 = arith.constant 0 : i32
        %dma_wait3A_389 = tpu.memref_slice %arg10[%dma_wait3A_384, %dma_wait3A_388] : memref<4x128xi32, #tpu.memory_space<vmem>> -> memref<1x128xi32, #tpu.memory_space<vmem>>
        %dma_wait3A_390 = tpu.memref_squeeze %dma_wait3A_389 : memref<1x128xi32, #tpu.memory_space<vmem>> -> memref<128xi32, #tpu.memory_space<vmem>>
        %dma_wait3A_391 = arith.constant 0 : i32
        %dma_wait3A_392 = arith.constant 0 : i32
        %dma_wait3A_393 = tpu.memref_slice %arg17[%dma_wait3A_391, %dma_wait3A_392] : memref<10112x32xf32, #tpu.memory_space<vmem_shared>> -> memref<10112x32xf32, #tpu.memory_space<vmem_shared>>
        tpu.wait_indirect_dma semaphore(%arg16 : memref<!tpu.dma_semaphore, #tpu.memory_space<semaphore_mem>>) src(%dma_wait3A_387 : memref<128x32xf32, #tpu.memory_space<vmem>>) dst(%dma_wait3A_393 : memref<10112x32xf32, #tpu.memory_space<vmem_shared>>)
        %dma_wait3A_394 = arith.constant 2 : i32
        %dma_wait3A_395 = arith.constant 256 : i32
        %dma_wait3A_396 = arith.constant 0 : i32
        %dma_wait3A_397 = tpu.memref_slice %arg12[%dma_wait3A_395, %dma_wait3A_396] : memref<512x32xf32, #tpu.memory_space<vmem>> -> memref<128x32xf32, #tpu.memory_space<vmem>>
        %dma_wait3A_398 = arith.constant 0 : i32
        %dma_wait3A_399 = tpu.memref_slice %arg10[%dma_wait3A_394, %dma_wait3A_398] : memref<4x128xi32, #tpu.memory_space<vmem>> -> memref<1x128xi32, #tpu.memory_space<vmem>>
        %dma_wait3A_400 = tpu.memref_squeeze %dma_wait3A_399 : memref<1x128xi32, #tpu.memory_space<vmem>> -> memref<128xi32, #tpu.memory_space<vmem>>
        %dma_wait3A_401 = arith.constant 0 : i32
        %dma_wait3A_402 = arith.constant 0 : i32
        %dma_wait3A_403 = tpu.memref_slice %arg17[%dma_wait3A_401, %dma_wait3A_402] : memref<10112x32xf32, #tpu.memory_space<vmem_shared>> -> memref<10112x32xf32, #tpu.memory_space<vmem_shared>>
        tpu.wait_indirect_dma semaphore(%arg16 : memref<!tpu.dma_semaphore, #tpu.memory_space<semaphore_mem>>) src(%dma_wait3A_397 : memref<128x32xf32, #tpu.memory_space<vmem>>) dst(%dma_wait3A_403 : memref<10112x32xf32, #tpu.memory_space<vmem_shared>>)
        %dma_wait3A_404 = arith.constant 3 : i32
        %dma_wait3A_405 = arith.constant 384 : i32
        %dma_wait3A_406 = arith.constant 0 : i32
        %dma_wait3A_407 = tpu.memref_slice %arg12[%dma_wait3A_405, %dma_wait3A_406] : memref<512x32xf32, #tpu.memory_space<vmem>> -> memref<128x32xf32, #tpu.memory_space<vmem>>
        %dma_wait3A_408 = arith.constant 0 : i32
        %dma_wait3A_409 = tpu.memref_slice %arg10[%dma_wait3A_404, %dma_wait3A_408] : memref<4x128xi32, #tpu.memory_space<vmem>> -> memref<1x128xi32, #tpu.memory_space<vmem>>
        %dma_wait3A_410 = tpu.memref_squeeze %dma_wait3A_409 : memref<1x128xi32, #tpu.memory_space<vmem>> -> memref<128xi32, #tpu.memory_space<vmem>>
        %dma_wait3A_411 = arith.constant 0 : i32
        %dma_wait3A_412 = arith.constant 0 : i32
        %dma_wait3A_413 = tpu.memref_slice %arg17[%dma_wait3A_411, %dma_wait3A_412] : memref<10112x32xf32, #tpu.memory_space<vmem_shared>> -> memref<10112x32xf32, #tpu.memory_space<vmem_shared>>
        tpu.wait_indirect_dma semaphore(%arg16 : memref<!tpu.dma_semaphore, #tpu.memory_space<semaphore_mem>>) src(%dma_wait3A_407 : memref<128x32xf32, #tpu.memory_space<vmem>>) dst(%dma_wait3A_413 : memref<10112x32xf32, #tpu.memory_space<vmem_shared>>)
      } else {
      }
      %add3A_124 = arith.constant 1 : i32
      %add3A_125 = arith.addi %mul3A_119, %add3A_124 : i32
      %mul3A_126 = arith.constant 4 : i32
      %mul3A_127 = arith.muli %add3A_125, %mul3A_126 : i32
      %add3A_128 = arith.addi %select_n3A, %mul3A_127 : i32
      %multiple_of3A_129 = tpu.assume_multiple %add3A_128, 4 : i32
      "tpu.region"() ({
        %run_scoped3A = tpu.sem_alloc : memref<!tpu.dma_semaphore, #tpu.memory_space<semaphore_mem>>
        %dma_start3A_374 = arith.constant 0 : i32
        %dma_start3A_375 = tpu.memref_slice %arg3[%multiple_of3A_129, %dma_start3A_374] : memref<2560x128xi32, #tpu.memory_space<hbm>> -> memref<4x128xi32, #tpu.memory_space<hbm>>
        %dma_start3A_376 = arith.constant 0 : i32
        %dma_start3A_377 = tpu.memref_slice %arg3[%multiple_of3A_129, %dma_start3A_376] : memref<2560x128xi32, #tpu.memory_space<hbm>> -> memref<4x128xi32, #tpu.memory_space<hbm>>
        tpu.enqueue_dma source(%dma_start3A_377 : memref<4x128xi32, #tpu.memory_space<hbm>>) target(%arg9 : memref<4x128xi32, #tpu.memory_space<vmem>>) target_semaphore(%run_scoped3A : memref<!tpu.dma_semaphore, #tpu.memory_space<semaphore_mem>>)
        %dma_wait3A_378 = arith.constant 0 : i32
        %dma_wait3A_379 = tpu.memref_slice %arg3[%multiple_of3A_129, %dma_wait3A_378] : memref<2560x128xi32, #tpu.memory_space<hbm>> -> memref<4x128xi32, #tpu.memory_space<hbm>>
        %dma_wait3A_380 = arith.constant 0 : i32
        %dma_wait3A_381 = tpu.memref_slice %arg3[%multiple_of3A_129, %dma_wait3A_380] : memref<2560x128xi32, #tpu.memory_space<hbm>> -> memref<4x128xi32, #tpu.memory_space<hbm>>
        tpu.wait_dma2 semaphore(%run_scoped3A : memref<!tpu.dma_semaphore, #tpu.memory_space<semaphore_mem>>) src(%dma_wait3A_381 : memref<4x128xi32, #tpu.memory_space<hbm>>) dst(%arg9 : memref<4x128xi32, #tpu.memory_space<vmem>>)
        tpu.yield
      }) : () -> ()
      "tpu.region"() ({
        %run_scoped3A = tpu.sem_alloc : memref<!tpu.dma_semaphore, #tpu.memory_space<semaphore_mem>>
        %dma_start3A_374 = arith.constant 0 : i32
        %dma_start3A_375 = tpu.memref_slice %arg4[%multiple_of3A_129, %dma_start3A_374] : memref<2560x128xi32, #tpu.memory_space<hbm>> -> memref<4x128xi32, #tpu.memory_space<hbm>>
        %dma_start3A_376 = arith.constant 0 : i32
        %dma_start3A_377 = tpu.memref_slice %arg4[%multiple_of3A_129, %dma_start3A_376] : memref<2560x128xi32, #tpu.memory_space<hbm>> -> memref<4x128xi32, #tpu.memory_space<hbm>>
        tpu.enqueue_dma source(%dma_start3A_377 : memref<4x128xi32, #tpu.memory_space<hbm>>) target(%arg10 : memref<4x128xi32, #tpu.memory_space<vmem>>) target_semaphore(%run_scoped3A : memref<!tpu.dma_semaphore, #tpu.memory_space<semaphore_mem>>)
        %dma_wait3A_378 = arith.constant 0 : i32
        %dma_wait3A_379 = tpu.memref_slice %arg4[%multiple_of3A_129, %dma_wait3A_378] : memref<2560x128xi32, #tpu.memory_space<hbm>> -> memref<4x128xi32, #tpu.memory_space<hbm>>
        %dma_wait3A_380 = arith.constant 0 : i32
        %dma_wait3A_381 = tpu.memref_slice %arg4[%multiple_of3A_129, %dma_wait3A_380] : memref<2560x128xi32, #tpu.memory_space<hbm>> -> memref<4x128xi32, #tpu.memory_space<hbm>>
        tpu.wait_dma2 semaphore(%run_scoped3A : memref<!tpu.dma_semaphore, #tpu.memory_space<semaphore_mem>>) src(%dma_wait3A_381 : memref<4x128xi32, #tpu.memory_space<hbm>>) dst(%arg10 : memref<4x128xi32, #tpu.memory_space<vmem>>)
        tpu.yield
      }) : () -> ()
      %dma_wait3A_130 = arith.constant 0 : i32
      %dma_wait3A_131 = arith.constant 0 : i32
      %dma_wait3A_132 = arith.constant 0 : i32
      %dma_wait3A_133 = tpu.memref_slice %arg11[%dma_wait3A_131, %dma_wait3A_132] : memref<512x32xf32, #tpu.memory_space<vmem>> -> memref<128x32xf32, #tpu.memory_space<vmem>>
      %dma_wait3A_134 = arith.constant 0 : i32
      %dma_wait3A_135 = tpu.memref_slice %arg7[%dma_wait3A_130, %dma_wait3A_134] : memref<4x128xi32, #tpu.memory_space<vmem>> -> memref<1x128xi32, #tpu.memory_space<vmem>>
      %dma_wait3A_136 = tpu.memref_squeeze %dma_wait3A_135 : memref<1x128xi32, #tpu.memory_space<vmem>> -> memref<128xi32, #tpu.memory_space<vmem>>
      %dma_wait3A_137 = arith.constant 0 : i32
      %dma_wait3A_138 = arith.constant 0 : i32
      %dma_wait3A_139 = tpu.memref_slice %arg2[%dma_wait3A_137, %dma_wait3A_138] : memref<10112x32xf32, #tpu.memory_space<hbm>> -> memref<10112x32xf32, #tpu.memory_space<hbm>>
      tpu.wait_indirect_dma semaphore(%arg13 : memref<!tpu.dma_semaphore, #tpu.memory_space<semaphore_mem>>) src(%dma_wait3A_139 : memref<10112x32xf32, #tpu.memory_space<hbm>>) dst(%dma_wait3A_133 : memref<128x32xf32, #tpu.memory_space<vmem>>)
      %dma_wait3A_140 = arith.constant 1 : i32
      %dma_wait3A_141 = arith.constant 128 : i32
      %dma_wait3A_142 = arith.constant 0 : i32
      %dma_wait3A_143 = tpu.memref_slice %arg11[%dma_wait3A_141, %dma_wait3A_142] : memref<512x32xf32, #tpu.memory_space<vmem>> -> memref<128x32xf32, #tpu.memory_space<vmem>>
      %dma_wait3A_144 = arith.constant 0 : i32
      %dma_wait3A_145 = tpu.memref_slice %arg7[%dma_wait3A_140, %dma_wait3A_144] : memref<4x128xi32, #tpu.memory_space<vmem>> -> memref<1x128xi32, #tpu.memory_space<vmem>>
      %dma_wait3A_146 = tpu.memref_squeeze %dma_wait3A_145 : memref<1x128xi32, #tpu.memory_space<vmem>> -> memref<128xi32, #tpu.memory_space<vmem>>
      %dma_wait3A_147 = arith.constant 0 : i32
      %dma_wait3A_148 = arith.constant 0 : i32
      %dma_wait3A_149 = tpu.memref_slice %arg2[%dma_wait3A_147, %dma_wait3A_148] : memref<10112x32xf32, #tpu.memory_space<hbm>> -> memref<10112x32xf32, #tpu.memory_space<hbm>>
      tpu.wait_indirect_dma semaphore(%arg13 : memref<!tpu.dma_semaphore, #tpu.memory_space<semaphore_mem>>) src(%dma_wait3A_149 : memref<10112x32xf32, #tpu.memory_space<hbm>>) dst(%dma_wait3A_143 : memref<128x32xf32, #tpu.memory_space<vmem>>)
      %dma_wait3A_150 = arith.constant 2 : i32
      %dma_wait3A_151 = arith.constant 256 : i32
      %dma_wait3A_152 = arith.constant 0 : i32
      %dma_wait3A_153 = tpu.memref_slice %arg11[%dma_wait3A_151, %dma_wait3A_152] : memref<512x32xf32, #tpu.memory_space<vmem>> -> memref<128x32xf32, #tpu.memory_space<vmem>>
      %dma_wait3A_154 = arith.constant 0 : i32
      %dma_wait3A_155 = tpu.memref_slice %arg7[%dma_wait3A_150, %dma_wait3A_154] : memref<4x128xi32, #tpu.memory_space<vmem>> -> memref<1x128xi32, #tpu.memory_space<vmem>>
      %dma_wait3A_156 = tpu.memref_squeeze %dma_wait3A_155 : memref<1x128xi32, #tpu.memory_space<vmem>> -> memref<128xi32, #tpu.memory_space<vmem>>
      %dma_wait3A_157 = arith.constant 0 : i32
      %dma_wait3A_158 = arith.constant 0 : i32
      %dma_wait3A_159 = tpu.memref_slice %arg2[%dma_wait3A_157, %dma_wait3A_158] : memref<10112x32xf32, #tpu.memory_space<hbm>> -> memref<10112x32xf32, #tpu.memory_space<hbm>>
      tpu.wait_indirect_dma semaphore(%arg13 : memref<!tpu.dma_semaphore, #tpu.memory_space<semaphore_mem>>) src(%dma_wait3A_159 : memref<10112x32xf32, #tpu.memory_space<hbm>>) dst(%dma_wait3A_153 : memref<128x32xf32, #tpu.memory_space<vmem>>)
      %dma_wait3A_160 = arith.constant 3 : i32
      %dma_wait3A_161 = arith.constant 384 : i32
      %dma_wait3A_162 = arith.constant 0 : i32
      %dma_wait3A_163 = tpu.memref_slice %arg11[%dma_wait3A_161, %dma_wait3A_162] : memref<512x32xf32, #tpu.memory_space<vmem>> -> memref<128x32xf32, #tpu.memory_space<vmem>>
      %dma_wait3A_164 = arith.constant 0 : i32
      %dma_wait3A_165 = tpu.memref_slice %arg7[%dma_wait3A_160, %dma_wait3A_164] : memref<4x128xi32, #tpu.memory_space<vmem>> -> memref<1x128xi32, #tpu.memory_space<vmem>>
      %dma_wait3A_166 = tpu.memref_squeeze %dma_wait3A_165 : memref<1x128xi32, #tpu.memory_space<vmem>> -> memref<128xi32, #tpu.memory_space<vmem>>
      %dma_wait3A_167 = arith.constant 0 : i32
      %dma_wait3A_168 = arith.constant 0 : i32
      %dma_wait3A_169 = tpu.memref_slice %arg2[%dma_wait3A_167, %dma_wait3A_168] : memref<10112x32xf32, #tpu.memory_space<hbm>> -> memref<10112x32xf32, #tpu.memory_space<hbm>>
      tpu.wait_indirect_dma semaphore(%arg13 : memref<!tpu.dma_semaphore, #tpu.memory_space<semaphore_mem>>) src(%dma_wait3A_169 : memref<10112x32xf32, #tpu.memory_space<hbm>>) dst(%dma_wait3A_163 : memref<128x32xf32, #tpu.memory_space<vmem>>)
      %dma_start3A_170 = arith.constant 0 : i32
      %dma_start3A_171 = arith.constant 0 : i32
      %dma_start3A_172 = arith.constant 0 : i32
      %dma_start3A_173 = tpu.memref_slice %arg11[%dma_start3A_171, %dma_start3A_172] : memref<512x32xf32, #tpu.memory_space<vmem>> -> memref<128x32xf32, #tpu.memory_space<vmem>>
      %dma_start3A_174 = arith.constant 0 : i32
      %dma_start3A_175 = tpu.memref_slice %arg8[%dma_start3A_170, %dma_start3A_174] : memref<4x128xi32, #tpu.memory_space<vmem>> -> memref<1x128xi32, #tpu.memory_space<vmem>>
      %dma_start3A_176 = tpu.memref_squeeze %dma_start3A_175 : memref<1x128xi32, #tpu.memory_space<vmem>> -> memref<128xi32, #tpu.memory_space<vmem>>
      %dma_start3A_177 = arith.constant 0 : i32
      %dma_start3A_178 = arith.constant 0 : i32
      %dma_start3A_179 = tpu.memref_slice %arg17[%dma_start3A_177, %dma_start3A_178] : memref<10112x32xf32, #tpu.memory_space<vmem_shared>> -> memref<10112x32xf32, #tpu.memory_space<vmem_shared>>
      tpu.enqueue_indirect_dma source(%dma_start3A_173 : memref<128x32xf32, #tpu.memory_space<vmem>>) target(%dma_start3A_179 : memref<10112x32xf32, #tpu.memory_space<vmem_shared>>) offsets(%dma_start3A_176 : memref<128xi32, #tpu.memory_space<vmem>>) semaphore(%arg15 : memref<!tpu.dma_semaphore, #tpu.memory_space<semaphore_mem>>) {add = true}
      %dma_start3A_180 = arith.constant 1 : i32
      %dma_start3A_181 = arith.constant 128 : i32
      %dma_start3A_182 = arith.constant 0 : i32
      %dma_start3A_183 = tpu.memref_slice %arg11[%dma_start3A_181, %dma_start3A_182] : memref<512x32xf32, #tpu.memory_space<vmem>> -> memref<128x32xf32, #tpu.memory_space<vmem>>
      %dma_start3A_184 = arith.constant 0 : i32
      %dma_start3A_185 = tpu.memref_slice %arg8[%dma_start3A_180, %dma_start3A_184] : memref<4x128xi32, #tpu.memory_space<vmem>> -> memref<1x128xi32, #tpu.memory_space<vmem>>
      %dma_start3A_186 = tpu.memref_squeeze %dma_start3A_185 : memref<1x128xi32, #tpu.memory_space<vmem>> -> memref<128xi32, #tpu.memory_space<vmem>>
      %dma_start3A_187 = arith.constant 0 : i32
      %dma_start3A_188 = arith.constant 0 : i32
      %dma_start3A_189 = tpu.memref_slice %arg17[%dma_start3A_187, %dma_start3A_188] : memref<10112x32xf32, #tpu.memory_space<vmem_shared>> -> memref<10112x32xf32, #tpu.memory_space<vmem_shared>>
      tpu.enqueue_indirect_dma source(%dma_start3A_183 : memref<128x32xf32, #tpu.memory_space<vmem>>) target(%dma_start3A_189 : memref<10112x32xf32, #tpu.memory_space<vmem_shared>>) offsets(%dma_start3A_186 : memref<128xi32, #tpu.memory_space<vmem>>) semaphore(%arg15 : memref<!tpu.dma_semaphore, #tpu.memory_space<semaphore_mem>>) {add = true}
      %dma_start3A_190 = arith.constant 2 : i32
      %dma_start3A_191 = arith.constant 256 : i32
      %dma_start3A_192 = arith.constant 0 : i32
      %dma_start3A_193 = tpu.memref_slice %arg11[%dma_start3A_191, %dma_start3A_192] : memref<512x32xf32, #tpu.memory_space<vmem>> -> memref<128x32xf32, #tpu.memory_space<vmem>>
      %dma_start3A_194 = arith.constant 0 : i32
      %dma_start3A_195 = tpu.memref_slice %arg8[%dma_start3A_190, %dma_start3A_194] : memref<4x128xi32, #tpu.memory_space<vmem>> -> memref<1x128xi32, #tpu.memory_space<vmem>>
      %dma_start3A_196 = tpu.memref_squeeze %dma_start3A_195 : memref<1x128xi32, #tpu.memory_space<vmem>> -> memref<128xi32, #tpu.memory_space<vmem>>
      %dma_start3A_197 = arith.constant 0 : i32
      %dma_start3A_198 = arith.constant 0 : i32
      %dma_start3A_199 = tpu.memref_slice %arg17[%dma_start3A_197, %dma_start3A_198] : memref<10112x32xf32, #tpu.memory_space<vmem_shared>> -> memref<10112x32xf32, #tpu.memory_space<vmem_shared>>
      tpu.enqueue_indirect_dma source(%dma_start3A_193 : memref<128x32xf32, #tpu.memory_space<vmem>>) target(%dma_start3A_199 : memref<10112x32xf32, #tpu.memory_space<vmem_shared>>) offsets(%dma_start3A_196 : memref<128xi32, #tpu.memory_space<vmem>>) semaphore(%arg15 : memref<!tpu.dma_semaphore, #tpu.memory_space<semaphore_mem>>) {add = true}
      %dma_start3A_200 = arith.constant 3 : i32
      %dma_start3A_201 = arith.constant 384 : i32
      %dma_start3A_202 = arith.constant 0 : i32
      %dma_start3A_203 = tpu.memref_slice %arg11[%dma_start3A_201, %dma_start3A_202] : memref<512x32xf32, #tpu.memory_space<vmem>> -> memref<128x32xf32, #tpu.memory_space<vmem>>
      %dma_start3A_204 = arith.constant 0 : i32
      %dma_start3A_205 = tpu.memref_slice %arg8[%dma_start3A_200, %dma_start3A_204] : memref<4x128xi32, #tpu.memory_space<vmem>> -> memref<1x128xi32, #tpu.memory_space<vmem>>
      %dma_start3A_206 = tpu.memref_squeeze %dma_start3A_205 : memref<1x128xi32, #tpu.memory_space<vmem>> -> memref<128xi32, #tpu.memory_space<vmem>>
      %dma_start3A_207 = arith.constant 0 : i32
      %dma_start3A_208 = arith.constant 0 : i32
      %dma_start3A_209 = tpu.memref_slice %arg17[%dma_start3A_207, %dma_start3A_208] : memref<10112x32xf32, #tpu.memory_space<vmem_shared>> -> memref<10112x32xf32, #tpu.memory_space<vmem_shared>>
      tpu.enqueue_indirect_dma source(%dma_start3A_203 : memref<128x32xf32, #tpu.memory_space<vmem>>) target(%dma_start3A_209 : memref<10112x32xf32, #tpu.memory_space<vmem_shared>>) offsets(%dma_start3A_206 : memref<128xi32, #tpu.memory_space<vmem>>) semaphore(%arg15 : memref<!tpu.dma_semaphore, #tpu.memory_space<semaphore_mem>>) {add = true}
      %dma_start3A_210 = arith.constant 0 : i32
      %dma_start3A_211 = arith.constant 0 : i32
      %dma_start3A_212 = arith.constant 0 : i32
      %dma_start3A_213 = tpu.memref_slice %arg12[%dma_start3A_211, %dma_start3A_212] : memref<512x32xf32, #tpu.memory_space<vmem>> -> memref<128x32xf32, #tpu.memory_space<vmem>>
      %dma_start3A_214 = arith.constant 0 : i32
      %dma_start3A_215 = tpu.memref_slice %arg9[%dma_start3A_210, %dma_start3A_214] : memref<4x128xi32, #tpu.memory_space<vmem>> -> memref<1x128xi32, #tpu.memory_space<vmem>>
      %dma_start3A_216 = tpu.memref_squeeze %dma_start3A_215 : memref<1x128xi32, #tpu.memory_space<vmem>> -> memref<128xi32, #tpu.memory_space<vmem>>
      %dma_start3A_217 = arith.constant 0 : i32
      %dma_start3A_218 = arith.constant 0 : i32
      %dma_start3A_219 = tpu.memref_slice %arg2[%dma_start3A_217, %dma_start3A_218] : memref<10112x32xf32, #tpu.memory_space<hbm>> -> memref<10112x32xf32, #tpu.memory_space<hbm>>
      tpu.enqueue_indirect_dma source(%dma_start3A_219 : memref<10112x32xf32, #tpu.memory_space<hbm>>) target(%dma_start3A_213 : memref<128x32xf32, #tpu.memory_space<vmem>>) offsets(%dma_start3A_216 : memref<128xi32, #tpu.memory_space<vmem>>) semaphore(%arg14 : memref<!tpu.dma_semaphore, #tpu.memory_space<semaphore_mem>>)
      %dma_start3A_220 = arith.constant 1 : i32
      %dma_start3A_221 = arith.constant 128 : i32
      %dma_start3A_222 = arith.constant 0 : i32
      %dma_start3A_223 = tpu.memref_slice %arg12[%dma_start3A_221, %dma_start3A_222] : memref<512x32xf32, #tpu.memory_space<vmem>> -> memref<128x32xf32, #tpu.memory_space<vmem>>
      %dma_start3A_224 = arith.constant 0 : i32
      %dma_start3A_225 = tpu.memref_slice %arg9[%dma_start3A_220, %dma_start3A_224] : memref<4x128xi32, #tpu.memory_space<vmem>> -> memref<1x128xi32, #tpu.memory_space<vmem>>
      %dma_start3A_226 = tpu.memref_squeeze %dma_start3A_225 : memref<1x128xi32, #tpu.memory_space<vmem>> -> memref<128xi32, #tpu.memory_space<vmem>>
      %dma_start3A_227 = arith.constant 0 : i32
      %dma_start3A_228 = arith.constant 0 : i32
      %dma_start3A_229 = tpu.memref_slice %arg2[%dma_start3A_227, %dma_start3A_228] : memref<10112x32xf32, #tpu.memory_space<hbm>> -> memref<10112x32xf32, #tpu.memory_space<hbm>>
      tpu.enqueue_indirect_dma source(%dma_start3A_229 : memref<10112x32xf32, #tpu.memory_space<hbm>>) target(%dma_start3A_223 : memref<128x32xf32, #tpu.memory_space<vmem>>) offsets(%dma_start3A_226 : memref<128xi32, #tpu.memory_space<vmem>>) semaphore(%arg14 : memref<!tpu.dma_semaphore, #tpu.memory_space<semaphore_mem>>)
      %dma_start3A_230 = arith.constant 2 : i32
      %dma_start3A_231 = arith.constant 256 : i32
      %dma_start3A_232 = arith.constant 0 : i32
      %dma_start3A_233 = tpu.memref_slice %arg12[%dma_start3A_231, %dma_start3A_232] : memref<512x32xf32, #tpu.memory_space<vmem>> -> memref<128x32xf32, #tpu.memory_space<vmem>>
      %dma_start3A_234 = arith.constant 0 : i32
      %dma_start3A_235 = tpu.memref_slice %arg9[%dma_start3A_230, %dma_start3A_234] : memref<4x128xi32, #tpu.memory_space<vmem>> -> memref<1x128xi32, #tpu.memory_space<vmem>>
      %dma_start3A_236 = tpu.memref_squeeze %dma_start3A_235 : memref<1x128xi32, #tpu.memory_space<vmem>> -> memref<128xi32, #tpu.memory_space<vmem>>
      %dma_start3A_237 = arith.constant 0 : i32
      %dma_start3A_238 = arith.constant 0 : i32
      %dma_start3A_239 = tpu.memref_slice %arg2[%dma_start3A_237, %dma_start3A_238] : memref<10112x32xf32, #tpu.memory_space<hbm>> -> memref<10112x32xf32, #tpu.memory_space<hbm>>
      tpu.enqueue_indirect_dma source(%dma_start3A_239 : memref<10112x32xf32, #tpu.memory_space<hbm>>) target(%dma_start3A_233 : memref<128x32xf32, #tpu.memory_space<vmem>>) offsets(%dma_start3A_236 : memref<128xi32, #tpu.memory_space<vmem>>) semaphore(%arg14 : memref<!tpu.dma_semaphore, #tpu.memory_space<semaphore_mem>>)
      %dma_start3A_240 = arith.constant 3 : i32
      %dma_start3A_241 = arith.constant 384 : i32
      %dma_start3A_242 = arith.constant 0 : i32
      %dma_start3A_243 = tpu.memref_slice %arg12[%dma_start3A_241, %dma_start3A_242] : memref<512x32xf32, #tpu.memory_space<vmem>> -> memref<128x32xf32, #tpu.memory_space<vmem>>
      %dma_start3A_244 = arith.constant 0 : i32
      %dma_start3A_245 = tpu.memref_slice %arg9[%dma_start3A_240, %dma_start3A_244] : memref<4x128xi32, #tpu.memory_space<vmem>> -> memref<1x128xi32, #tpu.memory_space<vmem>>
      %dma_start3A_246 = tpu.memref_squeeze %dma_start3A_245 : memref<1x128xi32, #tpu.memory_space<vmem>> -> memref<128xi32, #tpu.memory_space<vmem>>
      %dma_start3A_247 = arith.constant 0 : i32
      %dma_start3A_248 = arith.constant 0 : i32
      %dma_start3A_249 = tpu.memref_slice %arg2[%dma_start3A_247, %dma_start3A_248] : memref<10112x32xf32, #tpu.memory_space<hbm>> -> memref<10112x32xf32, #tpu.memory_space<hbm>>
      tpu.enqueue_indirect_dma source(%dma_start3A_249 : memref<10112x32xf32, #tpu.memory_space<hbm>>) target(%dma_start3A_243 : memref<128x32xf32, #tpu.memory_space<vmem>>) offsets(%dma_start3A_246 : memref<128xi32, #tpu.memory_space<vmem>>) semaphore(%arg14 : memref<!tpu.dma_semaphore, #tpu.memory_space<semaphore_mem>>)
      %dma_wait3A_250 = arith.constant 0 : i32
      %dma_wait3A_251 = arith.constant 0 : i32
      %dma_wait3A_252 = arith.constant 0 : i32
      %dma_wait3A_253 = tpu.memref_slice %arg12[%dma_wait3A_251, %dma_wait3A_252] : memref<512x32xf32, #tpu.memory_space<vmem>> -> memref<128x32xf32, #tpu.memory_space<vmem>>
      %dma_wait3A_254 = arith.constant 0 : i32
      %dma_wait3A_255 = tpu.memref_slice %arg9[%dma_wait3A_250, %dma_wait3A_254] : memref<4x128xi32, #tpu.memory_space<vmem>> -> memref<1x128xi32, #tpu.memory_space<vmem>>
      %dma_wait3A_256 = tpu.memref_squeeze %dma_wait3A_255 : memref<1x128xi32, #tpu.memory_space<vmem>> -> memref<128xi32, #tpu.memory_space<vmem>>
      %dma_wait3A_257 = arith.constant 0 : i32
      %dma_wait3A_258 = arith.constant 0 : i32
      %dma_wait3A_259 = tpu.memref_slice %arg2[%dma_wait3A_257, %dma_wait3A_258] : memref<10112x32xf32, #tpu.memory_space<hbm>> -> memref<10112x32xf32, #tpu.memory_space<hbm>>
      tpu.wait_indirect_dma semaphore(%arg14 : memref<!tpu.dma_semaphore, #tpu.memory_space<semaphore_mem>>) src(%dma_wait3A_259 : memref<10112x32xf32, #tpu.memory_space<hbm>>) dst(%dma_wait3A_253 : memref<128x32xf32, #tpu.memory_space<vmem>>)
      %dma_wait3A_260 = arith.constant 1 : i32
      %dma_wait3A_261 = arith.constant 128 : i32
      %dma_wait3A_262 = arith.constant 0 : i32
      %dma_wait3A_263 = tpu.memref_slice %arg12[%dma_wait3A_261, %dma_wait3A_262] : memref<512x32xf32, #tpu.memory_space<vmem>> -> memref<128x32xf32, #tpu.memory_space<vmem>>
      %dma_wait3A_264 = arith.constant 0 : i32
      %dma_wait3A_265 = tpu.memref_slice %arg9[%dma_wait3A_260, %dma_wait3A_264] : memref<4x128xi32, #tpu.memory_space<vmem>> -> memref<1x128xi32, #tpu.memory_space<vmem>>
      %dma_wait3A_266 = tpu.memref_squeeze %dma_wait3A_265 : memref<1x128xi32, #tpu.memory_space<vmem>> -> memref<128xi32, #tpu.memory_space<vmem>>
      %dma_wait3A_267 = arith.constant 0 : i32
      %dma_wait3A_268 = arith.constant 0 : i32
      %dma_wait3A_269 = tpu.memref_slice %arg2[%dma_wait3A_267, %dma_wait3A_268] : memref<10112x32xf32, #tpu.memory_space<hbm>> -> memref<10112x32xf32, #tpu.memory_space<hbm>>
      tpu.wait_indirect_dma semaphore(%arg14 : memref<!tpu.dma_semaphore, #tpu.memory_space<semaphore_mem>>) src(%dma_wait3A_269 : memref<10112x32xf32, #tpu.memory_space<hbm>>) dst(%dma_wait3A_263 : memref<128x32xf32, #tpu.memory_space<vmem>>)
      %dma_wait3A_270 = arith.constant 2 : i32
      %dma_wait3A_271 = arith.constant 256 : i32
      %dma_wait3A_272 = arith.constant 0 : i32
      %dma_wait3A_273 = tpu.memref_slice %arg12[%dma_wait3A_271, %dma_wait3A_272] : memref<512x32xf32, #tpu.memory_space<vmem>> -> memref<128x32xf32, #tpu.memory_space<vmem>>
      %dma_wait3A_274 = arith.constant 0 : i32
      %dma_wait3A_275 = tpu.memref_slice %arg9[%dma_wait3A_270, %dma_wait3A_274] : memref<4x128xi32, #tpu.memory_space<vmem>> -> memref<1x128xi32, #tpu.memory_space<vmem>>
      %dma_wait3A_276 = tpu.memref_squeeze %dma_wait3A_275 : memref<1x128xi32, #tpu.memory_space<vmem>> -> memref<128xi32, #tpu.memory_space<vmem>>
      %dma_wait3A_277 = arith.constant 0 : i32
      %dma_wait3A_278 = arith.constant 0 : i32
      %dma_wait3A_279 = tpu.memref_slice %arg2[%dma_wait3A_277, %dma_wait3A_278] : memref<10112x32xf32, #tpu.memory_space<hbm>> -> memref<10112x32xf32, #tpu.memory_space<hbm>>
      tpu.wait_indirect_dma semaphore(%arg14 : memref<!tpu.dma_semaphore, #tpu.memory_space<semaphore_mem>>) src(%dma_wait3A_279 : memref<10112x32xf32, #tpu.memory_space<hbm>>) dst(%dma_wait3A_273 : memref<128x32xf32, #tpu.memory_space<vmem>>)
      %dma_wait3A_280 = arith.constant 3 : i32
      %dma_wait3A_281 = arith.constant 384 : i32
      %dma_wait3A_282 = arith.constant 0 : i32
      %dma_wait3A_283 = tpu.memref_slice %arg12[%dma_wait3A_281, %dma_wait3A_282] : memref<512x32xf32, #tpu.memory_space<vmem>> -> memref<128x32xf32, #tpu.memory_space<vmem>>
      %dma_wait3A_284 = arith.constant 0 : i32
      %dma_wait3A_285 = tpu.memref_slice %arg9[%dma_wait3A_280, %dma_wait3A_284] : memref<4x128xi32, #tpu.memory_space<vmem>> -> memref<1x128xi32, #tpu.memory_space<vmem>>
      %dma_wait3A_286 = tpu.memref_squeeze %dma_wait3A_285 : memref<1x128xi32, #tpu.memory_space<vmem>> -> memref<128xi32, #tpu.memory_space<vmem>>
      %dma_wait3A_287 = arith.constant 0 : i32
      %dma_wait3A_288 = arith.constant 0 : i32
      %dma_wait3A_289 = tpu.memref_slice %arg2[%dma_wait3A_287, %dma_wait3A_288] : memref<10112x32xf32, #tpu.memory_space<hbm>> -> memref<10112x32xf32, #tpu.memory_space<hbm>>
      tpu.wait_indirect_dma semaphore(%arg14 : memref<!tpu.dma_semaphore, #tpu.memory_space<semaphore_mem>>) src(%dma_wait3A_289 : memref<10112x32xf32, #tpu.memory_space<hbm>>) dst(%dma_wait3A_283 : memref<128x32xf32, #tpu.memory_space<vmem>>)
      %dma_start3A_290 = arith.constant 0 : i32
      %dma_start3A_291 = arith.constant 0 : i32
      %dma_start3A_292 = arith.constant 0 : i32
      %dma_start3A_293 = tpu.memref_slice %arg12[%dma_start3A_291, %dma_start3A_292] : memref<512x32xf32, #tpu.memory_space<vmem>> -> memref<128x32xf32, #tpu.memory_space<vmem>>
      %dma_start3A_294 = arith.constant 0 : i32
      %dma_start3A_295 = tpu.memref_slice %arg10[%dma_start3A_290, %dma_start3A_294] : memref<4x128xi32, #tpu.memory_space<vmem>> -> memref<1x128xi32, #tpu.memory_space<vmem>>
      %dma_start3A_296 = tpu.memref_squeeze %dma_start3A_295 : memref<1x128xi32, #tpu.memory_space<vmem>> -> memref<128xi32, #tpu.memory_space<vmem>>
      %dma_start3A_297 = arith.constant 0 : i32
      %dma_start3A_298 = arith.constant 0 : i32
      %dma_start3A_299 = tpu.memref_slice %arg17[%dma_start3A_297, %dma_start3A_298] : memref<10112x32xf32, #tpu.memory_space<vmem_shared>> -> memref<10112x32xf32, #tpu.memory_space<vmem_shared>>
      tpu.enqueue_indirect_dma source(%dma_start3A_293 : memref<128x32xf32, #tpu.memory_space<vmem>>) target(%dma_start3A_299 : memref<10112x32xf32, #tpu.memory_space<vmem_shared>>) offsets(%dma_start3A_296 : memref<128xi32, #tpu.memory_space<vmem>>) semaphore(%arg16 : memref<!tpu.dma_semaphore, #tpu.memory_space<semaphore_mem>>) {add = true}
      %dma_start3A_300 = arith.constant 1 : i32
      %dma_start3A_301 = arith.constant 128 : i32
      %dma_start3A_302 = arith.constant 0 : i32
      %dma_start3A_303 = tpu.memref_slice %arg12[%dma_start3A_301, %dma_start3A_302] : memref<512x32xf32, #tpu.memory_space<vmem>> -> memref<128x32xf32, #tpu.memory_space<vmem>>
      %dma_start3A_304 = arith.constant 0 : i32
      %dma_start3A_305 = tpu.memref_slice %arg10[%dma_start3A_300, %dma_start3A_304] : memref<4x128xi32, #tpu.memory_space<vmem>> -> memref<1x128xi32, #tpu.memory_space<vmem>>
      %dma_start3A_306 = tpu.memref_squeeze %dma_start3A_305 : memref<1x128xi32, #tpu.memory_space<vmem>> -> memref<128xi32, #tpu.memory_space<vmem>>
      %dma_start3A_307 = arith.constant 0 : i32
      %dma_start3A_308 = arith.constant 0 : i32
      %dma_start3A_309 = tpu.memref_slice %arg17[%dma_start3A_307, %dma_start3A_308] : memref<10112x32xf32, #tpu.memory_space<vmem_shared>> -> memref<10112x32xf32, #tpu.memory_space<vmem_shared>>
      tpu.enqueue_indirect_dma source(%dma_start3A_303 : memref<128x32xf32, #tpu.memory_space<vmem>>) target(%dma_start3A_309 : memref<10112x32xf32, #tpu.memory_space<vmem_shared>>) offsets(%dma_start3A_306 : memref<128xi32, #tpu.memory_space<vmem>>) semaphore(%arg16 : memref<!tpu.dma_semaphore, #tpu.memory_space<semaphore_mem>>) {add = true}
      %dma_start3A_310 = arith.constant 2 : i32
      %dma_start3A_311 = arith.constant 256 : i32
      %dma_start3A_312 = arith.constant 0 : i32
      %dma_start3A_313 = tpu.memref_slice %arg12[%dma_start3A_311, %dma_start3A_312] : memref<512x32xf32, #tpu.memory_space<vmem>> -> memref<128x32xf32, #tpu.memory_space<vmem>>
      %dma_start3A_314 = arith.constant 0 : i32
      %dma_start3A_315 = tpu.memref_slice %arg10[%dma_start3A_310, %dma_start3A_314] : memref<4x128xi32, #tpu.memory_space<vmem>> -> memref<1x128xi32, #tpu.memory_space<vmem>>
      %dma_start3A_316 = tpu.memref_squeeze %dma_start3A_315 : memref<1x128xi32, #tpu.memory_space<vmem>> -> memref<128xi32, #tpu.memory_space<vmem>>
      %dma_start3A_317 = arith.constant 0 : i32
      %dma_start3A_318 = arith.constant 0 : i32
      %dma_start3A_319 = tpu.memref_slice %arg17[%dma_start3A_317, %dma_start3A_318] : memref<10112x32xf32, #tpu.memory_space<vmem_shared>> -> memref<10112x32xf32, #tpu.memory_space<vmem_shared>>
      tpu.enqueue_indirect_dma source(%dma_start3A_313 : memref<128x32xf32, #tpu.memory_space<vmem>>) target(%dma_start3A_319 : memref<10112x32xf32, #tpu.memory_space<vmem_shared>>) offsets(%dma_start3A_316 : memref<128xi32, #tpu.memory_space<vmem>>) semaphore(%arg16 : memref<!tpu.dma_semaphore, #tpu.memory_space<semaphore_mem>>) {add = true}
      %dma_start3A_320 = arith.constant 3 : i32
      %dma_start3A_321 = arith.constant 384 : i32
      %dma_start3A_322 = arith.constant 0 : i32
      %dma_start3A_323 = tpu.memref_slice %arg12[%dma_start3A_321, %dma_start3A_322] : memref<512x32xf32, #tpu.memory_space<vmem>> -> memref<128x32xf32, #tpu.memory_space<vmem>>
      %dma_start3A_324 = arith.constant 0 : i32
      %dma_start3A_325 = tpu.memref_slice %arg10[%dma_start3A_320, %dma_start3A_324] : memref<4x128xi32, #tpu.memory_space<vmem>> -> memref<1x128xi32, #tpu.memory_space<vmem>>
      %dma_start3A_326 = tpu.memref_squeeze %dma_start3A_325 : memref<1x128xi32, #tpu.memory_space<vmem>> -> memref<128xi32, #tpu.memory_space<vmem>>
      %dma_start3A_327 = arith.constant 0 : i32
      %dma_start3A_328 = arith.constant 0 : i32
      %dma_start3A_329 = tpu.memref_slice %arg17[%dma_start3A_327, %dma_start3A_328] : memref<10112x32xf32, #tpu.memory_space<vmem_shared>> -> memref<10112x32xf32, #tpu.memory_space<vmem_shared>>
      tpu.enqueue_indirect_dma source(%dma_start3A_323 : memref<128x32xf32, #tpu.memory_space<vmem>>) target(%dma_start3A_329 : memref<10112x32xf32, #tpu.memory_space<vmem_shared>>) offsets(%dma_start3A_326 : memref<128xi32, #tpu.memory_space<vmem>>) semaphore(%arg16 : memref<!tpu.dma_semaphore, #tpu.memory_space<semaphore_mem>>) {add = true}
      %dma_wait3A_330 = arith.constant 0 : i32
      %dma_wait3A_331 = arith.constant 0 : i32
      %dma_wait3A_332 = arith.constant 0 : i32
      %dma_wait3A_333 = tpu.memref_slice %arg11[%dma_wait3A_331, %dma_wait3A_332] : memref<512x32xf32, #tpu.memory_space<vmem>> -> memref<128x32xf32, #tpu.memory_space<vmem>>
      %dma_wait3A_334 = arith.constant 0 : i32
      %dma_wait3A_335 = tpu.memref_slice %arg8[%dma_wait3A_330, %dma_wait3A_334] : memref<4x128xi32, #tpu.memory_space<vmem>> -> memref<1x128xi32, #tpu.memory_space<vmem>>
      %dma_wait3A_336 = tpu.memref_squeeze %dma_wait3A_335 : memref<1x128xi32, #tpu.memory_space<vmem>> -> memref<128xi32, #tpu.memory_space<vmem>>
      %dma_wait3A_337 = arith.constant 0 : i32
      %dma_wait3A_338 = arith.constant 0 : i32
      %dma_wait3A_339 = tpu.memref_slice %arg17[%dma_wait3A_337, %dma_wait3A_338] : memref<10112x32xf32, #tpu.memory_space<vmem_shared>> -> memref<10112x32xf32, #tpu.memory_space<vmem_shared>>
      tpu.wait_indirect_dma semaphore(%arg15 : memref<!tpu.dma_semaphore, #tpu.memory_space<semaphore_mem>>) src(%dma_wait3A_333 : memref<128x32xf32, #tpu.memory_space<vmem>>) dst(%dma_wait3A_339 : memref<10112x32xf32, #tpu.memory_space<vmem_shared>>)
      %dma_wait3A_340 = arith.constant 1 : i32
      %dma_wait3A_341 = arith.constant 128 : i32
      %dma_wait3A_342 = arith.constant 0 : i32
      %dma_wait3A_343 = tpu.memref_slice %arg11[%dma_wait3A_341, %dma_wait3A_342] : memref<512x32xf32, #tpu.memory_space<vmem>> -> memref<128x32xf32, #tpu.memory_space<vmem>>
      %dma_wait3A_344 = arith.constant 0 : i32
      %dma_wait3A_345 = tpu.memref_slice %arg8[%dma_wait3A_340, %dma_wait3A_344] : memref<4x128xi32, #tpu.memory_space<vmem>> -> memref<1x128xi32, #tpu.memory_space<vmem>>
      %dma_wait3A_346 = tpu.memref_squeeze %dma_wait3A_345 : memref<1x128xi32, #tpu.memory_space<vmem>> -> memref<128xi32, #tpu.memory_space<vmem>>
      %dma_wait3A_347 = arith.constant 0 : i32
      %dma_wait3A_348 = arith.constant 0 : i32
      %dma_wait3A_349 = tpu.memref_slice %arg17[%dma_wait3A_347, %dma_wait3A_348] : memref<10112x32xf32, #tpu.memory_space<vmem_shared>> -> memref<10112x32xf32, #tpu.memory_space<vmem_shared>>
      tpu.wait_indirect_dma semaphore(%arg15 : memref<!tpu.dma_semaphore, #tpu.memory_space<semaphore_mem>>) src(%dma_wait3A_343 : memref<128x32xf32, #tpu.memory_space<vmem>>) dst(%dma_wait3A_349 : memref<10112x32xf32, #tpu.memory_space<vmem_shared>>)
      %dma_wait3A_350 = arith.constant 2 : i32
      %dma_wait3A_351 = arith.constant 256 : i32
      %dma_wait3A_352 = arith.constant 0 : i32
      %dma_wait3A_353 = tpu.memref_slice %arg11[%dma_wait3A_351, %dma_wait3A_352] : memref<512x32xf32, #tpu.memory_space<vmem>> -> memref<128x32xf32, #tpu.memory_space<vmem>>
      %dma_wait3A_354 = arith.constant 0 : i32
      %dma_wait3A_355 = tpu.memref_slice %arg8[%dma_wait3A_350, %dma_wait3A_354] : memref<4x128xi32, #tpu.memory_space<vmem>> -> memref<1x128xi32, #tpu.memory_space<vmem>>
      %dma_wait3A_356 = tpu.memref_squeeze %dma_wait3A_355 : memref<1x128xi32, #tpu.memory_space<vmem>> -> memref<128xi32, #tpu.memory_space<vmem>>
      %dma_wait3A_357 = arith.constant 0 : i32
      %dma_wait3A_358 = arith.constant 0 : i32
      %dma_wait3A_359 = tpu.memref_slice %arg17[%dma_wait3A_357, %dma_wait3A_358] : memref<10112x32xf32, #tpu.memory_space<vmem_shared>> -> memref<10112x32xf32, #tpu.memory_space<vmem_shared>>
      tpu.wait_indirect_dma semaphore(%arg15 : memref<!tpu.dma_semaphore, #tpu.memory_space<semaphore_mem>>) src(%dma_wait3A_353 : memref<128x32xf32, #tpu.memory_space<vmem>>) dst(%dma_wait3A_359 : memref<10112x32xf32, #tpu.memory_space<vmem_shared>>)
      %dma_wait3A_360 = arith.constant 3 : i32
      %dma_wait3A_361 = arith.constant 384 : i32
      %dma_wait3A_362 = arith.constant 0 : i32
      %dma_wait3A_363 = tpu.memref_slice %arg11[%dma_wait3A_361, %dma_wait3A_362] : memref<512x32xf32, #tpu.memory_space<vmem>> -> memref<128x32xf32, #tpu.memory_space<vmem>>
      %dma_wait3A_364 = arith.constant 0 : i32
      %dma_wait3A_365 = tpu.memref_slice %arg8[%dma_wait3A_360, %dma_wait3A_364] : memref<4x128xi32, #tpu.memory_space<vmem>> -> memref<1x128xi32, #tpu.memory_space<vmem>>
      %dma_wait3A_366 = tpu.memref_squeeze %dma_wait3A_365 : memref<1x128xi32, #tpu.memory_space<vmem>> -> memref<128xi32, #tpu.memory_space<vmem>>
      %dma_wait3A_367 = arith.constant 0 : i32
      %dma_wait3A_368 = arith.constant 0 : i32
      %dma_wait3A_369 = tpu.memref_slice %arg17[%dma_wait3A_367, %dma_wait3A_368] : memref<10112x32xf32, #tpu.memory_space<vmem_shared>> -> memref<10112x32xf32, #tpu.memory_space<vmem_shared>>
      tpu.wait_indirect_dma semaphore(%arg15 : memref<!tpu.dma_semaphore, #tpu.memory_space<semaphore_mem>>) src(%dma_wait3A_363 : memref<128x32xf32, #tpu.memory_space<vmem>>) dst(%dma_wait3A_369 : memref<10112x32xf32, #tpu.memory_space<vmem_shared>>)
      %lt3A = arith.constant 9 : i32
      %lt3A_370 = arith.cmpi slt, %scan3A_117, %lt3A : i32
      %convert_element_type3A_371 = arith.extui %lt3A_370 : i1 to i32
      %cond3A_372 = arith.constant 0 : i32
      %cond3A_373 = arith.cmpi ne, %convert_element_type3A_371, %cond3A_372 : i32
      scf.if %cond3A_373 {
        %add3A_374 = arith.constant 2 : i32
        %add3A_375 = arith.addi %mul3A_119, %add3A_374 : i32
        %mul3A_376 = arith.constant 4 : i32
        %mul3A_377 = arith.muli %add3A_375, %mul3A_376 : i32
        %add3A_378 = arith.addi %select_n3A, %mul3A_377 : i32
        %multiple_of3A_379 = tpu.assume_multiple %add3A_378, 8 : i32
        "tpu.region"() ({
          %run_scoped3A = tpu.sem_alloc : memref<!tpu.dma_semaphore, #tpu.memory_space<semaphore_mem>>
          %dma_start3A_420 = arith.constant 0 : i32
          %dma_start3A_421 = tpu.memref_slice %arg3[%multiple_of3A_379, %dma_start3A_420] : memref<2560x128xi32, #tpu.memory_space<hbm>> -> memref<4x128xi32, #tpu.memory_space<hbm>>
          %dma_start3A_422 = arith.constant 0 : i32
          %dma_start3A_423 = tpu.memref_slice %arg3[%multiple_of3A_379, %dma_start3A_422] : memref<2560x128xi32, #tpu.memory_space<hbm>> -> memref<4x128xi32, #tpu.memory_space<hbm>>
          tpu.enqueue_dma source(%dma_start3A_423 : memref<4x128xi32, #tpu.memory_space<hbm>>) target(%arg7 : memref<4x128xi32, #tpu.memory_space<vmem>>) target_semaphore(%run_scoped3A : memref<!tpu.dma_semaphore, #tpu.memory_space<semaphore_mem>>)
          %dma_wait3A_424 = arith.constant 0 : i32
          %dma_wait3A_425 = tpu.memref_slice %arg3[%multiple_of3A_379, %dma_wait3A_424] : memref<2560x128xi32, #tpu.memory_space<hbm>> -> memref<4x128xi32, #tpu.memory_space<hbm>>
          %dma_wait3A_426 = arith.constant 0 : i32
          %dma_wait3A_427 = tpu.memref_slice %arg3[%multiple_of3A_379, %dma_wait3A_426] : memref<2560x128xi32, #tpu.memory_space<hbm>> -> memref<4x128xi32, #tpu.memory_space<hbm>>
          tpu.wait_dma2 semaphore(%run_scoped3A : memref<!tpu.dma_semaphore, #tpu.memory_space<semaphore_mem>>) src(%dma_wait3A_427 : memref<4x128xi32, #tpu.memory_space<hbm>>) dst(%arg7 : memref<4x128xi32, #tpu.memory_space<vmem>>)
          tpu.yield
        }) : () -> ()
        "tpu.region"() ({
          %run_scoped3A = tpu.sem_alloc : memref<!tpu.dma_semaphore, #tpu.memory_space<semaphore_mem>>
          %dma_start3A_420 = arith.constant 0 : i32
          %dma_start3A_421 = tpu.memref_slice %arg4[%multiple_of3A_379, %dma_start3A_420] : memref<2560x128xi32, #tpu.memory_space<hbm>> -> memref<4x128xi32, #tpu.memory_space<hbm>>
          %dma_start3A_422 = arith.constant 0 : i32
          %dma_start3A_423 = tpu.memref_slice %arg4[%multiple_of3A_379, %dma_start3A_422] : memref<2560x128xi32, #tpu.memory_space<hbm>> -> memref<4x128xi32, #tpu.memory_space<hbm>>
          tpu.enqueue_dma source(%dma_start3A_423 : memref<4x128xi32, #tpu.memory_space<hbm>>) target(%arg8 : memref<4x128xi32, #tpu.memory_space<vmem>>) target_semaphore(%run_scoped3A : memref<!tpu.dma_semaphore, #tpu.memory_space<semaphore_mem>>)
          %dma_wait3A_424 = arith.constant 0 : i32
          %dma_wait3A_425 = tpu.memref_slice %arg4[%multiple_of3A_379, %dma_wait3A_424] : memref<2560x128xi32, #tpu.memory_space<hbm>> -> memref<4x128xi32, #tpu.memory_space<hbm>>
          %dma_wait3A_426 = arith.constant 0 : i32
          %dma_wait3A_427 = tpu.memref_slice %arg4[%multiple_of3A_379, %dma_wait3A_426] : memref<2560x128xi32, #tpu.memory_space<hbm>> -> memref<4x128xi32, #tpu.memory_space<hbm>>
          tpu.wait_dma2 semaphore(%run_scoped3A : memref<!tpu.dma_semaphore, #tpu.memory_space<semaphore_mem>>) src(%dma_wait3A_427 : memref<4x128xi32, #tpu.memory_space<hbm>>) dst(%arg8 : memref<4x128xi32, #tpu.memory_space<vmem>>)
          tpu.yield
        }) : () -> ()
        %dma_start3A_380 = arith.constant 0 : i32
        %dma_start3A_381 = arith.constant 0 : i32
        %dma_start3A_382 = arith.constant 0 : i32
        %dma_start3A_383 = tpu.memref_slice %arg11[%dma_start3A_381, %dma_start3A_382] : memref<512x32xf32, #tpu.memory_space<vmem>> -> memref<128x32xf32, #tpu.memory_space<vmem>>
        %dma_start3A_384 = arith.constant 0 : i32
        %dma_start3A_385 = tpu.memref_slice %arg7[%dma_start3A_380, %dma_start3A_384] : memref<4x128xi32, #tpu.memory_space<vmem>> -> memref<1x128xi32, #tpu.memory_space<vmem>>
        %dma_start3A_386 = tpu.memref_squeeze %dma_start3A_385 : memref<1x128xi32, #tpu.memory_space<vmem>> -> memref<128xi32, #tpu.memory_space<vmem>>
        %dma_start3A_387 = arith.constant 0 : i32
        %dma_start3A_388 = arith.constant 0 : i32
        %dma_start3A_389 = tpu.memref_slice %arg2[%dma_start3A_387, %dma_start3A_388] : memref<10112x32xf32, #tpu.memory_space<hbm>> -> memref<10112x32xf32, #tpu.memory_space<hbm>>
        tpu.enqueue_indirect_dma source(%dma_start3A_389 : memref<10112x32xf32, #tpu.memory_space<hbm>>) target(%dma_start3A_383 : memref<128x32xf32, #tpu.memory_space<vmem>>) offsets(%dma_start3A_386 : memref<128xi32, #tpu.memory_space<vmem>>) semaphore(%arg13 : memref<!tpu.dma_semaphore, #tpu.memory_space<semaphore_mem>>)
        %dma_start3A_390 = arith.constant 1 : i32
        %dma_start3A_391 = arith.constant 128 : i32
        %dma_start3A_392 = arith.constant 0 : i32
        %dma_start3A_393 = tpu.memref_slice %arg11[%dma_start3A_391, %dma_start3A_392] : memref<512x32xf32, #tpu.memory_space<vmem>> -> memref<128x32xf32, #tpu.memory_space<vmem>>
        %dma_start3A_394 = arith.constant 0 : i32
        %dma_start3A_395 = tpu.memref_slice %arg7[%dma_start3A_390, %dma_start3A_394] : memref<4x128xi32, #tpu.memory_space<vmem>> -> memref<1x128xi32, #tpu.memory_space<vmem>>
        %dma_start3A_396 = tpu.memref_squeeze %dma_start3A_395 : memref<1x128xi32, #tpu.memory_space<vmem>> -> memref<128xi32, #tpu.memory_space<vmem>>
        %dma_start3A_397 = arith.constant 0 : i32
        %dma_start3A_398 = arith.constant 0 : i32
        %dma_start3A_399 = tpu.memref_slice %arg2[%dma_start3A_397, %dma_start3A_398] : memref<10112x32xf32, #tpu.memory_space<hbm>> -> memref<10112x32xf32, #tpu.memory_space<hbm>>
        tpu.enqueue_indirect_dma source(%dma_start3A_399 : memref<10112x32xf32, #tpu.memory_space<hbm>>) target(%dma_start3A_393 : memref<128x32xf32, #tpu.memory_space<vmem>>) offsets(%dma_start3A_396 : memref<128xi32, #tpu.memory_space<vmem>>) semaphore(%arg13 : memref<!tpu.dma_semaphore, #tpu.memory_space<semaphore_mem>>)
        %dma_start3A_400 = arith.constant 2 : i32
        %dma_start3A_401 = arith.constant 256 : i32
        %dma_start3A_402 = arith.constant 0 : i32
        %dma_start3A_403 = tpu.memref_slice %arg11[%dma_start3A_401, %dma_start3A_402] : memref<512x32xf32, #tpu.memory_space<vmem>> -> memref<128x32xf32, #tpu.memory_space<vmem>>
        %dma_start3A_404 = arith.constant 0 : i32
        %dma_start3A_405 = tpu.memref_slice %arg7[%dma_start3A_400, %dma_start3A_404] : memref<4x128xi32, #tpu.memory_space<vmem>> -> memref<1x128xi32, #tpu.memory_space<vmem>>
        %dma_start3A_406 = tpu.memref_squeeze %dma_start3A_405 : memref<1x128xi32, #tpu.memory_space<vmem>> -> memref<128xi32, #tpu.memory_space<vmem>>
        %dma_start3A_407 = arith.constant 0 : i32
        %dma_start3A_408 = arith.constant 0 : i32
        %dma_start3A_409 = tpu.memref_slice %arg2[%dma_start3A_407, %dma_start3A_408] : memref<10112x32xf32, #tpu.memory_space<hbm>> -> memref<10112x32xf32, #tpu.memory_space<hbm>>
        tpu.enqueue_indirect_dma source(%dma_start3A_409 : memref<10112x32xf32, #tpu.memory_space<hbm>>) target(%dma_start3A_403 : memref<128x32xf32, #tpu.memory_space<vmem>>) offsets(%dma_start3A_406 : memref<128xi32, #tpu.memory_space<vmem>>) semaphore(%arg13 : memref<!tpu.dma_semaphore, #tpu.memory_space<semaphore_mem>>)
        %dma_start3A_410 = arith.constant 3 : i32
        %dma_start3A_411 = arith.constant 384 : i32
        %dma_start3A_412 = arith.constant 0 : i32
        %dma_start3A_413 = tpu.memref_slice %arg11[%dma_start3A_411, %dma_start3A_412] : memref<512x32xf32, #tpu.memory_space<vmem>> -> memref<128x32xf32, #tpu.memory_space<vmem>>
        %dma_start3A_414 = arith.constant 0 : i32
        %dma_start3A_415 = tpu.memref_slice %arg7[%dma_start3A_410, %dma_start3A_414] : memref<4x128xi32, #tpu.memory_space<vmem>> -> memref<1x128xi32, #tpu.memory_space<vmem>>
        %dma_start3A_416 = tpu.memref_squeeze %dma_start3A_415 : memref<1x128xi32, #tpu.memory_space<vmem>> -> memref<128xi32, #tpu.memory_space<vmem>>
        %dma_start3A_417 = arith.constant 0 : i32
        %dma_start3A_418 = arith.constant 0 : i32
        %dma_start3A_419 = tpu.memref_slice %arg2[%dma_start3A_417, %dma_start3A_418] : memref<10112x32xf32, #tpu.memory_space<hbm>> -> memref<10112x32xf32, #tpu.memory_space<hbm>>
        tpu.enqueue_indirect_dma source(%dma_start3A_419 : memref<10112x32xf32, #tpu.memory_space<hbm>>) target(%dma_start3A_413 : memref<128x32xf32, #tpu.memory_space<vmem>>) offsets(%dma_start3A_416 : memref<128xi32, #tpu.memory_space<vmem>>) semaphore(%arg13 : memref<!tpu.dma_semaphore, #tpu.memory_space<semaphore_mem>>)
      } else {
      }
    }
    %scan3A_75 = arith.constant 10 : i32
    %dma_wait3A = arith.constant 0 : i32
    %dma_wait3A_76 = arith.constant 0 : i32
    %dma_wait3A_77 = arith.constant 0 : i32
    %dma_wait3A_78 = tpu.memref_slice %arg12[%dma_wait3A_76, %dma_wait3A_77] : memref<512x32xf32, #tpu.memory_space<vmem>> -> memref<128x32xf32, #tpu.memory_space<vmem>>
    %dma_wait3A_79 = arith.constant 0 : i32
    %dma_wait3A_80 = tpu.memref_slice %arg10[%dma_wait3A, %dma_wait3A_79] : memref<4x128xi32, #tpu.memory_space<vmem>> -> memref<1x128xi32, #tpu.memory_space<vmem>>
    %dma_wait3A_81 = tpu.memref_squeeze %dma_wait3A_80 : memref<1x128xi32, #tpu.memory_space<vmem>> -> memref<128xi32, #tpu.memory_space<vmem>>
    %dma_wait3A_82 = arith.constant 0 : i32
    %dma_wait3A_83 = arith.constant 0 : i32
    %dma_wait3A_84 = tpu.memref_slice %arg17[%dma_wait3A_82, %dma_wait3A_83] : memref<10112x32xf32, #tpu.memory_space<vmem_shared>> -> memref<10112x32xf32, #tpu.memory_space<vmem_shared>>
    tpu.wait_indirect_dma semaphore(%arg16 : memref<!tpu.dma_semaphore, #tpu.memory_space<semaphore_mem>>) src(%dma_wait3A_78 : memref<128x32xf32, #tpu.memory_space<vmem>>) dst(%dma_wait3A_84 : memref<10112x32xf32, #tpu.memory_space<vmem_shared>>)
    %dma_wait3A_85 = arith.constant 1 : i32
    %dma_wait3A_86 = arith.constant 128 : i32
    %dma_wait3A_87 = arith.constant 0 : i32
    %dma_wait3A_88 = tpu.memref_slice %arg12[%dma_wait3A_86, %dma_wait3A_87] : memref<512x32xf32, #tpu.memory_space<vmem>> -> memref<128x32xf32, #tpu.memory_space<vmem>>
    %dma_wait3A_89 = arith.constant 0 : i32
    %dma_wait3A_90 = tpu.memref_slice %arg10[%dma_wait3A_85, %dma_wait3A_89] : memref<4x128xi32, #tpu.memory_space<vmem>> -> memref<1x128xi32, #tpu.memory_space<vmem>>
    %dma_wait3A_91 = tpu.memref_squeeze %dma_wait3A_90 : memref<1x128xi32, #tpu.memory_space<vmem>> -> memref<128xi32, #tpu.memory_space<vmem>>
    %dma_wait3A_92 = arith.constant 0 : i32
    %dma_wait3A_93 = arith.constant 0 : i32
    %dma_wait3A_94 = tpu.memref_slice %arg17[%dma_wait3A_92, %dma_wait3A_93] : memref<10112x32xf32, #tpu.memory_space<vmem_shared>> -> memref<10112x32xf32, #tpu.memory_space<vmem_shared>>
    tpu.wait_indirect_dma semaphore(%arg16 : memref<!tpu.dma_semaphore, #tpu.memory_space<semaphore_mem>>) src(%dma_wait3A_88 : memref<128x32xf32, #tpu.memory_space<vmem>>) dst(%dma_wait3A_94 : memref<10112x32xf32, #tpu.memory_space<vmem_shared>>)
    %dma_wait3A_95 = arith.constant 2 : i32
    %dma_wait3A_96 = arith.constant 256 : i32
    %dma_wait3A_97 = arith.constant 0 : i32
    %dma_wait3A_98 = tpu.memref_slice %arg12[%dma_wait3A_96, %dma_wait3A_97] : memref<512x32xf32, #tpu.memory_space<vmem>> -> memref<128x32xf32, #tpu.memory_space<vmem>>
    %dma_wait3A_99 = arith.constant 0 : i32
    %dma_wait3A_100 = tpu.memref_slice %arg10[%dma_wait3A_95, %dma_wait3A_99] : memref<4x128xi32, #tpu.memory_space<vmem>> -> memref<1x128xi32, #tpu.memory_space<vmem>>
    %dma_wait3A_101 = tpu.memref_squeeze %dma_wait3A_100 : memref<1x128xi32, #tpu.memory_space<vmem>> -> memref<128xi32, #tpu.memory_space<vmem>>
    %dma_wait3A_102 = arith.constant 0 : i32
    %dma_wait3A_103 = arith.constant 0 : i32
    %dma_wait3A_104 = tpu.memref_slice %arg17[%dma_wait3A_102, %dma_wait3A_103] : memref<10112x32xf32, #tpu.memory_space<vmem_shared>> -> memref<10112x32xf32, #tpu.memory_space<vmem_shared>>
    tpu.wait_indirect_dma semaphore(%arg16 : memref<!tpu.dma_semaphore, #tpu.memory_space<semaphore_mem>>) src(%dma_wait3A_98 : memref<128x32xf32, #tpu.memory_space<vmem>>) dst(%dma_wait3A_104 : memref<10112x32xf32, #tpu.memory_space<vmem_shared>>)
    %dma_wait3A_105 = arith.constant 3 : i32
    %dma_wait3A_106 = arith.constant 384 : i32
    %dma_wait3A_107 = arith.constant 0 : i32
    %dma_wait3A_108 = tpu.memref_slice %arg12[%dma_wait3A_106, %dma_wait3A_107] : memref<512x32xf32, #tpu.memory_space<vmem>> -> memref<128x32xf32, #tpu.memory_space<vmem>>
    %dma_wait3A_109 = arith.constant 0 : i32
    %dma_wait3A_110 = tpu.memref_slice %arg10[%dma_wait3A_105, %dma_wait3A_109] : memref<4x128xi32, #tpu.memory_space<vmem>> -> memref<1x128xi32, #tpu.memory_space<vmem>>
    %dma_wait3A_111 = tpu.memref_squeeze %dma_wait3A_110 : memref<1x128xi32, #tpu.memory_space<vmem>> -> memref<128xi32, #tpu.memory_space<vmem>>
    %dma_wait3A_112 = arith.constant 0 : i32
    %dma_wait3A_113 = arith.constant 0 : i32
    %dma_wait3A_114 = tpu.memref_slice %arg17[%dma_wait3A_112, %dma_wait3A_113] : memref<10112x32xf32, #tpu.memory_space<vmem_shared>> -> memref<10112x32xf32, #tpu.memory_space<vmem_shared>>
    tpu.wait_indirect_dma semaphore(%arg16 : memref<!tpu.dma_semaphore, #tpu.memory_space<semaphore_mem>>) src(%dma_wait3A_108 : memref<128x32xf32, #tpu.memory_space<vmem>>) dst(%dma_wait3A_114 : memref<10112x32xf32, #tpu.memory_space<vmem_shared>>)
    %barrier3A_115 = arith.constant 0 : index
    tpu.barrier barrier_id(%barrier3A_115)
    "tpu.region"() ({
      %run_scoped3A = tpu.sem_alloc : memref<!tpu.dma_semaphore, #tpu.memory_space<semaphore_mem>>
      %dma_start3A_117 = arith.constant 0 : i32
      %dma_start3A_118 = tpu.memref_slice %arg17[%multiple_of3A, %dma_start3A_117] : memref<10112x32xf32, #tpu.memory_space<vmem_shared>> -> memref<512x32xf32, #tpu.memory_space<vmem_shared>>
      %dma_start3A_119 = arith.constant 0 : i32
      %dma_start3A_120 = tpu.memref_slice %arg17[%multiple_of3A, %dma_start3A_119] : memref<10112x32xf32, #tpu.memory_space<vmem_shared>> -> memref<512x32xf32, #tpu.memory_space<vmem_shared>>
      tpu.enqueue_dma source(%dma_start3A_120 : memref<512x32xf32, #tpu.memory_space<vmem_shared>>) target(%arg11 : memref<512x32xf32, #tpu.memory_space<vmem>>) target_semaphore(%run_scoped3A : memref<!tpu.dma_semaphore, #tpu.memory_space<semaphore_mem>>)
      %dma_wait3A_121 = arith.constant 0 : i32
      %dma_wait3A_122 = tpu.memref_slice %arg17[%multiple_of3A, %dma_wait3A_121] : memref<10112x32xf32, #tpu.memory_space<vmem_shared>> -> memref<512x32xf32, #tpu.memory_space<vmem_shared>>
      %dma_wait3A_123 = arith.constant 0 : i32
      %dma_wait3A_124 = tpu.memref_slice %arg17[%multiple_of3A, %dma_wait3A_123] : memref<10112x32xf32, #tpu.memory_space<vmem_shared>> -> memref<512x32xf32, #tpu.memory_space<vmem_shared>>
      tpu.wait_dma2 semaphore(%run_scoped3A : memref<!tpu.dma_semaphore, #tpu.memory_space<semaphore_mem>>) src(%dma_wait3A_124 : memref<512x32xf32, #tpu.memory_space<vmem_shared>>) dst(%arg11 : memref<512x32xf32, #tpu.memory_space<vmem>>)
      tpu.yield
    }) : () -> ()
    "tpu.region"() ({
      %run_scoped3A = tpu.sem_alloc : memref<!tpu.dma_semaphore, #tpu.memory_space<semaphore_mem>>
      %dma_start3A_117 = arith.constant 0 : i32
      %dma_start3A_118 = arith.constant 0 : i32
      %dma_start3A_119 = tpu.memref_slice %arg6[%arg0, %dma_start3A_117, %dma_start3A_118] : memref<2x10112x32xf32, #tpu.memory_space<hbm>> -> memref<1x10112x32xf32, #tpu.memory_space<hbm>>
      %dma_start3A_120 = tpu.memref_squeeze %dma_start3A_119 : memref<1x10112x32xf32, #tpu.memory_space<hbm>> -> memref<10112x32xf32, #tpu.memory_space<hbm>>
      %dma_start3A_121 = arith.constant 0 : i32
      %dma_start3A_122 = tpu.memref_slice %dma_start3A_120[%multiple_of3A, %dma_start3A_121] : memref<10112x32xf32, #tpu.memory_space<hbm>> -> memref<512x32xf32, #tpu.memory_space<hbm>>
      %dma_start3A_123 = arith.constant 0 : i32
      %dma_start3A_124 = arith.constant 0 : i32
      %dma_start3A_125 = tpu.memref_slice %arg6[%arg0, %dma_start3A_123, %dma_start3A_124] : memref<2x10112x32xf32, #tpu.memory_space<hbm>> -> memref<1x10112x32xf32, #tpu.memory_space<hbm>>
      %dma_start3A_126 = tpu.memref_squeeze %dma_start3A_125 : memref<1x10112x32xf32, #tpu.memory_space<hbm>> -> memref<10112x32xf32, #tpu.memory_space<hbm>>
      %dma_start3A_127 = arith.constant 0 : i32
      %dma_start3A_128 = tpu.memref_slice %dma_start3A_126[%multiple_of3A, %dma_start3A_127] : memref<10112x32xf32, #tpu.memory_space<hbm>> -> memref<512x32xf32, #tpu.memory_space<hbm>>
      tpu.enqueue_dma source(%arg11 : memref<512x32xf32, #tpu.memory_space<vmem>>) target(%dma_start3A_128 : memref<512x32xf32, #tpu.memory_space<hbm>>) target_semaphore(%run_scoped3A : memref<!tpu.dma_semaphore, #tpu.memory_space<semaphore_mem>>)
      %dma_wait3A_129 = arith.constant 0 : i32
      %dma_wait3A_130 = arith.constant 0 : i32
      %dma_wait3A_131 = tpu.memref_slice %arg6[%arg0, %dma_wait3A_129, %dma_wait3A_130] : memref<2x10112x32xf32, #tpu.memory_space<hbm>> -> memref<1x10112x32xf32, #tpu.memory_space<hbm>>
      %dma_wait3A_132 = tpu.memref_squeeze %dma_wait3A_131 : memref<1x10112x32xf32, #tpu.memory_space<hbm>> -> memref<10112x32xf32, #tpu.memory_space<hbm>>
      %dma_wait3A_133 = arith.constant 0 : i32
      %dma_wait3A_134 = tpu.memref_slice %dma_wait3A_132[%multiple_of3A, %dma_wait3A_133] : memref<10112x32xf32, #tpu.memory_space<hbm>> -> memref<512x32xf32, #tpu.memory_space<hbm>>
      %dma_wait3A_135 = arith.constant 0 : i32
      %dma_wait3A_136 = arith.constant 0 : i32
      %dma_wait3A_137 = tpu.memref_slice %arg6[%arg0, %dma_wait3A_135, %dma_wait3A_136] : memref<2x10112x32xf32, #tpu.memory_space<hbm>> -> memref<1x10112x32xf32, #tpu.memory_space<hbm>>
      %dma_wait3A_138 = tpu.memref_squeeze %dma_wait3A_137 : memref<1x10112x32xf32, #tpu.memory_space<hbm>> -> memref<10112x32xf32, #tpu.memory_space<hbm>>
      %dma_wait3A_139 = arith.constant 0 : i32
      %dma_wait3A_140 = tpu.memref_slice %dma_wait3A_138[%multiple_of3A, %dma_wait3A_139] : memref<10112x32xf32, #tpu.memory_space<hbm>> -> memref<512x32xf32, #tpu.memory_space<hbm>>
      tpu.wait_dma2 semaphore(%run_scoped3A : memref<!tpu.dma_semaphore, #tpu.memory_space<semaphore_mem>>) src(%arg11 : memref<512x32xf32, #tpu.memory_space<vmem>>) dst(%dma_wait3A_140 : memref<512x32xf32, #tpu.memory_space<hbm>>)
      tpu.yield
    }) : () -> ()
    "tpu.region"() ({
      %run_scoped3A = tpu.sem_alloc : memref<!tpu.dma_semaphore, #tpu.memory_space<semaphore_mem>>
      %dma_start3A_117 = arith.constant 0 : i32
      %dma_start3A_118 = arith.constant 0 : i32
      %dma_start3A_119 = tpu.memref_slice %arg12[%dma_start3A_117, %dma_start3A_118] : memref<512x32xf32, #tpu.memory_space<vmem>> -> memref<120x32xf32, #tpu.memory_space<vmem>>
      %dma_start3A_120 = arith.constant 0 : i32
      %dma_start3A_121 = tpu.memref_slice %arg17[%multiple_of3A_2, %dma_start3A_120] : memref<10112x32xf32, #tpu.memory_space<vmem_shared>> -> memref<120x32xf32, #tpu.memory_space<vmem_shared>>
      %dma_start3A_122 = arith.constant 0 : i32
      %dma_start3A_123 = arith.constant 0 : i32
      %dma_start3A_124 = tpu.memref_slice %arg12[%dma_start3A_122, %dma_start3A_123] : memref<512x32xf32, #tpu.memory_space<vmem>> -> memref<120x32xf32, #tpu.memory_space<vmem>>
      %dma_start3A_125 = arith.constant 0 : i32
      %dma_start3A_126 = tpu.memref_slice %arg17[%multiple_of3A_2, %dma_start3A_125] : memref<10112x32xf32, #tpu.memory_space<vmem_shared>> -> memref<120x32xf32, #tpu.memory_space<vmem_shared>>
      tpu.enqueue_dma source(%dma_start3A_126 : memref<120x32xf32, #tpu.memory_space<vmem_shared>>) target(%dma_start3A_124 : memref<120x32xf32, #tpu.memory_space<vmem>>) target_semaphore(%run_scoped3A : memref<!tpu.dma_semaphore, #tpu.memory_space<semaphore_mem>>)
      %dma_wait3A_127 = arith.constant 0 : i32
      %dma_wait3A_128 = arith.constant 0 : i32
      %dma_wait3A_129 = tpu.memref_slice %arg12[%dma_wait3A_127, %dma_wait3A_128] : memref<512x32xf32, #tpu.memory_space<vmem>> -> memref<120x32xf32, #tpu.memory_space<vmem>>
      %dma_wait3A_130 = arith.constant 0 : i32
      %dma_wait3A_131 = tpu.memref_slice %arg17[%multiple_of3A_2, %dma_wait3A_130] : memref<10112x32xf32, #tpu.memory_space<vmem_shared>> -> memref<120x32xf32, #tpu.memory_space<vmem_shared>>
      %dma_wait3A_132 = arith.constant 0 : i32
      %dma_wait3A_133 = arith.constant 0 : i32
      %dma_wait3A_134 = tpu.memref_slice %arg12[%dma_wait3A_132, %dma_wait3A_133] : memref<512x32xf32, #tpu.memory_space<vmem>> -> memref<120x32xf32, #tpu.memory_space<vmem>>
      %dma_wait3A_135 = arith.constant 0 : i32
      %dma_wait3A_136 = tpu.memref_slice %arg17[%multiple_of3A_2, %dma_wait3A_135] : memref<10112x32xf32, #tpu.memory_space<vmem_shared>> -> memref<120x32xf32, #tpu.memory_space<vmem_shared>>
      tpu.wait_dma2 semaphore(%run_scoped3A : memref<!tpu.dma_semaphore, #tpu.memory_space<semaphore_mem>>) src(%dma_wait3A_136 : memref<120x32xf32, #tpu.memory_space<vmem_shared>>) dst(%dma_wait3A_134 : memref<120x32xf32, #tpu.memory_space<vmem>>)
      tpu.yield
    }) : () -> ()
    "tpu.region"() ({
      %run_scoped3A = tpu.sem_alloc : memref<!tpu.dma_semaphore, #tpu.memory_space<semaphore_mem>>
      %dma_start3A_117 = arith.constant 0 : i32
      %dma_start3A_118 = arith.constant 0 : i32
      %dma_start3A_119 = tpu.memref_slice %arg12[%dma_start3A_117, %dma_start3A_118] : memref<512x32xf32, #tpu.memory_space<vmem>> -> memref<120x32xf32, #tpu.memory_space<vmem>>
      %dma_start3A_120 = arith.constant 0 : i32
      %dma_start3A_121 = arith.constant 0 : i32
      %dma_start3A_122 = tpu.memref_slice %arg6[%arg0, %dma_start3A_120, %dma_start3A_121] : memref<2x10112x32xf32, #tpu.memory_space<hbm>> -> memref<1x10112x32xf32, #tpu.memory_space<hbm>>
      %dma_start3A_123 = tpu.memref_squeeze %dma_start3A_122 : memref<1x10112x32xf32, #tpu.memory_space<hbm>> -> memref<10112x32xf32, #tpu.memory_space<hbm>>
      %dma_start3A_124 = arith.constant 0 : i32
      %dma_start3A_125 = tpu.memref_slice %dma_start3A_123[%multiple_of3A_2, %dma_start3A_124] : memref<10112x32xf32, #tpu.memory_space<hbm>> -> memref<120x32xf32, #tpu.memory_space<hbm>>
      %dma_start3A_126 = arith.constant 0 : i32
      %dma_start3A_127 = arith.constant 0 : i32
      %dma_start3A_128 = tpu.memref_slice %arg6[%arg0, %dma_start3A_126, %dma_start3A_127] : memref<2x10112x32xf32, #tpu.memory_space<hbm>> -> memref<1x10112x32xf32, #tpu.memory_space<hbm>>
      %dma_start3A_129 = tpu.memref_squeeze %dma_start3A_128 : memref<1x10112x32xf32, #tpu.memory_space<hbm>> -> memref<10112x32xf32, #tpu.memory_space<hbm>>
      %dma_start3A_130 = arith.constant 0 : i32
      %dma_start3A_131 = tpu.memref_slice %dma_start3A_129[%multiple_of3A_2, %dma_start3A_130] : memref<10112x32xf32, #tpu.memory_space<hbm>> -> memref<120x32xf32, #tpu.memory_space<hbm>>
      %dma_start3A_132 = arith.constant 0 : i32
      %dma_start3A_133 = arith.constant 0 : i32
      %dma_start3A_134 = tpu.memref_slice %arg12[%dma_start3A_132, %dma_start3A_133] : memref<512x32xf32, #tpu.memory_space<vmem>> -> memref<120x32xf32, #tpu.memory_space<vmem>>
      tpu.enqueue_dma source(%dma_start3A_134 : memref<120x32xf32, #tpu.memory_space<vmem>>) target(%dma_start3A_131 : memref<120x32xf32, #tpu.memory_space<hbm>>) target_semaphore(%run_scoped3A : memref<!tpu.dma_semaphore, #tpu.memory_space<semaphore_mem>>)
      %dma_wait3A_135 = arith.constant 0 : i32
      %dma_wait3A_136 = arith.constant 0 : i32
      %dma_wait3A_137 = tpu.memref_slice %arg12[%dma_wait3A_135, %dma_wait3A_136] : memref<512x32xf32, #tpu.memory_space<vmem>> -> memref<120x32xf32, #tpu.memory_space<vmem>>
      %dma_wait3A_138 = arith.constant 0 : i32
      %dma_wait3A_139 = arith.constant 0 : i32
      %dma_wait3A_140 = tpu.memref_slice %arg6[%arg0, %dma_wait3A_138, %dma_wait3A_139] : memref<2x10112x32xf32, #tpu.memory_space<hbm>> -> memref<1x10112x32xf32, #tpu.memory_space<hbm>>
      %dma_wait3A_141 = tpu.memref_squeeze %dma_wait3A_140 : memref<1x10112x32xf32, #tpu.memory_space<hbm>> -> memref<10112x32xf32, #tpu.memory_space<hbm>>
      %dma_wait3A_142 = arith.constant 0 : i32
      %dma_wait3A_143 = tpu.memref_slice %dma_wait3A_141[%multiple_of3A_2, %dma_wait3A_142] : memref<10112x32xf32, #tpu.memory_space<hbm>> -> memref<120x32xf32, #tpu.memory_space<hbm>>
      %dma_wait3A_144 = arith.constant 0 : i32
      %dma_wait3A_145 = arith.constant 0 : i32
      %dma_wait3A_146 = tpu.memref_slice %arg6[%arg0, %dma_wait3A_144, %dma_wait3A_145] : memref<2x10112x32xf32, #tpu.memory_space<hbm>> -> memref<1x10112x32xf32, #tpu.memory_space<hbm>>
      %dma_wait3A_147 = tpu.memref_squeeze %dma_wait3A_146 : memref<1x10112x32xf32, #tpu.memory_space<hbm>> -> memref<10112x32xf32, #tpu.memory_space<hbm>>
      %dma_wait3A_148 = arith.constant 0 : i32
      %dma_wait3A_149 = tpu.memref_slice %dma_wait3A_147[%multiple_of3A_2, %dma_wait3A_148] : memref<10112x32xf32, #tpu.memory_space<hbm>> -> memref<120x32xf32, #tpu.memory_space<hbm>>
      %dma_wait3A_150 = arith.constant 0 : i32
      %dma_wait3A_151 = arith.constant 0 : i32
      %dma_wait3A_152 = tpu.memref_slice %arg12[%dma_wait3A_150, %dma_wait3A_151] : memref<512x32xf32, #tpu.memory_space<vmem>> -> memref<120x32xf32, #tpu.memory_space<vmem>>
      tpu.wait_dma2 semaphore(%run_scoped3A : memref<!tpu.dma_semaphore, #tpu.memory_space<semaphore_mem>>) src(%dma_wait3A_152 : memref<120x32xf32, #tpu.memory_space<vmem>>) dst(%dma_wait3A_149 : memref<120x32xf32, #tpu.memory_space<hbm>>)
      tpu.yield
    }) : () -> ()
    %barrier3A_116 = arith.constant 0 : index
    tpu.barrier barrier_id(%barrier3A_116)
    return
  }
}

#map = affine_map<(d0, d1) -> (0, 0)>
#map1 = affine_map<(d0, d1) -> (0, 0, 0)>
module attributes {stable_mosaic.version = 14 : i64} {
  func.func @_sc_agg128_body(%arg0: i32, %arg1: i32, %arg2: memref<10112x64xf32, #tpu.memory_space<hbm>>, %arg3: memref<10112x64xf32, #tpu.memory_space<hbm>>, %arg4: memref<2560x128xi32, #tpu.memory_space<hbm>>, %arg5: memref<2560x128xi32, #tpu.memory_space<hbm>>, %arg6: memref<10112x64xf32, #tpu.memory_space<hbm>>, %arg7: memref<2x10112x128xf32, #tpu.memory_space<hbm>>, %arg8: memref<4x128xi32, #tpu.memory_space<vmem>>, %arg9: memref<4x128xi32, #tpu.memory_space<vmem>>, %arg10: memref<4x128xi32, #tpu.memory_space<vmem>>, %arg11: memref<4x128xi32, #tpu.memory_space<vmem>>, %arg12: memref<512x64xf32, #tpu.memory_space<vmem>>, %arg13: memref<512x64xf32, #tpu.memory_space<vmem>>, %arg14: memref<!tpu.dma_semaphore, #tpu.memory_space<semaphore_mem>>, %arg15: memref<!tpu.dma_semaphore, #tpu.memory_space<semaphore_mem>>, %arg16: memref<!tpu.dma_semaphore, #tpu.memory_space<semaphore_mem>>, %arg17: memref<!tpu.dma_semaphore, #tpu.memory_space<semaphore_mem>>, %arg18: memref<10112x64xf32, #tpu.memory_space<vmem_shared>>) attributes {dimension_semantics = [#tpu.dimension_semantics<core_parallel>, #tpu.dimension_semantics<subcore_parallel>], iteration_bounds = array<i64: 2, 16>, scalar_prefetch = 0 : i64, scratch_operands = 11 : i64, tpu.core_type = #tpu.core_type<sc_vector_subcore>, window_params = [{transform_indices = #map}, {transform_indices = #map}, {transform_indices = #map}, {transform_indices = #map}, {transform_indices = #map}, {transform_indices = #map1}]} {
    %mul3A = arith.constant 632 : i32
    %mul3A_0 = arith.muli %arg1, %mul3A : i32
    %multiple_of3A = tpu.assume_multiple %mul3A_0, 8 : i32
    %add3A = arith.constant 512 : i32
    %add3A_1 = arith.addi %multiple_of3A, %add3A : i32
    %multiple_of3A_2 = tpu.assume_multiple %add3A_1, 8 : i32
    %eq3A = arith.constant 0 : i32
    %eq3A_3 = arith.cmpi eq, %arg0, %eq3A : i32
    %convert_element_type3A = arith.extui %eq3A_3 : i1 to i32
    %cond3A = arith.constant 0 : i32
    %cond3A_4 = arith.cmpi ne, %convert_element_type3A, %cond3A : i32
    scf.if %cond3A_4 {
      "tpu.region"() ({
        %run_scoped3A = tpu.sem_alloc : memref<!tpu.dma_semaphore, #tpu.memory_space<semaphore_mem>>
        %dma_start3A_252 = arith.constant 0 : i32
        %dma_start3A_253 = tpu.memref_slice %arg2[%multiple_of3A, %dma_start3A_252] : memref<10112x64xf32, #tpu.memory_space<hbm>> -> memref<512x64xf32, #tpu.memory_space<hbm>>
        %dma_start3A_254 = arith.constant 0 : i32
        %dma_start3A_255 = tpu.memref_slice %arg2[%multiple_of3A, %dma_start3A_254] : memref<10112x64xf32, #tpu.memory_space<hbm>> -> memref<512x64xf32, #tpu.memory_space<hbm>>
        tpu.enqueue_dma source(%dma_start3A_255 : memref<512x64xf32, #tpu.memory_space<hbm>>) target(%arg12 : memref<512x64xf32, #tpu.memory_space<vmem>>) target_semaphore(%run_scoped3A : memref<!tpu.dma_semaphore, #tpu.memory_space<semaphore_mem>>)
        %dma_wait3A_256 = arith.constant 0 : i32
        %dma_wait3A_257 = tpu.memref_slice %arg2[%multiple_of3A, %dma_wait3A_256] : memref<10112x64xf32, #tpu.memory_space<hbm>> -> memref<512x64xf32, #tpu.memory_space<hbm>>
        %dma_wait3A_258 = arith.constant 0 : i32
        %dma_wait3A_259 = tpu.memref_slice %arg2[%multiple_of3A, %dma_wait3A_258] : memref<10112x64xf32, #tpu.memory_space<hbm>> -> memref<512x64xf32, #tpu.memory_space<hbm>>
        tpu.wait_dma2 semaphore(%run_scoped3A : memref<!tpu.dma_semaphore, #tpu.memory_space<semaphore_mem>>) src(%dma_wait3A_259 : memref<512x64xf32, #tpu.memory_space<hbm>>) dst(%arg12 : memref<512x64xf32, #tpu.memory_space<vmem>>)
        tpu.yield
      }) : () -> ()
      "tpu.region"() ({
        %run_scoped3A = tpu.sem_alloc : memref<!tpu.dma_semaphore, #tpu.memory_space<semaphore_mem>>
        %dma_start3A_252 = arith.constant 0 : i32
        %dma_start3A_253 = tpu.memref_slice %arg18[%multiple_of3A, %dma_start3A_252] : memref<10112x64xf32, #tpu.memory_space<vmem_shared>> -> memref<512x64xf32, #tpu.memory_space<vmem_shared>>
        %dma_start3A_254 = arith.constant 0 : i32
        %dma_start3A_255 = tpu.memref_slice %arg18[%multiple_of3A, %dma_start3A_254] : memref<10112x64xf32, #tpu.memory_space<vmem_shared>> -> memref<512x64xf32, #tpu.memory_space<vmem_shared>>
        tpu.enqueue_dma source(%arg12 : memref<512x64xf32, #tpu.memory_space<vmem>>) target(%dma_start3A_255 : memref<512x64xf32, #tpu.memory_space<vmem_shared>>) target_semaphore(%run_scoped3A : memref<!tpu.dma_semaphore, #tpu.memory_space<semaphore_mem>>)
        %dma_wait3A_256 = arith.constant 0 : i32
        %dma_wait3A_257 = tpu.memref_slice %arg18[%multiple_of3A, %dma_wait3A_256] : memref<10112x64xf32, #tpu.memory_space<vmem_shared>> -> memref<512x64xf32, #tpu.memory_space<vmem_shared>>
        %dma_wait3A_258 = arith.constant 0 : i32
        %dma_wait3A_259 = tpu.memref_slice %arg18[%multiple_of3A, %dma_wait3A_258] : memref<10112x64xf32, #tpu.memory_space<vmem_shared>> -> memref<512x64xf32, #tpu.memory_space<vmem_shared>>
        tpu.wait_dma2 semaphore(%run_scoped3A : memref<!tpu.dma_semaphore, #tpu.memory_space<semaphore_mem>>) src(%arg12 : memref<512x64xf32, #tpu.memory_space<vmem>>) dst(%dma_wait3A_259 : memref<512x64xf32, #tpu.memory_space<vmem_shared>>)
        tpu.yield
      }) : () -> ()
      "tpu.region"() ({
        %run_scoped3A = tpu.sem_alloc : memref<!tpu.dma_semaphore, #tpu.memory_space<semaphore_mem>>
        %dma_start3A_252 = arith.constant 0 : i32
        %dma_start3A_253 = arith.constant 0 : i32
        %dma_start3A_254 = tpu.memref_slice %arg13[%dma_start3A_252, %dma_start3A_253] : memref<512x64xf32, #tpu.memory_space<vmem>> -> memref<120x64xf32, #tpu.memory_space<vmem>>
        %dma_start3A_255 = arith.constant 0 : i32
        %dma_start3A_256 = tpu.memref_slice %arg2[%multiple_of3A_2, %dma_start3A_255] : memref<10112x64xf32, #tpu.memory_space<hbm>> -> memref<120x64xf32, #tpu.memory_space<hbm>>
        %dma_start3A_257 = arith.constant 0 : i32
        %dma_start3A_258 = arith.constant 0 : i32
        %dma_start3A_259 = tpu.memref_slice %arg13[%dma_start3A_257, %dma_start3A_258] : memref<512x64xf32, #tpu.memory_space<vmem>> -> memref<120x64xf32, #tpu.memory_space<vmem>>
        %dma_start3A_260 = arith.constant 0 : i32
        %dma_start3A_261 = tpu.memref_slice %arg2[%multiple_of3A_2, %dma_start3A_260] : memref<10112x64xf32, #tpu.memory_space<hbm>> -> memref<120x64xf32, #tpu.memory_space<hbm>>
        tpu.enqueue_dma source(%dma_start3A_261 : memref<120x64xf32, #tpu.memory_space<hbm>>) target(%dma_start3A_259 : memref<120x64xf32, #tpu.memory_space<vmem>>) target_semaphore(%run_scoped3A : memref<!tpu.dma_semaphore, #tpu.memory_space<semaphore_mem>>)
        %dma_wait3A_262 = arith.constant 0 : i32
        %dma_wait3A_263 = arith.constant 0 : i32
        %dma_wait3A_264 = tpu.memref_slice %arg13[%dma_wait3A_262, %dma_wait3A_263] : memref<512x64xf32, #tpu.memory_space<vmem>> -> memref<120x64xf32, #tpu.memory_space<vmem>>
        %dma_wait3A_265 = arith.constant 0 : i32
        %dma_wait3A_266 = tpu.memref_slice %arg2[%multiple_of3A_2, %dma_wait3A_265] : memref<10112x64xf32, #tpu.memory_space<hbm>> -> memref<120x64xf32, #tpu.memory_space<hbm>>
        %dma_wait3A_267 = arith.constant 0 : i32
        %dma_wait3A_268 = arith.constant 0 : i32
        %dma_wait3A_269 = tpu.memref_slice %arg13[%dma_wait3A_267, %dma_wait3A_268] : memref<512x64xf32, #tpu.memory_space<vmem>> -> memref<120x64xf32, #tpu.memory_space<vmem>>
        %dma_wait3A_270 = arith.constant 0 : i32
        %dma_wait3A_271 = tpu.memref_slice %arg2[%multiple_of3A_2, %dma_wait3A_270] : memref<10112x64xf32, #tpu.memory_space<hbm>> -> memref<120x64xf32, #tpu.memory_space<hbm>>
        tpu.wait_dma2 semaphore(%run_scoped3A : memref<!tpu.dma_semaphore, #tpu.memory_space<semaphore_mem>>) src(%dma_wait3A_271 : memref<120x64xf32, #tpu.memory_space<hbm>>) dst(%dma_wait3A_269 : memref<120x64xf32, #tpu.memory_space<vmem>>)
        tpu.yield
      }) : () -> ()
      "tpu.region"() ({
        %run_scoped3A = tpu.sem_alloc : memref<!tpu.dma_semaphore, #tpu.memory_space<semaphore_mem>>
        %dma_start3A_252 = arith.constant 0 : i32
        %dma_start3A_253 = arith.constant 0 : i32
        %dma_start3A_254 = tpu.memref_slice %arg13[%dma_start3A_252, %dma_start3A_253] : memref<512x64xf32, #tpu.memory_space<vmem>> -> memref<120x64xf32, #tpu.memory_space<vmem>>
        %dma_start3A_255 = arith.constant 0 : i32
        %dma_start3A_256 = tpu.memref_slice %arg18[%multiple_of3A_2, %dma_start3A_255] : memref<10112x64xf32, #tpu.memory_space<vmem_shared>> -> memref<120x64xf32, #tpu.memory_space<vmem_shared>>
        %dma_start3A_257 = arith.constant 0 : i32
        %dma_start3A_258 = tpu.memref_slice %arg18[%multiple_of3A_2, %dma_start3A_257] : memref<10112x64xf32, #tpu.memory_space<vmem_shared>> -> memref<120x64xf32, #tpu.memory_space<vmem_shared>>
        %dma_start3A_259 = arith.constant 0 : i32
        %dma_start3A_260 = arith.constant 0 : i32
        %dma_start3A_261 = tpu.memref_slice %arg13[%dma_start3A_259, %dma_start3A_260] : memref<512x64xf32, #tpu.memory_space<vmem>> -> memref<120x64xf32, #tpu.memory_space<vmem>>
        tpu.enqueue_dma source(%dma_start3A_261 : memref<120x64xf32, #tpu.memory_space<vmem>>) target(%dma_start3A_258 : memref<120x64xf32, #tpu.memory_space<vmem_shared>>) target_semaphore(%run_scoped3A : memref<!tpu.dma_semaphore, #tpu.memory_space<semaphore_mem>>)
        %dma_wait3A_262 = arith.constant 0 : i32
        %dma_wait3A_263 = arith.constant 0 : i32
        %dma_wait3A_264 = tpu.memref_slice %arg13[%dma_wait3A_262, %dma_wait3A_263] : memref<512x64xf32, #tpu.memory_space<vmem>> -> memref<120x64xf32, #tpu.memory_space<vmem>>
        %dma_wait3A_265 = arith.constant 0 : i32
        %dma_wait3A_266 = tpu.memref_slice %arg18[%multiple_of3A_2, %dma_wait3A_265] : memref<10112x64xf32, #tpu.memory_space<vmem_shared>> -> memref<120x64xf32, #tpu.memory_space<vmem_shared>>
        %dma_wait3A_267 = arith.constant 0 : i32
        %dma_wait3A_268 = tpu.memref_slice %arg18[%multiple_of3A_2, %dma_wait3A_267] : memref<10112x64xf32, #tpu.memory_space<vmem_shared>> -> memref<120x64xf32, #tpu.memory_space<vmem_shared>>
        %dma_wait3A_269 = arith.constant 0 : i32
        %dma_wait3A_270 = arith.constant 0 : i32
        %dma_wait3A_271 = tpu.memref_slice %arg13[%dma_wait3A_269, %dma_wait3A_270] : memref<512x64xf32, #tpu.memory_space<vmem>> -> memref<120x64xf32, #tpu.memory_space<vmem>>
        tpu.wait_dma2 semaphore(%run_scoped3A : memref<!tpu.dma_semaphore, #tpu.memory_space<semaphore_mem>>) src(%dma_wait3A_271 : memref<120x64xf32, #tpu.memory_space<vmem>>) dst(%dma_wait3A_268 : memref<120x64xf32, #tpu.memory_space<vmem_shared>>)
        tpu.yield
      }) : () -> ()
    } else {
    }
    %eq3A_5 = arith.constant 1 : i32
    %eq3A_6 = arith.cmpi eq, %arg0, %eq3A_5 : i32
    %convert_element_type3A_7 = arith.extui %eq3A_6 : i1 to i32
    %cond3A_8 = arith.constant 0 : i32
    %cond3A_9 = arith.cmpi ne, %convert_element_type3A_7, %cond3A_8 : i32
    scf.if %cond3A_9 {
      "tpu.region"() ({
        %run_scoped3A = tpu.sem_alloc : memref<!tpu.dma_semaphore, #tpu.memory_space<semaphore_mem>>
        %dma_start3A_252 = arith.constant 0 : i32
        %dma_start3A_253 = tpu.memref_slice %arg6[%multiple_of3A, %dma_start3A_252] : memref<10112x64xf32, #tpu.memory_space<hbm>> -> memref<512x64xf32, #tpu.memory_space<hbm>>
        %dma_start3A_254 = arith.constant 0 : i32
        %dma_start3A_255 = tpu.memref_slice %arg6[%multiple_of3A, %dma_start3A_254] : memref<10112x64xf32, #tpu.memory_space<hbm>> -> memref<512x64xf32, #tpu.memory_space<hbm>>
        tpu.enqueue_dma source(%dma_start3A_255 : memref<512x64xf32, #tpu.memory_space<hbm>>) target(%arg12 : memref<512x64xf32, #tpu.memory_space<vmem>>) target_semaphore(%run_scoped3A : memref<!tpu.dma_semaphore, #tpu.memory_space<semaphore_mem>>)
        %dma_wait3A_256 = arith.constant 0 : i32
        %dma_wait3A_257 = tpu.memref_slice %arg6[%multiple_of3A, %dma_wait3A_256] : memref<10112x64xf32, #tpu.memory_space<hbm>> -> memref<512x64xf32, #tpu.memory_space<hbm>>
        %dma_wait3A_258 = arith.constant 0 : i32
        %dma_wait3A_259 = tpu.memref_slice %arg6[%multiple_of3A, %dma_wait3A_258] : memref<10112x64xf32, #tpu.memory_space<hbm>> -> memref<512x64xf32, #tpu.memory_space<hbm>>
        tpu.wait_dma2 semaphore(%run_scoped3A : memref<!tpu.dma_semaphore, #tpu.memory_space<semaphore_mem>>) src(%dma_wait3A_259 : memref<512x64xf32, #tpu.memory_space<hbm>>) dst(%arg12 : memref<512x64xf32, #tpu.memory_space<vmem>>)
        tpu.yield
      }) : () -> ()
      "tpu.region"() ({
        %run_scoped3A = tpu.sem_alloc : memref<!tpu.dma_semaphore, #tpu.memory_space<semaphore_mem>>
        %dma_start3A_252 = arith.constant 0 : i32
        %dma_start3A_253 = tpu.memref_slice %arg18[%multiple_of3A, %dma_start3A_252] : memref<10112x64xf32, #tpu.memory_space<vmem_shared>> -> memref<512x64xf32, #tpu.memory_space<vmem_shared>>
        %dma_start3A_254 = arith.constant 0 : i32
        %dma_start3A_255 = tpu.memref_slice %arg18[%multiple_of3A, %dma_start3A_254] : memref<10112x64xf32, #tpu.memory_space<vmem_shared>> -> memref<512x64xf32, #tpu.memory_space<vmem_shared>>
        tpu.enqueue_dma source(%arg12 : memref<512x64xf32, #tpu.memory_space<vmem>>) target(%dma_start3A_255 : memref<512x64xf32, #tpu.memory_space<vmem_shared>>) target_semaphore(%run_scoped3A : memref<!tpu.dma_semaphore, #tpu.memory_space<semaphore_mem>>)
        %dma_wait3A_256 = arith.constant 0 : i32
        %dma_wait3A_257 = tpu.memref_slice %arg18[%multiple_of3A, %dma_wait3A_256] : memref<10112x64xf32, #tpu.memory_space<vmem_shared>> -> memref<512x64xf32, #tpu.memory_space<vmem_shared>>
        %dma_wait3A_258 = arith.constant 0 : i32
        %dma_wait3A_259 = tpu.memref_slice %arg18[%multiple_of3A, %dma_wait3A_258] : memref<10112x64xf32, #tpu.memory_space<vmem_shared>> -> memref<512x64xf32, #tpu.memory_space<vmem_shared>>
        tpu.wait_dma2 semaphore(%run_scoped3A : memref<!tpu.dma_semaphore, #tpu.memory_space<semaphore_mem>>) src(%arg12 : memref<512x64xf32, #tpu.memory_space<vmem>>) dst(%dma_wait3A_259 : memref<512x64xf32, #tpu.memory_space<vmem_shared>>)
        tpu.yield
      }) : () -> ()
      "tpu.region"() ({
        %run_scoped3A = tpu.sem_alloc : memref<!tpu.dma_semaphore, #tpu.memory_space<semaphore_mem>>
        %dma_start3A_252 = arith.constant 0 : i32
        %dma_start3A_253 = arith.constant 0 : i32
        %dma_start3A_254 = tpu.memref_slice %arg13[%dma_start3A_252, %dma_start3A_253] : memref<512x64xf32, #tpu.memory_space<vmem>> -> memref<120x64xf32, #tpu.memory_space<vmem>>
        %dma_start3A_255 = arith.constant 0 : i32
        %dma_start3A_256 = tpu.memref_slice %arg6[%multiple_of3A_2, %dma_start3A_255] : memref<10112x64xf32, #tpu.memory_space<hbm>> -> memref<120x64xf32, #tpu.memory_space<hbm>>
        %dma_start3A_257 = arith.constant 0 : i32
        %dma_start3A_258 = arith.constant 0 : i32
        %dma_start3A_259 = tpu.memref_slice %arg13[%dma_start3A_257, %dma_start3A_258] : memref<512x64xf32, #tpu.memory_space<vmem>> -> memref<120x64xf32, #tpu.memory_space<vmem>>
        %dma_start3A_260 = arith.constant 0 : i32
        %dma_start3A_261 = tpu.memref_slice %arg6[%multiple_of3A_2, %dma_start3A_260] : memref<10112x64xf32, #tpu.memory_space<hbm>> -> memref<120x64xf32, #tpu.memory_space<hbm>>
        tpu.enqueue_dma source(%dma_start3A_261 : memref<120x64xf32, #tpu.memory_space<hbm>>) target(%dma_start3A_259 : memref<120x64xf32, #tpu.memory_space<vmem>>) target_semaphore(%run_scoped3A : memref<!tpu.dma_semaphore, #tpu.memory_space<semaphore_mem>>)
        %dma_wait3A_262 = arith.constant 0 : i32
        %dma_wait3A_263 = arith.constant 0 : i32
        %dma_wait3A_264 = tpu.memref_slice %arg13[%dma_wait3A_262, %dma_wait3A_263] : memref<512x64xf32, #tpu.memory_space<vmem>> -> memref<120x64xf32, #tpu.memory_space<vmem>>
        %dma_wait3A_265 = arith.constant 0 : i32
        %dma_wait3A_266 = tpu.memref_slice %arg6[%multiple_of3A_2, %dma_wait3A_265] : memref<10112x64xf32, #tpu.memory_space<hbm>> -> memref<120x64xf32, #tpu.memory_space<hbm>>
        %dma_wait3A_267 = arith.constant 0 : i32
        %dma_wait3A_268 = arith.constant 0 : i32
        %dma_wait3A_269 = tpu.memref_slice %arg13[%dma_wait3A_267, %dma_wait3A_268] : memref<512x64xf32, #tpu.memory_space<vmem>> -> memref<120x64xf32, #tpu.memory_space<vmem>>
        %dma_wait3A_270 = arith.constant 0 : i32
        %dma_wait3A_271 = tpu.memref_slice %arg6[%multiple_of3A_2, %dma_wait3A_270] : memref<10112x64xf32, #tpu.memory_space<hbm>> -> memref<120x64xf32, #tpu.memory_space<hbm>>
        tpu.wait_dma2 semaphore(%run_scoped3A : memref<!tpu.dma_semaphore, #tpu.memory_space<semaphore_mem>>) src(%dma_wait3A_271 : memref<120x64xf32, #tpu.memory_space<hbm>>) dst(%dma_wait3A_269 : memref<120x64xf32, #tpu.memory_space<vmem>>)
        tpu.yield
      }) : () -> ()
      "tpu.region"() ({
        %run_scoped3A = tpu.sem_alloc : memref<!tpu.dma_semaphore, #tpu.memory_space<semaphore_mem>>
        %dma_start3A_252 = arith.constant 0 : i32
        %dma_start3A_253 = arith.constant 0 : i32
        %dma_start3A_254 = tpu.memref_slice %arg13[%dma_start3A_252, %dma_start3A_253] : memref<512x64xf32, #tpu.memory_space<vmem>> -> memref<120x64xf32, #tpu.memory_space<vmem>>
        %dma_start3A_255 = arith.constant 0 : i32
        %dma_start3A_256 = tpu.memref_slice %arg18[%multiple_of3A_2, %dma_start3A_255] : memref<10112x64xf32, #tpu.memory_space<vmem_shared>> -> memref<120x64xf32, #tpu.memory_space<vmem_shared>>
        %dma_start3A_257 = arith.constant 0 : i32
        %dma_start3A_258 = tpu.memref_slice %arg18[%multiple_of3A_2, %dma_start3A_257] : memref<10112x64xf32, #tpu.memory_space<vmem_shared>> -> memref<120x64xf32, #tpu.memory_space<vmem_shared>>
        %dma_start3A_259 = arith.constant 0 : i32
        %dma_start3A_260 = arith.constant 0 : i32
        %dma_start3A_261 = tpu.memref_slice %arg13[%dma_start3A_259, %dma_start3A_260] : memref<512x64xf32, #tpu.memory_space<vmem>> -> memref<120x64xf32, #tpu.memory_space<vmem>>
        tpu.enqueue_dma source(%dma_start3A_261 : memref<120x64xf32, #tpu.memory_space<vmem>>) target(%dma_start3A_258 : memref<120x64xf32, #tpu.memory_space<vmem_shared>>) target_semaphore(%run_scoped3A : memref<!tpu.dma_semaphore, #tpu.memory_space<semaphore_mem>>)
        %dma_wait3A_262 = arith.constant 0 : i32
        %dma_wait3A_263 = arith.constant 0 : i32
        %dma_wait3A_264 = tpu.memref_slice %arg13[%dma_wait3A_262, %dma_wait3A_263] : memref<512x64xf32, #tpu.memory_space<vmem>> -> memref<120x64xf32, #tpu.memory_space<vmem>>
        %dma_wait3A_265 = arith.constant 0 : i32
        %dma_wait3A_266 = tpu.memref_slice %arg18[%multiple_of3A_2, %dma_wait3A_265] : memref<10112x64xf32, #tpu.memory_space<vmem_shared>> -> memref<120x64xf32, #tpu.memory_space<vmem_shared>>
        %dma_wait3A_267 = arith.constant 0 : i32
        %dma_wait3A_268 = tpu.memref_slice %arg18[%multiple_of3A_2, %dma_wait3A_267] : memref<10112x64xf32, #tpu.memory_space<vmem_shared>> -> memref<120x64xf32, #tpu.memory_space<vmem_shared>>
        %dma_wait3A_269 = arith.constant 0 : i32
        %dma_wait3A_270 = arith.constant 0 : i32
        %dma_wait3A_271 = tpu.memref_slice %arg13[%dma_wait3A_269, %dma_wait3A_270] : memref<512x64xf32, #tpu.memory_space<vmem>> -> memref<120x64xf32, #tpu.memory_space<vmem>>
        tpu.wait_dma2 semaphore(%run_scoped3A : memref<!tpu.dma_semaphore, #tpu.memory_space<semaphore_mem>>) src(%dma_wait3A_271 : memref<120x64xf32, #tpu.memory_space<vmem>>) dst(%dma_wait3A_268 : memref<120x64xf32, #tpu.memory_space<vmem_shared>>)
        tpu.yield
      }) : () -> ()
    } else {
    }
    %barrier3A = arith.constant 0 : index
    tpu.barrier barrier_id(%barrier3A)
    %mul3A_10 = arith.constant 163840 : i32
    %mul3A_11 = arith.muli %arg0, %mul3A_10 : i32
    %mul3A_12 = arith.constant 10240 : i32
    %mul3A_13 = arith.muli %arg1, %mul3A_12 : i32
    %add3A_14 = arith.addi %mul3A_11, %mul3A_13 : i32
    %jit3A = arith.constant 128 : i32
    %div3A = arith.divsi %add3A_14, %jit3A : i32
    %sign3A = arith.constant 0 : i32
    %sign3A_15 = arith.cmpi sgt, %add3A_14, %sign3A : i32
    %sign3A_16 = arith.extui %sign3A_15 : i1 to i32
    %sign3A_17 = arith.constant 0 : i32
    %sign3A_18 = arith.cmpi slt, %add3A_14, %sign3A_17 : i32
    %sign3A_19 = arith.extui %sign3A_18 : i1 to i32
    %sign3A_20 = arith.subi %sign3A_16, %sign3A_19 : i32
    %sign3A_21 = arith.constant 0 : i32
    %sign3A_22 = arith.cmpi sgt, %jit3A, %sign3A_21 : i32
    %sign3A_23 = arith.extui %sign3A_22 : i1 to i32
    %sign3A_24 = arith.constant 0 : i32
    %sign3A_25 = arith.cmpi slt, %jit3A, %sign3A_24 : i32
    %sign3A_26 = arith.extui %sign3A_25 : i1 to i32
    %sign3A_27 = arith.subi %sign3A_23, %sign3A_26 : i32
    %ne3A = arith.cmpi ne, %sign3A_20, %sign3A_27 : i32
    %rem3A = arith.remsi %add3A_14, %jit3A : i32
    %ne3A_28 = arith.constant 0 : i32
    %ne3A_29 = arith.cmpi ne, %rem3A, %ne3A_28 : i32
    %and3A = arith.andi %ne3A, %ne3A_29 : i1
    %sub3A = arith.constant 1 : i32
    %sub3A_30 = arith.subi %div3A, %sub3A : i32
    %select_n3A = arith.select %and3A, %sub3A_30, %div3A : i32
    %multiple_of3A_31 = tpu.assume_multiple %select_n3A, 8 : i32
    "tpu.region"() ({
      %run_scoped3A = tpu.sem_alloc : memref<!tpu.dma_semaphore, #tpu.memory_space<semaphore_mem>>
      %dma_start3A_252 = arith.constant 0 : i32
      %dma_start3A_253 = tpu.memref_slice %arg4[%multiple_of3A_31, %dma_start3A_252] : memref<2560x128xi32, #tpu.memory_space<hbm>> -> memref<4x128xi32, #tpu.memory_space<hbm>>
      %dma_start3A_254 = arith.constant 0 : i32
      %dma_start3A_255 = tpu.memref_slice %arg4[%multiple_of3A_31, %dma_start3A_254] : memref<2560x128xi32, #tpu.memory_space<hbm>> -> memref<4x128xi32, #tpu.memory_space<hbm>>
      tpu.enqueue_dma source(%dma_start3A_255 : memref<4x128xi32, #tpu.memory_space<hbm>>) target(%arg8 : memref<4x128xi32, #tpu.memory_space<vmem>>) target_semaphore(%run_scoped3A : memref<!tpu.dma_semaphore, #tpu.memory_space<semaphore_mem>>)
      %dma_wait3A_256 = arith.constant 0 : i32
      %dma_wait3A_257 = tpu.memref_slice %arg4[%multiple_of3A_31, %dma_wait3A_256] : memref<2560x128xi32, #tpu.memory_space<hbm>> -> memref<4x128xi32, #tpu.memory_space<hbm>>
      %dma_wait3A_258 = arith.constant 0 : i32
      %dma_wait3A_259 = tpu.memref_slice %arg4[%multiple_of3A_31, %dma_wait3A_258] : memref<2560x128xi32, #tpu.memory_space<hbm>> -> memref<4x128xi32, #tpu.memory_space<hbm>>
      tpu.wait_dma2 semaphore(%run_scoped3A : memref<!tpu.dma_semaphore, #tpu.memory_space<semaphore_mem>>) src(%dma_wait3A_259 : memref<4x128xi32, #tpu.memory_space<hbm>>) dst(%arg8 : memref<4x128xi32, #tpu.memory_space<vmem>>)
      tpu.yield
    }) : () -> ()
    "tpu.region"() ({
      %run_scoped3A = tpu.sem_alloc : memref<!tpu.dma_semaphore, #tpu.memory_space<semaphore_mem>>
      %dma_start3A_252 = arith.constant 0 : i32
      %dma_start3A_253 = tpu.memref_slice %arg5[%multiple_of3A_31, %dma_start3A_252] : memref<2560x128xi32, #tpu.memory_space<hbm>> -> memref<4x128xi32, #tpu.memory_space<hbm>>
      %dma_start3A_254 = arith.constant 0 : i32
      %dma_start3A_255 = tpu.memref_slice %arg5[%multiple_of3A_31, %dma_start3A_254] : memref<2560x128xi32, #tpu.memory_space<hbm>> -> memref<4x128xi32, #tpu.memory_space<hbm>>
      tpu.enqueue_dma source(%dma_start3A_255 : memref<4x128xi32, #tpu.memory_space<hbm>>) target(%arg9 : memref<4x128xi32, #tpu.memory_space<vmem>>) target_semaphore(%run_scoped3A : memref<!tpu.dma_semaphore, #tpu.memory_space<semaphore_mem>>)
      %dma_wait3A_256 = arith.constant 0 : i32
      %dma_wait3A_257 = tpu.memref_slice %arg5[%multiple_of3A_31, %dma_wait3A_256] : memref<2560x128xi32, #tpu.memory_space<hbm>> -> memref<4x128xi32, #tpu.memory_space<hbm>>
      %dma_wait3A_258 = arith.constant 0 : i32
      %dma_wait3A_259 = tpu.memref_slice %arg5[%multiple_of3A_31, %dma_wait3A_258] : memref<2560x128xi32, #tpu.memory_space<hbm>> -> memref<4x128xi32, #tpu.memory_space<hbm>>
      tpu.wait_dma2 semaphore(%run_scoped3A : memref<!tpu.dma_semaphore, #tpu.memory_space<semaphore_mem>>) src(%dma_wait3A_259 : memref<4x128xi32, #tpu.memory_space<hbm>>) dst(%arg9 : memref<4x128xi32, #tpu.memory_space<vmem>>)
      tpu.yield
    }) : () -> ()
    %dma_start3A = arith.constant 0 : i32
    %dma_start3A_32 = arith.constant 0 : i32
    %dma_start3A_33 = arith.constant 0 : i32
    %dma_start3A_34 = tpu.memref_slice %arg12[%dma_start3A_32, %dma_start3A_33] : memref<512x64xf32, #tpu.memory_space<vmem>> -> memref<128x64xf32, #tpu.memory_space<vmem>>
    %dma_start3A_35 = arith.constant 0 : i32
    %dma_start3A_36 = tpu.memref_slice %arg8[%dma_start3A, %dma_start3A_35] : memref<4x128xi32, #tpu.memory_space<vmem>> -> memref<1x128xi32, #tpu.memory_space<vmem>>
    %dma_start3A_37 = tpu.memref_squeeze %dma_start3A_36 : memref<1x128xi32, #tpu.memory_space<vmem>> -> memref<128xi32, #tpu.memory_space<vmem>>
    %dma_start3A_38 = arith.constant 0 : i32
    %dma_start3A_39 = arith.constant 0 : i32
    %dma_start3A_40 = tpu.memref_slice %arg2[%dma_start3A_38, %dma_start3A_39] : memref<10112x64xf32, #tpu.memory_space<hbm>> -> memref<10112x64xf32, #tpu.memory_space<hbm>>
    tpu.enqueue_indirect_dma source(%dma_start3A_40 : memref<10112x64xf32, #tpu.memory_space<hbm>>) target(%dma_start3A_34 : memref<128x64xf32, #tpu.memory_space<vmem>>) offsets(%dma_start3A_37 : memref<128xi32, #tpu.memory_space<vmem>>) semaphore(%arg14 : memref<!tpu.dma_semaphore, #tpu.memory_space<semaphore_mem>>)
    %dma_start3A_41 = arith.constant 1 : i32
    %dma_start3A_42 = arith.constant 128 : i32
    %dma_start3A_43 = arith.constant 0 : i32
    %dma_start3A_44 = tpu.memref_slice %arg12[%dma_start3A_42, %dma_start3A_43] : memref<512x64xf32, #tpu.memory_space<vmem>> -> memref<128x64xf32, #tpu.memory_space<vmem>>
    %dma_start3A_45 = arith.constant 0 : i32
    %dma_start3A_46 = tpu.memref_slice %arg8[%dma_start3A_41, %dma_start3A_45] : memref<4x128xi32, #tpu.memory_space<vmem>> -> memref<1x128xi32, #tpu.memory_space<vmem>>
    %dma_start3A_47 = tpu.memref_squeeze %dma_start3A_46 : memref<1x128xi32, #tpu.memory_space<vmem>> -> memref<128xi32, #tpu.memory_space<vmem>>
    %dma_start3A_48 = arith.constant 0 : i32
    %dma_start3A_49 = arith.constant 0 : i32
    %dma_start3A_50 = tpu.memref_slice %arg2[%dma_start3A_48, %dma_start3A_49] : memref<10112x64xf32, #tpu.memory_space<hbm>> -> memref<10112x64xf32, #tpu.memory_space<hbm>>
    tpu.enqueue_indirect_dma source(%dma_start3A_50 : memref<10112x64xf32, #tpu.memory_space<hbm>>) target(%dma_start3A_44 : memref<128x64xf32, #tpu.memory_space<vmem>>) offsets(%dma_start3A_47 : memref<128xi32, #tpu.memory_space<vmem>>) semaphore(%arg14 : memref<!tpu.dma_semaphore, #tpu.memory_space<semaphore_mem>>)
    %dma_start3A_51 = arith.constant 2 : i32
    %dma_start3A_52 = arith.constant 256 : i32
    %dma_start3A_53 = arith.constant 0 : i32
    %dma_start3A_54 = tpu.memref_slice %arg12[%dma_start3A_52, %dma_start3A_53] : memref<512x64xf32, #tpu.memory_space<vmem>> -> memref<128x64xf32, #tpu.memory_space<vmem>>
    %dma_start3A_55 = arith.constant 0 : i32
    %dma_start3A_56 = tpu.memref_slice %arg8[%dma_start3A_51, %dma_start3A_55] : memref<4x128xi32, #tpu.memory_space<vmem>> -> memref<1x128xi32, #tpu.memory_space<vmem>>
    %dma_start3A_57 = tpu.memref_squeeze %dma_start3A_56 : memref<1x128xi32, #tpu.memory_space<vmem>> -> memref<128xi32, #tpu.memory_space<vmem>>
    %dma_start3A_58 = arith.constant 0 : i32
    %dma_start3A_59 = arith.constant 0 : i32
    %dma_start3A_60 = tpu.memref_slice %arg2[%dma_start3A_58, %dma_start3A_59] : memref<10112x64xf32, #tpu.memory_space<hbm>> -> memref<10112x64xf32, #tpu.memory_space<hbm>>
    tpu.enqueue_indirect_dma source(%dma_start3A_60 : memref<10112x64xf32, #tpu.memory_space<hbm>>) target(%dma_start3A_54 : memref<128x64xf32, #tpu.memory_space<vmem>>) offsets(%dma_start3A_57 : memref<128xi32, #tpu.memory_space<vmem>>) semaphore(%arg14 : memref<!tpu.dma_semaphore, #tpu.memory_space<semaphore_mem>>)
    %dma_start3A_61 = arith.constant 3 : i32
    %dma_start3A_62 = arith.constant 384 : i32
    %dma_start3A_63 = arith.constant 0 : i32
    %dma_start3A_64 = tpu.memref_slice %arg12[%dma_start3A_62, %dma_start3A_63] : memref<512x64xf32, #tpu.memory_space<vmem>> -> memref<128x64xf32, #tpu.memory_space<vmem>>
    %dma_start3A_65 = arith.constant 0 : i32
    %dma_start3A_66 = tpu.memref_slice %arg8[%dma_start3A_61, %dma_start3A_65] : memref<4x128xi32, #tpu.memory_space<vmem>> -> memref<1x128xi32, #tpu.memory_space<vmem>>
    %dma_start3A_67 = tpu.memref_squeeze %dma_start3A_66 : memref<1x128xi32, #tpu.memory_space<vmem>> -> memref<128xi32, #tpu.memory_space<vmem>>
    %dma_start3A_68 = arith.constant 0 : i32
    %dma_start3A_69 = arith.constant 0 : i32
    %dma_start3A_70 = tpu.memref_slice %arg2[%dma_start3A_68, %dma_start3A_69] : memref<10112x64xf32, #tpu.memory_space<hbm>> -> memref<10112x64xf32, #tpu.memory_space<hbm>>
    tpu.enqueue_indirect_dma source(%dma_start3A_70 : memref<10112x64xf32, #tpu.memory_space<hbm>>) target(%dma_start3A_64 : memref<128x64xf32, #tpu.memory_space<vmem>>) offsets(%dma_start3A_67 : memref<128xi32, #tpu.memory_space<vmem>>) semaphore(%arg14 : memref<!tpu.dma_semaphore, #tpu.memory_space<semaphore_mem>>)
    %scan3A = arith.constant 0 : i32
    %scan3A_71 = arith.constant 0 : i32
    %scan3A_72 = arith.constant 10 : i32
    %scan3A_73 = arith.addi %scan3A_71, %scan3A_72 : i32
    %scan3A_74 = arith.constant 1 : i32
    scf.for %scan3A_252 = %scan3A_71 to %scan3A_73 step %scan3A_74  : i32 {
      %mul3A_253 = arith.constant 2 : i32
      %mul3A_254 = arith.muli %mul3A_253, %scan3A_252 : i32
      %gt3A = arith.constant 0 : i32
      %gt3A_255 = arith.cmpi sgt, %scan3A_252, %gt3A : i32
      %convert_element_type3A_256 = arith.extui %gt3A_255 : i1 to i32
      %cond3A_257 = arith.constant 0 : i32
      %cond3A_258 = arith.cmpi ne, %convert_element_type3A_256, %cond3A_257 : i32
      scf.if %cond3A_258 {
        %dma_wait3A_509 = arith.constant 0 : i32
        %dma_wait3A_510 = arith.constant 0 : i32
        %dma_wait3A_511 = arith.constant 0 : i32
        %dma_wait3A_512 = tpu.memref_slice %arg13[%dma_wait3A_510, %dma_wait3A_511] : memref<512x64xf32, #tpu.memory_space<vmem>> -> memref<128x64xf32, #tpu.memory_space<vmem>>
        %dma_wait3A_513 = arith.constant 0 : i32
        %dma_wait3A_514 = tpu.memref_slice %arg11[%dma_wait3A_509, %dma_wait3A_513] : memref<4x128xi32, #tpu.memory_space<vmem>> -> memref<1x128xi32, #tpu.memory_space<vmem>>
        %dma_wait3A_515 = tpu.memref_squeeze %dma_wait3A_514 : memref<1x128xi32, #tpu.memory_space<vmem>> -> memref<128xi32, #tpu.memory_space<vmem>>
        %dma_wait3A_516 = arith.constant 0 : i32
        %dma_wait3A_517 = arith.constant 0 : i32
        %dma_wait3A_518 = tpu.memref_slice %arg18[%dma_wait3A_516, %dma_wait3A_517] : memref<10112x64xf32, #tpu.memory_space<vmem_shared>> -> memref<10112x64xf32, #tpu.memory_space<vmem_shared>>
        tpu.wait_indirect_dma semaphore(%arg17 : memref<!tpu.dma_semaphore, #tpu.memory_space<semaphore_mem>>) src(%dma_wait3A_512 : memref<128x64xf32, #tpu.memory_space<vmem>>) dst(%dma_wait3A_518 : memref<10112x64xf32, #tpu.memory_space<vmem_shared>>)
        %dma_wait3A_519 = arith.constant 1 : i32
        %dma_wait3A_520 = arith.constant 128 : i32
        %dma_wait3A_521 = arith.constant 0 : i32
        %dma_wait3A_522 = tpu.memref_slice %arg13[%dma_wait3A_520, %dma_wait3A_521] : memref<512x64xf32, #tpu.memory_space<vmem>> -> memref<128x64xf32, #tpu.memory_space<vmem>>
        %dma_wait3A_523 = arith.constant 0 : i32
        %dma_wait3A_524 = tpu.memref_slice %arg11[%dma_wait3A_519, %dma_wait3A_523] : memref<4x128xi32, #tpu.memory_space<vmem>> -> memref<1x128xi32, #tpu.memory_space<vmem>>
        %dma_wait3A_525 = tpu.memref_squeeze %dma_wait3A_524 : memref<1x128xi32, #tpu.memory_space<vmem>> -> memref<128xi32, #tpu.memory_space<vmem>>
        %dma_wait3A_526 = arith.constant 0 : i32
        %dma_wait3A_527 = arith.constant 0 : i32
        %dma_wait3A_528 = tpu.memref_slice %arg18[%dma_wait3A_526, %dma_wait3A_527] : memref<10112x64xf32, #tpu.memory_space<vmem_shared>> -> memref<10112x64xf32, #tpu.memory_space<vmem_shared>>
        tpu.wait_indirect_dma semaphore(%arg17 : memref<!tpu.dma_semaphore, #tpu.memory_space<semaphore_mem>>) src(%dma_wait3A_522 : memref<128x64xf32, #tpu.memory_space<vmem>>) dst(%dma_wait3A_528 : memref<10112x64xf32, #tpu.memory_space<vmem_shared>>)
        %dma_wait3A_529 = arith.constant 2 : i32
        %dma_wait3A_530 = arith.constant 256 : i32
        %dma_wait3A_531 = arith.constant 0 : i32
        %dma_wait3A_532 = tpu.memref_slice %arg13[%dma_wait3A_530, %dma_wait3A_531] : memref<512x64xf32, #tpu.memory_space<vmem>> -> memref<128x64xf32, #tpu.memory_space<vmem>>
        %dma_wait3A_533 = arith.constant 0 : i32
        %dma_wait3A_534 = tpu.memref_slice %arg11[%dma_wait3A_529, %dma_wait3A_533] : memref<4x128xi32, #tpu.memory_space<vmem>> -> memref<1x128xi32, #tpu.memory_space<vmem>>
        %dma_wait3A_535 = tpu.memref_squeeze %dma_wait3A_534 : memref<1x128xi32, #tpu.memory_space<vmem>> -> memref<128xi32, #tpu.memory_space<vmem>>
        %dma_wait3A_536 = arith.constant 0 : i32
        %dma_wait3A_537 = arith.constant 0 : i32
        %dma_wait3A_538 = tpu.memref_slice %arg18[%dma_wait3A_536, %dma_wait3A_537] : memref<10112x64xf32, #tpu.memory_space<vmem_shared>> -> memref<10112x64xf32, #tpu.memory_space<vmem_shared>>
        tpu.wait_indirect_dma semaphore(%arg17 : memref<!tpu.dma_semaphore, #tpu.memory_space<semaphore_mem>>) src(%dma_wait3A_532 : memref<128x64xf32, #tpu.memory_space<vmem>>) dst(%dma_wait3A_538 : memref<10112x64xf32, #tpu.memory_space<vmem_shared>>)
        %dma_wait3A_539 = arith.constant 3 : i32
        %dma_wait3A_540 = arith.constant 384 : i32
        %dma_wait3A_541 = arith.constant 0 : i32
        %dma_wait3A_542 = tpu.memref_slice %arg13[%dma_wait3A_540, %dma_wait3A_541] : memref<512x64xf32, #tpu.memory_space<vmem>> -> memref<128x64xf32, #tpu.memory_space<vmem>>
        %dma_wait3A_543 = arith.constant 0 : i32
        %dma_wait3A_544 = tpu.memref_slice %arg11[%dma_wait3A_539, %dma_wait3A_543] : memref<4x128xi32, #tpu.memory_space<vmem>> -> memref<1x128xi32, #tpu.memory_space<vmem>>
        %dma_wait3A_545 = tpu.memref_squeeze %dma_wait3A_544 : memref<1x128xi32, #tpu.memory_space<vmem>> -> memref<128xi32, #tpu.memory_space<vmem>>
        %dma_wait3A_546 = arith.constant 0 : i32
        %dma_wait3A_547 = arith.constant 0 : i32
        %dma_wait3A_548 = tpu.memref_slice %arg18[%dma_wait3A_546, %dma_wait3A_547] : memref<10112x64xf32, #tpu.memory_space<vmem_shared>> -> memref<10112x64xf32, #tpu.memory_space<vmem_shared>>
        tpu.wait_indirect_dma semaphore(%arg17 : memref<!tpu.dma_semaphore, #tpu.memory_space<semaphore_mem>>) src(%dma_wait3A_542 : memref<128x64xf32, #tpu.memory_space<vmem>>) dst(%dma_wait3A_548 : memref<10112x64xf32, #tpu.memory_space<vmem_shared>>)
      } else {
      }
      %add3A_259 = arith.constant 1 : i32
      %add3A_260 = arith.addi %mul3A_254, %add3A_259 : i32
      %mul3A_261 = arith.constant 4 : i32
      %mul3A_262 = arith.muli %add3A_260, %mul3A_261 : i32
      %add3A_263 = arith.addi %select_n3A, %mul3A_262 : i32
      %multiple_of3A_264 = tpu.assume_multiple %add3A_263, 4 : i32
      "tpu.region"() ({
        %run_scoped3A = tpu.sem_alloc : memref<!tpu.dma_semaphore, #tpu.memory_space<semaphore_mem>>
        %dma_start3A_509 = arith.constant 0 : i32
        %dma_start3A_510 = tpu.memref_slice %arg4[%multiple_of3A_264, %dma_start3A_509] : memref<2560x128xi32, #tpu.memory_space<hbm>> -> memref<4x128xi32, #tpu.memory_space<hbm>>
        %dma_start3A_511 = arith.constant 0 : i32
        %dma_start3A_512 = tpu.memref_slice %arg4[%multiple_of3A_264, %dma_start3A_511] : memref<2560x128xi32, #tpu.memory_space<hbm>> -> memref<4x128xi32, #tpu.memory_space<hbm>>
        tpu.enqueue_dma source(%dma_start3A_512 : memref<4x128xi32, #tpu.memory_space<hbm>>) target(%arg10 : memref<4x128xi32, #tpu.memory_space<vmem>>) target_semaphore(%run_scoped3A : memref<!tpu.dma_semaphore, #tpu.memory_space<semaphore_mem>>)
        %dma_wait3A_513 = arith.constant 0 : i32
        %dma_wait3A_514 = tpu.memref_slice %arg4[%multiple_of3A_264, %dma_wait3A_513] : memref<2560x128xi32, #tpu.memory_space<hbm>> -> memref<4x128xi32, #tpu.memory_space<hbm>>
        %dma_wait3A_515 = arith.constant 0 : i32
        %dma_wait3A_516 = tpu.memref_slice %arg4[%multiple_of3A_264, %dma_wait3A_515] : memref<2560x128xi32, #tpu.memory_space<hbm>> -> memref<4x128xi32, #tpu.memory_space<hbm>>
        tpu.wait_dma2 semaphore(%run_scoped3A : memref<!tpu.dma_semaphore, #tpu.memory_space<semaphore_mem>>) src(%dma_wait3A_516 : memref<4x128xi32, #tpu.memory_space<hbm>>) dst(%arg10 : memref<4x128xi32, #tpu.memory_space<vmem>>)
        tpu.yield
      }) : () -> ()
      "tpu.region"() ({
        %run_scoped3A = tpu.sem_alloc : memref<!tpu.dma_semaphore, #tpu.memory_space<semaphore_mem>>
        %dma_start3A_509 = arith.constant 0 : i32
        %dma_start3A_510 = tpu.memref_slice %arg5[%multiple_of3A_264, %dma_start3A_509] : memref<2560x128xi32, #tpu.memory_space<hbm>> -> memref<4x128xi32, #tpu.memory_space<hbm>>
        %dma_start3A_511 = arith.constant 0 : i32
        %dma_start3A_512 = tpu.memref_slice %arg5[%multiple_of3A_264, %dma_start3A_511] : memref<2560x128xi32, #tpu.memory_space<hbm>> -> memref<4x128xi32, #tpu.memory_space<hbm>>
        tpu.enqueue_dma source(%dma_start3A_512 : memref<4x128xi32, #tpu.memory_space<hbm>>) target(%arg11 : memref<4x128xi32, #tpu.memory_space<vmem>>) target_semaphore(%run_scoped3A : memref<!tpu.dma_semaphore, #tpu.memory_space<semaphore_mem>>)
        %dma_wait3A_513 = arith.constant 0 : i32
        %dma_wait3A_514 = tpu.memref_slice %arg5[%multiple_of3A_264, %dma_wait3A_513] : memref<2560x128xi32, #tpu.memory_space<hbm>> -> memref<4x128xi32, #tpu.memory_space<hbm>>
        %dma_wait3A_515 = arith.constant 0 : i32
        %dma_wait3A_516 = tpu.memref_slice %arg5[%multiple_of3A_264, %dma_wait3A_515] : memref<2560x128xi32, #tpu.memory_space<hbm>> -> memref<4x128xi32, #tpu.memory_space<hbm>>
        tpu.wait_dma2 semaphore(%run_scoped3A : memref<!tpu.dma_semaphore, #tpu.memory_space<semaphore_mem>>) src(%dma_wait3A_516 : memref<4x128xi32, #tpu.memory_space<hbm>>) dst(%arg11 : memref<4x128xi32, #tpu.memory_space<vmem>>)
        tpu.yield
      }) : () -> ()
      %dma_wait3A_265 = arith.constant 0 : i32
      %dma_wait3A_266 = arith.constant 0 : i32
      %dma_wait3A_267 = arith.constant 0 : i32
      %dma_wait3A_268 = tpu.memref_slice %arg12[%dma_wait3A_266, %dma_wait3A_267] : memref<512x64xf32, #tpu.memory_space<vmem>> -> memref<128x64xf32, #tpu.memory_space<vmem>>
      %dma_wait3A_269 = arith.constant 0 : i32
      %dma_wait3A_270 = tpu.memref_slice %arg8[%dma_wait3A_265, %dma_wait3A_269] : memref<4x128xi32, #tpu.memory_space<vmem>> -> memref<1x128xi32, #tpu.memory_space<vmem>>
      %dma_wait3A_271 = tpu.memref_squeeze %dma_wait3A_270 : memref<1x128xi32, #tpu.memory_space<vmem>> -> memref<128xi32, #tpu.memory_space<vmem>>
      %dma_wait3A_272 = arith.constant 0 : i32
      %dma_wait3A_273 = arith.constant 0 : i32
      %dma_wait3A_274 = tpu.memref_slice %arg2[%dma_wait3A_272, %dma_wait3A_273] : memref<10112x64xf32, #tpu.memory_space<hbm>> -> memref<10112x64xf32, #tpu.memory_space<hbm>>
      tpu.wait_indirect_dma semaphore(%arg14 : memref<!tpu.dma_semaphore, #tpu.memory_space<semaphore_mem>>) src(%dma_wait3A_274 : memref<10112x64xf32, #tpu.memory_space<hbm>>) dst(%dma_wait3A_268 : memref<128x64xf32, #tpu.memory_space<vmem>>)
      %dma_wait3A_275 = arith.constant 1 : i32
      %dma_wait3A_276 = arith.constant 128 : i32
      %dma_wait3A_277 = arith.constant 0 : i32
      %dma_wait3A_278 = tpu.memref_slice %arg12[%dma_wait3A_276, %dma_wait3A_277] : memref<512x64xf32, #tpu.memory_space<vmem>> -> memref<128x64xf32, #tpu.memory_space<vmem>>
      %dma_wait3A_279 = arith.constant 0 : i32
      %dma_wait3A_280 = tpu.memref_slice %arg8[%dma_wait3A_275, %dma_wait3A_279] : memref<4x128xi32, #tpu.memory_space<vmem>> -> memref<1x128xi32, #tpu.memory_space<vmem>>
      %dma_wait3A_281 = tpu.memref_squeeze %dma_wait3A_280 : memref<1x128xi32, #tpu.memory_space<vmem>> -> memref<128xi32, #tpu.memory_space<vmem>>
      %dma_wait3A_282 = arith.constant 0 : i32
      %dma_wait3A_283 = arith.constant 0 : i32
      %dma_wait3A_284 = tpu.memref_slice %arg2[%dma_wait3A_282, %dma_wait3A_283] : memref<10112x64xf32, #tpu.memory_space<hbm>> -> memref<10112x64xf32, #tpu.memory_space<hbm>>
      tpu.wait_indirect_dma semaphore(%arg14 : memref<!tpu.dma_semaphore, #tpu.memory_space<semaphore_mem>>) src(%dma_wait3A_284 : memref<10112x64xf32, #tpu.memory_space<hbm>>) dst(%dma_wait3A_278 : memref<128x64xf32, #tpu.memory_space<vmem>>)
      %dma_wait3A_285 = arith.constant 2 : i32
      %dma_wait3A_286 = arith.constant 256 : i32
      %dma_wait3A_287 = arith.constant 0 : i32
      %dma_wait3A_288 = tpu.memref_slice %arg12[%dma_wait3A_286, %dma_wait3A_287] : memref<512x64xf32, #tpu.memory_space<vmem>> -> memref<128x64xf32, #tpu.memory_space<vmem>>
      %dma_wait3A_289 = arith.constant 0 : i32
      %dma_wait3A_290 = tpu.memref_slice %arg8[%dma_wait3A_285, %dma_wait3A_289] : memref<4x128xi32, #tpu.memory_space<vmem>> -> memref<1x128xi32, #tpu.memory_space<vmem>>
      %dma_wait3A_291 = tpu.memref_squeeze %dma_wait3A_290 : memref<1x128xi32, #tpu.memory_space<vmem>> -> memref<128xi32, #tpu.memory_space<vmem>>
      %dma_wait3A_292 = arith.constant 0 : i32
      %dma_wait3A_293 = arith.constant 0 : i32
      %dma_wait3A_294 = tpu.memref_slice %arg2[%dma_wait3A_292, %dma_wait3A_293] : memref<10112x64xf32, #tpu.memory_space<hbm>> -> memref<10112x64xf32, #tpu.memory_space<hbm>>
      tpu.wait_indirect_dma semaphore(%arg14 : memref<!tpu.dma_semaphore, #tpu.memory_space<semaphore_mem>>) src(%dma_wait3A_294 : memref<10112x64xf32, #tpu.memory_space<hbm>>) dst(%dma_wait3A_288 : memref<128x64xf32, #tpu.memory_space<vmem>>)
      %dma_wait3A_295 = arith.constant 3 : i32
      %dma_wait3A_296 = arith.constant 384 : i32
      %dma_wait3A_297 = arith.constant 0 : i32
      %dma_wait3A_298 = tpu.memref_slice %arg12[%dma_wait3A_296, %dma_wait3A_297] : memref<512x64xf32, #tpu.memory_space<vmem>> -> memref<128x64xf32, #tpu.memory_space<vmem>>
      %dma_wait3A_299 = arith.constant 0 : i32
      %dma_wait3A_300 = tpu.memref_slice %arg8[%dma_wait3A_295, %dma_wait3A_299] : memref<4x128xi32, #tpu.memory_space<vmem>> -> memref<1x128xi32, #tpu.memory_space<vmem>>
      %dma_wait3A_301 = tpu.memref_squeeze %dma_wait3A_300 : memref<1x128xi32, #tpu.memory_space<vmem>> -> memref<128xi32, #tpu.memory_space<vmem>>
      %dma_wait3A_302 = arith.constant 0 : i32
      %dma_wait3A_303 = arith.constant 0 : i32
      %dma_wait3A_304 = tpu.memref_slice %arg2[%dma_wait3A_302, %dma_wait3A_303] : memref<10112x64xf32, #tpu.memory_space<hbm>> -> memref<10112x64xf32, #tpu.memory_space<hbm>>
      tpu.wait_indirect_dma semaphore(%arg14 : memref<!tpu.dma_semaphore, #tpu.memory_space<semaphore_mem>>) src(%dma_wait3A_304 : memref<10112x64xf32, #tpu.memory_space<hbm>>) dst(%dma_wait3A_298 : memref<128x64xf32, #tpu.memory_space<vmem>>)
      %dma_start3A_305 = arith.constant 0 : i32
      %dma_start3A_306 = arith.constant 0 : i32
      %dma_start3A_307 = arith.constant 0 : i32
      %dma_start3A_308 = tpu.memref_slice %arg12[%dma_start3A_306, %dma_start3A_307] : memref<512x64xf32, #tpu.memory_space<vmem>> -> memref<128x64xf32, #tpu.memory_space<vmem>>
      %dma_start3A_309 = arith.constant 0 : i32
      %dma_start3A_310 = tpu.memref_slice %arg9[%dma_start3A_305, %dma_start3A_309] : memref<4x128xi32, #tpu.memory_space<vmem>> -> memref<1x128xi32, #tpu.memory_space<vmem>>
      %dma_start3A_311 = tpu.memref_squeeze %dma_start3A_310 : memref<1x128xi32, #tpu.memory_space<vmem>> -> memref<128xi32, #tpu.memory_space<vmem>>
      %dma_start3A_312 = arith.constant 0 : i32
      %dma_start3A_313 = arith.constant 0 : i32
      %dma_start3A_314 = tpu.memref_slice %arg18[%dma_start3A_312, %dma_start3A_313] : memref<10112x64xf32, #tpu.memory_space<vmem_shared>> -> memref<10112x64xf32, #tpu.memory_space<vmem_shared>>
      tpu.enqueue_indirect_dma source(%dma_start3A_308 : memref<128x64xf32, #tpu.memory_space<vmem>>) target(%dma_start3A_314 : memref<10112x64xf32, #tpu.memory_space<vmem_shared>>) offsets(%dma_start3A_311 : memref<128xi32, #tpu.memory_space<vmem>>) semaphore(%arg16 : memref<!tpu.dma_semaphore, #tpu.memory_space<semaphore_mem>>) {add = true}
      %dma_start3A_315 = arith.constant 1 : i32
      %dma_start3A_316 = arith.constant 128 : i32
      %dma_start3A_317 = arith.constant 0 : i32
      %dma_start3A_318 = tpu.memref_slice %arg12[%dma_start3A_316, %dma_start3A_317] : memref<512x64xf32, #tpu.memory_space<vmem>> -> memref<128x64xf32, #tpu.memory_space<vmem>>
      %dma_start3A_319 = arith.constant 0 : i32
      %dma_start3A_320 = tpu.memref_slice %arg9[%dma_start3A_315, %dma_start3A_319] : memref<4x128xi32, #tpu.memory_space<vmem>> -> memref<1x128xi32, #tpu.memory_space<vmem>>
      %dma_start3A_321 = tpu.memref_squeeze %dma_start3A_320 : memref<1x128xi32, #tpu.memory_space<vmem>> -> memref<128xi32, #tpu.memory_space<vmem>>
      %dma_start3A_322 = arith.constant 0 : i32
      %dma_start3A_323 = arith.constant 0 : i32
      %dma_start3A_324 = tpu.memref_slice %arg18[%dma_start3A_322, %dma_start3A_323] : memref<10112x64xf32, #tpu.memory_space<vmem_shared>> -> memref<10112x64xf32, #tpu.memory_space<vmem_shared>>
      tpu.enqueue_indirect_dma source(%dma_start3A_318 : memref<128x64xf32, #tpu.memory_space<vmem>>) target(%dma_start3A_324 : memref<10112x64xf32, #tpu.memory_space<vmem_shared>>) offsets(%dma_start3A_321 : memref<128xi32, #tpu.memory_space<vmem>>) semaphore(%arg16 : memref<!tpu.dma_semaphore, #tpu.memory_space<semaphore_mem>>) {add = true}
      %dma_start3A_325 = arith.constant 2 : i32
      %dma_start3A_326 = arith.constant 256 : i32
      %dma_start3A_327 = arith.constant 0 : i32
      %dma_start3A_328 = tpu.memref_slice %arg12[%dma_start3A_326, %dma_start3A_327] : memref<512x64xf32, #tpu.memory_space<vmem>> -> memref<128x64xf32, #tpu.memory_space<vmem>>
      %dma_start3A_329 = arith.constant 0 : i32
      %dma_start3A_330 = tpu.memref_slice %arg9[%dma_start3A_325, %dma_start3A_329] : memref<4x128xi32, #tpu.memory_space<vmem>> -> memref<1x128xi32, #tpu.memory_space<vmem>>
      %dma_start3A_331 = tpu.memref_squeeze %dma_start3A_330 : memref<1x128xi32, #tpu.memory_space<vmem>> -> memref<128xi32, #tpu.memory_space<vmem>>
      %dma_start3A_332 = arith.constant 0 : i32
      %dma_start3A_333 = arith.constant 0 : i32
      %dma_start3A_334 = tpu.memref_slice %arg18[%dma_start3A_332, %dma_start3A_333] : memref<10112x64xf32, #tpu.memory_space<vmem_shared>> -> memref<10112x64xf32, #tpu.memory_space<vmem_shared>>
      tpu.enqueue_indirect_dma source(%dma_start3A_328 : memref<128x64xf32, #tpu.memory_space<vmem>>) target(%dma_start3A_334 : memref<10112x64xf32, #tpu.memory_space<vmem_shared>>) offsets(%dma_start3A_331 : memref<128xi32, #tpu.memory_space<vmem>>) semaphore(%arg16 : memref<!tpu.dma_semaphore, #tpu.memory_space<semaphore_mem>>) {add = true}
      %dma_start3A_335 = arith.constant 3 : i32
      %dma_start3A_336 = arith.constant 384 : i32
      %dma_start3A_337 = arith.constant 0 : i32
      %dma_start3A_338 = tpu.memref_slice %arg12[%dma_start3A_336, %dma_start3A_337] : memref<512x64xf32, #tpu.memory_space<vmem>> -> memref<128x64xf32, #tpu.memory_space<vmem>>
      %dma_start3A_339 = arith.constant 0 : i32
      %dma_start3A_340 = tpu.memref_slice %arg9[%dma_start3A_335, %dma_start3A_339] : memref<4x128xi32, #tpu.memory_space<vmem>> -> memref<1x128xi32, #tpu.memory_space<vmem>>
      %dma_start3A_341 = tpu.memref_squeeze %dma_start3A_340 : memref<1x128xi32, #tpu.memory_space<vmem>> -> memref<128xi32, #tpu.memory_space<vmem>>
      %dma_start3A_342 = arith.constant 0 : i32
      %dma_start3A_343 = arith.constant 0 : i32
      %dma_start3A_344 = tpu.memref_slice %arg18[%dma_start3A_342, %dma_start3A_343] : memref<10112x64xf32, #tpu.memory_space<vmem_shared>> -> memref<10112x64xf32, #tpu.memory_space<vmem_shared>>
      tpu.enqueue_indirect_dma source(%dma_start3A_338 : memref<128x64xf32, #tpu.memory_space<vmem>>) target(%dma_start3A_344 : memref<10112x64xf32, #tpu.memory_space<vmem_shared>>) offsets(%dma_start3A_341 : memref<128xi32, #tpu.memory_space<vmem>>) semaphore(%arg16 : memref<!tpu.dma_semaphore, #tpu.memory_space<semaphore_mem>>) {add = true}
      %dma_start3A_345 = arith.constant 0 : i32
      %dma_start3A_346 = arith.constant 0 : i32
      %dma_start3A_347 = arith.constant 0 : i32
      %dma_start3A_348 = tpu.memref_slice %arg13[%dma_start3A_346, %dma_start3A_347] : memref<512x64xf32, #tpu.memory_space<vmem>> -> memref<128x64xf32, #tpu.memory_space<vmem>>
      %dma_start3A_349 = arith.constant 0 : i32
      %dma_start3A_350 = tpu.memref_slice %arg10[%dma_start3A_345, %dma_start3A_349] : memref<4x128xi32, #tpu.memory_space<vmem>> -> memref<1x128xi32, #tpu.memory_space<vmem>>
      %dma_start3A_351 = tpu.memref_squeeze %dma_start3A_350 : memref<1x128xi32, #tpu.memory_space<vmem>> -> memref<128xi32, #tpu.memory_space<vmem>>
      %dma_start3A_352 = arith.constant 0 : i32
      %dma_start3A_353 = arith.constant 0 : i32
      %dma_start3A_354 = tpu.memref_slice %arg2[%dma_start3A_352, %dma_start3A_353] : memref<10112x64xf32, #tpu.memory_space<hbm>> -> memref<10112x64xf32, #tpu.memory_space<hbm>>
      tpu.enqueue_indirect_dma source(%dma_start3A_354 : memref<10112x64xf32, #tpu.memory_space<hbm>>) target(%dma_start3A_348 : memref<128x64xf32, #tpu.memory_space<vmem>>) offsets(%dma_start3A_351 : memref<128xi32, #tpu.memory_space<vmem>>) semaphore(%arg15 : memref<!tpu.dma_semaphore, #tpu.memory_space<semaphore_mem>>)
      %dma_start3A_355 = arith.constant 1 : i32
      %dma_start3A_356 = arith.constant 128 : i32
      %dma_start3A_357 = arith.constant 0 : i32
      %dma_start3A_358 = tpu.memref_slice %arg13[%dma_start3A_356, %dma_start3A_357] : memref<512x64xf32, #tpu.memory_space<vmem>> -> memref<128x64xf32, #tpu.memory_space<vmem>>
      %dma_start3A_359 = arith.constant 0 : i32
      %dma_start3A_360 = tpu.memref_slice %arg10[%dma_start3A_355, %dma_start3A_359] : memref<4x128xi32, #tpu.memory_space<vmem>> -> memref<1x128xi32, #tpu.memory_space<vmem>>
      %dma_start3A_361 = tpu.memref_squeeze %dma_start3A_360 : memref<1x128xi32, #tpu.memory_space<vmem>> -> memref<128xi32, #tpu.memory_space<vmem>>
      %dma_start3A_362 = arith.constant 0 : i32
      %dma_start3A_363 = arith.constant 0 : i32
      %dma_start3A_364 = tpu.memref_slice %arg2[%dma_start3A_362, %dma_start3A_363] : memref<10112x64xf32, #tpu.memory_space<hbm>> -> memref<10112x64xf32, #tpu.memory_space<hbm>>
      tpu.enqueue_indirect_dma source(%dma_start3A_364 : memref<10112x64xf32, #tpu.memory_space<hbm>>) target(%dma_start3A_358 : memref<128x64xf32, #tpu.memory_space<vmem>>) offsets(%dma_start3A_361 : memref<128xi32, #tpu.memory_space<vmem>>) semaphore(%arg15 : memref<!tpu.dma_semaphore, #tpu.memory_space<semaphore_mem>>)
      %dma_start3A_365 = arith.constant 2 : i32
      %dma_start3A_366 = arith.constant 256 : i32
      %dma_start3A_367 = arith.constant 0 : i32
      %dma_start3A_368 = tpu.memref_slice %arg13[%dma_start3A_366, %dma_start3A_367] : memref<512x64xf32, #tpu.memory_space<vmem>> -> memref<128x64xf32, #tpu.memory_space<vmem>>
      %dma_start3A_369 = arith.constant 0 : i32
      %dma_start3A_370 = tpu.memref_slice %arg10[%dma_start3A_365, %dma_start3A_369] : memref<4x128xi32, #tpu.memory_space<vmem>> -> memref<1x128xi32, #tpu.memory_space<vmem>>
      %dma_start3A_371 = tpu.memref_squeeze %dma_start3A_370 : memref<1x128xi32, #tpu.memory_space<vmem>> -> memref<128xi32, #tpu.memory_space<vmem>>
      %dma_start3A_372 = arith.constant 0 : i32
      %dma_start3A_373 = arith.constant 0 : i32
      %dma_start3A_374 = tpu.memref_slice %arg2[%dma_start3A_372, %dma_start3A_373] : memref<10112x64xf32, #tpu.memory_space<hbm>> -> memref<10112x64xf32, #tpu.memory_space<hbm>>
      tpu.enqueue_indirect_dma source(%dma_start3A_374 : memref<10112x64xf32, #tpu.memory_space<hbm>>) target(%dma_start3A_368 : memref<128x64xf32, #tpu.memory_space<vmem>>) offsets(%dma_start3A_371 : memref<128xi32, #tpu.memory_space<vmem>>) semaphore(%arg15 : memref<!tpu.dma_semaphore, #tpu.memory_space<semaphore_mem>>)
      %dma_start3A_375 = arith.constant 3 : i32
      %dma_start3A_376 = arith.constant 384 : i32
      %dma_start3A_377 = arith.constant 0 : i32
      %dma_start3A_378 = tpu.memref_slice %arg13[%dma_start3A_376, %dma_start3A_377] : memref<512x64xf32, #tpu.memory_space<vmem>> -> memref<128x64xf32, #tpu.memory_space<vmem>>
      %dma_start3A_379 = arith.constant 0 : i32
      %dma_start3A_380 = tpu.memref_slice %arg10[%dma_start3A_375, %dma_start3A_379] : memref<4x128xi32, #tpu.memory_space<vmem>> -> memref<1x128xi32, #tpu.memory_space<vmem>>
      %dma_start3A_381 = tpu.memref_squeeze %dma_start3A_380 : memref<1x128xi32, #tpu.memory_space<vmem>> -> memref<128xi32, #tpu.memory_space<vmem>>
      %dma_start3A_382 = arith.constant 0 : i32
      %dma_start3A_383 = arith.constant 0 : i32
      %dma_start3A_384 = tpu.memref_slice %arg2[%dma_start3A_382, %dma_start3A_383] : memref<10112x64xf32, #tpu.memory_space<hbm>> -> memref<10112x64xf32, #tpu.memory_space<hbm>>
      tpu.enqueue_indirect_dma source(%dma_start3A_384 : memref<10112x64xf32, #tpu.memory_space<hbm>>) target(%dma_start3A_378 : memref<128x64xf32, #tpu.memory_space<vmem>>) offsets(%dma_start3A_381 : memref<128xi32, #tpu.memory_space<vmem>>) semaphore(%arg15 : memref<!tpu.dma_semaphore, #tpu.memory_space<semaphore_mem>>)
      %dma_wait3A_385 = arith.constant 0 : i32
      %dma_wait3A_386 = arith.constant 0 : i32
      %dma_wait3A_387 = arith.constant 0 : i32
      %dma_wait3A_388 = tpu.memref_slice %arg13[%dma_wait3A_386, %dma_wait3A_387] : memref<512x64xf32, #tpu.memory_space<vmem>> -> memref<128x64xf32, #tpu.memory_space<vmem>>
      %dma_wait3A_389 = arith.constant 0 : i32
      %dma_wait3A_390 = tpu.memref_slice %arg10[%dma_wait3A_385, %dma_wait3A_389] : memref<4x128xi32, #tpu.memory_space<vmem>> -> memref<1x128xi32, #tpu.memory_space<vmem>>
      %dma_wait3A_391 = tpu.memref_squeeze %dma_wait3A_390 : memref<1x128xi32, #tpu.memory_space<vmem>> -> memref<128xi32, #tpu.memory_space<vmem>>
      %dma_wait3A_392 = arith.constant 0 : i32
      %dma_wait3A_393 = arith.constant 0 : i32
      %dma_wait3A_394 = tpu.memref_slice %arg2[%dma_wait3A_392, %dma_wait3A_393] : memref<10112x64xf32, #tpu.memory_space<hbm>> -> memref<10112x64xf32, #tpu.memory_space<hbm>>
      tpu.wait_indirect_dma semaphore(%arg15 : memref<!tpu.dma_semaphore, #tpu.memory_space<semaphore_mem>>) src(%dma_wait3A_394 : memref<10112x64xf32, #tpu.memory_space<hbm>>) dst(%dma_wait3A_388 : memref<128x64xf32, #tpu.memory_space<vmem>>)
      %dma_wait3A_395 = arith.constant 1 : i32
      %dma_wait3A_396 = arith.constant 128 : i32
      %dma_wait3A_397 = arith.constant 0 : i32
      %dma_wait3A_398 = tpu.memref_slice %arg13[%dma_wait3A_396, %dma_wait3A_397] : memref<512x64xf32, #tpu.memory_space<vmem>> -> memref<128x64xf32, #tpu.memory_space<vmem>>
      %dma_wait3A_399 = arith.constant 0 : i32
      %dma_wait3A_400 = tpu.memref_slice %arg10[%dma_wait3A_395, %dma_wait3A_399] : memref<4x128xi32, #tpu.memory_space<vmem>> -> memref<1x128xi32, #tpu.memory_space<vmem>>
      %dma_wait3A_401 = tpu.memref_squeeze %dma_wait3A_400 : memref<1x128xi32, #tpu.memory_space<vmem>> -> memref<128xi32, #tpu.memory_space<vmem>>
      %dma_wait3A_402 = arith.constant 0 : i32
      %dma_wait3A_403 = arith.constant 0 : i32
      %dma_wait3A_404 = tpu.memref_slice %arg2[%dma_wait3A_402, %dma_wait3A_403] : memref<10112x64xf32, #tpu.memory_space<hbm>> -> memref<10112x64xf32, #tpu.memory_space<hbm>>
      tpu.wait_indirect_dma semaphore(%arg15 : memref<!tpu.dma_semaphore, #tpu.memory_space<semaphore_mem>>) src(%dma_wait3A_404 : memref<10112x64xf32, #tpu.memory_space<hbm>>) dst(%dma_wait3A_398 : memref<128x64xf32, #tpu.memory_space<vmem>>)
      %dma_wait3A_405 = arith.constant 2 : i32
      %dma_wait3A_406 = arith.constant 256 : i32
      %dma_wait3A_407 = arith.constant 0 : i32
      %dma_wait3A_408 = tpu.memref_slice %arg13[%dma_wait3A_406, %dma_wait3A_407] : memref<512x64xf32, #tpu.memory_space<vmem>> -> memref<128x64xf32, #tpu.memory_space<vmem>>
      %dma_wait3A_409 = arith.constant 0 : i32
      %dma_wait3A_410 = tpu.memref_slice %arg10[%dma_wait3A_405, %dma_wait3A_409] : memref<4x128xi32, #tpu.memory_space<vmem>> -> memref<1x128xi32, #tpu.memory_space<vmem>>
      %dma_wait3A_411 = tpu.memref_squeeze %dma_wait3A_410 : memref<1x128xi32, #tpu.memory_space<vmem>> -> memref<128xi32, #tpu.memory_space<vmem>>
      %dma_wait3A_412 = arith.constant 0 : i32
      %dma_wait3A_413 = arith.constant 0 : i32
      %dma_wait3A_414 = tpu.memref_slice %arg2[%dma_wait3A_412, %dma_wait3A_413] : memref<10112x64xf32, #tpu.memory_space<hbm>> -> memref<10112x64xf32, #tpu.memory_space<hbm>>
      tpu.wait_indirect_dma semaphore(%arg15 : memref<!tpu.dma_semaphore, #tpu.memory_space<semaphore_mem>>) src(%dma_wait3A_414 : memref<10112x64xf32, #tpu.memory_space<hbm>>) dst(%dma_wait3A_408 : memref<128x64xf32, #tpu.memory_space<vmem>>)
      %dma_wait3A_415 = arith.constant 3 : i32
      %dma_wait3A_416 = arith.constant 384 : i32
      %dma_wait3A_417 = arith.constant 0 : i32
      %dma_wait3A_418 = tpu.memref_slice %arg13[%dma_wait3A_416, %dma_wait3A_417] : memref<512x64xf32, #tpu.memory_space<vmem>> -> memref<128x64xf32, #tpu.memory_space<vmem>>
      %dma_wait3A_419 = arith.constant 0 : i32
      %dma_wait3A_420 = tpu.memref_slice %arg10[%dma_wait3A_415, %dma_wait3A_419] : memref<4x128xi32, #tpu.memory_space<vmem>> -> memref<1x128xi32, #tpu.memory_space<vmem>>
      %dma_wait3A_421 = tpu.memref_squeeze %dma_wait3A_420 : memref<1x128xi32, #tpu.memory_space<vmem>> -> memref<128xi32, #tpu.memory_space<vmem>>
      %dma_wait3A_422 = arith.constant 0 : i32
      %dma_wait3A_423 = arith.constant 0 : i32
      %dma_wait3A_424 = tpu.memref_slice %arg2[%dma_wait3A_422, %dma_wait3A_423] : memref<10112x64xf32, #tpu.memory_space<hbm>> -> memref<10112x64xf32, #tpu.memory_space<hbm>>
      tpu.wait_indirect_dma semaphore(%arg15 : memref<!tpu.dma_semaphore, #tpu.memory_space<semaphore_mem>>) src(%dma_wait3A_424 : memref<10112x64xf32, #tpu.memory_space<hbm>>) dst(%dma_wait3A_418 : memref<128x64xf32, #tpu.memory_space<vmem>>)
      %dma_start3A_425 = arith.constant 0 : i32
      %dma_start3A_426 = arith.constant 0 : i32
      %dma_start3A_427 = arith.constant 0 : i32
      %dma_start3A_428 = tpu.memref_slice %arg13[%dma_start3A_426, %dma_start3A_427] : memref<512x64xf32, #tpu.memory_space<vmem>> -> memref<128x64xf32, #tpu.memory_space<vmem>>
      %dma_start3A_429 = arith.constant 0 : i32
      %dma_start3A_430 = tpu.memref_slice %arg11[%dma_start3A_425, %dma_start3A_429] : memref<4x128xi32, #tpu.memory_space<vmem>> -> memref<1x128xi32, #tpu.memory_space<vmem>>
      %dma_start3A_431 = tpu.memref_squeeze %dma_start3A_430 : memref<1x128xi32, #tpu.memory_space<vmem>> -> memref<128xi32, #tpu.memory_space<vmem>>
      %dma_start3A_432 = arith.constant 0 : i32
      %dma_start3A_433 = arith.constant 0 : i32
      %dma_start3A_434 = tpu.memref_slice %arg18[%dma_start3A_432, %dma_start3A_433] : memref<10112x64xf32, #tpu.memory_space<vmem_shared>> -> memref<10112x64xf32, #tpu.memory_space<vmem_shared>>
      tpu.enqueue_indirect_dma source(%dma_start3A_428 : memref<128x64xf32, #tpu.memory_space<vmem>>) target(%dma_start3A_434 : memref<10112x64xf32, #tpu.memory_space<vmem_shared>>) offsets(%dma_start3A_431 : memref<128xi32, #tpu.memory_space<vmem>>) semaphore(%arg17 : memref<!tpu.dma_semaphore, #tpu.memory_space<semaphore_mem>>) {add = true}
      %dma_start3A_435 = arith.constant 1 : i32
      %dma_start3A_436 = arith.constant 128 : i32
      %dma_start3A_437 = arith.constant 0 : i32
      %dma_start3A_438 = tpu.memref_slice %arg13[%dma_start3A_436, %dma_start3A_437] : memref<512x64xf32, #tpu.memory_space<vmem>> -> memref<128x64xf32, #tpu.memory_space<vmem>>
      %dma_start3A_439 = arith.constant 0 : i32
      %dma_start3A_440 = tpu.memref_slice %arg11[%dma_start3A_435, %dma_start3A_439] : memref<4x128xi32, #tpu.memory_space<vmem>> -> memref<1x128xi32, #tpu.memory_space<vmem>>
      %dma_start3A_441 = tpu.memref_squeeze %dma_start3A_440 : memref<1x128xi32, #tpu.memory_space<vmem>> -> memref<128xi32, #tpu.memory_space<vmem>>
      %dma_start3A_442 = arith.constant 0 : i32
      %dma_start3A_443 = arith.constant 0 : i32
      %dma_start3A_444 = tpu.memref_slice %arg18[%dma_start3A_442, %dma_start3A_443] : memref<10112x64xf32, #tpu.memory_space<vmem_shared>> -> memref<10112x64xf32, #tpu.memory_space<vmem_shared>>
      tpu.enqueue_indirect_dma source(%dma_start3A_438 : memref<128x64xf32, #tpu.memory_space<vmem>>) target(%dma_start3A_444 : memref<10112x64xf32, #tpu.memory_space<vmem_shared>>) offsets(%dma_start3A_441 : memref<128xi32, #tpu.memory_space<vmem>>) semaphore(%arg17 : memref<!tpu.dma_semaphore, #tpu.memory_space<semaphore_mem>>) {add = true}
      %dma_start3A_445 = arith.constant 2 : i32
      %dma_start3A_446 = arith.constant 256 : i32
      %dma_start3A_447 = arith.constant 0 : i32
      %dma_start3A_448 = tpu.memref_slice %arg13[%dma_start3A_446, %dma_start3A_447] : memref<512x64xf32, #tpu.memory_space<vmem>> -> memref<128x64xf32, #tpu.memory_space<vmem>>
      %dma_start3A_449 = arith.constant 0 : i32
      %dma_start3A_450 = tpu.memref_slice %arg11[%dma_start3A_445, %dma_start3A_449] : memref<4x128xi32, #tpu.memory_space<vmem>> -> memref<1x128xi32, #tpu.memory_space<vmem>>
      %dma_start3A_451 = tpu.memref_squeeze %dma_start3A_450 : memref<1x128xi32, #tpu.memory_space<vmem>> -> memref<128xi32, #tpu.memory_space<vmem>>
      %dma_start3A_452 = arith.constant 0 : i32
      %dma_start3A_453 = arith.constant 0 : i32
      %dma_start3A_454 = tpu.memref_slice %arg18[%dma_start3A_452, %dma_start3A_453] : memref<10112x64xf32, #tpu.memory_space<vmem_shared>> -> memref<10112x64xf32, #tpu.memory_space<vmem_shared>>
      tpu.enqueue_indirect_dma source(%dma_start3A_448 : memref<128x64xf32, #tpu.memory_space<vmem>>) target(%dma_start3A_454 : memref<10112x64xf32, #tpu.memory_space<vmem_shared>>) offsets(%dma_start3A_451 : memref<128xi32, #tpu.memory_space<vmem>>) semaphore(%arg17 : memref<!tpu.dma_semaphore, #tpu.memory_space<semaphore_mem>>) {add = true}
      %dma_start3A_455 = arith.constant 3 : i32
      %dma_start3A_456 = arith.constant 384 : i32
      %dma_start3A_457 = arith.constant 0 : i32
      %dma_start3A_458 = tpu.memref_slice %arg13[%dma_start3A_456, %dma_start3A_457] : memref<512x64xf32, #tpu.memory_space<vmem>> -> memref<128x64xf32, #tpu.memory_space<vmem>>
      %dma_start3A_459 = arith.constant 0 : i32
      %dma_start3A_460 = tpu.memref_slice %arg11[%dma_start3A_455, %dma_start3A_459] : memref<4x128xi32, #tpu.memory_space<vmem>> -> memref<1x128xi32, #tpu.memory_space<vmem>>
      %dma_start3A_461 = tpu.memref_squeeze %dma_start3A_460 : memref<1x128xi32, #tpu.memory_space<vmem>> -> memref<128xi32, #tpu.memory_space<vmem>>
      %dma_start3A_462 = arith.constant 0 : i32
      %dma_start3A_463 = arith.constant 0 : i32
      %dma_start3A_464 = tpu.memref_slice %arg18[%dma_start3A_462, %dma_start3A_463] : memref<10112x64xf32, #tpu.memory_space<vmem_shared>> -> memref<10112x64xf32, #tpu.memory_space<vmem_shared>>
      tpu.enqueue_indirect_dma source(%dma_start3A_458 : memref<128x64xf32, #tpu.memory_space<vmem>>) target(%dma_start3A_464 : memref<10112x64xf32, #tpu.memory_space<vmem_shared>>) offsets(%dma_start3A_461 : memref<128xi32, #tpu.memory_space<vmem>>) semaphore(%arg17 : memref<!tpu.dma_semaphore, #tpu.memory_space<semaphore_mem>>) {add = true}
      %dma_wait3A_465 = arith.constant 0 : i32
      %dma_wait3A_466 = arith.constant 0 : i32
      %dma_wait3A_467 = arith.constant 0 : i32
      %dma_wait3A_468 = tpu.memref_slice %arg12[%dma_wait3A_466, %dma_wait3A_467] : memref<512x64xf32, #tpu.memory_space<vmem>> -> memref<128x64xf32, #tpu.memory_space<vmem>>
      %dma_wait3A_469 = arith.constant 0 : i32
      %dma_wait3A_470 = tpu.memref_slice %arg9[%dma_wait3A_465, %dma_wait3A_469] : memref<4x128xi32, #tpu.memory_space<vmem>> -> memref<1x128xi32, #tpu.memory_space<vmem>>
      %dma_wait3A_471 = tpu.memref_squeeze %dma_wait3A_470 : memref<1x128xi32, #tpu.memory_space<vmem>> -> memref<128xi32, #tpu.memory_space<vmem>>
      %dma_wait3A_472 = arith.constant 0 : i32
      %dma_wait3A_473 = arith.constant 0 : i32
      %dma_wait3A_474 = tpu.memref_slice %arg18[%dma_wait3A_472, %dma_wait3A_473] : memref<10112x64xf32, #tpu.memory_space<vmem_shared>> -> memref<10112x64xf32, #tpu.memory_space<vmem_shared>>
      tpu.wait_indirect_dma semaphore(%arg16 : memref<!tpu.dma_semaphore, #tpu.memory_space<semaphore_mem>>) src(%dma_wait3A_468 : memref<128x64xf32, #tpu.memory_space<vmem>>) dst(%dma_wait3A_474 : memref<10112x64xf32, #tpu.memory_space<vmem_shared>>)
      %dma_wait3A_475 = arith.constant 1 : i32
      %dma_wait3A_476 = arith.constant 128 : i32
      %dma_wait3A_477 = arith.constant 0 : i32
      %dma_wait3A_478 = tpu.memref_slice %arg12[%dma_wait3A_476, %dma_wait3A_477] : memref<512x64xf32, #tpu.memory_space<vmem>> -> memref<128x64xf32, #tpu.memory_space<vmem>>
      %dma_wait3A_479 = arith.constant 0 : i32
      %dma_wait3A_480 = tpu.memref_slice %arg9[%dma_wait3A_475, %dma_wait3A_479] : memref<4x128xi32, #tpu.memory_space<vmem>> -> memref<1x128xi32, #tpu.memory_space<vmem>>
      %dma_wait3A_481 = tpu.memref_squeeze %dma_wait3A_480 : memref<1x128xi32, #tpu.memory_space<vmem>> -> memref<128xi32, #tpu.memory_space<vmem>>
      %dma_wait3A_482 = arith.constant 0 : i32
      %dma_wait3A_483 = arith.constant 0 : i32
      %dma_wait3A_484 = tpu.memref_slice %arg18[%dma_wait3A_482, %dma_wait3A_483] : memref<10112x64xf32, #tpu.memory_space<vmem_shared>> -> memref<10112x64xf32, #tpu.memory_space<vmem_shared>>
      tpu.wait_indirect_dma semaphore(%arg16 : memref<!tpu.dma_semaphore, #tpu.memory_space<semaphore_mem>>) src(%dma_wait3A_478 : memref<128x64xf32, #tpu.memory_space<vmem>>) dst(%dma_wait3A_484 : memref<10112x64xf32, #tpu.memory_space<vmem_shared>>)
      %dma_wait3A_485 = arith.constant 2 : i32
      %dma_wait3A_486 = arith.constant 256 : i32
      %dma_wait3A_487 = arith.constant 0 : i32
      %dma_wait3A_488 = tpu.memref_slice %arg12[%dma_wait3A_486, %dma_wait3A_487] : memref<512x64xf32, #tpu.memory_space<vmem>> -> memref<128x64xf32, #tpu.memory_space<vmem>>
      %dma_wait3A_489 = arith.constant 0 : i32
      %dma_wait3A_490 = tpu.memref_slice %arg9[%dma_wait3A_485, %dma_wait3A_489] : memref<4x128xi32, #tpu.memory_space<vmem>> -> memref<1x128xi32, #tpu.memory_space<vmem>>
      %dma_wait3A_491 = tpu.memref_squeeze %dma_wait3A_490 : memref<1x128xi32, #tpu.memory_space<vmem>> -> memref<128xi32, #tpu.memory_space<vmem>>
      %dma_wait3A_492 = arith.constant 0 : i32
      %dma_wait3A_493 = arith.constant 0 : i32
      %dma_wait3A_494 = tpu.memref_slice %arg18[%dma_wait3A_492, %dma_wait3A_493] : memref<10112x64xf32, #tpu.memory_space<vmem_shared>> -> memref<10112x64xf32, #tpu.memory_space<vmem_shared>>
      tpu.wait_indirect_dma semaphore(%arg16 : memref<!tpu.dma_semaphore, #tpu.memory_space<semaphore_mem>>) src(%dma_wait3A_488 : memref<128x64xf32, #tpu.memory_space<vmem>>) dst(%dma_wait3A_494 : memref<10112x64xf32, #tpu.memory_space<vmem_shared>>)
      %dma_wait3A_495 = arith.constant 3 : i32
      %dma_wait3A_496 = arith.constant 384 : i32
      %dma_wait3A_497 = arith.constant 0 : i32
      %dma_wait3A_498 = tpu.memref_slice %arg12[%dma_wait3A_496, %dma_wait3A_497] : memref<512x64xf32, #tpu.memory_space<vmem>> -> memref<128x64xf32, #tpu.memory_space<vmem>>
      %dma_wait3A_499 = arith.constant 0 : i32
      %dma_wait3A_500 = tpu.memref_slice %arg9[%dma_wait3A_495, %dma_wait3A_499] : memref<4x128xi32, #tpu.memory_space<vmem>> -> memref<1x128xi32, #tpu.memory_space<vmem>>
      %dma_wait3A_501 = tpu.memref_squeeze %dma_wait3A_500 : memref<1x128xi32, #tpu.memory_space<vmem>> -> memref<128xi32, #tpu.memory_space<vmem>>
      %dma_wait3A_502 = arith.constant 0 : i32
      %dma_wait3A_503 = arith.constant 0 : i32
      %dma_wait3A_504 = tpu.memref_slice %arg18[%dma_wait3A_502, %dma_wait3A_503] : memref<10112x64xf32, #tpu.memory_space<vmem_shared>> -> memref<10112x64xf32, #tpu.memory_space<vmem_shared>>
      tpu.wait_indirect_dma semaphore(%arg16 : memref<!tpu.dma_semaphore, #tpu.memory_space<semaphore_mem>>) src(%dma_wait3A_498 : memref<128x64xf32, #tpu.memory_space<vmem>>) dst(%dma_wait3A_504 : memref<10112x64xf32, #tpu.memory_space<vmem_shared>>)
      %lt3A = arith.constant 9 : i32
      %lt3A_505 = arith.cmpi slt, %scan3A_252, %lt3A : i32
      %convert_element_type3A_506 = arith.extui %lt3A_505 : i1 to i32
      %cond3A_507 = arith.constant 0 : i32
      %cond3A_508 = arith.cmpi ne, %convert_element_type3A_506, %cond3A_507 : i32
      scf.if %cond3A_508 {
        %add3A_509 = arith.constant 2 : i32
        %add3A_510 = arith.addi %mul3A_254, %add3A_509 : i32
        %mul3A_511 = arith.constant 4 : i32
        %mul3A_512 = arith.muli %add3A_510, %mul3A_511 : i32
        %add3A_513 = arith.addi %select_n3A, %mul3A_512 : i32
        %multiple_of3A_514 = tpu.assume_multiple %add3A_513, 8 : i32
        "tpu.region"() ({
          %run_scoped3A = tpu.sem_alloc : memref<!tpu.dma_semaphore, #tpu.memory_space<semaphore_mem>>
          %dma_start3A_555 = arith.constant 0 : i32
          %dma_start3A_556 = tpu.memref_slice %arg4[%multiple_of3A_514, %dma_start3A_555] : memref<2560x128xi32, #tpu.memory_space<hbm>> -> memref<4x128xi32, #tpu.memory_space<hbm>>
          %dma_start3A_557 = arith.constant 0 : i32
          %dma_start3A_558 = tpu.memref_slice %arg4[%multiple_of3A_514, %dma_start3A_557] : memref<2560x128xi32, #tpu.memory_space<hbm>> -> memref<4x128xi32, #tpu.memory_space<hbm>>
          tpu.enqueue_dma source(%dma_start3A_558 : memref<4x128xi32, #tpu.memory_space<hbm>>) target(%arg8 : memref<4x128xi32, #tpu.memory_space<vmem>>) target_semaphore(%run_scoped3A : memref<!tpu.dma_semaphore, #tpu.memory_space<semaphore_mem>>)
          %dma_wait3A_559 = arith.constant 0 : i32
          %dma_wait3A_560 = tpu.memref_slice %arg4[%multiple_of3A_514, %dma_wait3A_559] : memref<2560x128xi32, #tpu.memory_space<hbm>> -> memref<4x128xi32, #tpu.memory_space<hbm>>
          %dma_wait3A_561 = arith.constant 0 : i32
          %dma_wait3A_562 = tpu.memref_slice %arg4[%multiple_of3A_514, %dma_wait3A_561] : memref<2560x128xi32, #tpu.memory_space<hbm>> -> memref<4x128xi32, #tpu.memory_space<hbm>>
          tpu.wait_dma2 semaphore(%run_scoped3A : memref<!tpu.dma_semaphore, #tpu.memory_space<semaphore_mem>>) src(%dma_wait3A_562 : memref<4x128xi32, #tpu.memory_space<hbm>>) dst(%arg8 : memref<4x128xi32, #tpu.memory_space<vmem>>)
          tpu.yield
        }) : () -> ()
        "tpu.region"() ({
          %run_scoped3A = tpu.sem_alloc : memref<!tpu.dma_semaphore, #tpu.memory_space<semaphore_mem>>
          %dma_start3A_555 = arith.constant 0 : i32
          %dma_start3A_556 = tpu.memref_slice %arg5[%multiple_of3A_514, %dma_start3A_555] : memref<2560x128xi32, #tpu.memory_space<hbm>> -> memref<4x128xi32, #tpu.memory_space<hbm>>
          %dma_start3A_557 = arith.constant 0 : i32
          %dma_start3A_558 = tpu.memref_slice %arg5[%multiple_of3A_514, %dma_start3A_557] : memref<2560x128xi32, #tpu.memory_space<hbm>> -> memref<4x128xi32, #tpu.memory_space<hbm>>
          tpu.enqueue_dma source(%dma_start3A_558 : memref<4x128xi32, #tpu.memory_space<hbm>>) target(%arg9 : memref<4x128xi32, #tpu.memory_space<vmem>>) target_semaphore(%run_scoped3A : memref<!tpu.dma_semaphore, #tpu.memory_space<semaphore_mem>>)
          %dma_wait3A_559 = arith.constant 0 : i32
          %dma_wait3A_560 = tpu.memref_slice %arg5[%multiple_of3A_514, %dma_wait3A_559] : memref<2560x128xi32, #tpu.memory_space<hbm>> -> memref<4x128xi32, #tpu.memory_space<hbm>>
          %dma_wait3A_561 = arith.constant 0 : i32
          %dma_wait3A_562 = tpu.memref_slice %arg5[%multiple_of3A_514, %dma_wait3A_561] : memref<2560x128xi32, #tpu.memory_space<hbm>> -> memref<4x128xi32, #tpu.memory_space<hbm>>
          tpu.wait_dma2 semaphore(%run_scoped3A : memref<!tpu.dma_semaphore, #tpu.memory_space<semaphore_mem>>) src(%dma_wait3A_562 : memref<4x128xi32, #tpu.memory_space<hbm>>) dst(%arg9 : memref<4x128xi32, #tpu.memory_space<vmem>>)
          tpu.yield
        }) : () -> ()
        %dma_start3A_515 = arith.constant 0 : i32
        %dma_start3A_516 = arith.constant 0 : i32
        %dma_start3A_517 = arith.constant 0 : i32
        %dma_start3A_518 = tpu.memref_slice %arg12[%dma_start3A_516, %dma_start3A_517] : memref<512x64xf32, #tpu.memory_space<vmem>> -> memref<128x64xf32, #tpu.memory_space<vmem>>
        %dma_start3A_519 = arith.constant 0 : i32
        %dma_start3A_520 = tpu.memref_slice %arg8[%dma_start3A_515, %dma_start3A_519] : memref<4x128xi32, #tpu.memory_space<vmem>> -> memref<1x128xi32, #tpu.memory_space<vmem>>
        %dma_start3A_521 = tpu.memref_squeeze %dma_start3A_520 : memref<1x128xi32, #tpu.memory_space<vmem>> -> memref<128xi32, #tpu.memory_space<vmem>>
        %dma_start3A_522 = arith.constant 0 : i32
        %dma_start3A_523 = arith.constant 0 : i32
        %dma_start3A_524 = tpu.memref_slice %arg2[%dma_start3A_522, %dma_start3A_523] : memref<10112x64xf32, #tpu.memory_space<hbm>> -> memref<10112x64xf32, #tpu.memory_space<hbm>>
        tpu.enqueue_indirect_dma source(%dma_start3A_524 : memref<10112x64xf32, #tpu.memory_space<hbm>>) target(%dma_start3A_518 : memref<128x64xf32, #tpu.memory_space<vmem>>) offsets(%dma_start3A_521 : memref<128xi32, #tpu.memory_space<vmem>>) semaphore(%arg14 : memref<!tpu.dma_semaphore, #tpu.memory_space<semaphore_mem>>)
        %dma_start3A_525 = arith.constant 1 : i32
        %dma_start3A_526 = arith.constant 128 : i32
        %dma_start3A_527 = arith.constant 0 : i32
        %dma_start3A_528 = tpu.memref_slice %arg12[%dma_start3A_526, %dma_start3A_527] : memref<512x64xf32, #tpu.memory_space<vmem>> -> memref<128x64xf32, #tpu.memory_space<vmem>>
        %dma_start3A_529 = arith.constant 0 : i32
        %dma_start3A_530 = tpu.memref_slice %arg8[%dma_start3A_525, %dma_start3A_529] : memref<4x128xi32, #tpu.memory_space<vmem>> -> memref<1x128xi32, #tpu.memory_space<vmem>>
        %dma_start3A_531 = tpu.memref_squeeze %dma_start3A_530 : memref<1x128xi32, #tpu.memory_space<vmem>> -> memref<128xi32, #tpu.memory_space<vmem>>
        %dma_start3A_532 = arith.constant 0 : i32
        %dma_start3A_533 = arith.constant 0 : i32
        %dma_start3A_534 = tpu.memref_slice %arg2[%dma_start3A_532, %dma_start3A_533] : memref<10112x64xf32, #tpu.memory_space<hbm>> -> memref<10112x64xf32, #tpu.memory_space<hbm>>
        tpu.enqueue_indirect_dma source(%dma_start3A_534 : memref<10112x64xf32, #tpu.memory_space<hbm>>) target(%dma_start3A_528 : memref<128x64xf32, #tpu.memory_space<vmem>>) offsets(%dma_start3A_531 : memref<128xi32, #tpu.memory_space<vmem>>) semaphore(%arg14 : memref<!tpu.dma_semaphore, #tpu.memory_space<semaphore_mem>>)
        %dma_start3A_535 = arith.constant 2 : i32
        %dma_start3A_536 = arith.constant 256 : i32
        %dma_start3A_537 = arith.constant 0 : i32
        %dma_start3A_538 = tpu.memref_slice %arg12[%dma_start3A_536, %dma_start3A_537] : memref<512x64xf32, #tpu.memory_space<vmem>> -> memref<128x64xf32, #tpu.memory_space<vmem>>
        %dma_start3A_539 = arith.constant 0 : i32
        %dma_start3A_540 = tpu.memref_slice %arg8[%dma_start3A_535, %dma_start3A_539] : memref<4x128xi32, #tpu.memory_space<vmem>> -> memref<1x128xi32, #tpu.memory_space<vmem>>
        %dma_start3A_541 = tpu.memref_squeeze %dma_start3A_540 : memref<1x128xi32, #tpu.memory_space<vmem>> -> memref<128xi32, #tpu.memory_space<vmem>>
        %dma_start3A_542 = arith.constant 0 : i32
        %dma_start3A_543 = arith.constant 0 : i32
        %dma_start3A_544 = tpu.memref_slice %arg2[%dma_start3A_542, %dma_start3A_543] : memref<10112x64xf32, #tpu.memory_space<hbm>> -> memref<10112x64xf32, #tpu.memory_space<hbm>>
        tpu.enqueue_indirect_dma source(%dma_start3A_544 : memref<10112x64xf32, #tpu.memory_space<hbm>>) target(%dma_start3A_538 : memref<128x64xf32, #tpu.memory_space<vmem>>) offsets(%dma_start3A_541 : memref<128xi32, #tpu.memory_space<vmem>>) semaphore(%arg14 : memref<!tpu.dma_semaphore, #tpu.memory_space<semaphore_mem>>)
        %dma_start3A_545 = arith.constant 3 : i32
        %dma_start3A_546 = arith.constant 384 : i32
        %dma_start3A_547 = arith.constant 0 : i32
        %dma_start3A_548 = tpu.memref_slice %arg12[%dma_start3A_546, %dma_start3A_547] : memref<512x64xf32, #tpu.memory_space<vmem>> -> memref<128x64xf32, #tpu.memory_space<vmem>>
        %dma_start3A_549 = arith.constant 0 : i32
        %dma_start3A_550 = tpu.memref_slice %arg8[%dma_start3A_545, %dma_start3A_549] : memref<4x128xi32, #tpu.memory_space<vmem>> -> memref<1x128xi32, #tpu.memory_space<vmem>>
        %dma_start3A_551 = tpu.memref_squeeze %dma_start3A_550 : memref<1x128xi32, #tpu.memory_space<vmem>> -> memref<128xi32, #tpu.memory_space<vmem>>
        %dma_start3A_552 = arith.constant 0 : i32
        %dma_start3A_553 = arith.constant 0 : i32
        %dma_start3A_554 = tpu.memref_slice %arg2[%dma_start3A_552, %dma_start3A_553] : memref<10112x64xf32, #tpu.memory_space<hbm>> -> memref<10112x64xf32, #tpu.memory_space<hbm>>
        tpu.enqueue_indirect_dma source(%dma_start3A_554 : memref<10112x64xf32, #tpu.memory_space<hbm>>) target(%dma_start3A_548 : memref<128x64xf32, #tpu.memory_space<vmem>>) offsets(%dma_start3A_551 : memref<128xi32, #tpu.memory_space<vmem>>) semaphore(%arg14 : memref<!tpu.dma_semaphore, #tpu.memory_space<semaphore_mem>>)
      } else {
      }
    }
    %scan3A_75 = arith.constant 10 : i32
    %dma_wait3A = arith.constant 0 : i32
    %dma_wait3A_76 = arith.constant 0 : i32
    %dma_wait3A_77 = arith.constant 0 : i32
    %dma_wait3A_78 = tpu.memref_slice %arg13[%dma_wait3A_76, %dma_wait3A_77] : memref<512x64xf32, #tpu.memory_space<vmem>> -> memref<128x64xf32, #tpu.memory_space<vmem>>
    %dma_wait3A_79 = arith.constant 0 : i32
    %dma_wait3A_80 = tpu.memref_slice %arg11[%dma_wait3A, %dma_wait3A_79] : memref<4x128xi32, #tpu.memory_space<vmem>> -> memref<1x128xi32, #tpu.memory_space<vmem>>
    %dma_wait3A_81 = tpu.memref_squeeze %dma_wait3A_80 : memref<1x128xi32, #tpu.memory_space<vmem>> -> memref<128xi32, #tpu.memory_space<vmem>>
    %dma_wait3A_82 = arith.constant 0 : i32
    %dma_wait3A_83 = arith.constant 0 : i32
    %dma_wait3A_84 = tpu.memref_slice %arg18[%dma_wait3A_82, %dma_wait3A_83] : memref<10112x64xf32, #tpu.memory_space<vmem_shared>> -> memref<10112x64xf32, #tpu.memory_space<vmem_shared>>
    tpu.wait_indirect_dma semaphore(%arg17 : memref<!tpu.dma_semaphore, #tpu.memory_space<semaphore_mem>>) src(%dma_wait3A_78 : memref<128x64xf32, #tpu.memory_space<vmem>>) dst(%dma_wait3A_84 : memref<10112x64xf32, #tpu.memory_space<vmem_shared>>)
    %dma_wait3A_85 = arith.constant 1 : i32
    %dma_wait3A_86 = arith.constant 128 : i32
    %dma_wait3A_87 = arith.constant 0 : i32
    %dma_wait3A_88 = tpu.memref_slice %arg13[%dma_wait3A_86, %dma_wait3A_87] : memref<512x64xf32, #tpu.memory_space<vmem>> -> memref<128x64xf32, #tpu.memory_space<vmem>>
    %dma_wait3A_89 = arith.constant 0 : i32
    %dma_wait3A_90 = tpu.memref_slice %arg11[%dma_wait3A_85, %dma_wait3A_89] : memref<4x128xi32, #tpu.memory_space<vmem>> -> memref<1x128xi32, #tpu.memory_space<vmem>>
    %dma_wait3A_91 = tpu.memref_squeeze %dma_wait3A_90 : memref<1x128xi32, #tpu.memory_space<vmem>> -> memref<128xi32, #tpu.memory_space<vmem>>
    %dma_wait3A_92 = arith.constant 0 : i32
    %dma_wait3A_93 = arith.constant 0 : i32
    %dma_wait3A_94 = tpu.memref_slice %arg18[%dma_wait3A_92, %dma_wait3A_93] : memref<10112x64xf32, #tpu.memory_space<vmem_shared>> -> memref<10112x64xf32, #tpu.memory_space<vmem_shared>>
    tpu.wait_indirect_dma semaphore(%arg17 : memref<!tpu.dma_semaphore, #tpu.memory_space<semaphore_mem>>) src(%dma_wait3A_88 : memref<128x64xf32, #tpu.memory_space<vmem>>) dst(%dma_wait3A_94 : memref<10112x64xf32, #tpu.memory_space<vmem_shared>>)
    %dma_wait3A_95 = arith.constant 2 : i32
    %dma_wait3A_96 = arith.constant 256 : i32
    %dma_wait3A_97 = arith.constant 0 : i32
    %dma_wait3A_98 = tpu.memref_slice %arg13[%dma_wait3A_96, %dma_wait3A_97] : memref<512x64xf32, #tpu.memory_space<vmem>> -> memref<128x64xf32, #tpu.memory_space<vmem>>
    %dma_wait3A_99 = arith.constant 0 : i32
    %dma_wait3A_100 = tpu.memref_slice %arg11[%dma_wait3A_95, %dma_wait3A_99] : memref<4x128xi32, #tpu.memory_space<vmem>> -> memref<1x128xi32, #tpu.memory_space<vmem>>
    %dma_wait3A_101 = tpu.memref_squeeze %dma_wait3A_100 : memref<1x128xi32, #tpu.memory_space<vmem>> -> memref<128xi32, #tpu.memory_space<vmem>>
    %dma_wait3A_102 = arith.constant 0 : i32
    %dma_wait3A_103 = arith.constant 0 : i32
    %dma_wait3A_104 = tpu.memref_slice %arg18[%dma_wait3A_102, %dma_wait3A_103] : memref<10112x64xf32, #tpu.memory_space<vmem_shared>> -> memref<10112x64xf32, #tpu.memory_space<vmem_shared>>
    tpu.wait_indirect_dma semaphore(%arg17 : memref<!tpu.dma_semaphore, #tpu.memory_space<semaphore_mem>>) src(%dma_wait3A_98 : memref<128x64xf32, #tpu.memory_space<vmem>>) dst(%dma_wait3A_104 : memref<10112x64xf32, #tpu.memory_space<vmem_shared>>)
    %dma_wait3A_105 = arith.constant 3 : i32
    %dma_wait3A_106 = arith.constant 384 : i32
    %dma_wait3A_107 = arith.constant 0 : i32
    %dma_wait3A_108 = tpu.memref_slice %arg13[%dma_wait3A_106, %dma_wait3A_107] : memref<512x64xf32, #tpu.memory_space<vmem>> -> memref<128x64xf32, #tpu.memory_space<vmem>>
    %dma_wait3A_109 = arith.constant 0 : i32
    %dma_wait3A_110 = tpu.memref_slice %arg11[%dma_wait3A_105, %dma_wait3A_109] : memref<4x128xi32, #tpu.memory_space<vmem>> -> memref<1x128xi32, #tpu.memory_space<vmem>>
    %dma_wait3A_111 = tpu.memref_squeeze %dma_wait3A_110 : memref<1x128xi32, #tpu.memory_space<vmem>> -> memref<128xi32, #tpu.memory_space<vmem>>
    %dma_wait3A_112 = arith.constant 0 : i32
    %dma_wait3A_113 = arith.constant 0 : i32
    %dma_wait3A_114 = tpu.memref_slice %arg18[%dma_wait3A_112, %dma_wait3A_113] : memref<10112x64xf32, #tpu.memory_space<vmem_shared>> -> memref<10112x64xf32, #tpu.memory_space<vmem_shared>>
    tpu.wait_indirect_dma semaphore(%arg17 : memref<!tpu.dma_semaphore, #tpu.memory_space<semaphore_mem>>) src(%dma_wait3A_108 : memref<128x64xf32, #tpu.memory_space<vmem>>) dst(%dma_wait3A_114 : memref<10112x64xf32, #tpu.memory_space<vmem_shared>>)
    %barrier3A_115 = arith.constant 0 : index
    tpu.barrier barrier_id(%barrier3A_115)
    "tpu.region"() ({
      %run_scoped3A = tpu.sem_alloc : memref<!tpu.dma_semaphore, #tpu.memory_space<semaphore_mem>>
      %dma_start3A_252 = arith.constant 0 : i32
      %dma_start3A_253 = tpu.memref_slice %arg18[%multiple_of3A, %dma_start3A_252] : memref<10112x64xf32, #tpu.memory_space<vmem_shared>> -> memref<512x64xf32, #tpu.memory_space<vmem_shared>>
      %dma_start3A_254 = arith.constant 0 : i32
      %dma_start3A_255 = tpu.memref_slice %arg18[%multiple_of3A, %dma_start3A_254] : memref<10112x64xf32, #tpu.memory_space<vmem_shared>> -> memref<512x64xf32, #tpu.memory_space<vmem_shared>>
      tpu.enqueue_dma source(%dma_start3A_255 : memref<512x64xf32, #tpu.memory_space<vmem_shared>>) target(%arg12 : memref<512x64xf32, #tpu.memory_space<vmem>>) target_semaphore(%run_scoped3A : memref<!tpu.dma_semaphore, #tpu.memory_space<semaphore_mem>>)
      %dma_wait3A_256 = arith.constant 0 : i32
      %dma_wait3A_257 = tpu.memref_slice %arg18[%multiple_of3A, %dma_wait3A_256] : memref<10112x64xf32, #tpu.memory_space<vmem_shared>> -> memref<512x64xf32, #tpu.memory_space<vmem_shared>>
      %dma_wait3A_258 = arith.constant 0 : i32
      %dma_wait3A_259 = tpu.memref_slice %arg18[%multiple_of3A, %dma_wait3A_258] : memref<10112x64xf32, #tpu.memory_space<vmem_shared>> -> memref<512x64xf32, #tpu.memory_space<vmem_shared>>
      tpu.wait_dma2 semaphore(%run_scoped3A : memref<!tpu.dma_semaphore, #tpu.memory_space<semaphore_mem>>) src(%dma_wait3A_259 : memref<512x64xf32, #tpu.memory_space<vmem_shared>>) dst(%arg12 : memref<512x64xf32, #tpu.memory_space<vmem>>)
      tpu.yield
    }) : () -> ()
    "tpu.region"() ({
      %run_scoped3A = tpu.sem_alloc : memref<!tpu.dma_semaphore, #tpu.memory_space<semaphore_mem>>
      %dma_start3A_252 = arith.constant 0 : i32
      %dma_start3A_253 = arith.constant 0 : i32
      %dma_start3A_254 = tpu.memref_slice %arg7[%arg0, %dma_start3A_252, %dma_start3A_253] : memref<2x10112x128xf32, #tpu.memory_space<hbm>> -> memref<1x10112x128xf32, #tpu.memory_space<hbm>>
      %dma_start3A_255 = tpu.memref_squeeze %dma_start3A_254 : memref<1x10112x128xf32, #tpu.memory_space<hbm>> -> memref<10112x128xf32, #tpu.memory_space<hbm>>
      %dma_start3A_256 = arith.constant 0 : i32
      %dma_start3A_257 = arith.constant 0 : i32
      %dma_start3A_258 = tpu.memref_slice %dma_start3A_255[%dma_start3A_256, %dma_start3A_257] : memref<10112x128xf32, #tpu.memory_space<hbm>> -> memref<10112x64xf32, #tpu.memory_space<hbm>>
      %dma_start3A_259 = arith.constant 0 : i32
      %dma_start3A_260 = tpu.memref_slice %dma_start3A_258[%multiple_of3A, %dma_start3A_259] : memref<10112x64xf32, #tpu.memory_space<hbm>> -> memref<512x64xf32, #tpu.memory_space<hbm>>
      %dma_start3A_261 = arith.constant 0 : i32
      %dma_start3A_262 = arith.constant 0 : i32
      %dma_start3A_263 = tpu.memref_slice %arg7[%arg0, %dma_start3A_261, %dma_start3A_262] : memref<2x10112x128xf32, #tpu.memory_space<hbm>> -> memref<1x10112x128xf32, #tpu.memory_space<hbm>>
      %dma_start3A_264 = tpu.memref_squeeze %dma_start3A_263 : memref<1x10112x128xf32, #tpu.memory_space<hbm>> -> memref<10112x128xf32, #tpu.memory_space<hbm>>
      %dma_start3A_265 = arith.constant 0 : i32
      %dma_start3A_266 = arith.constant 0 : i32
      %dma_start3A_267 = tpu.memref_slice %dma_start3A_264[%dma_start3A_265, %dma_start3A_266] : memref<10112x128xf32, #tpu.memory_space<hbm>> -> memref<10112x64xf32, #tpu.memory_space<hbm>>
      %dma_start3A_268 = arith.constant 0 : i32
      %dma_start3A_269 = tpu.memref_slice %dma_start3A_267[%multiple_of3A, %dma_start3A_268] : memref<10112x64xf32, #tpu.memory_space<hbm>> -> memref<512x64xf32, #tpu.memory_space<hbm>>
      tpu.enqueue_dma source(%arg12 : memref<512x64xf32, #tpu.memory_space<vmem>>) target(%dma_start3A_269 : memref<512x64xf32, #tpu.memory_space<hbm>>) target_semaphore(%run_scoped3A : memref<!tpu.dma_semaphore, #tpu.memory_space<semaphore_mem>>)
      %dma_wait3A_270 = arith.constant 0 : i32
      %dma_wait3A_271 = arith.constant 0 : i32
      %dma_wait3A_272 = tpu.memref_slice %arg7[%arg0, %dma_wait3A_270, %dma_wait3A_271] : memref<2x10112x128xf32, #tpu.memory_space<hbm>> -> memref<1x10112x128xf32, #tpu.memory_space<hbm>>
      %dma_wait3A_273 = tpu.memref_squeeze %dma_wait3A_272 : memref<1x10112x128xf32, #tpu.memory_space<hbm>> -> memref<10112x128xf32, #tpu.memory_space<hbm>>
      %dma_wait3A_274 = arith.constant 0 : i32
      %dma_wait3A_275 = arith.constant 0 : i32
      %dma_wait3A_276 = tpu.memref_slice %dma_wait3A_273[%dma_wait3A_274, %dma_wait3A_275] : memref<10112x128xf32, #tpu.memory_space<hbm>> -> memref<10112x64xf32, #tpu.memory_space<hbm>>
      %dma_wait3A_277 = arith.constant 0 : i32
      %dma_wait3A_278 = tpu.memref_slice %dma_wait3A_276[%multiple_of3A, %dma_wait3A_277] : memref<10112x64xf32, #tpu.memory_space<hbm>> -> memref<512x64xf32, #tpu.memory_space<hbm>>
      %dma_wait3A_279 = arith.constant 0 : i32
      %dma_wait3A_280 = arith.constant 0 : i32
      %dma_wait3A_281 = tpu.memref_slice %arg7[%arg0, %dma_wait3A_279, %dma_wait3A_280] : memref<2x10112x128xf32, #tpu.memory_space<hbm>> -> memref<1x10112x128xf32, #tpu.memory_space<hbm>>
      %dma_wait3A_282 = tpu.memref_squeeze %dma_wait3A_281 : memref<1x10112x128xf32, #tpu.memory_space<hbm>> -> memref<10112x128xf32, #tpu.memory_space<hbm>>
      %dma_wait3A_283 = arith.constant 0 : i32
      %dma_wait3A_284 = arith.constant 0 : i32
      %dma_wait3A_285 = tpu.memref_slice %dma_wait3A_282[%dma_wait3A_283, %dma_wait3A_284] : memref<10112x128xf32, #tpu.memory_space<hbm>> -> memref<10112x64xf32, #tpu.memory_space<hbm>>
      %dma_wait3A_286 = arith.constant 0 : i32
      %dma_wait3A_287 = tpu.memref_slice %dma_wait3A_285[%multiple_of3A, %dma_wait3A_286] : memref<10112x64xf32, #tpu.memory_space<hbm>> -> memref<512x64xf32, #tpu.memory_space<hbm>>
      tpu.wait_dma2 semaphore(%run_scoped3A : memref<!tpu.dma_semaphore, #tpu.memory_space<semaphore_mem>>) src(%arg12 : memref<512x64xf32, #tpu.memory_space<vmem>>) dst(%dma_wait3A_287 : memref<512x64xf32, #tpu.memory_space<hbm>>)
      tpu.yield
    }) : () -> ()
    "tpu.region"() ({
      %run_scoped3A = tpu.sem_alloc : memref<!tpu.dma_semaphore, #tpu.memory_space<semaphore_mem>>
      %dma_start3A_252 = arith.constant 0 : i32
      %dma_start3A_253 = arith.constant 0 : i32
      %dma_start3A_254 = tpu.memref_slice %arg13[%dma_start3A_252, %dma_start3A_253] : memref<512x64xf32, #tpu.memory_space<vmem>> -> memref<120x64xf32, #tpu.memory_space<vmem>>
      %dma_start3A_255 = arith.constant 0 : i32
      %dma_start3A_256 = tpu.memref_slice %arg18[%multiple_of3A_2, %dma_start3A_255] : memref<10112x64xf32, #tpu.memory_space<vmem_shared>> -> memref<120x64xf32, #tpu.memory_space<vmem_shared>>
      %dma_start3A_257 = arith.constant 0 : i32
      %dma_start3A_258 = arith.constant 0 : i32
      %dma_start3A_259 = tpu.memref_slice %arg13[%dma_start3A_257, %dma_start3A_258] : memref<512x64xf32, #tpu.memory_space<vmem>> -> memref<120x64xf32, #tpu.memory_space<vmem>>
      %dma_start3A_260 = arith.constant 0 : i32
      %dma_start3A_261 = tpu.memref_slice %arg18[%multiple_of3A_2, %dma_start3A_260] : memref<10112x64xf32, #tpu.memory_space<vmem_shared>> -> memref<120x64xf32, #tpu.memory_space<vmem_shared>>
      tpu.enqueue_dma source(%dma_start3A_261 : memref<120x64xf32, #tpu.memory_space<vmem_shared>>) target(%dma_start3A_259 : memref<120x64xf32, #tpu.memory_space<vmem>>) target_semaphore(%run_scoped3A : memref<!tpu.dma_semaphore, #tpu.memory_space<semaphore_mem>>)
      %dma_wait3A_262 = arith.constant 0 : i32
      %dma_wait3A_263 = arith.constant 0 : i32
      %dma_wait3A_264 = tpu.memref_slice %arg13[%dma_wait3A_262, %dma_wait3A_263] : memref<512x64xf32, #tpu.memory_space<vmem>> -> memref<120x64xf32, #tpu.memory_space<vmem>>
      %dma_wait3A_265 = arith.constant 0 : i32
      %dma_wait3A_266 = tpu.memref_slice %arg18[%multiple_of3A_2, %dma_wait3A_265] : memref<10112x64xf32, #tpu.memory_space<vmem_shared>> -> memref<120x64xf32, #tpu.memory_space<vmem_shared>>
      %dma_wait3A_267 = arith.constant 0 : i32
      %dma_wait3A_268 = arith.constant 0 : i32
      %dma_wait3A_269 = tpu.memref_slice %arg13[%dma_wait3A_267, %dma_wait3A_268] : memref<512x64xf32, #tpu.memory_space<vmem>> -> memref<120x64xf32, #tpu.memory_space<vmem>>
      %dma_wait3A_270 = arith.constant 0 : i32
      %dma_wait3A_271 = tpu.memref_slice %arg18[%multiple_of3A_2, %dma_wait3A_270] : memref<10112x64xf32, #tpu.memory_space<vmem_shared>> -> memref<120x64xf32, #tpu.memory_space<vmem_shared>>
      tpu.wait_dma2 semaphore(%run_scoped3A : memref<!tpu.dma_semaphore, #tpu.memory_space<semaphore_mem>>) src(%dma_wait3A_271 : memref<120x64xf32, #tpu.memory_space<vmem_shared>>) dst(%dma_wait3A_269 : memref<120x64xf32, #tpu.memory_space<vmem>>)
      tpu.yield
    }) : () -> ()
    "tpu.region"() ({
      %run_scoped3A = tpu.sem_alloc : memref<!tpu.dma_semaphore, #tpu.memory_space<semaphore_mem>>
      %dma_start3A_252 = arith.constant 0 : i32
      %dma_start3A_253 = arith.constant 0 : i32
      %dma_start3A_254 = tpu.memref_slice %arg13[%dma_start3A_252, %dma_start3A_253] : memref<512x64xf32, #tpu.memory_space<vmem>> -> memref<120x64xf32, #tpu.memory_space<vmem>>
      %dma_start3A_255 = arith.constant 0 : i32
      %dma_start3A_256 = arith.constant 0 : i32
      %dma_start3A_257 = tpu.memref_slice %arg7[%arg0, %dma_start3A_255, %dma_start3A_256] : memref<2x10112x128xf32, #tpu.memory_space<hbm>> -> memref<1x10112x128xf32, #tpu.memory_space<hbm>>
      %dma_start3A_258 = tpu.memref_squeeze %dma_start3A_257 : memref<1x10112x128xf32, #tpu.memory_space<hbm>> -> memref<10112x128xf32, #tpu.memory_space<hbm>>
      %dma_start3A_259 = arith.constant 0 : i32
      %dma_start3A_260 = arith.constant 0 : i32
      %dma_start3A_261 = tpu.memref_slice %dma_start3A_258[%dma_start3A_259, %dma_start3A_260] : memref<10112x128xf32, #tpu.memory_space<hbm>> -> memref<10112x64xf32, #tpu.memory_space<hbm>>
      %dma_start3A_262 = arith.constant 0 : i32
      %dma_start3A_263 = tpu.memref_slice %dma_start3A_261[%multiple_of3A_2, %dma_start3A_262] : memref<10112x64xf32, #tpu.memory_space<hbm>> -> memref<120x64xf32, #tpu.memory_space<hbm>>
      %dma_start3A_264 = arith.constant 0 : i32
      %dma_start3A_265 = arith.constant 0 : i32
      %dma_start3A_266 = tpu.memref_slice %arg7[%arg0, %dma_start3A_264, %dma_start3A_265] : memref<2x10112x128xf32, #tpu.memory_space<hbm>> -> memref<1x10112x128xf32, #tpu.memory_space<hbm>>
      %dma_start3A_267 = tpu.memref_squeeze %dma_start3A_266 : memref<1x10112x128xf32, #tpu.memory_space<hbm>> -> memref<10112x128xf32, #tpu.memory_space<hbm>>
      %dma_start3A_268 = arith.constant 0 : i32
      %dma_start3A_269 = arith.constant 0 : i32
      %dma_start3A_270 = tpu.memref_slice %dma_start3A_267[%dma_start3A_268, %dma_start3A_269] : memref<10112x128xf32, #tpu.memory_space<hbm>> -> memref<10112x64xf32, #tpu.memory_space<hbm>>
      %dma_start3A_271 = arith.constant 0 : i32
      %dma_start3A_272 = tpu.memref_slice %dma_start3A_270[%multiple_of3A_2, %dma_start3A_271] : memref<10112x64xf32, #tpu.memory_space<hbm>> -> memref<120x64xf32, #tpu.memory_space<hbm>>
      %dma_start3A_273 = arith.constant 0 : i32
      %dma_start3A_274 = arith.constant 0 : i32
      %dma_start3A_275 = tpu.memref_slice %arg13[%dma_start3A_273, %dma_start3A_274] : memref<512x64xf32, #tpu.memory_space<vmem>> -> memref<120x64xf32, #tpu.memory_space<vmem>>
      tpu.enqueue_dma source(%dma_start3A_275 : memref<120x64xf32, #tpu.memory_space<vmem>>) target(%dma_start3A_272 : memref<120x64xf32, #tpu.memory_space<hbm>>) target_semaphore(%run_scoped3A : memref<!tpu.dma_semaphore, #tpu.memory_space<semaphore_mem>>)
      %dma_wait3A_276 = arith.constant 0 : i32
      %dma_wait3A_277 = arith.constant 0 : i32
      %dma_wait3A_278 = tpu.memref_slice %arg13[%dma_wait3A_276, %dma_wait3A_277] : memref<512x64xf32, #tpu.memory_space<vmem>> -> memref<120x64xf32, #tpu.memory_space<vmem>>
      %dma_wait3A_279 = arith.constant 0 : i32
      %dma_wait3A_280 = arith.constant 0 : i32
      %dma_wait3A_281 = tpu.memref_slice %arg7[%arg0, %dma_wait3A_279, %dma_wait3A_280] : memref<2x10112x128xf32, #tpu.memory_space<hbm>> -> memref<1x10112x128xf32, #tpu.memory_space<hbm>>
      %dma_wait3A_282 = tpu.memref_squeeze %dma_wait3A_281 : memref<1x10112x128xf32, #tpu.memory_space<hbm>> -> memref<10112x128xf32, #tpu.memory_space<hbm>>
      %dma_wait3A_283 = arith.constant 0 : i32
      %dma_wait3A_284 = arith.constant 0 : i32
      %dma_wait3A_285 = tpu.memref_slice %dma_wait3A_282[%dma_wait3A_283, %dma_wait3A_284] : memref<10112x128xf32, #tpu.memory_space<hbm>> -> memref<10112x64xf32, #tpu.memory_space<hbm>>
      %dma_wait3A_286 = arith.constant 0 : i32
      %dma_wait3A_287 = tpu.memref_slice %dma_wait3A_285[%multiple_of3A_2, %dma_wait3A_286] : memref<10112x64xf32, #tpu.memory_space<hbm>> -> memref<120x64xf32, #tpu.memory_space<hbm>>
      %dma_wait3A_288 = arith.constant 0 : i32
      %dma_wait3A_289 = arith.constant 0 : i32
      %dma_wait3A_290 = tpu.memref_slice %arg7[%arg0, %dma_wait3A_288, %dma_wait3A_289] : memref<2x10112x128xf32, #tpu.memory_space<hbm>> -> memref<1x10112x128xf32, #tpu.memory_space<hbm>>
      %dma_wait3A_291 = tpu.memref_squeeze %dma_wait3A_290 : memref<1x10112x128xf32, #tpu.memory_space<hbm>> -> memref<10112x128xf32, #tpu.memory_space<hbm>>
      %dma_wait3A_292 = arith.constant 0 : i32
      %dma_wait3A_293 = arith.constant 0 : i32
      %dma_wait3A_294 = tpu.memref_slice %dma_wait3A_291[%dma_wait3A_292, %dma_wait3A_293] : memref<10112x128xf32, #tpu.memory_space<hbm>> -> memref<10112x64xf32, #tpu.memory_space<hbm>>
      %dma_wait3A_295 = arith.constant 0 : i32
      %dma_wait3A_296 = tpu.memref_slice %dma_wait3A_294[%multiple_of3A_2, %dma_wait3A_295] : memref<10112x64xf32, #tpu.memory_space<hbm>> -> memref<120x64xf32, #tpu.memory_space<hbm>>
      %dma_wait3A_297 = arith.constant 0 : i32
      %dma_wait3A_298 = arith.constant 0 : i32
      %dma_wait3A_299 = tpu.memref_slice %arg13[%dma_wait3A_297, %dma_wait3A_298] : memref<512x64xf32, #tpu.memory_space<vmem>> -> memref<120x64xf32, #tpu.memory_space<vmem>>
      tpu.wait_dma2 semaphore(%run_scoped3A : memref<!tpu.dma_semaphore, #tpu.memory_space<semaphore_mem>>) src(%dma_wait3A_299 : memref<120x64xf32, #tpu.memory_space<vmem>>) dst(%dma_wait3A_296 : memref<120x64xf32, #tpu.memory_space<hbm>>)
      tpu.yield
    }) : () -> ()
    %barrier3A_116 = arith.constant 0 : index
    tpu.barrier barrier_id(%barrier3A_116)
    %mul3A_117 = arith.constant 632 : i32
    %mul3A_118 = arith.muli %arg1, %mul3A_117 : i32
    %multiple_of3A_119 = tpu.assume_multiple %mul3A_118, 8 : i32
    %add3A_120 = arith.constant 512 : i32
    %add3A_121 = arith.addi %multiple_of3A_119, %add3A_120 : i32
    %multiple_of3A_122 = tpu.assume_multiple %add3A_121, 8 : i32
    %eq3A_123 = arith.constant 0 : i32
    %eq3A_124 = arith.cmpi eq, %arg0, %eq3A_123 : i32
    %convert_element_type3A_125 = arith.extui %eq3A_124 : i1 to i32
    %cond3A_126 = arith.constant 0 : i32
    %cond3A_127 = arith.cmpi ne, %convert_element_type3A_125, %cond3A_126 : i32
    scf.if %cond3A_127 {
      "tpu.region"() ({
        %run_scoped3A = tpu.sem_alloc : memref<!tpu.dma_semaphore, #tpu.memory_space<semaphore_mem>>
        %dma_start3A_252 = arith.constant 0 : i32
        %dma_start3A_253 = tpu.memref_slice %arg3[%multiple_of3A_119, %dma_start3A_252] : memref<10112x64xf32, #tpu.memory_space<hbm>> -> memref<512x64xf32, #tpu.memory_space<hbm>>
        %dma_start3A_254 = arith.constant 0 : i32
        %dma_start3A_255 = tpu.memref_slice %arg3[%multiple_of3A_119, %dma_start3A_254] : memref<10112x64xf32, #tpu.memory_space<hbm>> -> memref<512x64xf32, #tpu.memory_space<hbm>>
        tpu.enqueue_dma source(%dma_start3A_255 : memref<512x64xf32, #tpu.memory_space<hbm>>) target(%arg12 : memref<512x64xf32, #tpu.memory_space<vmem>>) target_semaphore(%run_scoped3A : memref<!tpu.dma_semaphore, #tpu.memory_space<semaphore_mem>>)
        %dma_wait3A_256 = arith.constant 0 : i32
        %dma_wait3A_257 = tpu.memref_slice %arg3[%multiple_of3A_119, %dma_wait3A_256] : memref<10112x64xf32, #tpu.memory_space<hbm>> -> memref<512x64xf32, #tpu.memory_space<hbm>>
        %dma_wait3A_258 = arith.constant 0 : i32
        %dma_wait3A_259 = tpu.memref_slice %arg3[%multiple_of3A_119, %dma_wait3A_258] : memref<10112x64xf32, #tpu.memory_space<hbm>> -> memref<512x64xf32, #tpu.memory_space<hbm>>
        tpu.wait_dma2 semaphore(%run_scoped3A : memref<!tpu.dma_semaphore, #tpu.memory_space<semaphore_mem>>) src(%dma_wait3A_259 : memref<512x64xf32, #tpu.memory_space<hbm>>) dst(%arg12 : memref<512x64xf32, #tpu.memory_space<vmem>>)
        tpu.yield
      }) : () -> ()
      "tpu.region"() ({
        %run_scoped3A = tpu.sem_alloc : memref<!tpu.dma_semaphore, #tpu.memory_space<semaphore_mem>>
        %dma_start3A_252 = arith.constant 0 : i32
        %dma_start3A_253 = tpu.memref_slice %arg18[%multiple_of3A_119, %dma_start3A_252] : memref<10112x64xf32, #tpu.memory_space<vmem_shared>> -> memref<512x64xf32, #tpu.memory_space<vmem_shared>>
        %dma_start3A_254 = arith.constant 0 : i32
        %dma_start3A_255 = tpu.memref_slice %arg18[%multiple_of3A_119, %dma_start3A_254] : memref<10112x64xf32, #tpu.memory_space<vmem_shared>> -> memref<512x64xf32, #tpu.memory_space<vmem_shared>>
        tpu.enqueue_dma source(%arg12 : memref<512x64xf32, #tpu.memory_space<vmem>>) target(%dma_start3A_255 : memref<512x64xf32, #tpu.memory_space<vmem_shared>>) target_semaphore(%run_scoped3A : memref<!tpu.dma_semaphore, #tpu.memory_space<semaphore_mem>>)
        %dma_wait3A_256 = arith.constant 0 : i32
        %dma_wait3A_257 = tpu.memref_slice %arg18[%multiple_of3A_119, %dma_wait3A_256] : memref<10112x64xf32, #tpu.memory_space<vmem_shared>> -> memref<512x64xf32, #tpu.memory_space<vmem_shared>>
        %dma_wait3A_258 = arith.constant 0 : i32
        %dma_wait3A_259 = tpu.memref_slice %arg18[%multiple_of3A_119, %dma_wait3A_258] : memref<10112x64xf32, #tpu.memory_space<vmem_shared>> -> memref<512x64xf32, #tpu.memory_space<vmem_shared>>
        tpu.wait_dma2 semaphore(%run_scoped3A : memref<!tpu.dma_semaphore, #tpu.memory_space<semaphore_mem>>) src(%arg12 : memref<512x64xf32, #tpu.memory_space<vmem>>) dst(%dma_wait3A_259 : memref<512x64xf32, #tpu.memory_space<vmem_shared>>)
        tpu.yield
      }) : () -> ()
      "tpu.region"() ({
        %run_scoped3A = tpu.sem_alloc : memref<!tpu.dma_semaphore, #tpu.memory_space<semaphore_mem>>
        %dma_start3A_252 = arith.constant 0 : i32
        %dma_start3A_253 = arith.constant 0 : i32
        %dma_start3A_254 = tpu.memref_slice %arg13[%dma_start3A_252, %dma_start3A_253] : memref<512x64xf32, #tpu.memory_space<vmem>> -> memref<120x64xf32, #tpu.memory_space<vmem>>
        %dma_start3A_255 = arith.constant 0 : i32
        %dma_start3A_256 = tpu.memref_slice %arg3[%multiple_of3A_122, %dma_start3A_255] : memref<10112x64xf32, #tpu.memory_space<hbm>> -> memref<120x64xf32, #tpu.memory_space<hbm>>
        %dma_start3A_257 = arith.constant 0 : i32
        %dma_start3A_258 = arith.constant 0 : i32
        %dma_start3A_259 = tpu.memref_slice %arg13[%dma_start3A_257, %dma_start3A_258] : memref<512x64xf32, #tpu.memory_space<vmem>> -> memref<120x64xf32, #tpu.memory_space<vmem>>
        %dma_start3A_260 = arith.constant 0 : i32
        %dma_start3A_261 = tpu.memref_slice %arg3[%multiple_of3A_122, %dma_start3A_260] : memref<10112x64xf32, #tpu.memory_space<hbm>> -> memref<120x64xf32, #tpu.memory_space<hbm>>
        tpu.enqueue_dma source(%dma_start3A_261 : memref<120x64xf32, #tpu.memory_space<hbm>>) target(%dma_start3A_259 : memref<120x64xf32, #tpu.memory_space<vmem>>) target_semaphore(%run_scoped3A : memref<!tpu.dma_semaphore, #tpu.memory_space<semaphore_mem>>)
        %dma_wait3A_262 = arith.constant 0 : i32
        %dma_wait3A_263 = arith.constant 0 : i32
        %dma_wait3A_264 = tpu.memref_slice %arg13[%dma_wait3A_262, %dma_wait3A_263] : memref<512x64xf32, #tpu.memory_space<vmem>> -> memref<120x64xf32, #tpu.memory_space<vmem>>
        %dma_wait3A_265 = arith.constant 0 : i32
        %dma_wait3A_266 = tpu.memref_slice %arg3[%multiple_of3A_122, %dma_wait3A_265] : memref<10112x64xf32, #tpu.memory_space<hbm>> -> memref<120x64xf32, #tpu.memory_space<hbm>>
        %dma_wait3A_267 = arith.constant 0 : i32
        %dma_wait3A_268 = arith.constant 0 : i32
        %dma_wait3A_269 = tpu.memref_slice %arg13[%dma_wait3A_267, %dma_wait3A_268] : memref<512x64xf32, #tpu.memory_space<vmem>> -> memref<120x64xf32, #tpu.memory_space<vmem>>
        %dma_wait3A_270 = arith.constant 0 : i32
        %dma_wait3A_271 = tpu.memref_slice %arg3[%multiple_of3A_122, %dma_wait3A_270] : memref<10112x64xf32, #tpu.memory_space<hbm>> -> memref<120x64xf32, #tpu.memory_space<hbm>>
        tpu.wait_dma2 semaphore(%run_scoped3A : memref<!tpu.dma_semaphore, #tpu.memory_space<semaphore_mem>>) src(%dma_wait3A_271 : memref<120x64xf32, #tpu.memory_space<hbm>>) dst(%dma_wait3A_269 : memref<120x64xf32, #tpu.memory_space<vmem>>)
        tpu.yield
      }) : () -> ()
      "tpu.region"() ({
        %run_scoped3A = tpu.sem_alloc : memref<!tpu.dma_semaphore, #tpu.memory_space<semaphore_mem>>
        %dma_start3A_252 = arith.constant 0 : i32
        %dma_start3A_253 = arith.constant 0 : i32
        %dma_start3A_254 = tpu.memref_slice %arg13[%dma_start3A_252, %dma_start3A_253] : memref<512x64xf32, #tpu.memory_space<vmem>> -> memref<120x64xf32, #tpu.memory_space<vmem>>
        %dma_start3A_255 = arith.constant 0 : i32
        %dma_start3A_256 = tpu.memref_slice %arg18[%multiple_of3A_122, %dma_start3A_255] : memref<10112x64xf32, #tpu.memory_space<vmem_shared>> -> memref<120x64xf32, #tpu.memory_space<vmem_shared>>
        %dma_start3A_257 = arith.constant 0 : i32
        %dma_start3A_258 = tpu.memref_slice %arg18[%multiple_of3A_122, %dma_start3A_257] : memref<10112x64xf32, #tpu.memory_space<vmem_shared>> -> memref<120x64xf32, #tpu.memory_space<vmem_shared>>
        %dma_start3A_259 = arith.constant 0 : i32
        %dma_start3A_260 = arith.constant 0 : i32
        %dma_start3A_261 = tpu.memref_slice %arg13[%dma_start3A_259, %dma_start3A_260] : memref<512x64xf32, #tpu.memory_space<vmem>> -> memref<120x64xf32, #tpu.memory_space<vmem>>
        tpu.enqueue_dma source(%dma_start3A_261 : memref<120x64xf32, #tpu.memory_space<vmem>>) target(%dma_start3A_258 : memref<120x64xf32, #tpu.memory_space<vmem_shared>>) target_semaphore(%run_scoped3A : memref<!tpu.dma_semaphore, #tpu.memory_space<semaphore_mem>>)
        %dma_wait3A_262 = arith.constant 0 : i32
        %dma_wait3A_263 = arith.constant 0 : i32
        %dma_wait3A_264 = tpu.memref_slice %arg13[%dma_wait3A_262, %dma_wait3A_263] : memref<512x64xf32, #tpu.memory_space<vmem>> -> memref<120x64xf32, #tpu.memory_space<vmem>>
        %dma_wait3A_265 = arith.constant 0 : i32
        %dma_wait3A_266 = tpu.memref_slice %arg18[%multiple_of3A_122, %dma_wait3A_265] : memref<10112x64xf32, #tpu.memory_space<vmem_shared>> -> memref<120x64xf32, #tpu.memory_space<vmem_shared>>
        %dma_wait3A_267 = arith.constant 0 : i32
        %dma_wait3A_268 = tpu.memref_slice %arg18[%multiple_of3A_122, %dma_wait3A_267] : memref<10112x64xf32, #tpu.memory_space<vmem_shared>> -> memref<120x64xf32, #tpu.memory_space<vmem_shared>>
        %dma_wait3A_269 = arith.constant 0 : i32
        %dma_wait3A_270 = arith.constant 0 : i32
        %dma_wait3A_271 = tpu.memref_slice %arg13[%dma_wait3A_269, %dma_wait3A_270] : memref<512x64xf32, #tpu.memory_space<vmem>> -> memref<120x64xf32, #tpu.memory_space<vmem>>
        tpu.wait_dma2 semaphore(%run_scoped3A : memref<!tpu.dma_semaphore, #tpu.memory_space<semaphore_mem>>) src(%dma_wait3A_271 : memref<120x64xf32, #tpu.memory_space<vmem>>) dst(%dma_wait3A_268 : memref<120x64xf32, #tpu.memory_space<vmem_shared>>)
        tpu.yield
      }) : () -> ()
    } else {
    }
    %eq3A_128 = arith.constant 1 : i32
    %eq3A_129 = arith.cmpi eq, %arg0, %eq3A_128 : i32
    %convert_element_type3A_130 = arith.extui %eq3A_129 : i1 to i32
    %cond3A_131 = arith.constant 0 : i32
    %cond3A_132 = arith.cmpi ne, %convert_element_type3A_130, %cond3A_131 : i32
    scf.if %cond3A_132 {
      "tpu.region"() ({
        %run_scoped3A = tpu.sem_alloc : memref<!tpu.dma_semaphore, #tpu.memory_space<semaphore_mem>>
        %dma_start3A_252 = arith.constant 0 : i32
        %dma_start3A_253 = tpu.memref_slice %arg6[%multiple_of3A_119, %dma_start3A_252] : memref<10112x64xf32, #tpu.memory_space<hbm>> -> memref<512x64xf32, #tpu.memory_space<hbm>>
        %dma_start3A_254 = arith.constant 0 : i32
        %dma_start3A_255 = tpu.memref_slice %arg6[%multiple_of3A_119, %dma_start3A_254] : memref<10112x64xf32, #tpu.memory_space<hbm>> -> memref<512x64xf32, #tpu.memory_space<hbm>>
        tpu.enqueue_dma source(%dma_start3A_255 : memref<512x64xf32, #tpu.memory_space<hbm>>) target(%arg12 : memref<512x64xf32, #tpu.memory_space<vmem>>) target_semaphore(%run_scoped3A : memref<!tpu.dma_semaphore, #tpu.memory_space<semaphore_mem>>)
        %dma_wait3A_256 = arith.constant 0 : i32
        %dma_wait3A_257 = tpu.memref_slice %arg6[%multiple_of3A_119, %dma_wait3A_256] : memref<10112x64xf32, #tpu.memory_space<hbm>> -> memref<512x64xf32, #tpu.memory_space<hbm>>
        %dma_wait3A_258 = arith.constant 0 : i32
        %dma_wait3A_259 = tpu.memref_slice %arg6[%multiple_of3A_119, %dma_wait3A_258] : memref<10112x64xf32, #tpu.memory_space<hbm>> -> memref<512x64xf32, #tpu.memory_space<hbm>>
        tpu.wait_dma2 semaphore(%run_scoped3A : memref<!tpu.dma_semaphore, #tpu.memory_space<semaphore_mem>>) src(%dma_wait3A_259 : memref<512x64xf32, #tpu.memory_space<hbm>>) dst(%arg12 : memref<512x64xf32, #tpu.memory_space<vmem>>)
        tpu.yield
      }) : () -> ()
      "tpu.region"() ({
        %run_scoped3A = tpu.sem_alloc : memref<!tpu.dma_semaphore, #tpu.memory_space<semaphore_mem>>
        %dma_start3A_252 = arith.constant 0 : i32
        %dma_start3A_253 = tpu.memref_slice %arg18[%multiple_of3A_119, %dma_start3A_252] : memref<10112x64xf32, #tpu.memory_space<vmem_shared>> -> memref<512x64xf32, #tpu.memory_space<vmem_shared>>
        %dma_start3A_254 = arith.constant 0 : i32
        %dma_start3A_255 = tpu.memref_slice %arg18[%multiple_of3A_119, %dma_start3A_254] : memref<10112x64xf32, #tpu.memory_space<vmem_shared>> -> memref<512x64xf32, #tpu.memory_space<vmem_shared>>
        tpu.enqueue_dma source(%arg12 : memref<512x64xf32, #tpu.memory_space<vmem>>) target(%dma_start3A_255 : memref<512x64xf32, #tpu.memory_space<vmem_shared>>) target_semaphore(%run_scoped3A : memref<!tpu.dma_semaphore, #tpu.memory_space<semaphore_mem>>)
        %dma_wait3A_256 = arith.constant 0 : i32
        %dma_wait3A_257 = tpu.memref_slice %arg18[%multiple_of3A_119, %dma_wait3A_256] : memref<10112x64xf32, #tpu.memory_space<vmem_shared>> -> memref<512x64xf32, #tpu.memory_space<vmem_shared>>
        %dma_wait3A_258 = arith.constant 0 : i32
        %dma_wait3A_259 = tpu.memref_slice %arg18[%multiple_of3A_119, %dma_wait3A_258] : memref<10112x64xf32, #tpu.memory_space<vmem_shared>> -> memref<512x64xf32, #tpu.memory_space<vmem_shared>>
        tpu.wait_dma2 semaphore(%run_scoped3A : memref<!tpu.dma_semaphore, #tpu.memory_space<semaphore_mem>>) src(%arg12 : memref<512x64xf32, #tpu.memory_space<vmem>>) dst(%dma_wait3A_259 : memref<512x64xf32, #tpu.memory_space<vmem_shared>>)
        tpu.yield
      }) : () -> ()
      "tpu.region"() ({
        %run_scoped3A = tpu.sem_alloc : memref<!tpu.dma_semaphore, #tpu.memory_space<semaphore_mem>>
        %dma_start3A_252 = arith.constant 0 : i32
        %dma_start3A_253 = arith.constant 0 : i32
        %dma_start3A_254 = tpu.memref_slice %arg13[%dma_start3A_252, %dma_start3A_253] : memref<512x64xf32, #tpu.memory_space<vmem>> -> memref<120x64xf32, #tpu.memory_space<vmem>>
        %dma_start3A_255 = arith.constant 0 : i32
        %dma_start3A_256 = tpu.memref_slice %arg6[%multiple_of3A_122, %dma_start3A_255] : memref<10112x64xf32, #tpu.memory_space<hbm>> -> memref<120x64xf32, #tpu.memory_space<hbm>>
        %dma_start3A_257 = arith.constant 0 : i32
        %dma_start3A_258 = arith.constant 0 : i32
        %dma_start3A_259 = tpu.memref_slice %arg13[%dma_start3A_257, %dma_start3A_258] : memref<512x64xf32, #tpu.memory_space<vmem>> -> memref<120x64xf32, #tpu.memory_space<vmem>>
        %dma_start3A_260 = arith.constant 0 : i32
        %dma_start3A_261 = tpu.memref_slice %arg6[%multiple_of3A_122, %dma_start3A_260] : memref<10112x64xf32, #tpu.memory_space<hbm>> -> memref<120x64xf32, #tpu.memory_space<hbm>>
        tpu.enqueue_dma source(%dma_start3A_261 : memref<120x64xf32, #tpu.memory_space<hbm>>) target(%dma_start3A_259 : memref<120x64xf32, #tpu.memory_space<vmem>>) target_semaphore(%run_scoped3A : memref<!tpu.dma_semaphore, #tpu.memory_space<semaphore_mem>>)
        %dma_wait3A_262 = arith.constant 0 : i32
        %dma_wait3A_263 = arith.constant 0 : i32
        %dma_wait3A_264 = tpu.memref_slice %arg13[%dma_wait3A_262, %dma_wait3A_263] : memref<512x64xf32, #tpu.memory_space<vmem>> -> memref<120x64xf32, #tpu.memory_space<vmem>>
        %dma_wait3A_265 = arith.constant 0 : i32
        %dma_wait3A_266 = tpu.memref_slice %arg6[%multiple_of3A_122, %dma_wait3A_265] : memref<10112x64xf32, #tpu.memory_space<hbm>> -> memref<120x64xf32, #tpu.memory_space<hbm>>
        %dma_wait3A_267 = arith.constant 0 : i32
        %dma_wait3A_268 = arith.constant 0 : i32
        %dma_wait3A_269 = tpu.memref_slice %arg13[%dma_wait3A_267, %dma_wait3A_268] : memref<512x64xf32, #tpu.memory_space<vmem>> -> memref<120x64xf32, #tpu.memory_space<vmem>>
        %dma_wait3A_270 = arith.constant 0 : i32
        %dma_wait3A_271 = tpu.memref_slice %arg6[%multiple_of3A_122, %dma_wait3A_270] : memref<10112x64xf32, #tpu.memory_space<hbm>> -> memref<120x64xf32, #tpu.memory_space<hbm>>
        tpu.wait_dma2 semaphore(%run_scoped3A : memref<!tpu.dma_semaphore, #tpu.memory_space<semaphore_mem>>) src(%dma_wait3A_271 : memref<120x64xf32, #tpu.memory_space<hbm>>) dst(%dma_wait3A_269 : memref<120x64xf32, #tpu.memory_space<vmem>>)
        tpu.yield
      }) : () -> ()
      "tpu.region"() ({
        %run_scoped3A = tpu.sem_alloc : memref<!tpu.dma_semaphore, #tpu.memory_space<semaphore_mem>>
        %dma_start3A_252 = arith.constant 0 : i32
        %dma_start3A_253 = arith.constant 0 : i32
        %dma_start3A_254 = tpu.memref_slice %arg13[%dma_start3A_252, %dma_start3A_253] : memref<512x64xf32, #tpu.memory_space<vmem>> -> memref<120x64xf32, #tpu.memory_space<vmem>>
        %dma_start3A_255 = arith.constant 0 : i32
        %dma_start3A_256 = tpu.memref_slice %arg18[%multiple_of3A_122, %dma_start3A_255] : memref<10112x64xf32, #tpu.memory_space<vmem_shared>> -> memref<120x64xf32, #tpu.memory_space<vmem_shared>>
        %dma_start3A_257 = arith.constant 0 : i32
        %dma_start3A_258 = tpu.memref_slice %arg18[%multiple_of3A_122, %dma_start3A_257] : memref<10112x64xf32, #tpu.memory_space<vmem_shared>> -> memref<120x64xf32, #tpu.memory_space<vmem_shared>>
        %dma_start3A_259 = arith.constant 0 : i32
        %dma_start3A_260 = arith.constant 0 : i32
        %dma_start3A_261 = tpu.memref_slice %arg13[%dma_start3A_259, %dma_start3A_260] : memref<512x64xf32, #tpu.memory_space<vmem>> -> memref<120x64xf32, #tpu.memory_space<vmem>>
        tpu.enqueue_dma source(%dma_start3A_261 : memref<120x64xf32, #tpu.memory_space<vmem>>) target(%dma_start3A_258 : memref<120x64xf32, #tpu.memory_space<vmem_shared>>) target_semaphore(%run_scoped3A : memref<!tpu.dma_semaphore, #tpu.memory_space<semaphore_mem>>)
        %dma_wait3A_262 = arith.constant 0 : i32
        %dma_wait3A_263 = arith.constant 0 : i32
        %dma_wait3A_264 = tpu.memref_slice %arg13[%dma_wait3A_262, %dma_wait3A_263] : memref<512x64xf32, #tpu.memory_space<vmem>> -> memref<120x64xf32, #tpu.memory_space<vmem>>
        %dma_wait3A_265 = arith.constant 0 : i32
        %dma_wait3A_266 = tpu.memref_slice %arg18[%multiple_of3A_122, %dma_wait3A_265] : memref<10112x64xf32, #tpu.memory_space<vmem_shared>> -> memref<120x64xf32, #tpu.memory_space<vmem_shared>>
        %dma_wait3A_267 = arith.constant 0 : i32
        %dma_wait3A_268 = tpu.memref_slice %arg18[%multiple_of3A_122, %dma_wait3A_267] : memref<10112x64xf32, #tpu.memory_space<vmem_shared>> -> memref<120x64xf32, #tpu.memory_space<vmem_shared>>
        %dma_wait3A_269 = arith.constant 0 : i32
        %dma_wait3A_270 = arith.constant 0 : i32
        %dma_wait3A_271 = tpu.memref_slice %arg13[%dma_wait3A_269, %dma_wait3A_270] : memref<512x64xf32, #tpu.memory_space<vmem>> -> memref<120x64xf32, #tpu.memory_space<vmem>>
        tpu.wait_dma2 semaphore(%run_scoped3A : memref<!tpu.dma_semaphore, #tpu.memory_space<semaphore_mem>>) src(%dma_wait3A_271 : memref<120x64xf32, #tpu.memory_space<vmem>>) dst(%dma_wait3A_268 : memref<120x64xf32, #tpu.memory_space<vmem_shared>>)
        tpu.yield
      }) : () -> ()
    } else {
    }
    %barrier3A_133 = arith.constant 0 : index
    tpu.barrier barrier_id(%barrier3A_133)
    %mul3A_134 = arith.constant 163840 : i32
    %mul3A_135 = arith.muli %arg0, %mul3A_134 : i32
    %mul3A_136 = arith.constant 10240 : i32
    %mul3A_137 = arith.muli %arg1, %mul3A_136 : i32
    %add3A_138 = arith.addi %mul3A_135, %mul3A_137 : i32
    %jit3A_139 = arith.constant 128 : i32
    %div3A_140 = arith.divsi %add3A_138, %jit3A_139 : i32
    %sign3A_141 = arith.constant 0 : i32
    %sign3A_142 = arith.cmpi sgt, %add3A_138, %sign3A_141 : i32
    %sign3A_143 = arith.extui %sign3A_142 : i1 to i32
    %sign3A_144 = arith.constant 0 : i32
    %sign3A_145 = arith.cmpi slt, %add3A_138, %sign3A_144 : i32
    %sign3A_146 = arith.extui %sign3A_145 : i1 to i32
    %sign3A_147 = arith.subi %sign3A_143, %sign3A_146 : i32
    %sign3A_148 = arith.constant 0 : i32
    %sign3A_149 = arith.cmpi sgt, %jit3A_139, %sign3A_148 : i32
    %sign3A_150 = arith.extui %sign3A_149 : i1 to i32
    %sign3A_151 = arith.constant 0 : i32
    %sign3A_152 = arith.cmpi slt, %jit3A_139, %sign3A_151 : i32
    %sign3A_153 = arith.extui %sign3A_152 : i1 to i32
    %sign3A_154 = arith.subi %sign3A_150, %sign3A_153 : i32
    %ne3A_155 = arith.cmpi ne, %sign3A_147, %sign3A_154 : i32
    %rem3A_156 = arith.remsi %add3A_138, %jit3A_139 : i32
    %ne3A_157 = arith.constant 0 : i32
    %ne3A_158 = arith.cmpi ne, %rem3A_156, %ne3A_157 : i32
    %and3A_159 = arith.andi %ne3A_155, %ne3A_158 : i1
    %sub3A_160 = arith.constant 1 : i32
    %sub3A_161 = arith.subi %div3A_140, %sub3A_160 : i32
    %select_n3A_162 = arith.select %and3A_159, %sub3A_161, %div3A_140 : i32
    %multiple_of3A_163 = tpu.assume_multiple %select_n3A_162, 8 : i32
    "tpu.region"() ({
      %run_scoped3A = tpu.sem_alloc : memref<!tpu.dma_semaphore, #tpu.memory_space<semaphore_mem>>
      %dma_start3A_252 = arith.constant 0 : i32
      %dma_start3A_253 = tpu.memref_slice %arg4[%multiple_of3A_163, %dma_start3A_252] : memref<2560x128xi32, #tpu.memory_space<hbm>> -> memref<4x128xi32, #tpu.memory_space<hbm>>
      %dma_start3A_254 = arith.constant 0 : i32
      %dma_start3A_255 = tpu.memref_slice %arg4[%multiple_of3A_163, %dma_start3A_254] : memref<2560x128xi32, #tpu.memory_space<hbm>> -> memref<4x128xi32, #tpu.memory_space<hbm>>
      tpu.enqueue_dma source(%dma_start3A_255 : memref<4x128xi32, #tpu.memory_space<hbm>>) target(%arg8 : memref<4x128xi32, #tpu.memory_space<vmem>>) target_semaphore(%run_scoped3A : memref<!tpu.dma_semaphore, #tpu.memory_space<semaphore_mem>>)
      %dma_wait3A_256 = arith.constant 0 : i32
      %dma_wait3A_257 = tpu.memref_slice %arg4[%multiple_of3A_163, %dma_wait3A_256] : memref<2560x128xi32, #tpu.memory_space<hbm>> -> memref<4x128xi32, #tpu.memory_space<hbm>>
      %dma_wait3A_258 = arith.constant 0 : i32
      %dma_wait3A_259 = tpu.memref_slice %arg4[%multiple_of3A_163, %dma_wait3A_258] : memref<2560x128xi32, #tpu.memory_space<hbm>> -> memref<4x128xi32, #tpu.memory_space<hbm>>
      tpu.wait_dma2 semaphore(%run_scoped3A : memref<!tpu.dma_semaphore, #tpu.memory_space<semaphore_mem>>) src(%dma_wait3A_259 : memref<4x128xi32, #tpu.memory_space<hbm>>) dst(%arg8 : memref<4x128xi32, #tpu.memory_space<vmem>>)
      tpu.yield
    }) : () -> ()
    "tpu.region"() ({
      %run_scoped3A = tpu.sem_alloc : memref<!tpu.dma_semaphore, #tpu.memory_space<semaphore_mem>>
      %dma_start3A_252 = arith.constant 0 : i32
      %dma_start3A_253 = tpu.memref_slice %arg5[%multiple_of3A_163, %dma_start3A_252] : memref<2560x128xi32, #tpu.memory_space<hbm>> -> memref<4x128xi32, #tpu.memory_space<hbm>>
      %dma_start3A_254 = arith.constant 0 : i32
      %dma_start3A_255 = tpu.memref_slice %arg5[%multiple_of3A_163, %dma_start3A_254] : memref<2560x128xi32, #tpu.memory_space<hbm>> -> memref<4x128xi32, #tpu.memory_space<hbm>>
      tpu.enqueue_dma source(%dma_start3A_255 : memref<4x128xi32, #tpu.memory_space<hbm>>) target(%arg9 : memref<4x128xi32, #tpu.memory_space<vmem>>) target_semaphore(%run_scoped3A : memref<!tpu.dma_semaphore, #tpu.memory_space<semaphore_mem>>)
      %dma_wait3A_256 = arith.constant 0 : i32
      %dma_wait3A_257 = tpu.memref_slice %arg5[%multiple_of3A_163, %dma_wait3A_256] : memref<2560x128xi32, #tpu.memory_space<hbm>> -> memref<4x128xi32, #tpu.memory_space<hbm>>
      %dma_wait3A_258 = arith.constant 0 : i32
      %dma_wait3A_259 = tpu.memref_slice %arg5[%multiple_of3A_163, %dma_wait3A_258] : memref<2560x128xi32, #tpu.memory_space<hbm>> -> memref<4x128xi32, #tpu.memory_space<hbm>>
      tpu.wait_dma2 semaphore(%run_scoped3A : memref<!tpu.dma_semaphore, #tpu.memory_space<semaphore_mem>>) src(%dma_wait3A_259 : memref<4x128xi32, #tpu.memory_space<hbm>>) dst(%arg9 : memref<4x128xi32, #tpu.memory_space<vmem>>)
      tpu.yield
    }) : () -> ()
    %dma_start3A_164 = arith.constant 0 : i32
    %dma_start3A_165 = arith.constant 0 : i32
    %dma_start3A_166 = arith.constant 0 : i32
    %dma_start3A_167 = tpu.memref_slice %arg12[%dma_start3A_165, %dma_start3A_166] : memref<512x64xf32, #tpu.memory_space<vmem>> -> memref<128x64xf32, #tpu.memory_space<vmem>>
    %dma_start3A_168 = arith.constant 0 : i32
    %dma_start3A_169 = tpu.memref_slice %arg8[%dma_start3A_164, %dma_start3A_168] : memref<4x128xi32, #tpu.memory_space<vmem>> -> memref<1x128xi32, #tpu.memory_space<vmem>>
    %dma_start3A_170 = tpu.memref_squeeze %dma_start3A_169 : memref<1x128xi32, #tpu.memory_space<vmem>> -> memref<128xi32, #tpu.memory_space<vmem>>
    %dma_start3A_171 = arith.constant 0 : i32
    %dma_start3A_172 = arith.constant 0 : i32
    %dma_start3A_173 = tpu.memref_slice %arg3[%dma_start3A_171, %dma_start3A_172] : memref<10112x64xf32, #tpu.memory_space<hbm>> -> memref<10112x64xf32, #tpu.memory_space<hbm>>
    tpu.enqueue_indirect_dma source(%dma_start3A_173 : memref<10112x64xf32, #tpu.memory_space<hbm>>) target(%dma_start3A_167 : memref<128x64xf32, #tpu.memory_space<vmem>>) offsets(%dma_start3A_170 : memref<128xi32, #tpu.memory_space<vmem>>) semaphore(%arg14 : memref<!tpu.dma_semaphore, #tpu.memory_space<semaphore_mem>>)
    %dma_start3A_174 = arith.constant 1 : i32
    %dma_start3A_175 = arith.constant 128 : i32
    %dma_start3A_176 = arith.constant 0 : i32
    %dma_start3A_177 = tpu.memref_slice %arg12[%dma_start3A_175, %dma_start3A_176] : memref<512x64xf32, #tpu.memory_space<vmem>> -> memref<128x64xf32, #tpu.memory_space<vmem>>
    %dma_start3A_178 = arith.constant 0 : i32
    %dma_start3A_179 = tpu.memref_slice %arg8[%dma_start3A_174, %dma_start3A_178] : memref<4x128xi32, #tpu.memory_space<vmem>> -> memref<1x128xi32, #tpu.memory_space<vmem>>
    %dma_start3A_180 = tpu.memref_squeeze %dma_start3A_179 : memref<1x128xi32, #tpu.memory_space<vmem>> -> memref<128xi32, #tpu.memory_space<vmem>>
    %dma_start3A_181 = arith.constant 0 : i32
    %dma_start3A_182 = arith.constant 0 : i32
    %dma_start3A_183 = tpu.memref_slice %arg3[%dma_start3A_181, %dma_start3A_182] : memref<10112x64xf32, #tpu.memory_space<hbm>> -> memref<10112x64xf32, #tpu.memory_space<hbm>>
    tpu.enqueue_indirect_dma source(%dma_start3A_183 : memref<10112x64xf32, #tpu.memory_space<hbm>>) target(%dma_start3A_177 : memref<128x64xf32, #tpu.memory_space<vmem>>) offsets(%dma_start3A_180 : memref<128xi32, #tpu.memory_space<vmem>>) semaphore(%arg14 : memref<!tpu.dma_semaphore, #tpu.memory_space<semaphore_mem>>)
    %dma_start3A_184 = arith.constant 2 : i32
    %dma_start3A_185 = arith.constant 256 : i32
    %dma_start3A_186 = arith.constant 0 : i32
    %dma_start3A_187 = tpu.memref_slice %arg12[%dma_start3A_185, %dma_start3A_186] : memref<512x64xf32, #tpu.memory_space<vmem>> -> memref<128x64xf32, #tpu.memory_space<vmem>>
    %dma_start3A_188 = arith.constant 0 : i32
    %dma_start3A_189 = tpu.memref_slice %arg8[%dma_start3A_184, %dma_start3A_188] : memref<4x128xi32, #tpu.memory_space<vmem>> -> memref<1x128xi32, #tpu.memory_space<vmem>>
    %dma_start3A_190 = tpu.memref_squeeze %dma_start3A_189 : memref<1x128xi32, #tpu.memory_space<vmem>> -> memref<128xi32, #tpu.memory_space<vmem>>
    %dma_start3A_191 = arith.constant 0 : i32
    %dma_start3A_192 = arith.constant 0 : i32
    %dma_start3A_193 = tpu.memref_slice %arg3[%dma_start3A_191, %dma_start3A_192] : memref<10112x64xf32, #tpu.memory_space<hbm>> -> memref<10112x64xf32, #tpu.memory_space<hbm>>
    tpu.enqueue_indirect_dma source(%dma_start3A_193 : memref<10112x64xf32, #tpu.memory_space<hbm>>) target(%dma_start3A_187 : memref<128x64xf32, #tpu.memory_space<vmem>>) offsets(%dma_start3A_190 : memref<128xi32, #tpu.memory_space<vmem>>) semaphore(%arg14 : memref<!tpu.dma_semaphore, #tpu.memory_space<semaphore_mem>>)
    %dma_start3A_194 = arith.constant 3 : i32
    %dma_start3A_195 = arith.constant 384 : i32
    %dma_start3A_196 = arith.constant 0 : i32
    %dma_start3A_197 = tpu.memref_slice %arg12[%dma_start3A_195, %dma_start3A_196] : memref<512x64xf32, #tpu.memory_space<vmem>> -> memref<128x64xf32, #tpu.memory_space<vmem>>
    %dma_start3A_198 = arith.constant 0 : i32
    %dma_start3A_199 = tpu.memref_slice %arg8[%dma_start3A_194, %dma_start3A_198] : memref<4x128xi32, #tpu.memory_space<vmem>> -> memref<1x128xi32, #tpu.memory_space<vmem>>
    %dma_start3A_200 = tpu.memref_squeeze %dma_start3A_199 : memref<1x128xi32, #tpu.memory_space<vmem>> -> memref<128xi32, #tpu.memory_space<vmem>>
    %dma_start3A_201 = arith.constant 0 : i32
    %dma_start3A_202 = arith.constant 0 : i32
    %dma_start3A_203 = tpu.memref_slice %arg3[%dma_start3A_201, %dma_start3A_202] : memref<10112x64xf32, #tpu.memory_space<hbm>> -> memref<10112x64xf32, #tpu.memory_space<hbm>>
    tpu.enqueue_indirect_dma source(%dma_start3A_203 : memref<10112x64xf32, #tpu.memory_space<hbm>>) target(%dma_start3A_197 : memref<128x64xf32, #tpu.memory_space<vmem>>) offsets(%dma_start3A_200 : memref<128xi32, #tpu.memory_space<vmem>>) semaphore(%arg14 : memref<!tpu.dma_semaphore, #tpu.memory_space<semaphore_mem>>)
    %scan3A_204 = arith.constant 0 : i32
    %scan3A_205 = arith.constant 0 : i32
    %scan3A_206 = arith.constant 10 : i32
    %scan3A_207 = arith.addi %scan3A_205, %scan3A_206 : i32
    %scan3A_208 = arith.constant 1 : i32
    scf.for %scan3A_252 = %scan3A_205 to %scan3A_207 step %scan3A_208  : i32 {
      %mul3A_253 = arith.constant 2 : i32
      %mul3A_254 = arith.muli %mul3A_253, %scan3A_252 : i32
      %gt3A = arith.constant 0 : i32
      %gt3A_255 = arith.cmpi sgt, %scan3A_252, %gt3A : i32
      %convert_element_type3A_256 = arith.extui %gt3A_255 : i1 to i32
      %cond3A_257 = arith.constant 0 : i32
      %cond3A_258 = arith.cmpi ne, %convert_element_type3A_256, %cond3A_257 : i32
      scf.if %cond3A_258 {
        %dma_wait3A_509 = arith.constant 0 : i32
        %dma_wait3A_510 = arith.constant 0 : i32
        %dma_wait3A_511 = arith.constant 0 : i32
        %dma_wait3A_512 = tpu.memref_slice %arg13[%dma_wait3A_510, %dma_wait3A_511] : memref<512x64xf32, #tpu.memory_space<vmem>> -> memref<128x64xf32, #tpu.memory_space<vmem>>
        %dma_wait3A_513 = arith.constant 0 : i32
        %dma_wait3A_514 = tpu.memref_slice %arg11[%dma_wait3A_509, %dma_wait3A_513] : memref<4x128xi32, #tpu.memory_space<vmem>> -> memref<1x128xi32, #tpu.memory_space<vmem>>
        %dma_wait3A_515 = tpu.memref_squeeze %dma_wait3A_514 : memref<1x128xi32, #tpu.memory_space<vmem>> -> memref<128xi32, #tpu.memory_space<vmem>>
        %dma_wait3A_516 = arith.constant 0 : i32
        %dma_wait3A_517 = arith.constant 0 : i32
        %dma_wait3A_518 = tpu.memref_slice %arg18[%dma_wait3A_516, %dma_wait3A_517] : memref<10112x64xf32, #tpu.memory_space<vmem_shared>> -> memref<10112x64xf32, #tpu.memory_space<vmem_shared>>
        tpu.wait_indirect_dma semaphore(%arg17 : memref<!tpu.dma_semaphore, #tpu.memory_space<semaphore_mem>>) src(%dma_wait3A_512 : memref<128x64xf32, #tpu.memory_space<vmem>>) dst(%dma_wait3A_518 : memref<10112x64xf32, #tpu.memory_space<vmem_shared>>)
        %dma_wait3A_519 = arith.constant 1 : i32
        %dma_wait3A_520 = arith.constant 128 : i32
        %dma_wait3A_521 = arith.constant 0 : i32
        %dma_wait3A_522 = tpu.memref_slice %arg13[%dma_wait3A_520, %dma_wait3A_521] : memref<512x64xf32, #tpu.memory_space<vmem>> -> memref<128x64xf32, #tpu.memory_space<vmem>>
        %dma_wait3A_523 = arith.constant 0 : i32
        %dma_wait3A_524 = tpu.memref_slice %arg11[%dma_wait3A_519, %dma_wait3A_523] : memref<4x128xi32, #tpu.memory_space<vmem>> -> memref<1x128xi32, #tpu.memory_space<vmem>>
        %dma_wait3A_525 = tpu.memref_squeeze %dma_wait3A_524 : memref<1x128xi32, #tpu.memory_space<vmem>> -> memref<128xi32, #tpu.memory_space<vmem>>
        %dma_wait3A_526 = arith.constant 0 : i32
        %dma_wait3A_527 = arith.constant 0 : i32
        %dma_wait3A_528 = tpu.memref_slice %arg18[%dma_wait3A_526, %dma_wait3A_527] : memref<10112x64xf32, #tpu.memory_space<vmem_shared>> -> memref<10112x64xf32, #tpu.memory_space<vmem_shared>>
        tpu.wait_indirect_dma semaphore(%arg17 : memref<!tpu.dma_semaphore, #tpu.memory_space<semaphore_mem>>) src(%dma_wait3A_522 : memref<128x64xf32, #tpu.memory_space<vmem>>) dst(%dma_wait3A_528 : memref<10112x64xf32, #tpu.memory_space<vmem_shared>>)
        %dma_wait3A_529 = arith.constant 2 : i32
        %dma_wait3A_530 = arith.constant 256 : i32
        %dma_wait3A_531 = arith.constant 0 : i32
        %dma_wait3A_532 = tpu.memref_slice %arg13[%dma_wait3A_530, %dma_wait3A_531] : memref<512x64xf32, #tpu.memory_space<vmem>> -> memref<128x64xf32, #tpu.memory_space<vmem>>
        %dma_wait3A_533 = arith.constant 0 : i32
        %dma_wait3A_534 = tpu.memref_slice %arg11[%dma_wait3A_529, %dma_wait3A_533] : memref<4x128xi32, #tpu.memory_space<vmem>> -> memref<1x128xi32, #tpu.memory_space<vmem>>
        %dma_wait3A_535 = tpu.memref_squeeze %dma_wait3A_534 : memref<1x128xi32, #tpu.memory_space<vmem>> -> memref<128xi32, #tpu.memory_space<vmem>>
        %dma_wait3A_536 = arith.constant 0 : i32
        %dma_wait3A_537 = arith.constant 0 : i32
        %dma_wait3A_538 = tpu.memref_slice %arg18[%dma_wait3A_536, %dma_wait3A_537] : memref<10112x64xf32, #tpu.memory_space<vmem_shared>> -> memref<10112x64xf32, #tpu.memory_space<vmem_shared>>
        tpu.wait_indirect_dma semaphore(%arg17 : memref<!tpu.dma_semaphore, #tpu.memory_space<semaphore_mem>>) src(%dma_wait3A_532 : memref<128x64xf32, #tpu.memory_space<vmem>>) dst(%dma_wait3A_538 : memref<10112x64xf32, #tpu.memory_space<vmem_shared>>)
        %dma_wait3A_539 = arith.constant 3 : i32
        %dma_wait3A_540 = arith.constant 384 : i32
        %dma_wait3A_541 = arith.constant 0 : i32
        %dma_wait3A_542 = tpu.memref_slice %arg13[%dma_wait3A_540, %dma_wait3A_541] : memref<512x64xf32, #tpu.memory_space<vmem>> -> memref<128x64xf32, #tpu.memory_space<vmem>>
        %dma_wait3A_543 = arith.constant 0 : i32
        %dma_wait3A_544 = tpu.memref_slice %arg11[%dma_wait3A_539, %dma_wait3A_543] : memref<4x128xi32, #tpu.memory_space<vmem>> -> memref<1x128xi32, #tpu.memory_space<vmem>>
        %dma_wait3A_545 = tpu.memref_squeeze %dma_wait3A_544 : memref<1x128xi32, #tpu.memory_space<vmem>> -> memref<128xi32, #tpu.memory_space<vmem>>
        %dma_wait3A_546 = arith.constant 0 : i32
        %dma_wait3A_547 = arith.constant 0 : i32
        %dma_wait3A_548 = tpu.memref_slice %arg18[%dma_wait3A_546, %dma_wait3A_547] : memref<10112x64xf32, #tpu.memory_space<vmem_shared>> -> memref<10112x64xf32, #tpu.memory_space<vmem_shared>>
        tpu.wait_indirect_dma semaphore(%arg17 : memref<!tpu.dma_semaphore, #tpu.memory_space<semaphore_mem>>) src(%dma_wait3A_542 : memref<128x64xf32, #tpu.memory_space<vmem>>) dst(%dma_wait3A_548 : memref<10112x64xf32, #tpu.memory_space<vmem_shared>>)
      } else {
      }
      %add3A_259 = arith.constant 1 : i32
      %add3A_260 = arith.addi %mul3A_254, %add3A_259 : i32
      %mul3A_261 = arith.constant 4 : i32
      %mul3A_262 = arith.muli %add3A_260, %mul3A_261 : i32
      %add3A_263 = arith.addi %select_n3A_162, %mul3A_262 : i32
      %multiple_of3A_264 = tpu.assume_multiple %add3A_263, 4 : i32
      "tpu.region"() ({
        %run_scoped3A = tpu.sem_alloc : memref<!tpu.dma_semaphore, #tpu.memory_space<semaphore_mem>>
        %dma_start3A_509 = arith.constant 0 : i32
        %dma_start3A_510 = tpu.memref_slice %arg4[%multiple_of3A_264, %dma_start3A_509] : memref<2560x128xi32, #tpu.memory_space<hbm>> -> memref<4x128xi32, #tpu.memory_space<hbm>>
        %dma_start3A_511 = arith.constant 0 : i32
        %dma_start3A_512 = tpu.memref_slice %arg4[%multiple_of3A_264, %dma_start3A_511] : memref<2560x128xi32, #tpu.memory_space<hbm>> -> memref<4x128xi32, #tpu.memory_space<hbm>>
        tpu.enqueue_dma source(%dma_start3A_512 : memref<4x128xi32, #tpu.memory_space<hbm>>) target(%arg10 : memref<4x128xi32, #tpu.memory_space<vmem>>) target_semaphore(%run_scoped3A : memref<!tpu.dma_semaphore, #tpu.memory_space<semaphore_mem>>)
        %dma_wait3A_513 = arith.constant 0 : i32
        %dma_wait3A_514 = tpu.memref_slice %arg4[%multiple_of3A_264, %dma_wait3A_513] : memref<2560x128xi32, #tpu.memory_space<hbm>> -> memref<4x128xi32, #tpu.memory_space<hbm>>
        %dma_wait3A_515 = arith.constant 0 : i32
        %dma_wait3A_516 = tpu.memref_slice %arg4[%multiple_of3A_264, %dma_wait3A_515] : memref<2560x128xi32, #tpu.memory_space<hbm>> -> memref<4x128xi32, #tpu.memory_space<hbm>>
        tpu.wait_dma2 semaphore(%run_scoped3A : memref<!tpu.dma_semaphore, #tpu.memory_space<semaphore_mem>>) src(%dma_wait3A_516 : memref<4x128xi32, #tpu.memory_space<hbm>>) dst(%arg10 : memref<4x128xi32, #tpu.memory_space<vmem>>)
        tpu.yield
      }) : () -> ()
      "tpu.region"() ({
        %run_scoped3A = tpu.sem_alloc : memref<!tpu.dma_semaphore, #tpu.memory_space<semaphore_mem>>
        %dma_start3A_509 = arith.constant 0 : i32
        %dma_start3A_510 = tpu.memref_slice %arg5[%multiple_of3A_264, %dma_start3A_509] : memref<2560x128xi32, #tpu.memory_space<hbm>> -> memref<4x128xi32, #tpu.memory_space<hbm>>
        %dma_start3A_511 = arith.constant 0 : i32
        %dma_start3A_512 = tpu.memref_slice %arg5[%multiple_of3A_264, %dma_start3A_511] : memref<2560x128xi32, #tpu.memory_space<hbm>> -> memref<4x128xi32, #tpu.memory_space<hbm>>
        tpu.enqueue_dma source(%dma_start3A_512 : memref<4x128xi32, #tpu.memory_space<hbm>>) target(%arg11 : memref<4x128xi32, #tpu.memory_space<vmem>>) target_semaphore(%run_scoped3A : memref<!tpu.dma_semaphore, #tpu.memory_space<semaphore_mem>>)
        %dma_wait3A_513 = arith.constant 0 : i32
        %dma_wait3A_514 = tpu.memref_slice %arg5[%multiple_of3A_264, %dma_wait3A_513] : memref<2560x128xi32, #tpu.memory_space<hbm>> -> memref<4x128xi32, #tpu.memory_space<hbm>>
        %dma_wait3A_515 = arith.constant 0 : i32
        %dma_wait3A_516 = tpu.memref_slice %arg5[%multiple_of3A_264, %dma_wait3A_515] : memref<2560x128xi32, #tpu.memory_space<hbm>> -> memref<4x128xi32, #tpu.memory_space<hbm>>
        tpu.wait_dma2 semaphore(%run_scoped3A : memref<!tpu.dma_semaphore, #tpu.memory_space<semaphore_mem>>) src(%dma_wait3A_516 : memref<4x128xi32, #tpu.memory_space<hbm>>) dst(%arg11 : memref<4x128xi32, #tpu.memory_space<vmem>>)
        tpu.yield
      }) : () -> ()
      %dma_wait3A_265 = arith.constant 0 : i32
      %dma_wait3A_266 = arith.constant 0 : i32
      %dma_wait3A_267 = arith.constant 0 : i32
      %dma_wait3A_268 = tpu.memref_slice %arg12[%dma_wait3A_266, %dma_wait3A_267] : memref<512x64xf32, #tpu.memory_space<vmem>> -> memref<128x64xf32, #tpu.memory_space<vmem>>
      %dma_wait3A_269 = arith.constant 0 : i32
      %dma_wait3A_270 = tpu.memref_slice %arg8[%dma_wait3A_265, %dma_wait3A_269] : memref<4x128xi32, #tpu.memory_space<vmem>> -> memref<1x128xi32, #tpu.memory_space<vmem>>
      %dma_wait3A_271 = tpu.memref_squeeze %dma_wait3A_270 : memref<1x128xi32, #tpu.memory_space<vmem>> -> memref<128xi32, #tpu.memory_space<vmem>>
      %dma_wait3A_272 = arith.constant 0 : i32
      %dma_wait3A_273 = arith.constant 0 : i32
      %dma_wait3A_274 = tpu.memref_slice %arg3[%dma_wait3A_272, %dma_wait3A_273] : memref<10112x64xf32, #tpu.memory_space<hbm>> -> memref<10112x64xf32, #tpu.memory_space<hbm>>
      tpu.wait_indirect_dma semaphore(%arg14 : memref<!tpu.dma_semaphore, #tpu.memory_space<semaphore_mem>>) src(%dma_wait3A_274 : memref<10112x64xf32, #tpu.memory_space<hbm>>) dst(%dma_wait3A_268 : memref<128x64xf32, #tpu.memory_space<vmem>>)
      %dma_wait3A_275 = arith.constant 1 : i32
      %dma_wait3A_276 = arith.constant 128 : i32
      %dma_wait3A_277 = arith.constant 0 : i32
      %dma_wait3A_278 = tpu.memref_slice %arg12[%dma_wait3A_276, %dma_wait3A_277] : memref<512x64xf32, #tpu.memory_space<vmem>> -> memref<128x64xf32, #tpu.memory_space<vmem>>
      %dma_wait3A_279 = arith.constant 0 : i32
      %dma_wait3A_280 = tpu.memref_slice %arg8[%dma_wait3A_275, %dma_wait3A_279] : memref<4x128xi32, #tpu.memory_space<vmem>> -> memref<1x128xi32, #tpu.memory_space<vmem>>
      %dma_wait3A_281 = tpu.memref_squeeze %dma_wait3A_280 : memref<1x128xi32, #tpu.memory_space<vmem>> -> memref<128xi32, #tpu.memory_space<vmem>>
      %dma_wait3A_282 = arith.constant 0 : i32
      %dma_wait3A_283 = arith.constant 0 : i32
      %dma_wait3A_284 = tpu.memref_slice %arg3[%dma_wait3A_282, %dma_wait3A_283] : memref<10112x64xf32, #tpu.memory_space<hbm>> -> memref<10112x64xf32, #tpu.memory_space<hbm>>
      tpu.wait_indirect_dma semaphore(%arg14 : memref<!tpu.dma_semaphore, #tpu.memory_space<semaphore_mem>>) src(%dma_wait3A_284 : memref<10112x64xf32, #tpu.memory_space<hbm>>) dst(%dma_wait3A_278 : memref<128x64xf32, #tpu.memory_space<vmem>>)
      %dma_wait3A_285 = arith.constant 2 : i32
      %dma_wait3A_286 = arith.constant 256 : i32
      %dma_wait3A_287 = arith.constant 0 : i32
      %dma_wait3A_288 = tpu.memref_slice %arg12[%dma_wait3A_286, %dma_wait3A_287] : memref<512x64xf32, #tpu.memory_space<vmem>> -> memref<128x64xf32, #tpu.memory_space<vmem>>
      %dma_wait3A_289 = arith.constant 0 : i32
      %dma_wait3A_290 = tpu.memref_slice %arg8[%dma_wait3A_285, %dma_wait3A_289] : memref<4x128xi32, #tpu.memory_space<vmem>> -> memref<1x128xi32, #tpu.memory_space<vmem>>
      %dma_wait3A_291 = tpu.memref_squeeze %dma_wait3A_290 : memref<1x128xi32, #tpu.memory_space<vmem>> -> memref<128xi32, #tpu.memory_space<vmem>>
      %dma_wait3A_292 = arith.constant 0 : i32
      %dma_wait3A_293 = arith.constant 0 : i32
      %dma_wait3A_294 = tpu.memref_slice %arg3[%dma_wait3A_292, %dma_wait3A_293] : memref<10112x64xf32, #tpu.memory_space<hbm>> -> memref<10112x64xf32, #tpu.memory_space<hbm>>
      tpu.wait_indirect_dma semaphore(%arg14 : memref<!tpu.dma_semaphore, #tpu.memory_space<semaphore_mem>>) src(%dma_wait3A_294 : memref<10112x64xf32, #tpu.memory_space<hbm>>) dst(%dma_wait3A_288 : memref<128x64xf32, #tpu.memory_space<vmem>>)
      %dma_wait3A_295 = arith.constant 3 : i32
      %dma_wait3A_296 = arith.constant 384 : i32
      %dma_wait3A_297 = arith.constant 0 : i32
      %dma_wait3A_298 = tpu.memref_slice %arg12[%dma_wait3A_296, %dma_wait3A_297] : memref<512x64xf32, #tpu.memory_space<vmem>> -> memref<128x64xf32, #tpu.memory_space<vmem>>
      %dma_wait3A_299 = arith.constant 0 : i32
      %dma_wait3A_300 = tpu.memref_slice %arg8[%dma_wait3A_295, %dma_wait3A_299] : memref<4x128xi32, #tpu.memory_space<vmem>> -> memref<1x128xi32, #tpu.memory_space<vmem>>
      %dma_wait3A_301 = tpu.memref_squeeze %dma_wait3A_300 : memref<1x128xi32, #tpu.memory_space<vmem>> -> memref<128xi32, #tpu.memory_space<vmem>>
      %dma_wait3A_302 = arith.constant 0 : i32
      %dma_wait3A_303 = arith.constant 0 : i32
      %dma_wait3A_304 = tpu.memref_slice %arg3[%dma_wait3A_302, %dma_wait3A_303] : memref<10112x64xf32, #tpu.memory_space<hbm>> -> memref<10112x64xf32, #tpu.memory_space<hbm>>
      tpu.wait_indirect_dma semaphore(%arg14 : memref<!tpu.dma_semaphore, #tpu.memory_space<semaphore_mem>>) src(%dma_wait3A_304 : memref<10112x64xf32, #tpu.memory_space<hbm>>) dst(%dma_wait3A_298 : memref<128x64xf32, #tpu.memory_space<vmem>>)
      %dma_start3A_305 = arith.constant 0 : i32
      %dma_start3A_306 = arith.constant 0 : i32
      %dma_start3A_307 = arith.constant 0 : i32
      %dma_start3A_308 = tpu.memref_slice %arg12[%dma_start3A_306, %dma_start3A_307] : memref<512x64xf32, #tpu.memory_space<vmem>> -> memref<128x64xf32, #tpu.memory_space<vmem>>
      %dma_start3A_309 = arith.constant 0 : i32
      %dma_start3A_310 = tpu.memref_slice %arg9[%dma_start3A_305, %dma_start3A_309] : memref<4x128xi32, #tpu.memory_space<vmem>> -> memref<1x128xi32, #tpu.memory_space<vmem>>
      %dma_start3A_311 = tpu.memref_squeeze %dma_start3A_310 : memref<1x128xi32, #tpu.memory_space<vmem>> -> memref<128xi32, #tpu.memory_space<vmem>>
      %dma_start3A_312 = arith.constant 0 : i32
      %dma_start3A_313 = arith.constant 0 : i32
      %dma_start3A_314 = tpu.memref_slice %arg18[%dma_start3A_312, %dma_start3A_313] : memref<10112x64xf32, #tpu.memory_space<vmem_shared>> -> memref<10112x64xf32, #tpu.memory_space<vmem_shared>>
      tpu.enqueue_indirect_dma source(%dma_start3A_308 : memref<128x64xf32, #tpu.memory_space<vmem>>) target(%dma_start3A_314 : memref<10112x64xf32, #tpu.memory_space<vmem_shared>>) offsets(%dma_start3A_311 : memref<128xi32, #tpu.memory_space<vmem>>) semaphore(%arg16 : memref<!tpu.dma_semaphore, #tpu.memory_space<semaphore_mem>>) {add = true}
      %dma_start3A_315 = arith.constant 1 : i32
      %dma_start3A_316 = arith.constant 128 : i32
      %dma_start3A_317 = arith.constant 0 : i32
      %dma_start3A_318 = tpu.memref_slice %arg12[%dma_start3A_316, %dma_start3A_317] : memref<512x64xf32, #tpu.memory_space<vmem>> -> memref<128x64xf32, #tpu.memory_space<vmem>>
      %dma_start3A_319 = arith.constant 0 : i32
      %dma_start3A_320 = tpu.memref_slice %arg9[%dma_start3A_315, %dma_start3A_319] : memref<4x128xi32, #tpu.memory_space<vmem>> -> memref<1x128xi32, #tpu.memory_space<vmem>>
      %dma_start3A_321 = tpu.memref_squeeze %dma_start3A_320 : memref<1x128xi32, #tpu.memory_space<vmem>> -> memref<128xi32, #tpu.memory_space<vmem>>
      %dma_start3A_322 = arith.constant 0 : i32
      %dma_start3A_323 = arith.constant 0 : i32
      %dma_start3A_324 = tpu.memref_slice %arg18[%dma_start3A_322, %dma_start3A_323] : memref<10112x64xf32, #tpu.memory_space<vmem_shared>> -> memref<10112x64xf32, #tpu.memory_space<vmem_shared>>
      tpu.enqueue_indirect_dma source(%dma_start3A_318 : memref<128x64xf32, #tpu.memory_space<vmem>>) target(%dma_start3A_324 : memref<10112x64xf32, #tpu.memory_space<vmem_shared>>) offsets(%dma_start3A_321 : memref<128xi32, #tpu.memory_space<vmem>>) semaphore(%arg16 : memref<!tpu.dma_semaphore, #tpu.memory_space<semaphore_mem>>) {add = true}
      %dma_start3A_325 = arith.constant 2 : i32
      %dma_start3A_326 = arith.constant 256 : i32
      %dma_start3A_327 = arith.constant 0 : i32
      %dma_start3A_328 = tpu.memref_slice %arg12[%dma_start3A_326, %dma_start3A_327] : memref<512x64xf32, #tpu.memory_space<vmem>> -> memref<128x64xf32, #tpu.memory_space<vmem>>
      %dma_start3A_329 = arith.constant 0 : i32
      %dma_start3A_330 = tpu.memref_slice %arg9[%dma_start3A_325, %dma_start3A_329] : memref<4x128xi32, #tpu.memory_space<vmem>> -> memref<1x128xi32, #tpu.memory_space<vmem>>
      %dma_start3A_331 = tpu.memref_squeeze %dma_start3A_330 : memref<1x128xi32, #tpu.memory_space<vmem>> -> memref<128xi32, #tpu.memory_space<vmem>>
      %dma_start3A_332 = arith.constant 0 : i32
      %dma_start3A_333 = arith.constant 0 : i32
      %dma_start3A_334 = tpu.memref_slice %arg18[%dma_start3A_332, %dma_start3A_333] : memref<10112x64xf32, #tpu.memory_space<vmem_shared>> -> memref<10112x64xf32, #tpu.memory_space<vmem_shared>>
      tpu.enqueue_indirect_dma source(%dma_start3A_328 : memref<128x64xf32, #tpu.memory_space<vmem>>) target(%dma_start3A_334 : memref<10112x64xf32, #tpu.memory_space<vmem_shared>>) offsets(%dma_start3A_331 : memref<128xi32, #tpu.memory_space<vmem>>) semaphore(%arg16 : memref<!tpu.dma_semaphore, #tpu.memory_space<semaphore_mem>>) {add = true}
      %dma_start3A_335 = arith.constant 3 : i32
      %dma_start3A_336 = arith.constant 384 : i32
      %dma_start3A_337 = arith.constant 0 : i32
      %dma_start3A_338 = tpu.memref_slice %arg12[%dma_start3A_336, %dma_start3A_337] : memref<512x64xf32, #tpu.memory_space<vmem>> -> memref<128x64xf32, #tpu.memory_space<vmem>>
      %dma_start3A_339 = arith.constant 0 : i32
      %dma_start3A_340 = tpu.memref_slice %arg9[%dma_start3A_335, %dma_start3A_339] : memref<4x128xi32, #tpu.memory_space<vmem>> -> memref<1x128xi32, #tpu.memory_space<vmem>>
      %dma_start3A_341 = tpu.memref_squeeze %dma_start3A_340 : memref<1x128xi32, #tpu.memory_space<vmem>> -> memref<128xi32, #tpu.memory_space<vmem>>
      %dma_start3A_342 = arith.constant 0 : i32
      %dma_start3A_343 = arith.constant 0 : i32
      %dma_start3A_344 = tpu.memref_slice %arg18[%dma_start3A_342, %dma_start3A_343] : memref<10112x64xf32, #tpu.memory_space<vmem_shared>> -> memref<10112x64xf32, #tpu.memory_space<vmem_shared>>
      tpu.enqueue_indirect_dma source(%dma_start3A_338 : memref<128x64xf32, #tpu.memory_space<vmem>>) target(%dma_start3A_344 : memref<10112x64xf32, #tpu.memory_space<vmem_shared>>) offsets(%dma_start3A_341 : memref<128xi32, #tpu.memory_space<vmem>>) semaphore(%arg16 : memref<!tpu.dma_semaphore, #tpu.memory_space<semaphore_mem>>) {add = true}
      %dma_start3A_345 = arith.constant 0 : i32
      %dma_start3A_346 = arith.constant 0 : i32
      %dma_start3A_347 = arith.constant 0 : i32
      %dma_start3A_348 = tpu.memref_slice %arg13[%dma_start3A_346, %dma_start3A_347] : memref<512x64xf32, #tpu.memory_space<vmem>> -> memref<128x64xf32, #tpu.memory_space<vmem>>
      %dma_start3A_349 = arith.constant 0 : i32
      %dma_start3A_350 = tpu.memref_slice %arg10[%dma_start3A_345, %dma_start3A_349] : memref<4x128xi32, #tpu.memory_space<vmem>> -> memref<1x128xi32, #tpu.memory_space<vmem>>
      %dma_start3A_351 = tpu.memref_squeeze %dma_start3A_350 : memref<1x128xi32, #tpu.memory_space<vmem>> -> memref<128xi32, #tpu.memory_space<vmem>>
      %dma_start3A_352 = arith.constant 0 : i32
      %dma_start3A_353 = arith.constant 0 : i32
      %dma_start3A_354 = tpu.memref_slice %arg3[%dma_start3A_352, %dma_start3A_353] : memref<10112x64xf32, #tpu.memory_space<hbm>> -> memref<10112x64xf32, #tpu.memory_space<hbm>>
      tpu.enqueue_indirect_dma source(%dma_start3A_354 : memref<10112x64xf32, #tpu.memory_space<hbm>>) target(%dma_start3A_348 : memref<128x64xf32, #tpu.memory_space<vmem>>) offsets(%dma_start3A_351 : memref<128xi32, #tpu.memory_space<vmem>>) semaphore(%arg15 : memref<!tpu.dma_semaphore, #tpu.memory_space<semaphore_mem>>)
      %dma_start3A_355 = arith.constant 1 : i32
      %dma_start3A_356 = arith.constant 128 : i32
      %dma_start3A_357 = arith.constant 0 : i32
      %dma_start3A_358 = tpu.memref_slice %arg13[%dma_start3A_356, %dma_start3A_357] : memref<512x64xf32, #tpu.memory_space<vmem>> -> memref<128x64xf32, #tpu.memory_space<vmem>>
      %dma_start3A_359 = arith.constant 0 : i32
      %dma_start3A_360 = tpu.memref_slice %arg10[%dma_start3A_355, %dma_start3A_359] : memref<4x128xi32, #tpu.memory_space<vmem>> -> memref<1x128xi32, #tpu.memory_space<vmem>>
      %dma_start3A_361 = tpu.memref_squeeze %dma_start3A_360 : memref<1x128xi32, #tpu.memory_space<vmem>> -> memref<128xi32, #tpu.memory_space<vmem>>
      %dma_start3A_362 = arith.constant 0 : i32
      %dma_start3A_363 = arith.constant 0 : i32
      %dma_start3A_364 = tpu.memref_slice %arg3[%dma_start3A_362, %dma_start3A_363] : memref<10112x64xf32, #tpu.memory_space<hbm>> -> memref<10112x64xf32, #tpu.memory_space<hbm>>
      tpu.enqueue_indirect_dma source(%dma_start3A_364 : memref<10112x64xf32, #tpu.memory_space<hbm>>) target(%dma_start3A_358 : memref<128x64xf32, #tpu.memory_space<vmem>>) offsets(%dma_start3A_361 : memref<128xi32, #tpu.memory_space<vmem>>) semaphore(%arg15 : memref<!tpu.dma_semaphore, #tpu.memory_space<semaphore_mem>>)
      %dma_start3A_365 = arith.constant 2 : i32
      %dma_start3A_366 = arith.constant 256 : i32
      %dma_start3A_367 = arith.constant 0 : i32
      %dma_start3A_368 = tpu.memref_slice %arg13[%dma_start3A_366, %dma_start3A_367] : memref<512x64xf32, #tpu.memory_space<vmem>> -> memref<128x64xf32, #tpu.memory_space<vmem>>
      %dma_start3A_369 = arith.constant 0 : i32
      %dma_start3A_370 = tpu.memref_slice %arg10[%dma_start3A_365, %dma_start3A_369] : memref<4x128xi32, #tpu.memory_space<vmem>> -> memref<1x128xi32, #tpu.memory_space<vmem>>
      %dma_start3A_371 = tpu.memref_squeeze %dma_start3A_370 : memref<1x128xi32, #tpu.memory_space<vmem>> -> memref<128xi32, #tpu.memory_space<vmem>>
      %dma_start3A_372 = arith.constant 0 : i32
      %dma_start3A_373 = arith.constant 0 : i32
      %dma_start3A_374 = tpu.memref_slice %arg3[%dma_start3A_372, %dma_start3A_373] : memref<10112x64xf32, #tpu.memory_space<hbm>> -> memref<10112x64xf32, #tpu.memory_space<hbm>>
      tpu.enqueue_indirect_dma source(%dma_start3A_374 : memref<10112x64xf32, #tpu.memory_space<hbm>>) target(%dma_start3A_368 : memref<128x64xf32, #tpu.memory_space<vmem>>) offsets(%dma_start3A_371 : memref<128xi32, #tpu.memory_space<vmem>>) semaphore(%arg15 : memref<!tpu.dma_semaphore, #tpu.memory_space<semaphore_mem>>)
      %dma_start3A_375 = arith.constant 3 : i32
      %dma_start3A_376 = arith.constant 384 : i32
      %dma_start3A_377 = arith.constant 0 : i32
      %dma_start3A_378 = tpu.memref_slice %arg13[%dma_start3A_376, %dma_start3A_377] : memref<512x64xf32, #tpu.memory_space<vmem>> -> memref<128x64xf32, #tpu.memory_space<vmem>>
      %dma_start3A_379 = arith.constant 0 : i32
      %dma_start3A_380 = tpu.memref_slice %arg10[%dma_start3A_375, %dma_start3A_379] : memref<4x128xi32, #tpu.memory_space<vmem>> -> memref<1x128xi32, #tpu.memory_space<vmem>>
      %dma_start3A_381 = tpu.memref_squeeze %dma_start3A_380 : memref<1x128xi32, #tpu.memory_space<vmem>> -> memref<128xi32, #tpu.memory_space<vmem>>
      %dma_start3A_382 = arith.constant 0 : i32
      %dma_start3A_383 = arith.constant 0 : i32
      %dma_start3A_384 = tpu.memref_slice %arg3[%dma_start3A_382, %dma_start3A_383] : memref<10112x64xf32, #tpu.memory_space<hbm>> -> memref<10112x64xf32, #tpu.memory_space<hbm>>
      tpu.enqueue_indirect_dma source(%dma_start3A_384 : memref<10112x64xf32, #tpu.memory_space<hbm>>) target(%dma_start3A_378 : memref<128x64xf32, #tpu.memory_space<vmem>>) offsets(%dma_start3A_381 : memref<128xi32, #tpu.memory_space<vmem>>) semaphore(%arg15 : memref<!tpu.dma_semaphore, #tpu.memory_space<semaphore_mem>>)
      %dma_wait3A_385 = arith.constant 0 : i32
      %dma_wait3A_386 = arith.constant 0 : i32
      %dma_wait3A_387 = arith.constant 0 : i32
      %dma_wait3A_388 = tpu.memref_slice %arg13[%dma_wait3A_386, %dma_wait3A_387] : memref<512x64xf32, #tpu.memory_space<vmem>> -> memref<128x64xf32, #tpu.memory_space<vmem>>
      %dma_wait3A_389 = arith.constant 0 : i32
      %dma_wait3A_390 = tpu.memref_slice %arg10[%dma_wait3A_385, %dma_wait3A_389] : memref<4x128xi32, #tpu.memory_space<vmem>> -> memref<1x128xi32, #tpu.memory_space<vmem>>
      %dma_wait3A_391 = tpu.memref_squeeze %dma_wait3A_390 : memref<1x128xi32, #tpu.memory_space<vmem>> -> memref<128xi32, #tpu.memory_space<vmem>>
      %dma_wait3A_392 = arith.constant 0 : i32
      %dma_wait3A_393 = arith.constant 0 : i32
      %dma_wait3A_394 = tpu.memref_slice %arg3[%dma_wait3A_392, %dma_wait3A_393] : memref<10112x64xf32, #tpu.memory_space<hbm>> -> memref<10112x64xf32, #tpu.memory_space<hbm>>
      tpu.wait_indirect_dma semaphore(%arg15 : memref<!tpu.dma_semaphore, #tpu.memory_space<semaphore_mem>>) src(%dma_wait3A_394 : memref<10112x64xf32, #tpu.memory_space<hbm>>) dst(%dma_wait3A_388 : memref<128x64xf32, #tpu.memory_space<vmem>>)
      %dma_wait3A_395 = arith.constant 1 : i32
      %dma_wait3A_396 = arith.constant 128 : i32
      %dma_wait3A_397 = arith.constant 0 : i32
      %dma_wait3A_398 = tpu.memref_slice %arg13[%dma_wait3A_396, %dma_wait3A_397] : memref<512x64xf32, #tpu.memory_space<vmem>> -> memref<128x64xf32, #tpu.memory_space<vmem>>
      %dma_wait3A_399 = arith.constant 0 : i32
      %dma_wait3A_400 = tpu.memref_slice %arg10[%dma_wait3A_395, %dma_wait3A_399] : memref<4x128xi32, #tpu.memory_space<vmem>> -> memref<1x128xi32, #tpu.memory_space<vmem>>
      %dma_wait3A_401 = tpu.memref_squeeze %dma_wait3A_400 : memref<1x128xi32, #tpu.memory_space<vmem>> -> memref<128xi32, #tpu.memory_space<vmem>>
      %dma_wait3A_402 = arith.constant 0 : i32
      %dma_wait3A_403 = arith.constant 0 : i32
      %dma_wait3A_404 = tpu.memref_slice %arg3[%dma_wait3A_402, %dma_wait3A_403] : memref<10112x64xf32, #tpu.memory_space<hbm>> -> memref<10112x64xf32, #tpu.memory_space<hbm>>
      tpu.wait_indirect_dma semaphore(%arg15 : memref<!tpu.dma_semaphore, #tpu.memory_space<semaphore_mem>>) src(%dma_wait3A_404 : memref<10112x64xf32, #tpu.memory_space<hbm>>) dst(%dma_wait3A_398 : memref<128x64xf32, #tpu.memory_space<vmem>>)
      %dma_wait3A_405 = arith.constant 2 : i32
      %dma_wait3A_406 = arith.constant 256 : i32
      %dma_wait3A_407 = arith.constant 0 : i32
      %dma_wait3A_408 = tpu.memref_slice %arg13[%dma_wait3A_406, %dma_wait3A_407] : memref<512x64xf32, #tpu.memory_space<vmem>> -> memref<128x64xf32, #tpu.memory_space<vmem>>
      %dma_wait3A_409 = arith.constant 0 : i32
      %dma_wait3A_410 = tpu.memref_slice %arg10[%dma_wait3A_405, %dma_wait3A_409] : memref<4x128xi32, #tpu.memory_space<vmem>> -> memref<1x128xi32, #tpu.memory_space<vmem>>
      %dma_wait3A_411 = tpu.memref_squeeze %dma_wait3A_410 : memref<1x128xi32, #tpu.memory_space<vmem>> -> memref<128xi32, #tpu.memory_space<vmem>>
      %dma_wait3A_412 = arith.constant 0 : i32
      %dma_wait3A_413 = arith.constant 0 : i32
      %dma_wait3A_414 = tpu.memref_slice %arg3[%dma_wait3A_412, %dma_wait3A_413] : memref<10112x64xf32, #tpu.memory_space<hbm>> -> memref<10112x64xf32, #tpu.memory_space<hbm>>
      tpu.wait_indirect_dma semaphore(%arg15 : memref<!tpu.dma_semaphore, #tpu.memory_space<semaphore_mem>>) src(%dma_wait3A_414 : memref<10112x64xf32, #tpu.memory_space<hbm>>) dst(%dma_wait3A_408 : memref<128x64xf32, #tpu.memory_space<vmem>>)
      %dma_wait3A_415 = arith.constant 3 : i32
      %dma_wait3A_416 = arith.constant 384 : i32
      %dma_wait3A_417 = arith.constant 0 : i32
      %dma_wait3A_418 = tpu.memref_slice %arg13[%dma_wait3A_416, %dma_wait3A_417] : memref<512x64xf32, #tpu.memory_space<vmem>> -> memref<128x64xf32, #tpu.memory_space<vmem>>
      %dma_wait3A_419 = arith.constant 0 : i32
      %dma_wait3A_420 = tpu.memref_slice %arg10[%dma_wait3A_415, %dma_wait3A_419] : memref<4x128xi32, #tpu.memory_space<vmem>> -> memref<1x128xi32, #tpu.memory_space<vmem>>
      %dma_wait3A_421 = tpu.memref_squeeze %dma_wait3A_420 : memref<1x128xi32, #tpu.memory_space<vmem>> -> memref<128xi32, #tpu.memory_space<vmem>>
      %dma_wait3A_422 = arith.constant 0 : i32
      %dma_wait3A_423 = arith.constant 0 : i32
      %dma_wait3A_424 = tpu.memref_slice %arg3[%dma_wait3A_422, %dma_wait3A_423] : memref<10112x64xf32, #tpu.memory_space<hbm>> -> memref<10112x64xf32, #tpu.memory_space<hbm>>
      tpu.wait_indirect_dma semaphore(%arg15 : memref<!tpu.dma_semaphore, #tpu.memory_space<semaphore_mem>>) src(%dma_wait3A_424 : memref<10112x64xf32, #tpu.memory_space<hbm>>) dst(%dma_wait3A_418 : memref<128x64xf32, #tpu.memory_space<vmem>>)
      %dma_start3A_425 = arith.constant 0 : i32
      %dma_start3A_426 = arith.constant 0 : i32
      %dma_start3A_427 = arith.constant 0 : i32
      %dma_start3A_428 = tpu.memref_slice %arg13[%dma_start3A_426, %dma_start3A_427] : memref<512x64xf32, #tpu.memory_space<vmem>> -> memref<128x64xf32, #tpu.memory_space<vmem>>
      %dma_start3A_429 = arith.constant 0 : i32
      %dma_start3A_430 = tpu.memref_slice %arg11[%dma_start3A_425, %dma_start3A_429] : memref<4x128xi32, #tpu.memory_space<vmem>> -> memref<1x128xi32, #tpu.memory_space<vmem>>
      %dma_start3A_431 = tpu.memref_squeeze %dma_start3A_430 : memref<1x128xi32, #tpu.memory_space<vmem>> -> memref<128xi32, #tpu.memory_space<vmem>>
      %dma_start3A_432 = arith.constant 0 : i32
      %dma_start3A_433 = arith.constant 0 : i32
      %dma_start3A_434 = tpu.memref_slice %arg18[%dma_start3A_432, %dma_start3A_433] : memref<10112x64xf32, #tpu.memory_space<vmem_shared>> -> memref<10112x64xf32, #tpu.memory_space<vmem_shared>>
      tpu.enqueue_indirect_dma source(%dma_start3A_428 : memref<128x64xf32, #tpu.memory_space<vmem>>) target(%dma_start3A_434 : memref<10112x64xf32, #tpu.memory_space<vmem_shared>>) offsets(%dma_start3A_431 : memref<128xi32, #tpu.memory_space<vmem>>) semaphore(%arg17 : memref<!tpu.dma_semaphore, #tpu.memory_space<semaphore_mem>>) {add = true}
      %dma_start3A_435 = arith.constant 1 : i32
      %dma_start3A_436 = arith.constant 128 : i32
      %dma_start3A_437 = arith.constant 0 : i32
      %dma_start3A_438 = tpu.memref_slice %arg13[%dma_start3A_436, %dma_start3A_437] : memref<512x64xf32, #tpu.memory_space<vmem>> -> memref<128x64xf32, #tpu.memory_space<vmem>>
      %dma_start3A_439 = arith.constant 0 : i32
      %dma_start3A_440 = tpu.memref_slice %arg11[%dma_start3A_435, %dma_start3A_439] : memref<4x128xi32, #tpu.memory_space<vmem>> -> memref<1x128xi32, #tpu.memory_space<vmem>>
      %dma_start3A_441 = tpu.memref_squeeze %dma_start3A_440 : memref<1x128xi32, #tpu.memory_space<vmem>> -> memref<128xi32, #tpu.memory_space<vmem>>
      %dma_start3A_442 = arith.constant 0 : i32
      %dma_start3A_443 = arith.constant 0 : i32
      %dma_start3A_444 = tpu.memref_slice %arg18[%dma_start3A_442, %dma_start3A_443] : memref<10112x64xf32, #tpu.memory_space<vmem_shared>> -> memref<10112x64xf32, #tpu.memory_space<vmem_shared>>
      tpu.enqueue_indirect_dma source(%dma_start3A_438 : memref<128x64xf32, #tpu.memory_space<vmem>>) target(%dma_start3A_444 : memref<10112x64xf32, #tpu.memory_space<vmem_shared>>) offsets(%dma_start3A_441 : memref<128xi32, #tpu.memory_space<vmem>>) semaphore(%arg17 : memref<!tpu.dma_semaphore, #tpu.memory_space<semaphore_mem>>) {add = true}
      %dma_start3A_445 = arith.constant 2 : i32
      %dma_start3A_446 = arith.constant 256 : i32
      %dma_start3A_447 = arith.constant 0 : i32
      %dma_start3A_448 = tpu.memref_slice %arg13[%dma_start3A_446, %dma_start3A_447] : memref<512x64xf32, #tpu.memory_space<vmem>> -> memref<128x64xf32, #tpu.memory_space<vmem>>
      %dma_start3A_449 = arith.constant 0 : i32
      %dma_start3A_450 = tpu.memref_slice %arg11[%dma_start3A_445, %dma_start3A_449] : memref<4x128xi32, #tpu.memory_space<vmem>> -> memref<1x128xi32, #tpu.memory_space<vmem>>
      %dma_start3A_451 = tpu.memref_squeeze %dma_start3A_450 : memref<1x128xi32, #tpu.memory_space<vmem>> -> memref<128xi32, #tpu.memory_space<vmem>>
      %dma_start3A_452 = arith.constant 0 : i32
      %dma_start3A_453 = arith.constant 0 : i32
      %dma_start3A_454 = tpu.memref_slice %arg18[%dma_start3A_452, %dma_start3A_453] : memref<10112x64xf32, #tpu.memory_space<vmem_shared>> -> memref<10112x64xf32, #tpu.memory_space<vmem_shared>>
      tpu.enqueue_indirect_dma source(%dma_start3A_448 : memref<128x64xf32, #tpu.memory_space<vmem>>) target(%dma_start3A_454 : memref<10112x64xf32, #tpu.memory_space<vmem_shared>>) offsets(%dma_start3A_451 : memref<128xi32, #tpu.memory_space<vmem>>) semaphore(%arg17 : memref<!tpu.dma_semaphore, #tpu.memory_space<semaphore_mem>>) {add = true}
      %dma_start3A_455 = arith.constant 3 : i32
      %dma_start3A_456 = arith.constant 384 : i32
      %dma_start3A_457 = arith.constant 0 : i32
      %dma_start3A_458 = tpu.memref_slice %arg13[%dma_start3A_456, %dma_start3A_457] : memref<512x64xf32, #tpu.memory_space<vmem>> -> memref<128x64xf32, #tpu.memory_space<vmem>>
      %dma_start3A_459 = arith.constant 0 : i32
      %dma_start3A_460 = tpu.memref_slice %arg11[%dma_start3A_455, %dma_start3A_459] : memref<4x128xi32, #tpu.memory_space<vmem>> -> memref<1x128xi32, #tpu.memory_space<vmem>>
      %dma_start3A_461 = tpu.memref_squeeze %dma_start3A_460 : memref<1x128xi32, #tpu.memory_space<vmem>> -> memref<128xi32, #tpu.memory_space<vmem>>
      %dma_start3A_462 = arith.constant 0 : i32
      %dma_start3A_463 = arith.constant 0 : i32
      %dma_start3A_464 = tpu.memref_slice %arg18[%dma_start3A_462, %dma_start3A_463] : memref<10112x64xf32, #tpu.memory_space<vmem_shared>> -> memref<10112x64xf32, #tpu.memory_space<vmem_shared>>
      tpu.enqueue_indirect_dma source(%dma_start3A_458 : memref<128x64xf32, #tpu.memory_space<vmem>>) target(%dma_start3A_464 : memref<10112x64xf32, #tpu.memory_space<vmem_shared>>) offsets(%dma_start3A_461 : memref<128xi32, #tpu.memory_space<vmem>>) semaphore(%arg17 : memref<!tpu.dma_semaphore, #tpu.memory_space<semaphore_mem>>) {add = true}
      %dma_wait3A_465 = arith.constant 0 : i32
      %dma_wait3A_466 = arith.constant 0 : i32
      %dma_wait3A_467 = arith.constant 0 : i32
      %dma_wait3A_468 = tpu.memref_slice %arg12[%dma_wait3A_466, %dma_wait3A_467] : memref<512x64xf32, #tpu.memory_space<vmem>> -> memref<128x64xf32, #tpu.memory_space<vmem>>
      %dma_wait3A_469 = arith.constant 0 : i32
      %dma_wait3A_470 = tpu.memref_slice %arg9[%dma_wait3A_465, %dma_wait3A_469] : memref<4x128xi32, #tpu.memory_space<vmem>> -> memref<1x128xi32, #tpu.memory_space<vmem>>
      %dma_wait3A_471 = tpu.memref_squeeze %dma_wait3A_470 : memref<1x128xi32, #tpu.memory_space<vmem>> -> memref<128xi32, #tpu.memory_space<vmem>>
      %dma_wait3A_472 = arith.constant 0 : i32
      %dma_wait3A_473 = arith.constant 0 : i32
      %dma_wait3A_474 = tpu.memref_slice %arg18[%dma_wait3A_472, %dma_wait3A_473] : memref<10112x64xf32, #tpu.memory_space<vmem_shared>> -> memref<10112x64xf32, #tpu.memory_space<vmem_shared>>
      tpu.wait_indirect_dma semaphore(%arg16 : memref<!tpu.dma_semaphore, #tpu.memory_space<semaphore_mem>>) src(%dma_wait3A_468 : memref<128x64xf32, #tpu.memory_space<vmem>>) dst(%dma_wait3A_474 : memref<10112x64xf32, #tpu.memory_space<vmem_shared>>)
      %dma_wait3A_475 = arith.constant 1 : i32
      %dma_wait3A_476 = arith.constant 128 : i32
      %dma_wait3A_477 = arith.constant 0 : i32
      %dma_wait3A_478 = tpu.memref_slice %arg12[%dma_wait3A_476, %dma_wait3A_477] : memref<512x64xf32, #tpu.memory_space<vmem>> -> memref<128x64xf32, #tpu.memory_space<vmem>>
      %dma_wait3A_479 = arith.constant 0 : i32
      %dma_wait3A_480 = tpu.memref_slice %arg9[%dma_wait3A_475, %dma_wait3A_479] : memref<4x128xi32, #tpu.memory_space<vmem>> -> memref<1x128xi32, #tpu.memory_space<vmem>>
      %dma_wait3A_481 = tpu.memref_squeeze %dma_wait3A_480 : memref<1x128xi32, #tpu.memory_space<vmem>> -> memref<128xi32, #tpu.memory_space<vmem>>
      %dma_wait3A_482 = arith.constant 0 : i32
      %dma_wait3A_483 = arith.constant 0 : i32
      %dma_wait3A_484 = tpu.memref_slice %arg18[%dma_wait3A_482, %dma_wait3A_483] : memref<10112x64xf32, #tpu.memory_space<vmem_shared>> -> memref<10112x64xf32, #tpu.memory_space<vmem_shared>>
      tpu.wait_indirect_dma semaphore(%arg16 : memref<!tpu.dma_semaphore, #tpu.memory_space<semaphore_mem>>) src(%dma_wait3A_478 : memref<128x64xf32, #tpu.memory_space<vmem>>) dst(%dma_wait3A_484 : memref<10112x64xf32, #tpu.memory_space<vmem_shared>>)
      %dma_wait3A_485 = arith.constant 2 : i32
      %dma_wait3A_486 = arith.constant 256 : i32
      %dma_wait3A_487 = arith.constant 0 : i32
      %dma_wait3A_488 = tpu.memref_slice %arg12[%dma_wait3A_486, %dma_wait3A_487] : memref<512x64xf32, #tpu.memory_space<vmem>> -> memref<128x64xf32, #tpu.memory_space<vmem>>
      %dma_wait3A_489 = arith.constant 0 : i32
      %dma_wait3A_490 = tpu.memref_slice %arg9[%dma_wait3A_485, %dma_wait3A_489] : memref<4x128xi32, #tpu.memory_space<vmem>> -> memref<1x128xi32, #tpu.memory_space<vmem>>
      %dma_wait3A_491 = tpu.memref_squeeze %dma_wait3A_490 : memref<1x128xi32, #tpu.memory_space<vmem>> -> memref<128xi32, #tpu.memory_space<vmem>>
      %dma_wait3A_492 = arith.constant 0 : i32
      %dma_wait3A_493 = arith.constant 0 : i32
      %dma_wait3A_494 = tpu.memref_slice %arg18[%dma_wait3A_492, %dma_wait3A_493] : memref<10112x64xf32, #tpu.memory_space<vmem_shared>> -> memref<10112x64xf32, #tpu.memory_space<vmem_shared>>
      tpu.wait_indirect_dma semaphore(%arg16 : memref<!tpu.dma_semaphore, #tpu.memory_space<semaphore_mem>>) src(%dma_wait3A_488 : memref<128x64xf32, #tpu.memory_space<vmem>>) dst(%dma_wait3A_494 : memref<10112x64xf32, #tpu.memory_space<vmem_shared>>)
      %dma_wait3A_495 = arith.constant 3 : i32
      %dma_wait3A_496 = arith.constant 384 : i32
      %dma_wait3A_497 = arith.constant 0 : i32
      %dma_wait3A_498 = tpu.memref_slice %arg12[%dma_wait3A_496, %dma_wait3A_497] : memref<512x64xf32, #tpu.memory_space<vmem>> -> memref<128x64xf32, #tpu.memory_space<vmem>>
      %dma_wait3A_499 = arith.constant 0 : i32
      %dma_wait3A_500 = tpu.memref_slice %arg9[%dma_wait3A_495, %dma_wait3A_499] : memref<4x128xi32, #tpu.memory_space<vmem>> -> memref<1x128xi32, #tpu.memory_space<vmem>>
      %dma_wait3A_501 = tpu.memref_squeeze %dma_wait3A_500 : memref<1x128xi32, #tpu.memory_space<vmem>> -> memref<128xi32, #tpu.memory_space<vmem>>
      %dma_wait3A_502 = arith.constant 0 : i32
      %dma_wait3A_503 = arith.constant 0 : i32
      %dma_wait3A_504 = tpu.memref_slice %arg18[%dma_wait3A_502, %dma_wait3A_503] : memref<10112x64xf32, #tpu.memory_space<vmem_shared>> -> memref<10112x64xf32, #tpu.memory_space<vmem_shared>>
      tpu.wait_indirect_dma semaphore(%arg16 : memref<!tpu.dma_semaphore, #tpu.memory_space<semaphore_mem>>) src(%dma_wait3A_498 : memref<128x64xf32, #tpu.memory_space<vmem>>) dst(%dma_wait3A_504 : memref<10112x64xf32, #tpu.memory_space<vmem_shared>>)
      %lt3A = arith.constant 9 : i32
      %lt3A_505 = arith.cmpi slt, %scan3A_252, %lt3A : i32
      %convert_element_type3A_506 = arith.extui %lt3A_505 : i1 to i32
      %cond3A_507 = arith.constant 0 : i32
      %cond3A_508 = arith.cmpi ne, %convert_element_type3A_506, %cond3A_507 : i32
      scf.if %cond3A_508 {
        %add3A_509 = arith.constant 2 : i32
        %add3A_510 = arith.addi %mul3A_254, %add3A_509 : i32
        %mul3A_511 = arith.constant 4 : i32
        %mul3A_512 = arith.muli %add3A_510, %mul3A_511 : i32
        %add3A_513 = arith.addi %select_n3A_162, %mul3A_512 : i32
        %multiple_of3A_514 = tpu.assume_multiple %add3A_513, 8 : i32
        "tpu.region"() ({
          %run_scoped3A = tpu.sem_alloc : memref<!tpu.dma_semaphore, #tpu.memory_space<semaphore_mem>>
          %dma_start3A_555 = arith.constant 0 : i32
          %dma_start3A_556 = tpu.memref_slice %arg4[%multiple_of3A_514, %dma_start3A_555] : memref<2560x128xi32, #tpu.memory_space<hbm>> -> memref<4x128xi32, #tpu.memory_space<hbm>>
          %dma_start3A_557 = arith.constant 0 : i32
          %dma_start3A_558 = tpu.memref_slice %arg4[%multiple_of3A_514, %dma_start3A_557] : memref<2560x128xi32, #tpu.memory_space<hbm>> -> memref<4x128xi32, #tpu.memory_space<hbm>>
          tpu.enqueue_dma source(%dma_start3A_558 : memref<4x128xi32, #tpu.memory_space<hbm>>) target(%arg8 : memref<4x128xi32, #tpu.memory_space<vmem>>) target_semaphore(%run_scoped3A : memref<!tpu.dma_semaphore, #tpu.memory_space<semaphore_mem>>)
          %dma_wait3A_559 = arith.constant 0 : i32
          %dma_wait3A_560 = tpu.memref_slice %arg4[%multiple_of3A_514, %dma_wait3A_559] : memref<2560x128xi32, #tpu.memory_space<hbm>> -> memref<4x128xi32, #tpu.memory_space<hbm>>
          %dma_wait3A_561 = arith.constant 0 : i32
          %dma_wait3A_562 = tpu.memref_slice %arg4[%multiple_of3A_514, %dma_wait3A_561] : memref<2560x128xi32, #tpu.memory_space<hbm>> -> memref<4x128xi32, #tpu.memory_space<hbm>>
          tpu.wait_dma2 semaphore(%run_scoped3A : memref<!tpu.dma_semaphore, #tpu.memory_space<semaphore_mem>>) src(%dma_wait3A_562 : memref<4x128xi32, #tpu.memory_space<hbm>>) dst(%arg8 : memref<4x128xi32, #tpu.memory_space<vmem>>)
          tpu.yield
        }) : () -> ()
        "tpu.region"() ({
          %run_scoped3A = tpu.sem_alloc : memref<!tpu.dma_semaphore, #tpu.memory_space<semaphore_mem>>
          %dma_start3A_555 = arith.constant 0 : i32
          %dma_start3A_556 = tpu.memref_slice %arg5[%multiple_of3A_514, %dma_start3A_555] : memref<2560x128xi32, #tpu.memory_space<hbm>> -> memref<4x128xi32, #tpu.memory_space<hbm>>
          %dma_start3A_557 = arith.constant 0 : i32
          %dma_start3A_558 = tpu.memref_slice %arg5[%multiple_of3A_514, %dma_start3A_557] : memref<2560x128xi32, #tpu.memory_space<hbm>> -> memref<4x128xi32, #tpu.memory_space<hbm>>
          tpu.enqueue_dma source(%dma_start3A_558 : memref<4x128xi32, #tpu.memory_space<hbm>>) target(%arg9 : memref<4x128xi32, #tpu.memory_space<vmem>>) target_semaphore(%run_scoped3A : memref<!tpu.dma_semaphore, #tpu.memory_space<semaphore_mem>>)
          %dma_wait3A_559 = arith.constant 0 : i32
          %dma_wait3A_560 = tpu.memref_slice %arg5[%multiple_of3A_514, %dma_wait3A_559] : memref<2560x128xi32, #tpu.memory_space<hbm>> -> memref<4x128xi32, #tpu.memory_space<hbm>>
          %dma_wait3A_561 = arith.constant 0 : i32
          %dma_wait3A_562 = tpu.memref_slice %arg5[%multiple_of3A_514, %dma_wait3A_561] : memref<2560x128xi32, #tpu.memory_space<hbm>> -> memref<4x128xi32, #tpu.memory_space<hbm>>
          tpu.wait_dma2 semaphore(%run_scoped3A : memref<!tpu.dma_semaphore, #tpu.memory_space<semaphore_mem>>) src(%dma_wait3A_562 : memref<4x128xi32, #tpu.memory_space<hbm>>) dst(%arg9 : memref<4x128xi32, #tpu.memory_space<vmem>>)
          tpu.yield
        }) : () -> ()
        %dma_start3A_515 = arith.constant 0 : i32
        %dma_start3A_516 = arith.constant 0 : i32
        %dma_start3A_517 = arith.constant 0 : i32
        %dma_start3A_518 = tpu.memref_slice %arg12[%dma_start3A_516, %dma_start3A_517] : memref<512x64xf32, #tpu.memory_space<vmem>> -> memref<128x64xf32, #tpu.memory_space<vmem>>
        %dma_start3A_519 = arith.constant 0 : i32
        %dma_start3A_520 = tpu.memref_slice %arg8[%dma_start3A_515, %dma_start3A_519] : memref<4x128xi32, #tpu.memory_space<vmem>> -> memref<1x128xi32, #tpu.memory_space<vmem>>
        %dma_start3A_521 = tpu.memref_squeeze %dma_start3A_520 : memref<1x128xi32, #tpu.memory_space<vmem>> -> memref<128xi32, #tpu.memory_space<vmem>>
        %dma_start3A_522 = arith.constant 0 : i32
        %dma_start3A_523 = arith.constant 0 : i32
        %dma_start3A_524 = tpu.memref_slice %arg3[%dma_start3A_522, %dma_start3A_523] : memref<10112x64xf32, #tpu.memory_space<hbm>> -> memref<10112x64xf32, #tpu.memory_space<hbm>>
        tpu.enqueue_indirect_dma source(%dma_start3A_524 : memref<10112x64xf32, #tpu.memory_space<hbm>>) target(%dma_start3A_518 : memref<128x64xf32, #tpu.memory_space<vmem>>) offsets(%dma_start3A_521 : memref<128xi32, #tpu.memory_space<vmem>>) semaphore(%arg14 : memref<!tpu.dma_semaphore, #tpu.memory_space<semaphore_mem>>)
        %dma_start3A_525 = arith.constant 1 : i32
        %dma_start3A_526 = arith.constant 128 : i32
        %dma_start3A_527 = arith.constant 0 : i32
        %dma_start3A_528 = tpu.memref_slice %arg12[%dma_start3A_526, %dma_start3A_527] : memref<512x64xf32, #tpu.memory_space<vmem>> -> memref<128x64xf32, #tpu.memory_space<vmem>>
        %dma_start3A_529 = arith.constant 0 : i32
        %dma_start3A_530 = tpu.memref_slice %arg8[%dma_start3A_525, %dma_start3A_529] : memref<4x128xi32, #tpu.memory_space<vmem>> -> memref<1x128xi32, #tpu.memory_space<vmem>>
        %dma_start3A_531 = tpu.memref_squeeze %dma_start3A_530 : memref<1x128xi32, #tpu.memory_space<vmem>> -> memref<128xi32, #tpu.memory_space<vmem>>
        %dma_start3A_532 = arith.constant 0 : i32
        %dma_start3A_533 = arith.constant 0 : i32
        %dma_start3A_534 = tpu.memref_slice %arg3[%dma_start3A_532, %dma_start3A_533] : memref<10112x64xf32, #tpu.memory_space<hbm>> -> memref<10112x64xf32, #tpu.memory_space<hbm>>
        tpu.enqueue_indirect_dma source(%dma_start3A_534 : memref<10112x64xf32, #tpu.memory_space<hbm>>) target(%dma_start3A_528 : memref<128x64xf32, #tpu.memory_space<vmem>>) offsets(%dma_start3A_531 : memref<128xi32, #tpu.memory_space<vmem>>) semaphore(%arg14 : memref<!tpu.dma_semaphore, #tpu.memory_space<semaphore_mem>>)
        %dma_start3A_535 = arith.constant 2 : i32
        %dma_start3A_536 = arith.constant 256 : i32
        %dma_start3A_537 = arith.constant 0 : i32
        %dma_start3A_538 = tpu.memref_slice %arg12[%dma_start3A_536, %dma_start3A_537] : memref<512x64xf32, #tpu.memory_space<vmem>> -> memref<128x64xf32, #tpu.memory_space<vmem>>
        %dma_start3A_539 = arith.constant 0 : i32
        %dma_start3A_540 = tpu.memref_slice %arg8[%dma_start3A_535, %dma_start3A_539] : memref<4x128xi32, #tpu.memory_space<vmem>> -> memref<1x128xi32, #tpu.memory_space<vmem>>
        %dma_start3A_541 = tpu.memref_squeeze %dma_start3A_540 : memref<1x128xi32, #tpu.memory_space<vmem>> -> memref<128xi32, #tpu.memory_space<vmem>>
        %dma_start3A_542 = arith.constant 0 : i32
        %dma_start3A_543 = arith.constant 0 : i32
        %dma_start3A_544 = tpu.memref_slice %arg3[%dma_start3A_542, %dma_start3A_543] : memref<10112x64xf32, #tpu.memory_space<hbm>> -> memref<10112x64xf32, #tpu.memory_space<hbm>>
        tpu.enqueue_indirect_dma source(%dma_start3A_544 : memref<10112x64xf32, #tpu.memory_space<hbm>>) target(%dma_start3A_538 : memref<128x64xf32, #tpu.memory_space<vmem>>) offsets(%dma_start3A_541 : memref<128xi32, #tpu.memory_space<vmem>>) semaphore(%arg14 : memref<!tpu.dma_semaphore, #tpu.memory_space<semaphore_mem>>)
        %dma_start3A_545 = arith.constant 3 : i32
        %dma_start3A_546 = arith.constant 384 : i32
        %dma_start3A_547 = arith.constant 0 : i32
        %dma_start3A_548 = tpu.memref_slice %arg12[%dma_start3A_546, %dma_start3A_547] : memref<512x64xf32, #tpu.memory_space<vmem>> -> memref<128x64xf32, #tpu.memory_space<vmem>>
        %dma_start3A_549 = arith.constant 0 : i32
        %dma_start3A_550 = tpu.memref_slice %arg8[%dma_start3A_545, %dma_start3A_549] : memref<4x128xi32, #tpu.memory_space<vmem>> -> memref<1x128xi32, #tpu.memory_space<vmem>>
        %dma_start3A_551 = tpu.memref_squeeze %dma_start3A_550 : memref<1x128xi32, #tpu.memory_space<vmem>> -> memref<128xi32, #tpu.memory_space<vmem>>
        %dma_start3A_552 = arith.constant 0 : i32
        %dma_start3A_553 = arith.constant 0 : i32
        %dma_start3A_554 = tpu.memref_slice %arg3[%dma_start3A_552, %dma_start3A_553] : memref<10112x64xf32, #tpu.memory_space<hbm>> -> memref<10112x64xf32, #tpu.memory_space<hbm>>
        tpu.enqueue_indirect_dma source(%dma_start3A_554 : memref<10112x64xf32, #tpu.memory_space<hbm>>) target(%dma_start3A_548 : memref<128x64xf32, #tpu.memory_space<vmem>>) offsets(%dma_start3A_551 : memref<128xi32, #tpu.memory_space<vmem>>) semaphore(%arg14 : memref<!tpu.dma_semaphore, #tpu.memory_space<semaphore_mem>>)
      } else {
      }
    }
    %scan3A_209 = arith.constant 10 : i32
    %dma_wait3A_210 = arith.constant 0 : i32
    %dma_wait3A_211 = arith.constant 0 : i32
    %dma_wait3A_212 = arith.constant 0 : i32
    %dma_wait3A_213 = tpu.memref_slice %arg13[%dma_wait3A_211, %dma_wait3A_212] : memref<512x64xf32, #tpu.memory_space<vmem>> -> memref<128x64xf32, #tpu.memory_space<vmem>>
    %dma_wait3A_214 = arith.constant 0 : i32
    %dma_wait3A_215 = tpu.memref_slice %arg11[%dma_wait3A_210, %dma_wait3A_214] : memref<4x128xi32, #tpu.memory_space<vmem>> -> memref<1x128xi32, #tpu.memory_space<vmem>>
    %dma_wait3A_216 = tpu.memref_squeeze %dma_wait3A_215 : memref<1x128xi32, #tpu.memory_space<vmem>> -> memref<128xi32, #tpu.memory_space<vmem>>
    %dma_wait3A_217 = arith.constant 0 : i32
    %dma_wait3A_218 = arith.constant 0 : i32
    %dma_wait3A_219 = tpu.memref_slice %arg18[%dma_wait3A_217, %dma_wait3A_218] : memref<10112x64xf32, #tpu.memory_space<vmem_shared>> -> memref<10112x64xf32, #tpu.memory_space<vmem_shared>>
    tpu.wait_indirect_dma semaphore(%arg17 : memref<!tpu.dma_semaphore, #tpu.memory_space<semaphore_mem>>) src(%dma_wait3A_213 : memref<128x64xf32, #tpu.memory_space<vmem>>) dst(%dma_wait3A_219 : memref<10112x64xf32, #tpu.memory_space<vmem_shared>>)
    %dma_wait3A_220 = arith.constant 1 : i32
    %dma_wait3A_221 = arith.constant 128 : i32
    %dma_wait3A_222 = arith.constant 0 : i32
    %dma_wait3A_223 = tpu.memref_slice %arg13[%dma_wait3A_221, %dma_wait3A_222] : memref<512x64xf32, #tpu.memory_space<vmem>> -> memref<128x64xf32, #tpu.memory_space<vmem>>
    %dma_wait3A_224 = arith.constant 0 : i32
    %dma_wait3A_225 = tpu.memref_slice %arg11[%dma_wait3A_220, %dma_wait3A_224] : memref<4x128xi32, #tpu.memory_space<vmem>> -> memref<1x128xi32, #tpu.memory_space<vmem>>
    %dma_wait3A_226 = tpu.memref_squeeze %dma_wait3A_225 : memref<1x128xi32, #tpu.memory_space<vmem>> -> memref<128xi32, #tpu.memory_space<vmem>>
    %dma_wait3A_227 = arith.constant 0 : i32
    %dma_wait3A_228 = arith.constant 0 : i32
    %dma_wait3A_229 = tpu.memref_slice %arg18[%dma_wait3A_227, %dma_wait3A_228] : memref<10112x64xf32, #tpu.memory_space<vmem_shared>> -> memref<10112x64xf32, #tpu.memory_space<vmem_shared>>
    tpu.wait_indirect_dma semaphore(%arg17 : memref<!tpu.dma_semaphore, #tpu.memory_space<semaphore_mem>>) src(%dma_wait3A_223 : memref<128x64xf32, #tpu.memory_space<vmem>>) dst(%dma_wait3A_229 : memref<10112x64xf32, #tpu.memory_space<vmem_shared>>)
    %dma_wait3A_230 = arith.constant 2 : i32
    %dma_wait3A_231 = arith.constant 256 : i32
    %dma_wait3A_232 = arith.constant 0 : i32
    %dma_wait3A_233 = tpu.memref_slice %arg13[%dma_wait3A_231, %dma_wait3A_232] : memref<512x64xf32, #tpu.memory_space<vmem>> -> memref<128x64xf32, #tpu.memory_space<vmem>>
    %dma_wait3A_234 = arith.constant 0 : i32
    %dma_wait3A_235 = tpu.memref_slice %arg11[%dma_wait3A_230, %dma_wait3A_234] : memref<4x128xi32, #tpu.memory_space<vmem>> -> memref<1x128xi32, #tpu.memory_space<vmem>>
    %dma_wait3A_236 = tpu.memref_squeeze %dma_wait3A_235 : memref<1x128xi32, #tpu.memory_space<vmem>> -> memref<128xi32, #tpu.memory_space<vmem>>
    %dma_wait3A_237 = arith.constant 0 : i32
    %dma_wait3A_238 = arith.constant 0 : i32
    %dma_wait3A_239 = tpu.memref_slice %arg18[%dma_wait3A_237, %dma_wait3A_238] : memref<10112x64xf32, #tpu.memory_space<vmem_shared>> -> memref<10112x64xf32, #tpu.memory_space<vmem_shared>>
    tpu.wait_indirect_dma semaphore(%arg17 : memref<!tpu.dma_semaphore, #tpu.memory_space<semaphore_mem>>) src(%dma_wait3A_233 : memref<128x64xf32, #tpu.memory_space<vmem>>) dst(%dma_wait3A_239 : memref<10112x64xf32, #tpu.memory_space<vmem_shared>>)
    %dma_wait3A_240 = arith.constant 3 : i32
    %dma_wait3A_241 = arith.constant 384 : i32
    %dma_wait3A_242 = arith.constant 0 : i32
    %dma_wait3A_243 = tpu.memref_slice %arg13[%dma_wait3A_241, %dma_wait3A_242] : memref<512x64xf32, #tpu.memory_space<vmem>> -> memref<128x64xf32, #tpu.memory_space<vmem>>
    %dma_wait3A_244 = arith.constant 0 : i32
    %dma_wait3A_245 = tpu.memref_slice %arg11[%dma_wait3A_240, %dma_wait3A_244] : memref<4x128xi32, #tpu.memory_space<vmem>> -> memref<1x128xi32, #tpu.memory_space<vmem>>
    %dma_wait3A_246 = tpu.memref_squeeze %dma_wait3A_245 : memref<1x128xi32, #tpu.memory_space<vmem>> -> memref<128xi32, #tpu.memory_space<vmem>>
    %dma_wait3A_247 = arith.constant 0 : i32
    %dma_wait3A_248 = arith.constant 0 : i32
    %dma_wait3A_249 = tpu.memref_slice %arg18[%dma_wait3A_247, %dma_wait3A_248] : memref<10112x64xf32, #tpu.memory_space<vmem_shared>> -> memref<10112x64xf32, #tpu.memory_space<vmem_shared>>
    tpu.wait_indirect_dma semaphore(%arg17 : memref<!tpu.dma_semaphore, #tpu.memory_space<semaphore_mem>>) src(%dma_wait3A_243 : memref<128x64xf32, #tpu.memory_space<vmem>>) dst(%dma_wait3A_249 : memref<10112x64xf32, #tpu.memory_space<vmem_shared>>)
    %barrier3A_250 = arith.constant 0 : index
    tpu.barrier barrier_id(%barrier3A_250)
    "tpu.region"() ({
      %run_scoped3A = tpu.sem_alloc : memref<!tpu.dma_semaphore, #tpu.memory_space<semaphore_mem>>
      %dma_start3A_252 = arith.constant 0 : i32
      %dma_start3A_253 = tpu.memref_slice %arg18[%multiple_of3A_119, %dma_start3A_252] : memref<10112x64xf32, #tpu.memory_space<vmem_shared>> -> memref<512x64xf32, #tpu.memory_space<vmem_shared>>
      %dma_start3A_254 = arith.constant 0 : i32
      %dma_start3A_255 = tpu.memref_slice %arg18[%multiple_of3A_119, %dma_start3A_254] : memref<10112x64xf32, #tpu.memory_space<vmem_shared>> -> memref<512x64xf32, #tpu.memory_space<vmem_shared>>
      tpu.enqueue_dma source(%dma_start3A_255 : memref<512x64xf32, #tpu.memory_space<vmem_shared>>) target(%arg12 : memref<512x64xf32, #tpu.memory_space<vmem>>) target_semaphore(%run_scoped3A : memref<!tpu.dma_semaphore, #tpu.memory_space<semaphore_mem>>)
      %dma_wait3A_256 = arith.constant 0 : i32
      %dma_wait3A_257 = tpu.memref_slice %arg18[%multiple_of3A_119, %dma_wait3A_256] : memref<10112x64xf32, #tpu.memory_space<vmem_shared>> -> memref<512x64xf32, #tpu.memory_space<vmem_shared>>
      %dma_wait3A_258 = arith.constant 0 : i32
      %dma_wait3A_259 = tpu.memref_slice %arg18[%multiple_of3A_119, %dma_wait3A_258] : memref<10112x64xf32, #tpu.memory_space<vmem_shared>> -> memref<512x64xf32, #tpu.memory_space<vmem_shared>>
      tpu.wait_dma2 semaphore(%run_scoped3A : memref<!tpu.dma_semaphore, #tpu.memory_space<semaphore_mem>>) src(%dma_wait3A_259 : memref<512x64xf32, #tpu.memory_space<vmem_shared>>) dst(%arg12 : memref<512x64xf32, #tpu.memory_space<vmem>>)
      tpu.yield
    }) : () -> ()
    "tpu.region"() ({
      %run_scoped3A = tpu.sem_alloc : memref<!tpu.dma_semaphore, #tpu.memory_space<semaphore_mem>>
      %dma_start3A_252 = arith.constant 0 : i32
      %dma_start3A_253 = arith.constant 0 : i32
      %dma_start3A_254 = tpu.memref_slice %arg7[%arg0, %dma_start3A_252, %dma_start3A_253] : memref<2x10112x128xf32, #tpu.memory_space<hbm>> -> memref<1x10112x128xf32, #tpu.memory_space<hbm>>
      %dma_start3A_255 = tpu.memref_squeeze %dma_start3A_254 : memref<1x10112x128xf32, #tpu.memory_space<hbm>> -> memref<10112x128xf32, #tpu.memory_space<hbm>>
      %dma_start3A_256 = arith.constant 0 : i32
      %dma_start3A_257 = arith.constant 64 : i32
      %dma_start3A_258 = tpu.memref_slice %dma_start3A_255[%dma_start3A_256, %dma_start3A_257] : memref<10112x128xf32, #tpu.memory_space<hbm>> -> memref<10112x64xf32, #tpu.memory_space<hbm>>
      %dma_start3A_259 = arith.constant 0 : i32
      %dma_start3A_260 = tpu.memref_slice %dma_start3A_258[%multiple_of3A_119, %dma_start3A_259] : memref<10112x64xf32, #tpu.memory_space<hbm>> -> memref<512x64xf32, #tpu.memory_space<hbm>>
      %dma_start3A_261 = arith.constant 0 : i32
      %dma_start3A_262 = arith.constant 0 : i32
      %dma_start3A_263 = tpu.memref_slice %arg7[%arg0, %dma_start3A_261, %dma_start3A_262] : memref<2x10112x128xf32, #tpu.memory_space<hbm>> -> memref<1x10112x128xf32, #tpu.memory_space<hbm>>
      %dma_start3A_264 = tpu.memref_squeeze %dma_start3A_263 : memref<1x10112x128xf32, #tpu.memory_space<hbm>> -> memref<10112x128xf32, #tpu.memory_space<hbm>>
      %dma_start3A_265 = arith.constant 0 : i32
      %dma_start3A_266 = arith.constant 64 : i32
      %dma_start3A_267 = tpu.memref_slice %dma_start3A_264[%dma_start3A_265, %dma_start3A_266] : memref<10112x128xf32, #tpu.memory_space<hbm>> -> memref<10112x64xf32, #tpu.memory_space<hbm>>
      %dma_start3A_268 = arith.constant 0 : i32
      %dma_start3A_269 = tpu.memref_slice %dma_start3A_267[%multiple_of3A_119, %dma_start3A_268] : memref<10112x64xf32, #tpu.memory_space<hbm>> -> memref<512x64xf32, #tpu.memory_space<hbm>>
      tpu.enqueue_dma source(%arg12 : memref<512x64xf32, #tpu.memory_space<vmem>>) target(%dma_start3A_269 : memref<512x64xf32, #tpu.memory_space<hbm>>) target_semaphore(%run_scoped3A : memref<!tpu.dma_semaphore, #tpu.memory_space<semaphore_mem>>)
      %dma_wait3A_270 = arith.constant 0 : i32
      %dma_wait3A_271 = arith.constant 0 : i32
      %dma_wait3A_272 = tpu.memref_slice %arg7[%arg0, %dma_wait3A_270, %dma_wait3A_271] : memref<2x10112x128xf32, #tpu.memory_space<hbm>> -> memref<1x10112x128xf32, #tpu.memory_space<hbm>>
      %dma_wait3A_273 = tpu.memref_squeeze %dma_wait3A_272 : memref<1x10112x128xf32, #tpu.memory_space<hbm>> -> memref<10112x128xf32, #tpu.memory_space<hbm>>
      %dma_wait3A_274 = arith.constant 0 : i32
      %dma_wait3A_275 = arith.constant 64 : i32
      %dma_wait3A_276 = tpu.memref_slice %dma_wait3A_273[%dma_wait3A_274, %dma_wait3A_275] : memref<10112x128xf32, #tpu.memory_space<hbm>> -> memref<10112x64xf32, #tpu.memory_space<hbm>>
      %dma_wait3A_277 = arith.constant 0 : i32
      %dma_wait3A_278 = tpu.memref_slice %dma_wait3A_276[%multiple_of3A_119, %dma_wait3A_277] : memref<10112x64xf32, #tpu.memory_space<hbm>> -> memref<512x64xf32, #tpu.memory_space<hbm>>
      %dma_wait3A_279 = arith.constant 0 : i32
      %dma_wait3A_280 = arith.constant 0 : i32
      %dma_wait3A_281 = tpu.memref_slice %arg7[%arg0, %dma_wait3A_279, %dma_wait3A_280] : memref<2x10112x128xf32, #tpu.memory_space<hbm>> -> memref<1x10112x128xf32, #tpu.memory_space<hbm>>
      %dma_wait3A_282 = tpu.memref_squeeze %dma_wait3A_281 : memref<1x10112x128xf32, #tpu.memory_space<hbm>> -> memref<10112x128xf32, #tpu.memory_space<hbm>>
      %dma_wait3A_283 = arith.constant 0 : i32
      %dma_wait3A_284 = arith.constant 64 : i32
      %dma_wait3A_285 = tpu.memref_slice %dma_wait3A_282[%dma_wait3A_283, %dma_wait3A_284] : memref<10112x128xf32, #tpu.memory_space<hbm>> -> memref<10112x64xf32, #tpu.memory_space<hbm>>
      %dma_wait3A_286 = arith.constant 0 : i32
      %dma_wait3A_287 = tpu.memref_slice %dma_wait3A_285[%multiple_of3A_119, %dma_wait3A_286] : memref<10112x64xf32, #tpu.memory_space<hbm>> -> memref<512x64xf32, #tpu.memory_space<hbm>>
      tpu.wait_dma2 semaphore(%run_scoped3A : memref<!tpu.dma_semaphore, #tpu.memory_space<semaphore_mem>>) src(%arg12 : memref<512x64xf32, #tpu.memory_space<vmem>>) dst(%dma_wait3A_287 : memref<512x64xf32, #tpu.memory_space<hbm>>)
      tpu.yield
    }) : () -> ()
    "tpu.region"() ({
      %run_scoped3A = tpu.sem_alloc : memref<!tpu.dma_semaphore, #tpu.memory_space<semaphore_mem>>
      %dma_start3A_252 = arith.constant 0 : i32
      %dma_start3A_253 = arith.constant 0 : i32
      %dma_start3A_254 = tpu.memref_slice %arg13[%dma_start3A_252, %dma_start3A_253] : memref<512x64xf32, #tpu.memory_space<vmem>> -> memref<120x64xf32, #tpu.memory_space<vmem>>
      %dma_start3A_255 = arith.constant 0 : i32
      %dma_start3A_256 = tpu.memref_slice %arg18[%multiple_of3A_122, %dma_start3A_255] : memref<10112x64xf32, #tpu.memory_space<vmem_shared>> -> memref<120x64xf32, #tpu.memory_space<vmem_shared>>
      %dma_start3A_257 = arith.constant 0 : i32
      %dma_start3A_258 = arith.constant 0 : i32
      %dma_start3A_259 = tpu.memref_slice %arg13[%dma_start3A_257, %dma_start3A_258] : memref<512x64xf32, #tpu.memory_space<vmem>> -> memref<120x64xf32, #tpu.memory_space<vmem>>
      %dma_start3A_260 = arith.constant 0 : i32
      %dma_start3A_261 = tpu.memref_slice %arg18[%multiple_of3A_122, %dma_start3A_260] : memref<10112x64xf32, #tpu.memory_space<vmem_shared>> -> memref<120x64xf32, #tpu.memory_space<vmem_shared>>
      tpu.enqueue_dma source(%dma_start3A_261 : memref<120x64xf32, #tpu.memory_space<vmem_shared>>) target(%dma_start3A_259 : memref<120x64xf32, #tpu.memory_space<vmem>>) target_semaphore(%run_scoped3A : memref<!tpu.dma_semaphore, #tpu.memory_space<semaphore_mem>>)
      %dma_wait3A_262 = arith.constant 0 : i32
      %dma_wait3A_263 = arith.constant 0 : i32
      %dma_wait3A_264 = tpu.memref_slice %arg13[%dma_wait3A_262, %dma_wait3A_263] : memref<512x64xf32, #tpu.memory_space<vmem>> -> memref<120x64xf32, #tpu.memory_space<vmem>>
      %dma_wait3A_265 = arith.constant 0 : i32
      %dma_wait3A_266 = tpu.memref_slice %arg18[%multiple_of3A_122, %dma_wait3A_265] : memref<10112x64xf32, #tpu.memory_space<vmem_shared>> -> memref<120x64xf32, #tpu.memory_space<vmem_shared>>
      %dma_wait3A_267 = arith.constant 0 : i32
      %dma_wait3A_268 = arith.constant 0 : i32
      %dma_wait3A_269 = tpu.memref_slice %arg13[%dma_wait3A_267, %dma_wait3A_268] : memref<512x64xf32, #tpu.memory_space<vmem>> -> memref<120x64xf32, #tpu.memory_space<vmem>>
      %dma_wait3A_270 = arith.constant 0 : i32
      %dma_wait3A_271 = tpu.memref_slice %arg18[%multiple_of3A_122, %dma_wait3A_270] : memref<10112x64xf32, #tpu.memory_space<vmem_shared>> -> memref<120x64xf32, #tpu.memory_space<vmem_shared>>
      tpu.wait_dma2 semaphore(%run_scoped3A : memref<!tpu.dma_semaphore, #tpu.memory_space<semaphore_mem>>) src(%dma_wait3A_271 : memref<120x64xf32, #tpu.memory_space<vmem_shared>>) dst(%dma_wait3A_269 : memref<120x64xf32, #tpu.memory_space<vmem>>)
      tpu.yield
    }) : () -> ()
    "tpu.region"() ({
      %run_scoped3A = tpu.sem_alloc : memref<!tpu.dma_semaphore, #tpu.memory_space<semaphore_mem>>
      %dma_start3A_252 = arith.constant 0 : i32
      %dma_start3A_253 = arith.constant 0 : i32
      %dma_start3A_254 = tpu.memref_slice %arg13[%dma_start3A_252, %dma_start3A_253] : memref<512x64xf32, #tpu.memory_space<vmem>> -> memref<120x64xf32, #tpu.memory_space<vmem>>
      %dma_start3A_255 = arith.constant 0 : i32
      %dma_start3A_256 = arith.constant 0 : i32
      %dma_start3A_257 = tpu.memref_slice %arg7[%arg0, %dma_start3A_255, %dma_start3A_256] : memref<2x10112x128xf32, #tpu.memory_space<hbm>> -> memref<1x10112x128xf32, #tpu.memory_space<hbm>>
      %dma_start3A_258 = tpu.memref_squeeze %dma_start3A_257 : memref<1x10112x128xf32, #tpu.memory_space<hbm>> -> memref<10112x128xf32, #tpu.memory_space<hbm>>
      %dma_start3A_259 = arith.constant 0 : i32
      %dma_start3A_260 = arith.constant 64 : i32
      %dma_start3A_261 = tpu.memref_slice %dma_start3A_258[%dma_start3A_259, %dma_start3A_260] : memref<10112x128xf32, #tpu.memory_space<hbm>> -> memref<10112x64xf32, #tpu.memory_space<hbm>>
      %dma_start3A_262 = arith.constant 0 : i32
      %dma_start3A_263 = tpu.memref_slice %dma_start3A_261[%multiple_of3A_122, %dma_start3A_262] : memref<10112x64xf32, #tpu.memory_space<hbm>> -> memref<120x64xf32, #tpu.memory_space<hbm>>
      %dma_start3A_264 = arith.constant 0 : i32
      %dma_start3A_265 = arith.constant 0 : i32
      %dma_start3A_266 = tpu.memref_slice %arg7[%arg0, %dma_start3A_264, %dma_start3A_265] : memref<2x10112x128xf32, #tpu.memory_space<hbm>> -> memref<1x10112x128xf32, #tpu.memory_space<hbm>>
      %dma_start3A_267 = tpu.memref_squeeze %dma_start3A_266 : memref<1x10112x128xf32, #tpu.memory_space<hbm>> -> memref<10112x128xf32, #tpu.memory_space<hbm>>
      %dma_start3A_268 = arith.constant 0 : i32
      %dma_start3A_269 = arith.constant 64 : i32
      %dma_start3A_270 = tpu.memref_slice %dma_start3A_267[%dma_start3A_268, %dma_start3A_269] : memref<10112x128xf32, #tpu.memory_space<hbm>> -> memref<10112x64xf32, #tpu.memory_space<hbm>>
      %dma_start3A_271 = arith.constant 0 : i32
      %dma_start3A_272 = tpu.memref_slice %dma_start3A_270[%multiple_of3A_122, %dma_start3A_271] : memref<10112x64xf32, #tpu.memory_space<hbm>> -> memref<120x64xf32, #tpu.memory_space<hbm>>
      %dma_start3A_273 = arith.constant 0 : i32
      %dma_start3A_274 = arith.constant 0 : i32
      %dma_start3A_275 = tpu.memref_slice %arg13[%dma_start3A_273, %dma_start3A_274] : memref<512x64xf32, #tpu.memory_space<vmem>> -> memref<120x64xf32, #tpu.memory_space<vmem>>
      tpu.enqueue_dma source(%dma_start3A_275 : memref<120x64xf32, #tpu.memory_space<vmem>>) target(%dma_start3A_272 : memref<120x64xf32, #tpu.memory_space<hbm>>) target_semaphore(%run_scoped3A : memref<!tpu.dma_semaphore, #tpu.memory_space<semaphore_mem>>)
      %dma_wait3A_276 = arith.constant 0 : i32
      %dma_wait3A_277 = arith.constant 0 : i32
      %dma_wait3A_278 = tpu.memref_slice %arg13[%dma_wait3A_276, %dma_wait3A_277] : memref<512x64xf32, #tpu.memory_space<vmem>> -> memref<120x64xf32, #tpu.memory_space<vmem>>
      %dma_wait3A_279 = arith.constant 0 : i32
      %dma_wait3A_280 = arith.constant 0 : i32
      %dma_wait3A_281 = tpu.memref_slice %arg7[%arg0, %dma_wait3A_279, %dma_wait3A_280] : memref<2x10112x128xf32, #tpu.memory_space<hbm>> -> memref<1x10112x128xf32, #tpu.memory_space<hbm>>
      %dma_wait3A_282 = tpu.memref_squeeze %dma_wait3A_281 : memref<1x10112x128xf32, #tpu.memory_space<hbm>> -> memref<10112x128xf32, #tpu.memory_space<hbm>>
      %dma_wait3A_283 = arith.constant 0 : i32
      %dma_wait3A_284 = arith.constant 64 : i32
      %dma_wait3A_285 = tpu.memref_slice %dma_wait3A_282[%dma_wait3A_283, %dma_wait3A_284] : memref<10112x128xf32, #tpu.memory_space<hbm>> -> memref<10112x64xf32, #tpu.memory_space<hbm>>
      %dma_wait3A_286 = arith.constant 0 : i32
      %dma_wait3A_287 = tpu.memref_slice %dma_wait3A_285[%multiple_of3A_122, %dma_wait3A_286] : memref<10112x64xf32, #tpu.memory_space<hbm>> -> memref<120x64xf32, #tpu.memory_space<hbm>>
      %dma_wait3A_288 = arith.constant 0 : i32
      %dma_wait3A_289 = arith.constant 0 : i32
      %dma_wait3A_290 = tpu.memref_slice %arg7[%arg0, %dma_wait3A_288, %dma_wait3A_289] : memref<2x10112x128xf32, #tpu.memory_space<hbm>> -> memref<1x10112x128xf32, #tpu.memory_space<hbm>>
      %dma_wait3A_291 = tpu.memref_squeeze %dma_wait3A_290 : memref<1x10112x128xf32, #tpu.memory_space<hbm>> -> memref<10112x128xf32, #tpu.memory_space<hbm>>
      %dma_wait3A_292 = arith.constant 0 : i32
      %dma_wait3A_293 = arith.constant 64 : i32
      %dma_wait3A_294 = tpu.memref_slice %dma_wait3A_291[%dma_wait3A_292, %dma_wait3A_293] : memref<10112x128xf32, #tpu.memory_space<hbm>> -> memref<10112x64xf32, #tpu.memory_space<hbm>>
      %dma_wait3A_295 = arith.constant 0 : i32
      %dma_wait3A_296 = tpu.memref_slice %dma_wait3A_294[%multiple_of3A_122, %dma_wait3A_295] : memref<10112x64xf32, #tpu.memory_space<hbm>> -> memref<120x64xf32, #tpu.memory_space<hbm>>
      %dma_wait3A_297 = arith.constant 0 : i32
      %dma_wait3A_298 = arith.constant 0 : i32
      %dma_wait3A_299 = tpu.memref_slice %arg13[%dma_wait3A_297, %dma_wait3A_298] : memref<512x64xf32, #tpu.memory_space<vmem>> -> memref<120x64xf32, #tpu.memory_space<vmem>>
      tpu.wait_dma2 semaphore(%run_scoped3A : memref<!tpu.dma_semaphore, #tpu.memory_space<semaphore_mem>>) src(%dma_wait3A_299 : memref<120x64xf32, #tpu.memory_space<vmem>>) dst(%dma_wait3A_296 : memref<120x64xf32, #tpu.memory_space<hbm>>)
      tpu.yield
    }) : () -> ()
    %barrier3A_251 = arith.constant 0 : index
    tpu.barrier barrier_id(%barrier3A_251)
    return
  }
}

#map = affine_map<(d0, d1) -> (0, 0)>
#map1 = affine_map<(d0, d1) -> (0, 0, 0)>
module attributes {stable_mosaic.version = 14 : i64} {
  func.func @_sc_agg32_body(%arg0: i32, %arg1: i32, %arg2: memref<10112x32xf32, #tpu.memory_space<hbm>>, %arg3: memref<2560x128xi32, #tpu.memory_space<hbm>>, %arg4: memref<2560x128xi32, #tpu.memory_space<hbm>>, %arg5: memref<10112x32xf32, #tpu.memory_space<hbm>>, %arg6: memref<2x10112x32xf32, #tpu.memory_space<hbm>>, %arg7: memref<4x128xi32, #tpu.memory_space<vmem>>, %arg8: memref<4x128xi32, #tpu.memory_space<vmem>>, %arg9: memref<4x128xi32, #tpu.memory_space<vmem>>, %arg10: memref<4x128xi32, #tpu.memory_space<vmem>>, %arg11: memref<512x32xf32, #tpu.memory_space<vmem>>, %arg12: memref<512x32xf32, #tpu.memory_space<vmem>>, %arg13: memref<!tpu.dma_semaphore, #tpu.memory_space<semaphore_mem>>, %arg14: memref<!tpu.dma_semaphore, #tpu.memory_space<semaphore_mem>>, %arg15: memref<!tpu.dma_semaphore, #tpu.memory_space<semaphore_mem>>, %arg16: memref<!tpu.dma_semaphore, #tpu.memory_space<semaphore_mem>>, %arg17: memref<10112x32xf32, #tpu.memory_space<vmem_shared>>) attributes {dimension_semantics = [#tpu.dimension_semantics<core_parallel>, #tpu.dimension_semantics<subcore_parallel>], iteration_bounds = array<i64: 2, 16>, scalar_prefetch = 0 : i64, scratch_operands = 11 : i64, tpu.core_type = #tpu.core_type<sc_vector_subcore>, window_params = [{transform_indices = #map}, {transform_indices = #map}, {transform_indices = #map}, {transform_indices = #map}, {transform_indices = #map1}]} {
    %mul3A = arith.constant 632 : i32
    %mul3A_0 = arith.muli %arg1, %mul3A : i32
    %multiple_of3A = tpu.assume_multiple %mul3A_0, 8 : i32
    %add3A = arith.constant 512 : i32
    %add3A_1 = arith.addi %multiple_of3A, %add3A : i32
    %multiple_of3A_2 = tpu.assume_multiple %add3A_1, 8 : i32
    %eq3A = arith.constant 0 : i32
    %eq3A_3 = arith.cmpi eq, %arg0, %eq3A : i32
    %convert_element_type3A = arith.extui %eq3A_3 : i1 to i32
    %cond3A = arith.constant 0 : i32
    %cond3A_4 = arith.cmpi ne, %convert_element_type3A, %cond3A : i32
    scf.if %cond3A_4 {
      "tpu.region"() ({
        %run_scoped3A = tpu.sem_alloc : memref<!tpu.dma_semaphore, #tpu.memory_space<semaphore_mem>>
        %dma_start3A_117 = arith.constant 0 : i32
        %dma_start3A_118 = tpu.memref_slice %arg2[%multiple_of3A, %dma_start3A_117] : memref<10112x32xf32, #tpu.memory_space<hbm>> -> memref<512x32xf32, #tpu.memory_space<hbm>>
        %dma_start3A_119 = arith.constant 0 : i32
        %dma_start3A_120 = tpu.memref_slice %arg2[%multiple_of3A, %dma_start3A_119] : memref<10112x32xf32, #tpu.memory_space<hbm>> -> memref<512x32xf32, #tpu.memory_space<hbm>>
        tpu.enqueue_dma source(%dma_start3A_120 : memref<512x32xf32, #tpu.memory_space<hbm>>) target(%arg11 : memref<512x32xf32, #tpu.memory_space<vmem>>) target_semaphore(%run_scoped3A : memref<!tpu.dma_semaphore, #tpu.memory_space<semaphore_mem>>)
        %dma_wait3A_121 = arith.constant 0 : i32
        %dma_wait3A_122 = tpu.memref_slice %arg2[%multiple_of3A, %dma_wait3A_121] : memref<10112x32xf32, #tpu.memory_space<hbm>> -> memref<512x32xf32, #tpu.memory_space<hbm>>
        %dma_wait3A_123 = arith.constant 0 : i32
        %dma_wait3A_124 = tpu.memref_slice %arg2[%multiple_of3A, %dma_wait3A_123] : memref<10112x32xf32, #tpu.memory_space<hbm>> -> memref<512x32xf32, #tpu.memory_space<hbm>>
        tpu.wait_dma2 semaphore(%run_scoped3A : memref<!tpu.dma_semaphore, #tpu.memory_space<semaphore_mem>>) src(%dma_wait3A_124 : memref<512x32xf32, #tpu.memory_space<hbm>>) dst(%arg11 : memref<512x32xf32, #tpu.memory_space<vmem>>)
        tpu.yield
      }) : () -> ()
      "tpu.region"() ({
        %run_scoped3A = tpu.sem_alloc : memref<!tpu.dma_semaphore, #tpu.memory_space<semaphore_mem>>
        %dma_start3A_117 = arith.constant 0 : i32
        %dma_start3A_118 = tpu.memref_slice %arg17[%multiple_of3A, %dma_start3A_117] : memref<10112x32xf32, #tpu.memory_space<vmem_shared>> -> memref<512x32xf32, #tpu.memory_space<vmem_shared>>
        %dma_start3A_119 = arith.constant 0 : i32
        %dma_start3A_120 = tpu.memref_slice %arg17[%multiple_of3A, %dma_start3A_119] : memref<10112x32xf32, #tpu.memory_space<vmem_shared>> -> memref<512x32xf32, #tpu.memory_space<vmem_shared>>
        tpu.enqueue_dma source(%arg11 : memref<512x32xf32, #tpu.memory_space<vmem>>) target(%dma_start3A_120 : memref<512x32xf32, #tpu.memory_space<vmem_shared>>) target_semaphore(%run_scoped3A : memref<!tpu.dma_semaphore, #tpu.memory_space<semaphore_mem>>)
        %dma_wait3A_121 = arith.constant 0 : i32
        %dma_wait3A_122 = tpu.memref_slice %arg17[%multiple_of3A, %dma_wait3A_121] : memref<10112x32xf32, #tpu.memory_space<vmem_shared>> -> memref<512x32xf32, #tpu.memory_space<vmem_shared>>
        %dma_wait3A_123 = arith.constant 0 : i32
        %dma_wait3A_124 = tpu.memref_slice %arg17[%multiple_of3A, %dma_wait3A_123] : memref<10112x32xf32, #tpu.memory_space<vmem_shared>> -> memref<512x32xf32, #tpu.memory_space<vmem_shared>>
        tpu.wait_dma2 semaphore(%run_scoped3A : memref<!tpu.dma_semaphore, #tpu.memory_space<semaphore_mem>>) src(%arg11 : memref<512x32xf32, #tpu.memory_space<vmem>>) dst(%dma_wait3A_124 : memref<512x32xf32, #tpu.memory_space<vmem_shared>>)
        tpu.yield
      }) : () -> ()
      "tpu.region"() ({
        %run_scoped3A = tpu.sem_alloc : memref<!tpu.dma_semaphore, #tpu.memory_space<semaphore_mem>>
        %dma_start3A_117 = arith.constant 0 : i32
        %dma_start3A_118 = arith.constant 0 : i32
        %dma_start3A_119 = tpu.memref_slice %arg12[%dma_start3A_117, %dma_start3A_118] : memref<512x32xf32, #tpu.memory_space<vmem>> -> memref<120x32xf32, #tpu.memory_space<vmem>>
        %dma_start3A_120 = arith.constant 0 : i32
        %dma_start3A_121 = tpu.memref_slice %arg2[%multiple_of3A_2, %dma_start3A_120] : memref<10112x32xf32, #tpu.memory_space<hbm>> -> memref<120x32xf32, #tpu.memory_space<hbm>>
        %dma_start3A_122 = arith.constant 0 : i32
        %dma_start3A_123 = arith.constant 0 : i32
        %dma_start3A_124 = tpu.memref_slice %arg12[%dma_start3A_122, %dma_start3A_123] : memref<512x32xf32, #tpu.memory_space<vmem>> -> memref<120x32xf32, #tpu.memory_space<vmem>>
        %dma_start3A_125 = arith.constant 0 : i32
        %dma_start3A_126 = tpu.memref_slice %arg2[%multiple_of3A_2, %dma_start3A_125] : memref<10112x32xf32, #tpu.memory_space<hbm>> -> memref<120x32xf32, #tpu.memory_space<hbm>>
        tpu.enqueue_dma source(%dma_start3A_126 : memref<120x32xf32, #tpu.memory_space<hbm>>) target(%dma_start3A_124 : memref<120x32xf32, #tpu.memory_space<vmem>>) target_semaphore(%run_scoped3A : memref<!tpu.dma_semaphore, #tpu.memory_space<semaphore_mem>>)
        %dma_wait3A_127 = arith.constant 0 : i32
        %dma_wait3A_128 = arith.constant 0 : i32
        %dma_wait3A_129 = tpu.memref_slice %arg12[%dma_wait3A_127, %dma_wait3A_128] : memref<512x32xf32, #tpu.memory_space<vmem>> -> memref<120x32xf32, #tpu.memory_space<vmem>>
        %dma_wait3A_130 = arith.constant 0 : i32
        %dma_wait3A_131 = tpu.memref_slice %arg2[%multiple_of3A_2, %dma_wait3A_130] : memref<10112x32xf32, #tpu.memory_space<hbm>> -> memref<120x32xf32, #tpu.memory_space<hbm>>
        %dma_wait3A_132 = arith.constant 0 : i32
        %dma_wait3A_133 = arith.constant 0 : i32
        %dma_wait3A_134 = tpu.memref_slice %arg12[%dma_wait3A_132, %dma_wait3A_133] : memref<512x32xf32, #tpu.memory_space<vmem>> -> memref<120x32xf32, #tpu.memory_space<vmem>>
        %dma_wait3A_135 = arith.constant 0 : i32
        %dma_wait3A_136 = tpu.memref_slice %arg2[%multiple_of3A_2, %dma_wait3A_135] : memref<10112x32xf32, #tpu.memory_space<hbm>> -> memref<120x32xf32, #tpu.memory_space<hbm>>
        tpu.wait_dma2 semaphore(%run_scoped3A : memref<!tpu.dma_semaphore, #tpu.memory_space<semaphore_mem>>) src(%dma_wait3A_136 : memref<120x32xf32, #tpu.memory_space<hbm>>) dst(%dma_wait3A_134 : memref<120x32xf32, #tpu.memory_space<vmem>>)
        tpu.yield
      }) : () -> ()
      "tpu.region"() ({
        %run_scoped3A = tpu.sem_alloc : memref<!tpu.dma_semaphore, #tpu.memory_space<semaphore_mem>>
        %dma_start3A_117 = arith.constant 0 : i32
        %dma_start3A_118 = arith.constant 0 : i32
        %dma_start3A_119 = tpu.memref_slice %arg12[%dma_start3A_117, %dma_start3A_118] : memref<512x32xf32, #tpu.memory_space<vmem>> -> memref<120x32xf32, #tpu.memory_space<vmem>>
        %dma_start3A_120 = arith.constant 0 : i32
        %dma_start3A_121 = tpu.memref_slice %arg17[%multiple_of3A_2, %dma_start3A_120] : memref<10112x32xf32, #tpu.memory_space<vmem_shared>> -> memref<120x32xf32, #tpu.memory_space<vmem_shared>>
        %dma_start3A_122 = arith.constant 0 : i32
        %dma_start3A_123 = tpu.memref_slice %arg17[%multiple_of3A_2, %dma_start3A_122] : memref<10112x32xf32, #tpu.memory_space<vmem_shared>> -> memref<120x32xf32, #tpu.memory_space<vmem_shared>>
        %dma_start3A_124 = arith.constant 0 : i32
        %dma_start3A_125 = arith.constant 0 : i32
        %dma_start3A_126 = tpu.memref_slice %arg12[%dma_start3A_124, %dma_start3A_125] : memref<512x32xf32, #tpu.memory_space<vmem>> -> memref<120x32xf32, #tpu.memory_space<vmem>>
        tpu.enqueue_dma source(%dma_start3A_126 : memref<120x32xf32, #tpu.memory_space<vmem>>) target(%dma_start3A_123 : memref<120x32xf32, #tpu.memory_space<vmem_shared>>) target_semaphore(%run_scoped3A : memref<!tpu.dma_semaphore, #tpu.memory_space<semaphore_mem>>)
        %dma_wait3A_127 = arith.constant 0 : i32
        %dma_wait3A_128 = arith.constant 0 : i32
        %dma_wait3A_129 = tpu.memref_slice %arg12[%dma_wait3A_127, %dma_wait3A_128] : memref<512x32xf32, #tpu.memory_space<vmem>> -> memref<120x32xf32, #tpu.memory_space<vmem>>
        %dma_wait3A_130 = arith.constant 0 : i32
        %dma_wait3A_131 = tpu.memref_slice %arg17[%multiple_of3A_2, %dma_wait3A_130] : memref<10112x32xf32, #tpu.memory_space<vmem_shared>> -> memref<120x32xf32, #tpu.memory_space<vmem_shared>>
        %dma_wait3A_132 = arith.constant 0 : i32
        %dma_wait3A_133 = tpu.memref_slice %arg17[%multiple_of3A_2, %dma_wait3A_132] : memref<10112x32xf32, #tpu.memory_space<vmem_shared>> -> memref<120x32xf32, #tpu.memory_space<vmem_shared>>
        %dma_wait3A_134 = arith.constant 0 : i32
        %dma_wait3A_135 = arith.constant 0 : i32
        %dma_wait3A_136 = tpu.memref_slice %arg12[%dma_wait3A_134, %dma_wait3A_135] : memref<512x32xf32, #tpu.memory_space<vmem>> -> memref<120x32xf32, #tpu.memory_space<vmem>>
        tpu.wait_dma2 semaphore(%run_scoped3A : memref<!tpu.dma_semaphore, #tpu.memory_space<semaphore_mem>>) src(%dma_wait3A_136 : memref<120x32xf32, #tpu.memory_space<vmem>>) dst(%dma_wait3A_133 : memref<120x32xf32, #tpu.memory_space<vmem_shared>>)
        tpu.yield
      }) : () -> ()
    } else {
    }
    %eq3A_5 = arith.constant 1 : i32
    %eq3A_6 = arith.cmpi eq, %arg0, %eq3A_5 : i32
    %convert_element_type3A_7 = arith.extui %eq3A_6 : i1 to i32
    %cond3A_8 = arith.constant 0 : i32
    %cond3A_9 = arith.cmpi ne, %convert_element_type3A_7, %cond3A_8 : i32
    scf.if %cond3A_9 {
      "tpu.region"() ({
        %run_scoped3A = tpu.sem_alloc : memref<!tpu.dma_semaphore, #tpu.memory_space<semaphore_mem>>
        %dma_start3A_117 = arith.constant 0 : i32
        %dma_start3A_118 = tpu.memref_slice %arg5[%multiple_of3A, %dma_start3A_117] : memref<10112x32xf32, #tpu.memory_space<hbm>> -> memref<512x32xf32, #tpu.memory_space<hbm>>
        %dma_start3A_119 = arith.constant 0 : i32
        %dma_start3A_120 = tpu.memref_slice %arg5[%multiple_of3A, %dma_start3A_119] : memref<10112x32xf32, #tpu.memory_space<hbm>> -> memref<512x32xf32, #tpu.memory_space<hbm>>
        tpu.enqueue_dma source(%dma_start3A_120 : memref<512x32xf32, #tpu.memory_space<hbm>>) target(%arg11 : memref<512x32xf32, #tpu.memory_space<vmem>>) target_semaphore(%run_scoped3A : memref<!tpu.dma_semaphore, #tpu.memory_space<semaphore_mem>>)
        %dma_wait3A_121 = arith.constant 0 : i32
        %dma_wait3A_122 = tpu.memref_slice %arg5[%multiple_of3A, %dma_wait3A_121] : memref<10112x32xf32, #tpu.memory_space<hbm>> -> memref<512x32xf32, #tpu.memory_space<hbm>>
        %dma_wait3A_123 = arith.constant 0 : i32
        %dma_wait3A_124 = tpu.memref_slice %arg5[%multiple_of3A, %dma_wait3A_123] : memref<10112x32xf32, #tpu.memory_space<hbm>> -> memref<512x32xf32, #tpu.memory_space<hbm>>
        tpu.wait_dma2 semaphore(%run_scoped3A : memref<!tpu.dma_semaphore, #tpu.memory_space<semaphore_mem>>) src(%dma_wait3A_124 : memref<512x32xf32, #tpu.memory_space<hbm>>) dst(%arg11 : memref<512x32xf32, #tpu.memory_space<vmem>>)
        tpu.yield
      }) : () -> ()
      "tpu.region"() ({
        %run_scoped3A = tpu.sem_alloc : memref<!tpu.dma_semaphore, #tpu.memory_space<semaphore_mem>>
        %dma_start3A_117 = arith.constant 0 : i32
        %dma_start3A_118 = tpu.memref_slice %arg17[%multiple_of3A, %dma_start3A_117] : memref<10112x32xf32, #tpu.memory_space<vmem_shared>> -> memref<512x32xf32, #tpu.memory_space<vmem_shared>>
        %dma_start3A_119 = arith.constant 0 : i32
        %dma_start3A_120 = tpu.memref_slice %arg17[%multiple_of3A, %dma_start3A_119] : memref<10112x32xf32, #tpu.memory_space<vmem_shared>> -> memref<512x32xf32, #tpu.memory_space<vmem_shared>>
        tpu.enqueue_dma source(%arg11 : memref<512x32xf32, #tpu.memory_space<vmem>>) target(%dma_start3A_120 : memref<512x32xf32, #tpu.memory_space<vmem_shared>>) target_semaphore(%run_scoped3A : memref<!tpu.dma_semaphore, #tpu.memory_space<semaphore_mem>>)
        %dma_wait3A_121 = arith.constant 0 : i32
        %dma_wait3A_122 = tpu.memref_slice %arg17[%multiple_of3A, %dma_wait3A_121] : memref<10112x32xf32, #tpu.memory_space<vmem_shared>> -> memref<512x32xf32, #tpu.memory_space<vmem_shared>>
        %dma_wait3A_123 = arith.constant 0 : i32
        %dma_wait3A_124 = tpu.memref_slice %arg17[%multiple_of3A, %dma_wait3A_123] : memref<10112x32xf32, #tpu.memory_space<vmem_shared>> -> memref<512x32xf32, #tpu.memory_space<vmem_shared>>
        tpu.wait_dma2 semaphore(%run_scoped3A : memref<!tpu.dma_semaphore, #tpu.memory_space<semaphore_mem>>) src(%arg11 : memref<512x32xf32, #tpu.memory_space<vmem>>) dst(%dma_wait3A_124 : memref<512x32xf32, #tpu.memory_space<vmem_shared>>)
        tpu.yield
      }) : () -> ()
      "tpu.region"() ({
        %run_scoped3A = tpu.sem_alloc : memref<!tpu.dma_semaphore, #tpu.memory_space<semaphore_mem>>
        %dma_start3A_117 = arith.constant 0 : i32
        %dma_start3A_118 = arith.constant 0 : i32
        %dma_start3A_119 = tpu.memref_slice %arg12[%dma_start3A_117, %dma_start3A_118] : memref<512x32xf32, #tpu.memory_space<vmem>> -> memref<120x32xf32, #tpu.memory_space<vmem>>
        %dma_start3A_120 = arith.constant 0 : i32
        %dma_start3A_121 = tpu.memref_slice %arg5[%multiple_of3A_2, %dma_start3A_120] : memref<10112x32xf32, #tpu.memory_space<hbm>> -> memref<120x32xf32, #tpu.memory_space<hbm>>
        %dma_start3A_122 = arith.constant 0 : i32
        %dma_start3A_123 = arith.constant 0 : i32
        %dma_start3A_124 = tpu.memref_slice %arg12[%dma_start3A_122, %dma_start3A_123] : memref<512x32xf32, #tpu.memory_space<vmem>> -> memref<120x32xf32, #tpu.memory_space<vmem>>
        %dma_start3A_125 = arith.constant 0 : i32
        %dma_start3A_126 = tpu.memref_slice %arg5[%multiple_of3A_2, %dma_start3A_125] : memref<10112x32xf32, #tpu.memory_space<hbm>> -> memref<120x32xf32, #tpu.memory_space<hbm>>
        tpu.enqueue_dma source(%dma_start3A_126 : memref<120x32xf32, #tpu.memory_space<hbm>>) target(%dma_start3A_124 : memref<120x32xf32, #tpu.memory_space<vmem>>) target_semaphore(%run_scoped3A : memref<!tpu.dma_semaphore, #tpu.memory_space<semaphore_mem>>)
        %dma_wait3A_127 = arith.constant 0 : i32
        %dma_wait3A_128 = arith.constant 0 : i32
        %dma_wait3A_129 = tpu.memref_slice %arg12[%dma_wait3A_127, %dma_wait3A_128] : memref<512x32xf32, #tpu.memory_space<vmem>> -> memref<120x32xf32, #tpu.memory_space<vmem>>
        %dma_wait3A_130 = arith.constant 0 : i32
        %dma_wait3A_131 = tpu.memref_slice %arg5[%multiple_of3A_2, %dma_wait3A_130] : memref<10112x32xf32, #tpu.memory_space<hbm>> -> memref<120x32xf32, #tpu.memory_space<hbm>>
        %dma_wait3A_132 = arith.constant 0 : i32
        %dma_wait3A_133 = arith.constant 0 : i32
        %dma_wait3A_134 = tpu.memref_slice %arg12[%dma_wait3A_132, %dma_wait3A_133] : memref<512x32xf32, #tpu.memory_space<vmem>> -> memref<120x32xf32, #tpu.memory_space<vmem>>
        %dma_wait3A_135 = arith.constant 0 : i32
        %dma_wait3A_136 = tpu.memref_slice %arg5[%multiple_of3A_2, %dma_wait3A_135] : memref<10112x32xf32, #tpu.memory_space<hbm>> -> memref<120x32xf32, #tpu.memory_space<hbm>>
        tpu.wait_dma2 semaphore(%run_scoped3A : memref<!tpu.dma_semaphore, #tpu.memory_space<semaphore_mem>>) src(%dma_wait3A_136 : memref<120x32xf32, #tpu.memory_space<hbm>>) dst(%dma_wait3A_134 : memref<120x32xf32, #tpu.memory_space<vmem>>)
        tpu.yield
      }) : () -> ()
      "tpu.region"() ({
        %run_scoped3A = tpu.sem_alloc : memref<!tpu.dma_semaphore, #tpu.memory_space<semaphore_mem>>
        %dma_start3A_117 = arith.constant 0 : i32
        %dma_start3A_118 = arith.constant 0 : i32
        %dma_start3A_119 = tpu.memref_slice %arg12[%dma_start3A_117, %dma_start3A_118] : memref<512x32xf32, #tpu.memory_space<vmem>> -> memref<120x32xf32, #tpu.memory_space<vmem>>
        %dma_start3A_120 = arith.constant 0 : i32
        %dma_start3A_121 = tpu.memref_slice %arg17[%multiple_of3A_2, %dma_start3A_120] : memref<10112x32xf32, #tpu.memory_space<vmem_shared>> -> memref<120x32xf32, #tpu.memory_space<vmem_shared>>
        %dma_start3A_122 = arith.constant 0 : i32
        %dma_start3A_123 = tpu.memref_slice %arg17[%multiple_of3A_2, %dma_start3A_122] : memref<10112x32xf32, #tpu.memory_space<vmem_shared>> -> memref<120x32xf32, #tpu.memory_space<vmem_shared>>
        %dma_start3A_124 = arith.constant 0 : i32
        %dma_start3A_125 = arith.constant 0 : i32
        %dma_start3A_126 = tpu.memref_slice %arg12[%dma_start3A_124, %dma_start3A_125] : memref<512x32xf32, #tpu.memory_space<vmem>> -> memref<120x32xf32, #tpu.memory_space<vmem>>
        tpu.enqueue_dma source(%dma_start3A_126 : memref<120x32xf32, #tpu.memory_space<vmem>>) target(%dma_start3A_123 : memref<120x32xf32, #tpu.memory_space<vmem_shared>>) target_semaphore(%run_scoped3A : memref<!tpu.dma_semaphore, #tpu.memory_space<semaphore_mem>>)
        %dma_wait3A_127 = arith.constant 0 : i32
        %dma_wait3A_128 = arith.constant 0 : i32
        %dma_wait3A_129 = tpu.memref_slice %arg12[%dma_wait3A_127, %dma_wait3A_128] : memref<512x32xf32, #tpu.memory_space<vmem>> -> memref<120x32xf32, #tpu.memory_space<vmem>>
        %dma_wait3A_130 = arith.constant 0 : i32
        %dma_wait3A_131 = tpu.memref_slice %arg17[%multiple_of3A_2, %dma_wait3A_130] : memref<10112x32xf32, #tpu.memory_space<vmem_shared>> -> memref<120x32xf32, #tpu.memory_space<vmem_shared>>
        %dma_wait3A_132 = arith.constant 0 : i32
        %dma_wait3A_133 = tpu.memref_slice %arg17[%multiple_of3A_2, %dma_wait3A_132] : memref<10112x32xf32, #tpu.memory_space<vmem_shared>> -> memref<120x32xf32, #tpu.memory_space<vmem_shared>>
        %dma_wait3A_134 = arith.constant 0 : i32
        %dma_wait3A_135 = arith.constant 0 : i32
        %dma_wait3A_136 = tpu.memref_slice %arg12[%dma_wait3A_134, %dma_wait3A_135] : memref<512x32xf32, #tpu.memory_space<vmem>> -> memref<120x32xf32, #tpu.memory_space<vmem>>
        tpu.wait_dma2 semaphore(%run_scoped3A : memref<!tpu.dma_semaphore, #tpu.memory_space<semaphore_mem>>) src(%dma_wait3A_136 : memref<120x32xf32, #tpu.memory_space<vmem>>) dst(%dma_wait3A_133 : memref<120x32xf32, #tpu.memory_space<vmem_shared>>)
        tpu.yield
      }) : () -> ()
    } else {
    }
    %barrier3A = arith.constant 0 : index
    tpu.barrier barrier_id(%barrier3A)
    %mul3A_10 = arith.constant 163840 : i32
    %mul3A_11 = arith.muli %arg0, %mul3A_10 : i32
    %mul3A_12 = arith.constant 10240 : i32
    %mul3A_13 = arith.muli %arg1, %mul3A_12 : i32
    %add3A_14 = arith.addi %mul3A_11, %mul3A_13 : i32
    %jit3A = arith.constant 128 : i32
    %div3A = arith.divsi %add3A_14, %jit3A : i32
    %sign3A = arith.constant 0 : i32
    %sign3A_15 = arith.cmpi sgt, %add3A_14, %sign3A : i32
    %sign3A_16 = arith.extui %sign3A_15 : i1 to i32
    %sign3A_17 = arith.constant 0 : i32
    %sign3A_18 = arith.cmpi slt, %add3A_14, %sign3A_17 : i32
    %sign3A_19 = arith.extui %sign3A_18 : i1 to i32
    %sign3A_20 = arith.subi %sign3A_16, %sign3A_19 : i32
    %sign3A_21 = arith.constant 0 : i32
    %sign3A_22 = arith.cmpi sgt, %jit3A, %sign3A_21 : i32
    %sign3A_23 = arith.extui %sign3A_22 : i1 to i32
    %sign3A_24 = arith.constant 0 : i32
    %sign3A_25 = arith.cmpi slt, %jit3A, %sign3A_24 : i32
    %sign3A_26 = arith.extui %sign3A_25 : i1 to i32
    %sign3A_27 = arith.subi %sign3A_23, %sign3A_26 : i32
    %ne3A = arith.cmpi ne, %sign3A_20, %sign3A_27 : i32
    %rem3A = arith.remsi %add3A_14, %jit3A : i32
    %ne3A_28 = arith.constant 0 : i32
    %ne3A_29 = arith.cmpi ne, %rem3A, %ne3A_28 : i32
    %and3A = arith.andi %ne3A, %ne3A_29 : i1
    %sub3A = arith.constant 1 : i32
    %sub3A_30 = arith.subi %div3A, %sub3A : i32
    %select_n3A = arith.select %and3A, %sub3A_30, %div3A : i32
    %multiple_of3A_31 = tpu.assume_multiple %select_n3A, 8 : i32
    "tpu.region"() ({
      %run_scoped3A = tpu.sem_alloc : memref<!tpu.dma_semaphore, #tpu.memory_space<semaphore_mem>>
      %dma_start3A_117 = arith.constant 0 : i32
      %dma_start3A_118 = tpu.memref_slice %arg3[%multiple_of3A_31, %dma_start3A_117] : memref<2560x128xi32, #tpu.memory_space<hbm>> -> memref<4x128xi32, #tpu.memory_space<hbm>>
      %dma_start3A_119 = arith.constant 0 : i32
      %dma_start3A_120 = tpu.memref_slice %arg3[%multiple_of3A_31, %dma_start3A_119] : memref<2560x128xi32, #tpu.memory_space<hbm>> -> memref<4x128xi32, #tpu.memory_space<hbm>>
      tpu.enqueue_dma source(%dma_start3A_120 : memref<4x128xi32, #tpu.memory_space<hbm>>) target(%arg7 : memref<4x128xi32, #tpu.memory_space<vmem>>) target_semaphore(%run_scoped3A : memref<!tpu.dma_semaphore, #tpu.memory_space<semaphore_mem>>)
      %dma_wait3A_121 = arith.constant 0 : i32
      %dma_wait3A_122 = tpu.memref_slice %arg3[%multiple_of3A_31, %dma_wait3A_121] : memref<2560x128xi32, #tpu.memory_space<hbm>> -> memref<4x128xi32, #tpu.memory_space<hbm>>
      %dma_wait3A_123 = arith.constant 0 : i32
      %dma_wait3A_124 = tpu.memref_slice %arg3[%multiple_of3A_31, %dma_wait3A_123] : memref<2560x128xi32, #tpu.memory_space<hbm>> -> memref<4x128xi32, #tpu.memory_space<hbm>>
      tpu.wait_dma2 semaphore(%run_scoped3A : memref<!tpu.dma_semaphore, #tpu.memory_space<semaphore_mem>>) src(%dma_wait3A_124 : memref<4x128xi32, #tpu.memory_space<hbm>>) dst(%arg7 : memref<4x128xi32, #tpu.memory_space<vmem>>)
      tpu.yield
    }) : () -> ()
    "tpu.region"() ({
      %run_scoped3A = tpu.sem_alloc : memref<!tpu.dma_semaphore, #tpu.memory_space<semaphore_mem>>
      %dma_start3A_117 = arith.constant 0 : i32
      %dma_start3A_118 = tpu.memref_slice %arg4[%multiple_of3A_31, %dma_start3A_117] : memref<2560x128xi32, #tpu.memory_space<hbm>> -> memref<4x128xi32, #tpu.memory_space<hbm>>
      %dma_start3A_119 = arith.constant 0 : i32
      %dma_start3A_120 = tpu.memref_slice %arg4[%multiple_of3A_31, %dma_start3A_119] : memref<2560x128xi32, #tpu.memory_space<hbm>> -> memref<4x128xi32, #tpu.memory_space<hbm>>
      tpu.enqueue_dma source(%dma_start3A_120 : memref<4x128xi32, #tpu.memory_space<hbm>>) target(%arg8 : memref<4x128xi32, #tpu.memory_space<vmem>>) target_semaphore(%run_scoped3A : memref<!tpu.dma_semaphore, #tpu.memory_space<semaphore_mem>>)
      %dma_wait3A_121 = arith.constant 0 : i32
      %dma_wait3A_122 = tpu.memref_slice %arg4[%multiple_of3A_31, %dma_wait3A_121] : memref<2560x128xi32, #tpu.memory_space<hbm>> -> memref<4x128xi32, #tpu.memory_space<hbm>>
      %dma_wait3A_123 = arith.constant 0 : i32
      %dma_wait3A_124 = tpu.memref_slice %arg4[%multiple_of3A_31, %dma_wait3A_123] : memref<2560x128xi32, #tpu.memory_space<hbm>> -> memref<4x128xi32, #tpu.memory_space<hbm>>
      tpu.wait_dma2 semaphore(%run_scoped3A : memref<!tpu.dma_semaphore, #tpu.memory_space<semaphore_mem>>) src(%dma_wait3A_124 : memref<4x128xi32, #tpu.memory_space<hbm>>) dst(%arg8 : memref<4x128xi32, #tpu.memory_space<vmem>>)
      tpu.yield
    }) : () -> ()
    %dma_start3A = arith.constant 0 : i32
    %dma_start3A_32 = arith.constant 0 : i32
    %dma_start3A_33 = arith.constant 0 : i32
    %dma_start3A_34 = tpu.memref_slice %arg11[%dma_start3A_32, %dma_start3A_33] : memref<512x32xf32, #tpu.memory_space<vmem>> -> memref<128x32xf32, #tpu.memory_space<vmem>>
    %dma_start3A_35 = arith.constant 0 : i32
    %dma_start3A_36 = tpu.memref_slice %arg7[%dma_start3A, %dma_start3A_35] : memref<4x128xi32, #tpu.memory_space<vmem>> -> memref<1x128xi32, #tpu.memory_space<vmem>>
    %dma_start3A_37 = tpu.memref_squeeze %dma_start3A_36 : memref<1x128xi32, #tpu.memory_space<vmem>> -> memref<128xi32, #tpu.memory_space<vmem>>
    %dma_start3A_38 = arith.constant 0 : i32
    %dma_start3A_39 = arith.constant 0 : i32
    %dma_start3A_40 = tpu.memref_slice %arg2[%dma_start3A_38, %dma_start3A_39] : memref<10112x32xf32, #tpu.memory_space<hbm>> -> memref<10112x32xf32, #tpu.memory_space<hbm>>
    tpu.enqueue_indirect_dma source(%dma_start3A_40 : memref<10112x32xf32, #tpu.memory_space<hbm>>) target(%dma_start3A_34 : memref<128x32xf32, #tpu.memory_space<vmem>>) offsets(%dma_start3A_37 : memref<128xi32, #tpu.memory_space<vmem>>) semaphore(%arg13 : memref<!tpu.dma_semaphore, #tpu.memory_space<semaphore_mem>>)
    %dma_start3A_41 = arith.constant 1 : i32
    %dma_start3A_42 = arith.constant 128 : i32
    %dma_start3A_43 = arith.constant 0 : i32
    %dma_start3A_44 = tpu.memref_slice %arg11[%dma_start3A_42, %dma_start3A_43] : memref<512x32xf32, #tpu.memory_space<vmem>> -> memref<128x32xf32, #tpu.memory_space<vmem>>
    %dma_start3A_45 = arith.constant 0 : i32
    %dma_start3A_46 = tpu.memref_slice %arg7[%dma_start3A_41, %dma_start3A_45] : memref<4x128xi32, #tpu.memory_space<vmem>> -> memref<1x128xi32, #tpu.memory_space<vmem>>
    %dma_start3A_47 = tpu.memref_squeeze %dma_start3A_46 : memref<1x128xi32, #tpu.memory_space<vmem>> -> memref<128xi32, #tpu.memory_space<vmem>>
    %dma_start3A_48 = arith.constant 0 : i32
    %dma_start3A_49 = arith.constant 0 : i32
    %dma_start3A_50 = tpu.memref_slice %arg2[%dma_start3A_48, %dma_start3A_49] : memref<10112x32xf32, #tpu.memory_space<hbm>> -> memref<10112x32xf32, #tpu.memory_space<hbm>>
    tpu.enqueue_indirect_dma source(%dma_start3A_50 : memref<10112x32xf32, #tpu.memory_space<hbm>>) target(%dma_start3A_44 : memref<128x32xf32, #tpu.memory_space<vmem>>) offsets(%dma_start3A_47 : memref<128xi32, #tpu.memory_space<vmem>>) semaphore(%arg13 : memref<!tpu.dma_semaphore, #tpu.memory_space<semaphore_mem>>)
    %dma_start3A_51 = arith.constant 2 : i32
    %dma_start3A_52 = arith.constant 256 : i32
    %dma_start3A_53 = arith.constant 0 : i32
    %dma_start3A_54 = tpu.memref_slice %arg11[%dma_start3A_52, %dma_start3A_53] : memref<512x32xf32, #tpu.memory_space<vmem>> -> memref<128x32xf32, #tpu.memory_space<vmem>>
    %dma_start3A_55 = arith.constant 0 : i32
    %dma_start3A_56 = tpu.memref_slice %arg7[%dma_start3A_51, %dma_start3A_55] : memref<4x128xi32, #tpu.memory_space<vmem>> -> memref<1x128xi32, #tpu.memory_space<vmem>>
    %dma_start3A_57 = tpu.memref_squeeze %dma_start3A_56 : memref<1x128xi32, #tpu.memory_space<vmem>> -> memref<128xi32, #tpu.memory_space<vmem>>
    %dma_start3A_58 = arith.constant 0 : i32
    %dma_start3A_59 = arith.constant 0 : i32
    %dma_start3A_60 = tpu.memref_slice %arg2[%dma_start3A_58, %dma_start3A_59] : memref<10112x32xf32, #tpu.memory_space<hbm>> -> memref<10112x32xf32, #tpu.memory_space<hbm>>
    tpu.enqueue_indirect_dma source(%dma_start3A_60 : memref<10112x32xf32, #tpu.memory_space<hbm>>) target(%dma_start3A_54 : memref<128x32xf32, #tpu.memory_space<vmem>>) offsets(%dma_start3A_57 : memref<128xi32, #tpu.memory_space<vmem>>) semaphore(%arg13 : memref<!tpu.dma_semaphore, #tpu.memory_space<semaphore_mem>>)
    %dma_start3A_61 = arith.constant 3 : i32
    %dma_start3A_62 = arith.constant 384 : i32
    %dma_start3A_63 = arith.constant 0 : i32
    %dma_start3A_64 = tpu.memref_slice %arg11[%dma_start3A_62, %dma_start3A_63] : memref<512x32xf32, #tpu.memory_space<vmem>> -> memref<128x32xf32, #tpu.memory_space<vmem>>
    %dma_start3A_65 = arith.constant 0 : i32
    %dma_start3A_66 = tpu.memref_slice %arg7[%dma_start3A_61, %dma_start3A_65] : memref<4x128xi32, #tpu.memory_space<vmem>> -> memref<1x128xi32, #tpu.memory_space<vmem>>
    %dma_start3A_67 = tpu.memref_squeeze %dma_start3A_66 : memref<1x128xi32, #tpu.memory_space<vmem>> -> memref<128xi32, #tpu.memory_space<vmem>>
    %dma_start3A_68 = arith.constant 0 : i32
    %dma_start3A_69 = arith.constant 0 : i32
    %dma_start3A_70 = tpu.memref_slice %arg2[%dma_start3A_68, %dma_start3A_69] : memref<10112x32xf32, #tpu.memory_space<hbm>> -> memref<10112x32xf32, #tpu.memory_space<hbm>>
    tpu.enqueue_indirect_dma source(%dma_start3A_70 : memref<10112x32xf32, #tpu.memory_space<hbm>>) target(%dma_start3A_64 : memref<128x32xf32, #tpu.memory_space<vmem>>) offsets(%dma_start3A_67 : memref<128xi32, #tpu.memory_space<vmem>>) semaphore(%arg13 : memref<!tpu.dma_semaphore, #tpu.memory_space<semaphore_mem>>)
    %scan3A = arith.constant 0 : i32
    %scan3A_71 = arith.constant 0 : i32
    %scan3A_72 = arith.constant 10 : i32
    %scan3A_73 = arith.addi %scan3A_71, %scan3A_72 : i32
    %scan3A_74 = arith.constant 1 : i32
    scf.for %scan3A_117 = %scan3A_71 to %scan3A_73 step %scan3A_74  : i32 {
      %mul3A_118 = arith.constant 2 : i32
      %mul3A_119 = arith.muli %mul3A_118, %scan3A_117 : i32
      %gt3A = arith.constant 0 : i32
      %gt3A_120 = arith.cmpi sgt, %scan3A_117, %gt3A : i32
      %convert_element_type3A_121 = arith.extui %gt3A_120 : i1 to i32
      %cond3A_122 = arith.constant 0 : i32
      %cond3A_123 = arith.cmpi ne, %convert_element_type3A_121, %cond3A_122 : i32
      scf.if %cond3A_123 {
        %dma_wait3A_374 = arith.constant 0 : i32
        %dma_wait3A_375 = arith.constant 0 : i32
        %dma_wait3A_376 = arith.constant 0 : i32
        %dma_wait3A_377 = tpu.memref_slice %arg12[%dma_wait3A_375, %dma_wait3A_376] : memref<512x32xf32, #tpu.memory_space<vmem>> -> memref<128x32xf32, #tpu.memory_space<vmem>>
        %dma_wait3A_378 = arith.constant 0 : i32
        %dma_wait3A_379 = tpu.memref_slice %arg10[%dma_wait3A_374, %dma_wait3A_378] : memref<4x128xi32, #tpu.memory_space<vmem>> -> memref<1x128xi32, #tpu.memory_space<vmem>>
        %dma_wait3A_380 = tpu.memref_squeeze %dma_wait3A_379 : memref<1x128xi32, #tpu.memory_space<vmem>> -> memref<128xi32, #tpu.memory_space<vmem>>
        %dma_wait3A_381 = arith.constant 0 : i32
        %dma_wait3A_382 = arith.constant 0 : i32
        %dma_wait3A_383 = tpu.memref_slice %arg17[%dma_wait3A_381, %dma_wait3A_382] : memref<10112x32xf32, #tpu.memory_space<vmem_shared>> -> memref<10112x32xf32, #tpu.memory_space<vmem_shared>>
        tpu.wait_indirect_dma semaphore(%arg16 : memref<!tpu.dma_semaphore, #tpu.memory_space<semaphore_mem>>) src(%dma_wait3A_377 : memref<128x32xf32, #tpu.memory_space<vmem>>) dst(%dma_wait3A_383 : memref<10112x32xf32, #tpu.memory_space<vmem_shared>>)
        %dma_wait3A_384 = arith.constant 1 : i32
        %dma_wait3A_385 = arith.constant 128 : i32
        %dma_wait3A_386 = arith.constant 0 : i32
        %dma_wait3A_387 = tpu.memref_slice %arg12[%dma_wait3A_385, %dma_wait3A_386] : memref<512x32xf32, #tpu.memory_space<vmem>> -> memref<128x32xf32, #tpu.memory_space<vmem>>
        %dma_wait3A_388 = arith.constant 0 : i32
        %dma_wait3A_389 = tpu.memref_slice %arg10[%dma_wait3A_384, %dma_wait3A_388] : memref<4x128xi32, #tpu.memory_space<vmem>> -> memref<1x128xi32, #tpu.memory_space<vmem>>
        %dma_wait3A_390 = tpu.memref_squeeze %dma_wait3A_389 : memref<1x128xi32, #tpu.memory_space<vmem>> -> memref<128xi32, #tpu.memory_space<vmem>>
        %dma_wait3A_391 = arith.constant 0 : i32
        %dma_wait3A_392 = arith.constant 0 : i32
        %dma_wait3A_393 = tpu.memref_slice %arg17[%dma_wait3A_391, %dma_wait3A_392] : memref<10112x32xf32, #tpu.memory_space<vmem_shared>> -> memref<10112x32xf32, #tpu.memory_space<vmem_shared>>
        tpu.wait_indirect_dma semaphore(%arg16 : memref<!tpu.dma_semaphore, #tpu.memory_space<semaphore_mem>>) src(%dma_wait3A_387 : memref<128x32xf32, #tpu.memory_space<vmem>>) dst(%dma_wait3A_393 : memref<10112x32xf32, #tpu.memory_space<vmem_shared>>)
        %dma_wait3A_394 = arith.constant 2 : i32
        %dma_wait3A_395 = arith.constant 256 : i32
        %dma_wait3A_396 = arith.constant 0 : i32
        %dma_wait3A_397 = tpu.memref_slice %arg12[%dma_wait3A_395, %dma_wait3A_396] : memref<512x32xf32, #tpu.memory_space<vmem>> -> memref<128x32xf32, #tpu.memory_space<vmem>>
        %dma_wait3A_398 = arith.constant 0 : i32
        %dma_wait3A_399 = tpu.memref_slice %arg10[%dma_wait3A_394, %dma_wait3A_398] : memref<4x128xi32, #tpu.memory_space<vmem>> -> memref<1x128xi32, #tpu.memory_space<vmem>>
        %dma_wait3A_400 = tpu.memref_squeeze %dma_wait3A_399 : memref<1x128xi32, #tpu.memory_space<vmem>> -> memref<128xi32, #tpu.memory_space<vmem>>
        %dma_wait3A_401 = arith.constant 0 : i32
        %dma_wait3A_402 = arith.constant 0 : i32
        %dma_wait3A_403 = tpu.memref_slice %arg17[%dma_wait3A_401, %dma_wait3A_402] : memref<10112x32xf32, #tpu.memory_space<vmem_shared>> -> memref<10112x32xf32, #tpu.memory_space<vmem_shared>>
        tpu.wait_indirect_dma semaphore(%arg16 : memref<!tpu.dma_semaphore, #tpu.memory_space<semaphore_mem>>) src(%dma_wait3A_397 : memref<128x32xf32, #tpu.memory_space<vmem>>) dst(%dma_wait3A_403 : memref<10112x32xf32, #tpu.memory_space<vmem_shared>>)
        %dma_wait3A_404 = arith.constant 3 : i32
        %dma_wait3A_405 = arith.constant 384 : i32
        %dma_wait3A_406 = arith.constant 0 : i32
        %dma_wait3A_407 = tpu.memref_slice %arg12[%dma_wait3A_405, %dma_wait3A_406] : memref<512x32xf32, #tpu.memory_space<vmem>> -> memref<128x32xf32, #tpu.memory_space<vmem>>
        %dma_wait3A_408 = arith.constant 0 : i32
        %dma_wait3A_409 = tpu.memref_slice %arg10[%dma_wait3A_404, %dma_wait3A_408] : memref<4x128xi32, #tpu.memory_space<vmem>> -> memref<1x128xi32, #tpu.memory_space<vmem>>
        %dma_wait3A_410 = tpu.memref_squeeze %dma_wait3A_409 : memref<1x128xi32, #tpu.memory_space<vmem>> -> memref<128xi32, #tpu.memory_space<vmem>>
        %dma_wait3A_411 = arith.constant 0 : i32
        %dma_wait3A_412 = arith.constant 0 : i32
        %dma_wait3A_413 = tpu.memref_slice %arg17[%dma_wait3A_411, %dma_wait3A_412] : memref<10112x32xf32, #tpu.memory_space<vmem_shared>> -> memref<10112x32xf32, #tpu.memory_space<vmem_shared>>
        tpu.wait_indirect_dma semaphore(%arg16 : memref<!tpu.dma_semaphore, #tpu.memory_space<semaphore_mem>>) src(%dma_wait3A_407 : memref<128x32xf32, #tpu.memory_space<vmem>>) dst(%dma_wait3A_413 : memref<10112x32xf32, #tpu.memory_space<vmem_shared>>)
      } else {
      }
      %add3A_124 = arith.constant 1 : i32
      %add3A_125 = arith.addi %mul3A_119, %add3A_124 : i32
      %mul3A_126 = arith.constant 4 : i32
      %mul3A_127 = arith.muli %add3A_125, %mul3A_126 : i32
      %add3A_128 = arith.addi %select_n3A, %mul3A_127 : i32
      %multiple_of3A_129 = tpu.assume_multiple %add3A_128, 4 : i32
      "tpu.region"() ({
        %run_scoped3A = tpu.sem_alloc : memref<!tpu.dma_semaphore, #tpu.memory_space<semaphore_mem>>
        %dma_start3A_374 = arith.constant 0 : i32
        %dma_start3A_375 = tpu.memref_slice %arg3[%multiple_of3A_129, %dma_start3A_374] : memref<2560x128xi32, #tpu.memory_space<hbm>> -> memref<4x128xi32, #tpu.memory_space<hbm>>
        %dma_start3A_376 = arith.constant 0 : i32
        %dma_start3A_377 = tpu.memref_slice %arg3[%multiple_of3A_129, %dma_start3A_376] : memref<2560x128xi32, #tpu.memory_space<hbm>> -> memref<4x128xi32, #tpu.memory_space<hbm>>
        tpu.enqueue_dma source(%dma_start3A_377 : memref<4x128xi32, #tpu.memory_space<hbm>>) target(%arg9 : memref<4x128xi32, #tpu.memory_space<vmem>>) target_semaphore(%run_scoped3A : memref<!tpu.dma_semaphore, #tpu.memory_space<semaphore_mem>>)
        %dma_wait3A_378 = arith.constant 0 : i32
        %dma_wait3A_379 = tpu.memref_slice %arg3[%multiple_of3A_129, %dma_wait3A_378] : memref<2560x128xi32, #tpu.memory_space<hbm>> -> memref<4x128xi32, #tpu.memory_space<hbm>>
        %dma_wait3A_380 = arith.constant 0 : i32
        %dma_wait3A_381 = tpu.memref_slice %arg3[%multiple_of3A_129, %dma_wait3A_380] : memref<2560x128xi32, #tpu.memory_space<hbm>> -> memref<4x128xi32, #tpu.memory_space<hbm>>
        tpu.wait_dma2 semaphore(%run_scoped3A : memref<!tpu.dma_semaphore, #tpu.memory_space<semaphore_mem>>) src(%dma_wait3A_381 : memref<4x128xi32, #tpu.memory_space<hbm>>) dst(%arg9 : memref<4x128xi32, #tpu.memory_space<vmem>>)
        tpu.yield
      }) : () -> ()
      "tpu.region"() ({
        %run_scoped3A = tpu.sem_alloc : memref<!tpu.dma_semaphore, #tpu.memory_space<semaphore_mem>>
        %dma_start3A_374 = arith.constant 0 : i32
        %dma_start3A_375 = tpu.memref_slice %arg4[%multiple_of3A_129, %dma_start3A_374] : memref<2560x128xi32, #tpu.memory_space<hbm>> -> memref<4x128xi32, #tpu.memory_space<hbm>>
        %dma_start3A_376 = arith.constant 0 : i32
        %dma_start3A_377 = tpu.memref_slice %arg4[%multiple_of3A_129, %dma_start3A_376] : memref<2560x128xi32, #tpu.memory_space<hbm>> -> memref<4x128xi32, #tpu.memory_space<hbm>>
        tpu.enqueue_dma source(%dma_start3A_377 : memref<4x128xi32, #tpu.memory_space<hbm>>) target(%arg10 : memref<4x128xi32, #tpu.memory_space<vmem>>) target_semaphore(%run_scoped3A : memref<!tpu.dma_semaphore, #tpu.memory_space<semaphore_mem>>)
        %dma_wait3A_378 = arith.constant 0 : i32
        %dma_wait3A_379 = tpu.memref_slice %arg4[%multiple_of3A_129, %dma_wait3A_378] : memref<2560x128xi32, #tpu.memory_space<hbm>> -> memref<4x128xi32, #tpu.memory_space<hbm>>
        %dma_wait3A_380 = arith.constant 0 : i32
        %dma_wait3A_381 = tpu.memref_slice %arg4[%multiple_of3A_129, %dma_wait3A_380] : memref<2560x128xi32, #tpu.memory_space<hbm>> -> memref<4x128xi32, #tpu.memory_space<hbm>>
        tpu.wait_dma2 semaphore(%run_scoped3A : memref<!tpu.dma_semaphore, #tpu.memory_space<semaphore_mem>>) src(%dma_wait3A_381 : memref<4x128xi32, #tpu.memory_space<hbm>>) dst(%arg10 : memref<4x128xi32, #tpu.memory_space<vmem>>)
        tpu.yield
      }) : () -> ()
      %dma_wait3A_130 = arith.constant 0 : i32
      %dma_wait3A_131 = arith.constant 0 : i32
      %dma_wait3A_132 = arith.constant 0 : i32
      %dma_wait3A_133 = tpu.memref_slice %arg11[%dma_wait3A_131, %dma_wait3A_132] : memref<512x32xf32, #tpu.memory_space<vmem>> -> memref<128x32xf32, #tpu.memory_space<vmem>>
      %dma_wait3A_134 = arith.constant 0 : i32
      %dma_wait3A_135 = tpu.memref_slice %arg7[%dma_wait3A_130, %dma_wait3A_134] : memref<4x128xi32, #tpu.memory_space<vmem>> -> memref<1x128xi32, #tpu.memory_space<vmem>>
      %dma_wait3A_136 = tpu.memref_squeeze %dma_wait3A_135 : memref<1x128xi32, #tpu.memory_space<vmem>> -> memref<128xi32, #tpu.memory_space<vmem>>
      %dma_wait3A_137 = arith.constant 0 : i32
      %dma_wait3A_138 = arith.constant 0 : i32
      %dma_wait3A_139 = tpu.memref_slice %arg2[%dma_wait3A_137, %dma_wait3A_138] : memref<10112x32xf32, #tpu.memory_space<hbm>> -> memref<10112x32xf32, #tpu.memory_space<hbm>>
      tpu.wait_indirect_dma semaphore(%arg13 : memref<!tpu.dma_semaphore, #tpu.memory_space<semaphore_mem>>) src(%dma_wait3A_139 : memref<10112x32xf32, #tpu.memory_space<hbm>>) dst(%dma_wait3A_133 : memref<128x32xf32, #tpu.memory_space<vmem>>)
      %dma_wait3A_140 = arith.constant 1 : i32
      %dma_wait3A_141 = arith.constant 128 : i32
      %dma_wait3A_142 = arith.constant 0 : i32
      %dma_wait3A_143 = tpu.memref_slice %arg11[%dma_wait3A_141, %dma_wait3A_142] : memref<512x32xf32, #tpu.memory_space<vmem>> -> memref<128x32xf32, #tpu.memory_space<vmem>>
      %dma_wait3A_144 = arith.constant 0 : i32
      %dma_wait3A_145 = tpu.memref_slice %arg7[%dma_wait3A_140, %dma_wait3A_144] : memref<4x128xi32, #tpu.memory_space<vmem>> -> memref<1x128xi32, #tpu.memory_space<vmem>>
      %dma_wait3A_146 = tpu.memref_squeeze %dma_wait3A_145 : memref<1x128xi32, #tpu.memory_space<vmem>> -> memref<128xi32, #tpu.memory_space<vmem>>
      %dma_wait3A_147 = arith.constant 0 : i32
      %dma_wait3A_148 = arith.constant 0 : i32
      %dma_wait3A_149 = tpu.memref_slice %arg2[%dma_wait3A_147, %dma_wait3A_148] : memref<10112x32xf32, #tpu.memory_space<hbm>> -> memref<10112x32xf32, #tpu.memory_space<hbm>>
      tpu.wait_indirect_dma semaphore(%arg13 : memref<!tpu.dma_semaphore, #tpu.memory_space<semaphore_mem>>) src(%dma_wait3A_149 : memref<10112x32xf32, #tpu.memory_space<hbm>>) dst(%dma_wait3A_143 : memref<128x32xf32, #tpu.memory_space<vmem>>)
      %dma_wait3A_150 = arith.constant 2 : i32
      %dma_wait3A_151 = arith.constant 256 : i32
      %dma_wait3A_152 = arith.constant 0 : i32
      %dma_wait3A_153 = tpu.memref_slice %arg11[%dma_wait3A_151, %dma_wait3A_152] : memref<512x32xf32, #tpu.memory_space<vmem>> -> memref<128x32xf32, #tpu.memory_space<vmem>>
      %dma_wait3A_154 = arith.constant 0 : i32
      %dma_wait3A_155 = tpu.memref_slice %arg7[%dma_wait3A_150, %dma_wait3A_154] : memref<4x128xi32, #tpu.memory_space<vmem>> -> memref<1x128xi32, #tpu.memory_space<vmem>>
      %dma_wait3A_156 = tpu.memref_squeeze %dma_wait3A_155 : memref<1x128xi32, #tpu.memory_space<vmem>> -> memref<128xi32, #tpu.memory_space<vmem>>
      %dma_wait3A_157 = arith.constant 0 : i32
      %dma_wait3A_158 = arith.constant 0 : i32
      %dma_wait3A_159 = tpu.memref_slice %arg2[%dma_wait3A_157, %dma_wait3A_158] : memref<10112x32xf32, #tpu.memory_space<hbm>> -> memref<10112x32xf32, #tpu.memory_space<hbm>>
      tpu.wait_indirect_dma semaphore(%arg13 : memref<!tpu.dma_semaphore, #tpu.memory_space<semaphore_mem>>) src(%dma_wait3A_159 : memref<10112x32xf32, #tpu.memory_space<hbm>>) dst(%dma_wait3A_153 : memref<128x32xf32, #tpu.memory_space<vmem>>)
      %dma_wait3A_160 = arith.constant 3 : i32
      %dma_wait3A_161 = arith.constant 384 : i32
      %dma_wait3A_162 = arith.constant 0 : i32
      %dma_wait3A_163 = tpu.memref_slice %arg11[%dma_wait3A_161, %dma_wait3A_162] : memref<512x32xf32, #tpu.memory_space<vmem>> -> memref<128x32xf32, #tpu.memory_space<vmem>>
      %dma_wait3A_164 = arith.constant 0 : i32
      %dma_wait3A_165 = tpu.memref_slice %arg7[%dma_wait3A_160, %dma_wait3A_164] : memref<4x128xi32, #tpu.memory_space<vmem>> -> memref<1x128xi32, #tpu.memory_space<vmem>>
      %dma_wait3A_166 = tpu.memref_squeeze %dma_wait3A_165 : memref<1x128xi32, #tpu.memory_space<vmem>> -> memref<128xi32, #tpu.memory_space<vmem>>
      %dma_wait3A_167 = arith.constant 0 : i32
      %dma_wait3A_168 = arith.constant 0 : i32
      %dma_wait3A_169 = tpu.memref_slice %arg2[%dma_wait3A_167, %dma_wait3A_168] : memref<10112x32xf32, #tpu.memory_space<hbm>> -> memref<10112x32xf32, #tpu.memory_space<hbm>>
      tpu.wait_indirect_dma semaphore(%arg13 : memref<!tpu.dma_semaphore, #tpu.memory_space<semaphore_mem>>) src(%dma_wait3A_169 : memref<10112x32xf32, #tpu.memory_space<hbm>>) dst(%dma_wait3A_163 : memref<128x32xf32, #tpu.memory_space<vmem>>)
      %dma_start3A_170 = arith.constant 0 : i32
      %dma_start3A_171 = arith.constant 0 : i32
      %dma_start3A_172 = arith.constant 0 : i32
      %dma_start3A_173 = tpu.memref_slice %arg11[%dma_start3A_171, %dma_start3A_172] : memref<512x32xf32, #tpu.memory_space<vmem>> -> memref<128x32xf32, #tpu.memory_space<vmem>>
      %dma_start3A_174 = arith.constant 0 : i32
      %dma_start3A_175 = tpu.memref_slice %arg8[%dma_start3A_170, %dma_start3A_174] : memref<4x128xi32, #tpu.memory_space<vmem>> -> memref<1x128xi32, #tpu.memory_space<vmem>>
      %dma_start3A_176 = tpu.memref_squeeze %dma_start3A_175 : memref<1x128xi32, #tpu.memory_space<vmem>> -> memref<128xi32, #tpu.memory_space<vmem>>
      %dma_start3A_177 = arith.constant 0 : i32
      %dma_start3A_178 = arith.constant 0 : i32
      %dma_start3A_179 = tpu.memref_slice %arg17[%dma_start3A_177, %dma_start3A_178] : memref<10112x32xf32, #tpu.memory_space<vmem_shared>> -> memref<10112x32xf32, #tpu.memory_space<vmem_shared>>
      tpu.enqueue_indirect_dma source(%dma_start3A_173 : memref<128x32xf32, #tpu.memory_space<vmem>>) target(%dma_start3A_179 : memref<10112x32xf32, #tpu.memory_space<vmem_shared>>) offsets(%dma_start3A_176 : memref<128xi32, #tpu.memory_space<vmem>>) semaphore(%arg15 : memref<!tpu.dma_semaphore, #tpu.memory_space<semaphore_mem>>) {add = true}
      %dma_start3A_180 = arith.constant 1 : i32
      %dma_start3A_181 = arith.constant 128 : i32
      %dma_start3A_182 = arith.constant 0 : i32
      %dma_start3A_183 = tpu.memref_slice %arg11[%dma_start3A_181, %dma_start3A_182] : memref<512x32xf32, #tpu.memory_space<vmem>> -> memref<128x32xf32, #tpu.memory_space<vmem>>
      %dma_start3A_184 = arith.constant 0 : i32
      %dma_start3A_185 = tpu.memref_slice %arg8[%dma_start3A_180, %dma_start3A_184] : memref<4x128xi32, #tpu.memory_space<vmem>> -> memref<1x128xi32, #tpu.memory_space<vmem>>
      %dma_start3A_186 = tpu.memref_squeeze %dma_start3A_185 : memref<1x128xi32, #tpu.memory_space<vmem>> -> memref<128xi32, #tpu.memory_space<vmem>>
      %dma_start3A_187 = arith.constant 0 : i32
      %dma_start3A_188 = arith.constant 0 : i32
      %dma_start3A_189 = tpu.memref_slice %arg17[%dma_start3A_187, %dma_start3A_188] : memref<10112x32xf32, #tpu.memory_space<vmem_shared>> -> memref<10112x32xf32, #tpu.memory_space<vmem_shared>>
      tpu.enqueue_indirect_dma source(%dma_start3A_183 : memref<128x32xf32, #tpu.memory_space<vmem>>) target(%dma_start3A_189 : memref<10112x32xf32, #tpu.memory_space<vmem_shared>>) offsets(%dma_start3A_186 : memref<128xi32, #tpu.memory_space<vmem>>) semaphore(%arg15 : memref<!tpu.dma_semaphore, #tpu.memory_space<semaphore_mem>>) {add = true}
      %dma_start3A_190 = arith.constant 2 : i32
      %dma_start3A_191 = arith.constant 256 : i32
      %dma_start3A_192 = arith.constant 0 : i32
      %dma_start3A_193 = tpu.memref_slice %arg11[%dma_start3A_191, %dma_start3A_192] : memref<512x32xf32, #tpu.memory_space<vmem>> -> memref<128x32xf32, #tpu.memory_space<vmem>>
      %dma_start3A_194 = arith.constant 0 : i32
      %dma_start3A_195 = tpu.memref_slice %arg8[%dma_start3A_190, %dma_start3A_194] : memref<4x128xi32, #tpu.memory_space<vmem>> -> memref<1x128xi32, #tpu.memory_space<vmem>>
      %dma_start3A_196 = tpu.memref_squeeze %dma_start3A_195 : memref<1x128xi32, #tpu.memory_space<vmem>> -> memref<128xi32, #tpu.memory_space<vmem>>
      %dma_start3A_197 = arith.constant 0 : i32
      %dma_start3A_198 = arith.constant 0 : i32
      %dma_start3A_199 = tpu.memref_slice %arg17[%dma_start3A_197, %dma_start3A_198] : memref<10112x32xf32, #tpu.memory_space<vmem_shared>> -> memref<10112x32xf32, #tpu.memory_space<vmem_shared>>
      tpu.enqueue_indirect_dma source(%dma_start3A_193 : memref<128x32xf32, #tpu.memory_space<vmem>>) target(%dma_start3A_199 : memref<10112x32xf32, #tpu.memory_space<vmem_shared>>) offsets(%dma_start3A_196 : memref<128xi32, #tpu.memory_space<vmem>>) semaphore(%arg15 : memref<!tpu.dma_semaphore, #tpu.memory_space<semaphore_mem>>) {add = true}
      %dma_start3A_200 = arith.constant 3 : i32
      %dma_start3A_201 = arith.constant 384 : i32
      %dma_start3A_202 = arith.constant 0 : i32
      %dma_start3A_203 = tpu.memref_slice %arg11[%dma_start3A_201, %dma_start3A_202] : memref<512x32xf32, #tpu.memory_space<vmem>> -> memref<128x32xf32, #tpu.memory_space<vmem>>
      %dma_start3A_204 = arith.constant 0 : i32
      %dma_start3A_205 = tpu.memref_slice %arg8[%dma_start3A_200, %dma_start3A_204] : memref<4x128xi32, #tpu.memory_space<vmem>> -> memref<1x128xi32, #tpu.memory_space<vmem>>
      %dma_start3A_206 = tpu.memref_squeeze %dma_start3A_205 : memref<1x128xi32, #tpu.memory_space<vmem>> -> memref<128xi32, #tpu.memory_space<vmem>>
      %dma_start3A_207 = arith.constant 0 : i32
      %dma_start3A_208 = arith.constant 0 : i32
      %dma_start3A_209 = tpu.memref_slice %arg17[%dma_start3A_207, %dma_start3A_208] : memref<10112x32xf32, #tpu.memory_space<vmem_shared>> -> memref<10112x32xf32, #tpu.memory_space<vmem_shared>>
      tpu.enqueue_indirect_dma source(%dma_start3A_203 : memref<128x32xf32, #tpu.memory_space<vmem>>) target(%dma_start3A_209 : memref<10112x32xf32, #tpu.memory_space<vmem_shared>>) offsets(%dma_start3A_206 : memref<128xi32, #tpu.memory_space<vmem>>) semaphore(%arg15 : memref<!tpu.dma_semaphore, #tpu.memory_space<semaphore_mem>>) {add = true}
      %dma_start3A_210 = arith.constant 0 : i32
      %dma_start3A_211 = arith.constant 0 : i32
      %dma_start3A_212 = arith.constant 0 : i32
      %dma_start3A_213 = tpu.memref_slice %arg12[%dma_start3A_211, %dma_start3A_212] : memref<512x32xf32, #tpu.memory_space<vmem>> -> memref<128x32xf32, #tpu.memory_space<vmem>>
      %dma_start3A_214 = arith.constant 0 : i32
      %dma_start3A_215 = tpu.memref_slice %arg9[%dma_start3A_210, %dma_start3A_214] : memref<4x128xi32, #tpu.memory_space<vmem>> -> memref<1x128xi32, #tpu.memory_space<vmem>>
      %dma_start3A_216 = tpu.memref_squeeze %dma_start3A_215 : memref<1x128xi32, #tpu.memory_space<vmem>> -> memref<128xi32, #tpu.memory_space<vmem>>
      %dma_start3A_217 = arith.constant 0 : i32
      %dma_start3A_218 = arith.constant 0 : i32
      %dma_start3A_219 = tpu.memref_slice %arg2[%dma_start3A_217, %dma_start3A_218] : memref<10112x32xf32, #tpu.memory_space<hbm>> -> memref<10112x32xf32, #tpu.memory_space<hbm>>
      tpu.enqueue_indirect_dma source(%dma_start3A_219 : memref<10112x32xf32, #tpu.memory_space<hbm>>) target(%dma_start3A_213 : memref<128x32xf32, #tpu.memory_space<vmem>>) offsets(%dma_start3A_216 : memref<128xi32, #tpu.memory_space<vmem>>) semaphore(%arg14 : memref<!tpu.dma_semaphore, #tpu.memory_space<semaphore_mem>>)
      %dma_start3A_220 = arith.constant 1 : i32
      %dma_start3A_221 = arith.constant 128 : i32
      %dma_start3A_222 = arith.constant 0 : i32
      %dma_start3A_223 = tpu.memref_slice %arg12[%dma_start3A_221, %dma_start3A_222] : memref<512x32xf32, #tpu.memory_space<vmem>> -> memref<128x32xf32, #tpu.memory_space<vmem>>
      %dma_start3A_224 = arith.constant 0 : i32
      %dma_start3A_225 = tpu.memref_slice %arg9[%dma_start3A_220, %dma_start3A_224] : memref<4x128xi32, #tpu.memory_space<vmem>> -> memref<1x128xi32, #tpu.memory_space<vmem>>
      %dma_start3A_226 = tpu.memref_squeeze %dma_start3A_225 : memref<1x128xi32, #tpu.memory_space<vmem>> -> memref<128xi32, #tpu.memory_space<vmem>>
      %dma_start3A_227 = arith.constant 0 : i32
      %dma_start3A_228 = arith.constant 0 : i32
      %dma_start3A_229 = tpu.memref_slice %arg2[%dma_start3A_227, %dma_start3A_228] : memref<10112x32xf32, #tpu.memory_space<hbm>> -> memref<10112x32xf32, #tpu.memory_space<hbm>>
      tpu.enqueue_indirect_dma source(%dma_start3A_229 : memref<10112x32xf32, #tpu.memory_space<hbm>>) target(%dma_start3A_223 : memref<128x32xf32, #tpu.memory_space<vmem>>) offsets(%dma_start3A_226 : memref<128xi32, #tpu.memory_space<vmem>>) semaphore(%arg14 : memref<!tpu.dma_semaphore, #tpu.memory_space<semaphore_mem>>)
      %dma_start3A_230 = arith.constant 2 : i32
      %dma_start3A_231 = arith.constant 256 : i32
      %dma_start3A_232 = arith.constant 0 : i32
      %dma_start3A_233 = tpu.memref_slice %arg12[%dma_start3A_231, %dma_start3A_232] : memref<512x32xf32, #tpu.memory_space<vmem>> -> memref<128x32xf32, #tpu.memory_space<vmem>>
      %dma_start3A_234 = arith.constant 0 : i32
      %dma_start3A_235 = tpu.memref_slice %arg9[%dma_start3A_230, %dma_start3A_234] : memref<4x128xi32, #tpu.memory_space<vmem>> -> memref<1x128xi32, #tpu.memory_space<vmem>>
      %dma_start3A_236 = tpu.memref_squeeze %dma_start3A_235 : memref<1x128xi32, #tpu.memory_space<vmem>> -> memref<128xi32, #tpu.memory_space<vmem>>
      %dma_start3A_237 = arith.constant 0 : i32
      %dma_start3A_238 = arith.constant 0 : i32
      %dma_start3A_239 = tpu.memref_slice %arg2[%dma_start3A_237, %dma_start3A_238] : memref<10112x32xf32, #tpu.memory_space<hbm>> -> memref<10112x32xf32, #tpu.memory_space<hbm>>
      tpu.enqueue_indirect_dma source(%dma_start3A_239 : memref<10112x32xf32, #tpu.memory_space<hbm>>) target(%dma_start3A_233 : memref<128x32xf32, #tpu.memory_space<vmem>>) offsets(%dma_start3A_236 : memref<128xi32, #tpu.memory_space<vmem>>) semaphore(%arg14 : memref<!tpu.dma_semaphore, #tpu.memory_space<semaphore_mem>>)
      %dma_start3A_240 = arith.constant 3 : i32
      %dma_start3A_241 = arith.constant 384 : i32
      %dma_start3A_242 = arith.constant 0 : i32
      %dma_start3A_243 = tpu.memref_slice %arg12[%dma_start3A_241, %dma_start3A_242] : memref<512x32xf32, #tpu.memory_space<vmem>> -> memref<128x32xf32, #tpu.memory_space<vmem>>
      %dma_start3A_244 = arith.constant 0 : i32
      %dma_start3A_245 = tpu.memref_slice %arg9[%dma_start3A_240, %dma_start3A_244] : memref<4x128xi32, #tpu.memory_space<vmem>> -> memref<1x128xi32, #tpu.memory_space<vmem>>
      %dma_start3A_246 = tpu.memref_squeeze %dma_start3A_245 : memref<1x128xi32, #tpu.memory_space<vmem>> -> memref<128xi32, #tpu.memory_space<vmem>>
      %dma_start3A_247 = arith.constant 0 : i32
      %dma_start3A_248 = arith.constant 0 : i32
      %dma_start3A_249 = tpu.memref_slice %arg2[%dma_start3A_247, %dma_start3A_248] : memref<10112x32xf32, #tpu.memory_space<hbm>> -> memref<10112x32xf32, #tpu.memory_space<hbm>>
      tpu.enqueue_indirect_dma source(%dma_start3A_249 : memref<10112x32xf32, #tpu.memory_space<hbm>>) target(%dma_start3A_243 : memref<128x32xf32, #tpu.memory_space<vmem>>) offsets(%dma_start3A_246 : memref<128xi32, #tpu.memory_space<vmem>>) semaphore(%arg14 : memref<!tpu.dma_semaphore, #tpu.memory_space<semaphore_mem>>)
      %dma_wait3A_250 = arith.constant 0 : i32
      %dma_wait3A_251 = arith.constant 0 : i32
      %dma_wait3A_252 = arith.constant 0 : i32
      %dma_wait3A_253 = tpu.memref_slice %arg12[%dma_wait3A_251, %dma_wait3A_252] : memref<512x32xf32, #tpu.memory_space<vmem>> -> memref<128x32xf32, #tpu.memory_space<vmem>>
      %dma_wait3A_254 = arith.constant 0 : i32
      %dma_wait3A_255 = tpu.memref_slice %arg9[%dma_wait3A_250, %dma_wait3A_254] : memref<4x128xi32, #tpu.memory_space<vmem>> -> memref<1x128xi32, #tpu.memory_space<vmem>>
      %dma_wait3A_256 = tpu.memref_squeeze %dma_wait3A_255 : memref<1x128xi32, #tpu.memory_space<vmem>> -> memref<128xi32, #tpu.memory_space<vmem>>
      %dma_wait3A_257 = arith.constant 0 : i32
      %dma_wait3A_258 = arith.constant 0 : i32
      %dma_wait3A_259 = tpu.memref_slice %arg2[%dma_wait3A_257, %dma_wait3A_258] : memref<10112x32xf32, #tpu.memory_space<hbm>> -> memref<10112x32xf32, #tpu.memory_space<hbm>>
      tpu.wait_indirect_dma semaphore(%arg14 : memref<!tpu.dma_semaphore, #tpu.memory_space<semaphore_mem>>) src(%dma_wait3A_259 : memref<10112x32xf32, #tpu.memory_space<hbm>>) dst(%dma_wait3A_253 : memref<128x32xf32, #tpu.memory_space<vmem>>)
      %dma_wait3A_260 = arith.constant 1 : i32
      %dma_wait3A_261 = arith.constant 128 : i32
      %dma_wait3A_262 = arith.constant 0 : i32
      %dma_wait3A_263 = tpu.memref_slice %arg12[%dma_wait3A_261, %dma_wait3A_262] : memref<512x32xf32, #tpu.memory_space<vmem>> -> memref<128x32xf32, #tpu.memory_space<vmem>>
      %dma_wait3A_264 = arith.constant 0 : i32
      %dma_wait3A_265 = tpu.memref_slice %arg9[%dma_wait3A_260, %dma_wait3A_264] : memref<4x128xi32, #tpu.memory_space<vmem>> -> memref<1x128xi32, #tpu.memory_space<vmem>>
      %dma_wait3A_266 = tpu.memref_squeeze %dma_wait3A_265 : memref<1x128xi32, #tpu.memory_space<vmem>> -> memref<128xi32, #tpu.memory_space<vmem>>
      %dma_wait3A_267 = arith.constant 0 : i32
      %dma_wait3A_268 = arith.constant 0 : i32
      %dma_wait3A_269 = tpu.memref_slice %arg2[%dma_wait3A_267, %dma_wait3A_268] : memref<10112x32xf32, #tpu.memory_space<hbm>> -> memref<10112x32xf32, #tpu.memory_space<hbm>>
      tpu.wait_indirect_dma semaphore(%arg14 : memref<!tpu.dma_semaphore, #tpu.memory_space<semaphore_mem>>) src(%dma_wait3A_269 : memref<10112x32xf32, #tpu.memory_space<hbm>>) dst(%dma_wait3A_263 : memref<128x32xf32, #tpu.memory_space<vmem>>)
      %dma_wait3A_270 = arith.constant 2 : i32
      %dma_wait3A_271 = arith.constant 256 : i32
      %dma_wait3A_272 = arith.constant 0 : i32
      %dma_wait3A_273 = tpu.memref_slice %arg12[%dma_wait3A_271, %dma_wait3A_272] : memref<512x32xf32, #tpu.memory_space<vmem>> -> memref<128x32xf32, #tpu.memory_space<vmem>>
      %dma_wait3A_274 = arith.constant 0 : i32
      %dma_wait3A_275 = tpu.memref_slice %arg9[%dma_wait3A_270, %dma_wait3A_274] : memref<4x128xi32, #tpu.memory_space<vmem>> -> memref<1x128xi32, #tpu.memory_space<vmem>>
      %dma_wait3A_276 = tpu.memref_squeeze %dma_wait3A_275 : memref<1x128xi32, #tpu.memory_space<vmem>> -> memref<128xi32, #tpu.memory_space<vmem>>
      %dma_wait3A_277 = arith.constant 0 : i32
      %dma_wait3A_278 = arith.constant 0 : i32
      %dma_wait3A_279 = tpu.memref_slice %arg2[%dma_wait3A_277, %dma_wait3A_278] : memref<10112x32xf32, #tpu.memory_space<hbm>> -> memref<10112x32xf32, #tpu.memory_space<hbm>>
      tpu.wait_indirect_dma semaphore(%arg14 : memref<!tpu.dma_semaphore, #tpu.memory_space<semaphore_mem>>) src(%dma_wait3A_279 : memref<10112x32xf32, #tpu.memory_space<hbm>>) dst(%dma_wait3A_273 : memref<128x32xf32, #tpu.memory_space<vmem>>)
      %dma_wait3A_280 = arith.constant 3 : i32
      %dma_wait3A_281 = arith.constant 384 : i32
      %dma_wait3A_282 = arith.constant 0 : i32
      %dma_wait3A_283 = tpu.memref_slice %arg12[%dma_wait3A_281, %dma_wait3A_282] : memref<512x32xf32, #tpu.memory_space<vmem>> -> memref<128x32xf32, #tpu.memory_space<vmem>>
      %dma_wait3A_284 = arith.constant 0 : i32
      %dma_wait3A_285 = tpu.memref_slice %arg9[%dma_wait3A_280, %dma_wait3A_284] : memref<4x128xi32, #tpu.memory_space<vmem>> -> memref<1x128xi32, #tpu.memory_space<vmem>>
      %dma_wait3A_286 = tpu.memref_squeeze %dma_wait3A_285 : memref<1x128xi32, #tpu.memory_space<vmem>> -> memref<128xi32, #tpu.memory_space<vmem>>
      %dma_wait3A_287 = arith.constant 0 : i32
      %dma_wait3A_288 = arith.constant 0 : i32
      %dma_wait3A_289 = tpu.memref_slice %arg2[%dma_wait3A_287, %dma_wait3A_288] : memref<10112x32xf32, #tpu.memory_space<hbm>> -> memref<10112x32xf32, #tpu.memory_space<hbm>>
      tpu.wait_indirect_dma semaphore(%arg14 : memref<!tpu.dma_semaphore, #tpu.memory_space<semaphore_mem>>) src(%dma_wait3A_289 : memref<10112x32xf32, #tpu.memory_space<hbm>>) dst(%dma_wait3A_283 : memref<128x32xf32, #tpu.memory_space<vmem>>)
      %dma_start3A_290 = arith.constant 0 : i32
      %dma_start3A_291 = arith.constant 0 : i32
      %dma_start3A_292 = arith.constant 0 : i32
      %dma_start3A_293 = tpu.memref_slice %arg12[%dma_start3A_291, %dma_start3A_292] : memref<512x32xf32, #tpu.memory_space<vmem>> -> memref<128x32xf32, #tpu.memory_space<vmem>>
      %dma_start3A_294 = arith.constant 0 : i32
      %dma_start3A_295 = tpu.memref_slice %arg10[%dma_start3A_290, %dma_start3A_294] : memref<4x128xi32, #tpu.memory_space<vmem>> -> memref<1x128xi32, #tpu.memory_space<vmem>>
      %dma_start3A_296 = tpu.memref_squeeze %dma_start3A_295 : memref<1x128xi32, #tpu.memory_space<vmem>> -> memref<128xi32, #tpu.memory_space<vmem>>
      %dma_start3A_297 = arith.constant 0 : i32
      %dma_start3A_298 = arith.constant 0 : i32
      %dma_start3A_299 = tpu.memref_slice %arg17[%dma_start3A_297, %dma_start3A_298] : memref<10112x32xf32, #tpu.memory_space<vmem_shared>> -> memref<10112x32xf32, #tpu.memory_space<vmem_shared>>
      tpu.enqueue_indirect_dma source(%dma_start3A_293 : memref<128x32xf32, #tpu.memory_space<vmem>>) target(%dma_start3A_299 : memref<10112x32xf32, #tpu.memory_space<vmem_shared>>) offsets(%dma_start3A_296 : memref<128xi32, #tpu.memory_space<vmem>>) semaphore(%arg16 : memref<!tpu.dma_semaphore, #tpu.memory_space<semaphore_mem>>) {add = true}
      %dma_start3A_300 = arith.constant 1 : i32
      %dma_start3A_301 = arith.constant 128 : i32
      %dma_start3A_302 = arith.constant 0 : i32
      %dma_start3A_303 = tpu.memref_slice %arg12[%dma_start3A_301, %dma_start3A_302] : memref<512x32xf32, #tpu.memory_space<vmem>> -> memref<128x32xf32, #tpu.memory_space<vmem>>
      %dma_start3A_304 = arith.constant 0 : i32
      %dma_start3A_305 = tpu.memref_slice %arg10[%dma_start3A_300, %dma_start3A_304] : memref<4x128xi32, #tpu.memory_space<vmem>> -> memref<1x128xi32, #tpu.memory_space<vmem>>
      %dma_start3A_306 = tpu.memref_squeeze %dma_start3A_305 : memref<1x128xi32, #tpu.memory_space<vmem>> -> memref<128xi32, #tpu.memory_space<vmem>>
      %dma_start3A_307 = arith.constant 0 : i32
      %dma_start3A_308 = arith.constant 0 : i32
      %dma_start3A_309 = tpu.memref_slice %arg17[%dma_start3A_307, %dma_start3A_308] : memref<10112x32xf32, #tpu.memory_space<vmem_shared>> -> memref<10112x32xf32, #tpu.memory_space<vmem_shared>>
      tpu.enqueue_indirect_dma source(%dma_start3A_303 : memref<128x32xf32, #tpu.memory_space<vmem>>) target(%dma_start3A_309 : memref<10112x32xf32, #tpu.memory_space<vmem_shared>>) offsets(%dma_start3A_306 : memref<128xi32, #tpu.memory_space<vmem>>) semaphore(%arg16 : memref<!tpu.dma_semaphore, #tpu.memory_space<semaphore_mem>>) {add = true}
      %dma_start3A_310 = arith.constant 2 : i32
      %dma_start3A_311 = arith.constant 256 : i32
      %dma_start3A_312 = arith.constant 0 : i32
      %dma_start3A_313 = tpu.memref_slice %arg12[%dma_start3A_311, %dma_start3A_312] : memref<512x32xf32, #tpu.memory_space<vmem>> -> memref<128x32xf32, #tpu.memory_space<vmem>>
      %dma_start3A_314 = arith.constant 0 : i32
      %dma_start3A_315 = tpu.memref_slice %arg10[%dma_start3A_310, %dma_start3A_314] : memref<4x128xi32, #tpu.memory_space<vmem>> -> memref<1x128xi32, #tpu.memory_space<vmem>>
      %dma_start3A_316 = tpu.memref_squeeze %dma_start3A_315 : memref<1x128xi32, #tpu.memory_space<vmem>> -> memref<128xi32, #tpu.memory_space<vmem>>
      %dma_start3A_317 = arith.constant 0 : i32
      %dma_start3A_318 = arith.constant 0 : i32
      %dma_start3A_319 = tpu.memref_slice %arg17[%dma_start3A_317, %dma_start3A_318] : memref<10112x32xf32, #tpu.memory_space<vmem_shared>> -> memref<10112x32xf32, #tpu.memory_space<vmem_shared>>
      tpu.enqueue_indirect_dma source(%dma_start3A_313 : memref<128x32xf32, #tpu.memory_space<vmem>>) target(%dma_start3A_319 : memref<10112x32xf32, #tpu.memory_space<vmem_shared>>) offsets(%dma_start3A_316 : memref<128xi32, #tpu.memory_space<vmem>>) semaphore(%arg16 : memref<!tpu.dma_semaphore, #tpu.memory_space<semaphore_mem>>) {add = true}
      %dma_start3A_320 = arith.constant 3 : i32
      %dma_start3A_321 = arith.constant 384 : i32
      %dma_start3A_322 = arith.constant 0 : i32
      %dma_start3A_323 = tpu.memref_slice %arg12[%dma_start3A_321, %dma_start3A_322] : memref<512x32xf32, #tpu.memory_space<vmem>> -> memref<128x32xf32, #tpu.memory_space<vmem>>
      %dma_start3A_324 = arith.constant 0 : i32
      %dma_start3A_325 = tpu.memref_slice %arg10[%dma_start3A_320, %dma_start3A_324] : memref<4x128xi32, #tpu.memory_space<vmem>> -> memref<1x128xi32, #tpu.memory_space<vmem>>
      %dma_start3A_326 = tpu.memref_squeeze %dma_start3A_325 : memref<1x128xi32, #tpu.memory_space<vmem>> -> memref<128xi32, #tpu.memory_space<vmem>>
      %dma_start3A_327 = arith.constant 0 : i32
      %dma_start3A_328 = arith.constant 0 : i32
      %dma_start3A_329 = tpu.memref_slice %arg17[%dma_start3A_327, %dma_start3A_328] : memref<10112x32xf32, #tpu.memory_space<vmem_shared>> -> memref<10112x32xf32, #tpu.memory_space<vmem_shared>>
      tpu.enqueue_indirect_dma source(%dma_start3A_323 : memref<128x32xf32, #tpu.memory_space<vmem>>) target(%dma_start3A_329 : memref<10112x32xf32, #tpu.memory_space<vmem_shared>>) offsets(%dma_start3A_326 : memref<128xi32, #tpu.memory_space<vmem>>) semaphore(%arg16 : memref<!tpu.dma_semaphore, #tpu.memory_space<semaphore_mem>>) {add = true}
      %dma_wait3A_330 = arith.constant 0 : i32
      %dma_wait3A_331 = arith.constant 0 : i32
      %dma_wait3A_332 = arith.constant 0 : i32
      %dma_wait3A_333 = tpu.memref_slice %arg11[%dma_wait3A_331, %dma_wait3A_332] : memref<512x32xf32, #tpu.memory_space<vmem>> -> memref<128x32xf32, #tpu.memory_space<vmem>>
      %dma_wait3A_334 = arith.constant 0 : i32
      %dma_wait3A_335 = tpu.memref_slice %arg8[%dma_wait3A_330, %dma_wait3A_334] : memref<4x128xi32, #tpu.memory_space<vmem>> -> memref<1x128xi32, #tpu.memory_space<vmem>>
      %dma_wait3A_336 = tpu.memref_squeeze %dma_wait3A_335 : memref<1x128xi32, #tpu.memory_space<vmem>> -> memref<128xi32, #tpu.memory_space<vmem>>
      %dma_wait3A_337 = arith.constant 0 : i32
      %dma_wait3A_338 = arith.constant 0 : i32
      %dma_wait3A_339 = tpu.memref_slice %arg17[%dma_wait3A_337, %dma_wait3A_338] : memref<10112x32xf32, #tpu.memory_space<vmem_shared>> -> memref<10112x32xf32, #tpu.memory_space<vmem_shared>>
      tpu.wait_indirect_dma semaphore(%arg15 : memref<!tpu.dma_semaphore, #tpu.memory_space<semaphore_mem>>) src(%dma_wait3A_333 : memref<128x32xf32, #tpu.memory_space<vmem>>) dst(%dma_wait3A_339 : memref<10112x32xf32, #tpu.memory_space<vmem_shared>>)
      %dma_wait3A_340 = arith.constant 1 : i32
      %dma_wait3A_341 = arith.constant 128 : i32
      %dma_wait3A_342 = arith.constant 0 : i32
      %dma_wait3A_343 = tpu.memref_slice %arg11[%dma_wait3A_341, %dma_wait3A_342] : memref<512x32xf32, #tpu.memory_space<vmem>> -> memref<128x32xf32, #tpu.memory_space<vmem>>
      %dma_wait3A_344 = arith.constant 0 : i32
      %dma_wait3A_345 = tpu.memref_slice %arg8[%dma_wait3A_340, %dma_wait3A_344] : memref<4x128xi32, #tpu.memory_space<vmem>> -> memref<1x128xi32, #tpu.memory_space<vmem>>
      %dma_wait3A_346 = tpu.memref_squeeze %dma_wait3A_345 : memref<1x128xi32, #tpu.memory_space<vmem>> -> memref<128xi32, #tpu.memory_space<vmem>>
      %dma_wait3A_347 = arith.constant 0 : i32
      %dma_wait3A_348 = arith.constant 0 : i32
      %dma_wait3A_349 = tpu.memref_slice %arg17[%dma_wait3A_347, %dma_wait3A_348] : memref<10112x32xf32, #tpu.memory_space<vmem_shared>> -> memref<10112x32xf32, #tpu.memory_space<vmem_shared>>
      tpu.wait_indirect_dma semaphore(%arg15 : memref<!tpu.dma_semaphore, #tpu.memory_space<semaphore_mem>>) src(%dma_wait3A_343 : memref<128x32xf32, #tpu.memory_space<vmem>>) dst(%dma_wait3A_349 : memref<10112x32xf32, #tpu.memory_space<vmem_shared>>)
      %dma_wait3A_350 = arith.constant 2 : i32
      %dma_wait3A_351 = arith.constant 256 : i32
      %dma_wait3A_352 = arith.constant 0 : i32
      %dma_wait3A_353 = tpu.memref_slice %arg11[%dma_wait3A_351, %dma_wait3A_352] : memref<512x32xf32, #tpu.memory_space<vmem>> -> memref<128x32xf32, #tpu.memory_space<vmem>>
      %dma_wait3A_354 = arith.constant 0 : i32
      %dma_wait3A_355 = tpu.memref_slice %arg8[%dma_wait3A_350, %dma_wait3A_354] : memref<4x128xi32, #tpu.memory_space<vmem>> -> memref<1x128xi32, #tpu.memory_space<vmem>>
      %dma_wait3A_356 = tpu.memref_squeeze %dma_wait3A_355 : memref<1x128xi32, #tpu.memory_space<vmem>> -> memref<128xi32, #tpu.memory_space<vmem>>
      %dma_wait3A_357 = arith.constant 0 : i32
      %dma_wait3A_358 = arith.constant 0 : i32
      %dma_wait3A_359 = tpu.memref_slice %arg17[%dma_wait3A_357, %dma_wait3A_358] : memref<10112x32xf32, #tpu.memory_space<vmem_shared>> -> memref<10112x32xf32, #tpu.memory_space<vmem_shared>>
      tpu.wait_indirect_dma semaphore(%arg15 : memref<!tpu.dma_semaphore, #tpu.memory_space<semaphore_mem>>) src(%dma_wait3A_353 : memref<128x32xf32, #tpu.memory_space<vmem>>) dst(%dma_wait3A_359 : memref<10112x32xf32, #tpu.memory_space<vmem_shared>>)
      %dma_wait3A_360 = arith.constant 3 : i32
      %dma_wait3A_361 = arith.constant 384 : i32
      %dma_wait3A_362 = arith.constant 0 : i32
      %dma_wait3A_363 = tpu.memref_slice %arg11[%dma_wait3A_361, %dma_wait3A_362] : memref<512x32xf32, #tpu.memory_space<vmem>> -> memref<128x32xf32, #tpu.memory_space<vmem>>
      %dma_wait3A_364 = arith.constant 0 : i32
      %dma_wait3A_365 = tpu.memref_slice %arg8[%dma_wait3A_360, %dma_wait3A_364] : memref<4x128xi32, #tpu.memory_space<vmem>> -> memref<1x128xi32, #tpu.memory_space<vmem>>
      %dma_wait3A_366 = tpu.memref_squeeze %dma_wait3A_365 : memref<1x128xi32, #tpu.memory_space<vmem>> -> memref<128xi32, #tpu.memory_space<vmem>>
      %dma_wait3A_367 = arith.constant 0 : i32
      %dma_wait3A_368 = arith.constant 0 : i32
      %dma_wait3A_369 = tpu.memref_slice %arg17[%dma_wait3A_367, %dma_wait3A_368] : memref<10112x32xf32, #tpu.memory_space<vmem_shared>> -> memref<10112x32xf32, #tpu.memory_space<vmem_shared>>
      tpu.wait_indirect_dma semaphore(%arg15 : memref<!tpu.dma_semaphore, #tpu.memory_space<semaphore_mem>>) src(%dma_wait3A_363 : memref<128x32xf32, #tpu.memory_space<vmem>>) dst(%dma_wait3A_369 : memref<10112x32xf32, #tpu.memory_space<vmem_shared>>)
      %lt3A = arith.constant 9 : i32
      %lt3A_370 = arith.cmpi slt, %scan3A_117, %lt3A : i32
      %convert_element_type3A_371 = arith.extui %lt3A_370 : i1 to i32
      %cond3A_372 = arith.constant 0 : i32
      %cond3A_373 = arith.cmpi ne, %convert_element_type3A_371, %cond3A_372 : i32
      scf.if %cond3A_373 {
        %add3A_374 = arith.constant 2 : i32
        %add3A_375 = arith.addi %mul3A_119, %add3A_374 : i32
        %mul3A_376 = arith.constant 4 : i32
        %mul3A_377 = arith.muli %add3A_375, %mul3A_376 : i32
        %add3A_378 = arith.addi %select_n3A, %mul3A_377 : i32
        %multiple_of3A_379 = tpu.assume_multiple %add3A_378, 8 : i32
        "tpu.region"() ({
          %run_scoped3A = tpu.sem_alloc : memref<!tpu.dma_semaphore, #tpu.memory_space<semaphore_mem>>
          %dma_start3A_420 = arith.constant 0 : i32
          %dma_start3A_421 = tpu.memref_slice %arg3[%multiple_of3A_379, %dma_start3A_420] : memref<2560x128xi32, #tpu.memory_space<hbm>> -> memref<4x128xi32, #tpu.memory_space<hbm>>
          %dma_start3A_422 = arith.constant 0 : i32
          %dma_start3A_423 = tpu.memref_slice %arg3[%multiple_of3A_379, %dma_start3A_422] : memref<2560x128xi32, #tpu.memory_space<hbm>> -> memref<4x128xi32, #tpu.memory_space<hbm>>
          tpu.enqueue_dma source(%dma_start3A_423 : memref<4x128xi32, #tpu.memory_space<hbm>>) target(%arg7 : memref<4x128xi32, #tpu.memory_space<vmem>>) target_semaphore(%run_scoped3A : memref<!tpu.dma_semaphore, #tpu.memory_space<semaphore_mem>>)
          %dma_wait3A_424 = arith.constant 0 : i32
          %dma_wait3A_425 = tpu.memref_slice %arg3[%multiple_of3A_379, %dma_wait3A_424] : memref<2560x128xi32, #tpu.memory_space<hbm>> -> memref<4x128xi32, #tpu.memory_space<hbm>>
          %dma_wait3A_426 = arith.constant 0 : i32
          %dma_wait3A_427 = tpu.memref_slice %arg3[%multiple_of3A_379, %dma_wait3A_426] : memref<2560x128xi32, #tpu.memory_space<hbm>> -> memref<4x128xi32, #tpu.memory_space<hbm>>
          tpu.wait_dma2 semaphore(%run_scoped3A : memref<!tpu.dma_semaphore, #tpu.memory_space<semaphore_mem>>) src(%dma_wait3A_427 : memref<4x128xi32, #tpu.memory_space<hbm>>) dst(%arg7 : memref<4x128xi32, #tpu.memory_space<vmem>>)
          tpu.yield
        }) : () -> ()
        "tpu.region"() ({
          %run_scoped3A = tpu.sem_alloc : memref<!tpu.dma_semaphore, #tpu.memory_space<semaphore_mem>>
          %dma_start3A_420 = arith.constant 0 : i32
          %dma_start3A_421 = tpu.memref_slice %arg4[%multiple_of3A_379, %dma_start3A_420] : memref<2560x128xi32, #tpu.memory_space<hbm>> -> memref<4x128xi32, #tpu.memory_space<hbm>>
          %dma_start3A_422 = arith.constant 0 : i32
          %dma_start3A_423 = tpu.memref_slice %arg4[%multiple_of3A_379, %dma_start3A_422] : memref<2560x128xi32, #tpu.memory_space<hbm>> -> memref<4x128xi32, #tpu.memory_space<hbm>>
          tpu.enqueue_dma source(%dma_start3A_423 : memref<4x128xi32, #tpu.memory_space<hbm>>) target(%arg8 : memref<4x128xi32, #tpu.memory_space<vmem>>) target_semaphore(%run_scoped3A : memref<!tpu.dma_semaphore, #tpu.memory_space<semaphore_mem>>)
          %dma_wait3A_424 = arith.constant 0 : i32
          %dma_wait3A_425 = tpu.memref_slice %arg4[%multiple_of3A_379, %dma_wait3A_424] : memref<2560x128xi32, #tpu.memory_space<hbm>> -> memref<4x128xi32, #tpu.memory_space<hbm>>
          %dma_wait3A_426 = arith.constant 0 : i32
          %dma_wait3A_427 = tpu.memref_slice %arg4[%multiple_of3A_379, %dma_wait3A_426] : memref<2560x128xi32, #tpu.memory_space<hbm>> -> memref<4x128xi32, #tpu.memory_space<hbm>>
          tpu.wait_dma2 semaphore(%run_scoped3A : memref<!tpu.dma_semaphore, #tpu.memory_space<semaphore_mem>>) src(%dma_wait3A_427 : memref<4x128xi32, #tpu.memory_space<hbm>>) dst(%arg8 : memref<4x128xi32, #tpu.memory_space<vmem>>)
          tpu.yield
        }) : () -> ()
        %dma_start3A_380 = arith.constant 0 : i32
        %dma_start3A_381 = arith.constant 0 : i32
        %dma_start3A_382 = arith.constant 0 : i32
        %dma_start3A_383 = tpu.memref_slice %arg11[%dma_start3A_381, %dma_start3A_382] : memref<512x32xf32, #tpu.memory_space<vmem>> -> memref<128x32xf32, #tpu.memory_space<vmem>>
        %dma_start3A_384 = arith.constant 0 : i32
        %dma_start3A_385 = tpu.memref_slice %arg7[%dma_start3A_380, %dma_start3A_384] : memref<4x128xi32, #tpu.memory_space<vmem>> -> memref<1x128xi32, #tpu.memory_space<vmem>>
        %dma_start3A_386 = tpu.memref_squeeze %dma_start3A_385 : memref<1x128xi32, #tpu.memory_space<vmem>> -> memref<128xi32, #tpu.memory_space<vmem>>
        %dma_start3A_387 = arith.constant 0 : i32
        %dma_start3A_388 = arith.constant 0 : i32
        %dma_start3A_389 = tpu.memref_slice %arg2[%dma_start3A_387, %dma_start3A_388] : memref<10112x32xf32, #tpu.memory_space<hbm>> -> memref<10112x32xf32, #tpu.memory_space<hbm>>
        tpu.enqueue_indirect_dma source(%dma_start3A_389 : memref<10112x32xf32, #tpu.memory_space<hbm>>) target(%dma_start3A_383 : memref<128x32xf32, #tpu.memory_space<vmem>>) offsets(%dma_start3A_386 : memref<128xi32, #tpu.memory_space<vmem>>) semaphore(%arg13 : memref<!tpu.dma_semaphore, #tpu.memory_space<semaphore_mem>>)
        %dma_start3A_390 = arith.constant 1 : i32
        %dma_start3A_391 = arith.constant 128 : i32
        %dma_start3A_392 = arith.constant 0 : i32
        %dma_start3A_393 = tpu.memref_slice %arg11[%dma_start3A_391, %dma_start3A_392] : memref<512x32xf32, #tpu.memory_space<vmem>> -> memref<128x32xf32, #tpu.memory_space<vmem>>
        %dma_start3A_394 = arith.constant 0 : i32
        %dma_start3A_395 = tpu.memref_slice %arg7[%dma_start3A_390, %dma_start3A_394] : memref<4x128xi32, #tpu.memory_space<vmem>> -> memref<1x128xi32, #tpu.memory_space<vmem>>
        %dma_start3A_396 = tpu.memref_squeeze %dma_start3A_395 : memref<1x128xi32, #tpu.memory_space<vmem>> -> memref<128xi32, #tpu.memory_space<vmem>>
        %dma_start3A_397 = arith.constant 0 : i32
        %dma_start3A_398 = arith.constant 0 : i32
        %dma_start3A_399 = tpu.memref_slice %arg2[%dma_start3A_397, %dma_start3A_398] : memref<10112x32xf32, #tpu.memory_space<hbm>> -> memref<10112x32xf32, #tpu.memory_space<hbm>>
        tpu.enqueue_indirect_dma source(%dma_start3A_399 : memref<10112x32xf32, #tpu.memory_space<hbm>>) target(%dma_start3A_393 : memref<128x32xf32, #tpu.memory_space<vmem>>) offsets(%dma_start3A_396 : memref<128xi32, #tpu.memory_space<vmem>>) semaphore(%arg13 : memref<!tpu.dma_semaphore, #tpu.memory_space<semaphore_mem>>)
        %dma_start3A_400 = arith.constant 2 : i32
        %dma_start3A_401 = arith.constant 256 : i32
        %dma_start3A_402 = arith.constant 0 : i32
        %dma_start3A_403 = tpu.memref_slice %arg11[%dma_start3A_401, %dma_start3A_402] : memref<512x32xf32, #tpu.memory_space<vmem>> -> memref<128x32xf32, #tpu.memory_space<vmem>>
        %dma_start3A_404 = arith.constant 0 : i32
        %dma_start3A_405 = tpu.memref_slice %arg7[%dma_start3A_400, %dma_start3A_404] : memref<4x128xi32, #tpu.memory_space<vmem>> -> memref<1x128xi32, #tpu.memory_space<vmem>>
        %dma_start3A_406 = tpu.memref_squeeze %dma_start3A_405 : memref<1x128xi32, #tpu.memory_space<vmem>> -> memref<128xi32, #tpu.memory_space<vmem>>
        %dma_start3A_407 = arith.constant 0 : i32
        %dma_start3A_408 = arith.constant 0 : i32
        %dma_start3A_409 = tpu.memref_slice %arg2[%dma_start3A_407, %dma_start3A_408] : memref<10112x32xf32, #tpu.memory_space<hbm>> -> memref<10112x32xf32, #tpu.memory_space<hbm>>
        tpu.enqueue_indirect_dma source(%dma_start3A_409 : memref<10112x32xf32, #tpu.memory_space<hbm>>) target(%dma_start3A_403 : memref<128x32xf32, #tpu.memory_space<vmem>>) offsets(%dma_start3A_406 : memref<128xi32, #tpu.memory_space<vmem>>) semaphore(%arg13 : memref<!tpu.dma_semaphore, #tpu.memory_space<semaphore_mem>>)
        %dma_start3A_410 = arith.constant 3 : i32
        %dma_start3A_411 = arith.constant 384 : i32
        %dma_start3A_412 = arith.constant 0 : i32
        %dma_start3A_413 = tpu.memref_slice %arg11[%dma_start3A_411, %dma_start3A_412] : memref<512x32xf32, #tpu.memory_space<vmem>> -> memref<128x32xf32, #tpu.memory_space<vmem>>
        %dma_start3A_414 = arith.constant 0 : i32
        %dma_start3A_415 = tpu.memref_slice %arg7[%dma_start3A_410, %dma_start3A_414] : memref<4x128xi32, #tpu.memory_space<vmem>> -> memref<1x128xi32, #tpu.memory_space<vmem>>
        %dma_start3A_416 = tpu.memref_squeeze %dma_start3A_415 : memref<1x128xi32, #tpu.memory_space<vmem>> -> memref<128xi32, #tpu.memory_space<vmem>>
        %dma_start3A_417 = arith.constant 0 : i32
        %dma_start3A_418 = arith.constant 0 : i32
        %dma_start3A_419 = tpu.memref_slice %arg2[%dma_start3A_417, %dma_start3A_418] : memref<10112x32xf32, #tpu.memory_space<hbm>> -> memref<10112x32xf32, #tpu.memory_space<hbm>>
        tpu.enqueue_indirect_dma source(%dma_start3A_419 : memref<10112x32xf32, #tpu.memory_space<hbm>>) target(%dma_start3A_413 : memref<128x32xf32, #tpu.memory_space<vmem>>) offsets(%dma_start3A_416 : memref<128xi32, #tpu.memory_space<vmem>>) semaphore(%arg13 : memref<!tpu.dma_semaphore, #tpu.memory_space<semaphore_mem>>)
      } else {
      }
    }
    %scan3A_75 = arith.constant 10 : i32
    %dma_wait3A = arith.constant 0 : i32
    %dma_wait3A_76 = arith.constant 0 : i32
    %dma_wait3A_77 = arith.constant 0 : i32
    %dma_wait3A_78 = tpu.memref_slice %arg12[%dma_wait3A_76, %dma_wait3A_77] : memref<512x32xf32, #tpu.memory_space<vmem>> -> memref<128x32xf32, #tpu.memory_space<vmem>>
    %dma_wait3A_79 = arith.constant 0 : i32
    %dma_wait3A_80 = tpu.memref_slice %arg10[%dma_wait3A, %dma_wait3A_79] : memref<4x128xi32, #tpu.memory_space<vmem>> -> memref<1x128xi32, #tpu.memory_space<vmem>>
    %dma_wait3A_81 = tpu.memref_squeeze %dma_wait3A_80 : memref<1x128xi32, #tpu.memory_space<vmem>> -> memref<128xi32, #tpu.memory_space<vmem>>
    %dma_wait3A_82 = arith.constant 0 : i32
    %dma_wait3A_83 = arith.constant 0 : i32
    %dma_wait3A_84 = tpu.memref_slice %arg17[%dma_wait3A_82, %dma_wait3A_83] : memref<10112x32xf32, #tpu.memory_space<vmem_shared>> -> memref<10112x32xf32, #tpu.memory_space<vmem_shared>>
    tpu.wait_indirect_dma semaphore(%arg16 : memref<!tpu.dma_semaphore, #tpu.memory_space<semaphore_mem>>) src(%dma_wait3A_78 : memref<128x32xf32, #tpu.memory_space<vmem>>) dst(%dma_wait3A_84 : memref<10112x32xf32, #tpu.memory_space<vmem_shared>>)
    %dma_wait3A_85 = arith.constant 1 : i32
    %dma_wait3A_86 = arith.constant 128 : i32
    %dma_wait3A_87 = arith.constant 0 : i32
    %dma_wait3A_88 = tpu.memref_slice %arg12[%dma_wait3A_86, %dma_wait3A_87] : memref<512x32xf32, #tpu.memory_space<vmem>> -> memref<128x32xf32, #tpu.memory_space<vmem>>
    %dma_wait3A_89 = arith.constant 0 : i32
    %dma_wait3A_90 = tpu.memref_slice %arg10[%dma_wait3A_85, %dma_wait3A_89] : memref<4x128xi32, #tpu.memory_space<vmem>> -> memref<1x128xi32, #tpu.memory_space<vmem>>
    %dma_wait3A_91 = tpu.memref_squeeze %dma_wait3A_90 : memref<1x128xi32, #tpu.memory_space<vmem>> -> memref<128xi32, #tpu.memory_space<vmem>>
    %dma_wait3A_92 = arith.constant 0 : i32
    %dma_wait3A_93 = arith.constant 0 : i32
    %dma_wait3A_94 = tpu.memref_slice %arg17[%dma_wait3A_92, %dma_wait3A_93] : memref<10112x32xf32, #tpu.memory_space<vmem_shared>> -> memref<10112x32xf32, #tpu.memory_space<vmem_shared>>
    tpu.wait_indirect_dma semaphore(%arg16 : memref<!tpu.dma_semaphore, #tpu.memory_space<semaphore_mem>>) src(%dma_wait3A_88 : memref<128x32xf32, #tpu.memory_space<vmem>>) dst(%dma_wait3A_94 : memref<10112x32xf32, #tpu.memory_space<vmem_shared>>)
    %dma_wait3A_95 = arith.constant 2 : i32
    %dma_wait3A_96 = arith.constant 256 : i32
    %dma_wait3A_97 = arith.constant 0 : i32
    %dma_wait3A_98 = tpu.memref_slice %arg12[%dma_wait3A_96, %dma_wait3A_97] : memref<512x32xf32, #tpu.memory_space<vmem>> -> memref<128x32xf32, #tpu.memory_space<vmem>>
    %dma_wait3A_99 = arith.constant 0 : i32
    %dma_wait3A_100 = tpu.memref_slice %arg10[%dma_wait3A_95, %dma_wait3A_99] : memref<4x128xi32, #tpu.memory_space<vmem>> -> memref<1x128xi32, #tpu.memory_space<vmem>>
    %dma_wait3A_101 = tpu.memref_squeeze %dma_wait3A_100 : memref<1x128xi32, #tpu.memory_space<vmem>> -> memref<128xi32, #tpu.memory_space<vmem>>
    %dma_wait3A_102 = arith.constant 0 : i32
    %dma_wait3A_103 = arith.constant 0 : i32
    %dma_wait3A_104 = tpu.memref_slice %arg17[%dma_wait3A_102, %dma_wait3A_103] : memref<10112x32xf32, #tpu.memory_space<vmem_shared>> -> memref<10112x32xf32, #tpu.memory_space<vmem_shared>>
    tpu.wait_indirect_dma semaphore(%arg16 : memref<!tpu.dma_semaphore, #tpu.memory_space<semaphore_mem>>) src(%dma_wait3A_98 : memref<128x32xf32, #tpu.memory_space<vmem>>) dst(%dma_wait3A_104 : memref<10112x32xf32, #tpu.memory_space<vmem_shared>>)
    %dma_wait3A_105 = arith.constant 3 : i32
    %dma_wait3A_106 = arith.constant 384 : i32
    %dma_wait3A_107 = arith.constant 0 : i32
    %dma_wait3A_108 = tpu.memref_slice %arg12[%dma_wait3A_106, %dma_wait3A_107] : memref<512x32xf32, #tpu.memory_space<vmem>> -> memref<128x32xf32, #tpu.memory_space<vmem>>
    %dma_wait3A_109 = arith.constant 0 : i32
    %dma_wait3A_110 = tpu.memref_slice %arg10[%dma_wait3A_105, %dma_wait3A_109] : memref<4x128xi32, #tpu.memory_space<vmem>> -> memref<1x128xi32, #tpu.memory_space<vmem>>
    %dma_wait3A_111 = tpu.memref_squeeze %dma_wait3A_110 : memref<1x128xi32, #tpu.memory_space<vmem>> -> memref<128xi32, #tpu.memory_space<vmem>>
    %dma_wait3A_112 = arith.constant 0 : i32
    %dma_wait3A_113 = arith.constant 0 : i32
    %dma_wait3A_114 = tpu.memref_slice %arg17[%dma_wait3A_112, %dma_wait3A_113] : memref<10112x32xf32, #tpu.memory_space<vmem_shared>> -> memref<10112x32xf32, #tpu.memory_space<vmem_shared>>
    tpu.wait_indirect_dma semaphore(%arg16 : memref<!tpu.dma_semaphore, #tpu.memory_space<semaphore_mem>>) src(%dma_wait3A_108 : memref<128x32xf32, #tpu.memory_space<vmem>>) dst(%dma_wait3A_114 : memref<10112x32xf32, #tpu.memory_space<vmem_shared>>)
    %barrier3A_115 = arith.constant 0 : index
    tpu.barrier barrier_id(%barrier3A_115)
    "tpu.region"() ({
      %run_scoped3A = tpu.sem_alloc : memref<!tpu.dma_semaphore, #tpu.memory_space<semaphore_mem>>
      %dma_start3A_117 = arith.constant 0 : i32
      %dma_start3A_118 = tpu.memref_slice %arg17[%multiple_of3A, %dma_start3A_117] : memref<10112x32xf32, #tpu.memory_space<vmem_shared>> -> memref<512x32xf32, #tpu.memory_space<vmem_shared>>
      %dma_start3A_119 = arith.constant 0 : i32
      %dma_start3A_120 = tpu.memref_slice %arg17[%multiple_of3A, %dma_start3A_119] : memref<10112x32xf32, #tpu.memory_space<vmem_shared>> -> memref<512x32xf32, #tpu.memory_space<vmem_shared>>
      tpu.enqueue_dma source(%dma_start3A_120 : memref<512x32xf32, #tpu.memory_space<vmem_shared>>) target(%arg11 : memref<512x32xf32, #tpu.memory_space<vmem>>) target_semaphore(%run_scoped3A : memref<!tpu.dma_semaphore, #tpu.memory_space<semaphore_mem>>)
      %dma_wait3A_121 = arith.constant 0 : i32
      %dma_wait3A_122 = tpu.memref_slice %arg17[%multiple_of3A, %dma_wait3A_121] : memref<10112x32xf32, #tpu.memory_space<vmem_shared>> -> memref<512x32xf32, #tpu.memory_space<vmem_shared>>
      %dma_wait3A_123 = arith.constant 0 : i32
      %dma_wait3A_124 = tpu.memref_slice %arg17[%multiple_of3A, %dma_wait3A_123] : memref<10112x32xf32, #tpu.memory_space<vmem_shared>> -> memref<512x32xf32, #tpu.memory_space<vmem_shared>>
      tpu.wait_dma2 semaphore(%run_scoped3A : memref<!tpu.dma_semaphore, #tpu.memory_space<semaphore_mem>>) src(%dma_wait3A_124 : memref<512x32xf32, #tpu.memory_space<vmem_shared>>) dst(%arg11 : memref<512x32xf32, #tpu.memory_space<vmem>>)
      tpu.yield
    }) : () -> ()
    "tpu.region"() ({
      %run_scoped3A = tpu.sem_alloc : memref<!tpu.dma_semaphore, #tpu.memory_space<semaphore_mem>>
      %dma_start3A_117 = arith.constant 0 : i32
      %dma_start3A_118 = arith.constant 0 : i32
      %dma_start3A_119 = tpu.memref_slice %arg6[%arg0, %dma_start3A_117, %dma_start3A_118] : memref<2x10112x32xf32, #tpu.memory_space<hbm>> -> memref<1x10112x32xf32, #tpu.memory_space<hbm>>
      %dma_start3A_120 = tpu.memref_squeeze %dma_start3A_119 : memref<1x10112x32xf32, #tpu.memory_space<hbm>> -> memref<10112x32xf32, #tpu.memory_space<hbm>>
      %dma_start3A_121 = arith.constant 0 : i32
      %dma_start3A_122 = tpu.memref_slice %dma_start3A_120[%multiple_of3A, %dma_start3A_121] : memref<10112x32xf32, #tpu.memory_space<hbm>> -> memref<512x32xf32, #tpu.memory_space<hbm>>
      %dma_start3A_123 = arith.constant 0 : i32
      %dma_start3A_124 = arith.constant 0 : i32
      %dma_start3A_125 = tpu.memref_slice %arg6[%arg0, %dma_start3A_123, %dma_start3A_124] : memref<2x10112x32xf32, #tpu.memory_space<hbm>> -> memref<1x10112x32xf32, #tpu.memory_space<hbm>>
      %dma_start3A_126 = tpu.memref_squeeze %dma_start3A_125 : memref<1x10112x32xf32, #tpu.memory_space<hbm>> -> memref<10112x32xf32, #tpu.memory_space<hbm>>
      %dma_start3A_127 = arith.constant 0 : i32
      %dma_start3A_128 = tpu.memref_slice %dma_start3A_126[%multiple_of3A, %dma_start3A_127] : memref<10112x32xf32, #tpu.memory_space<hbm>> -> memref<512x32xf32, #tpu.memory_space<hbm>>
      tpu.enqueue_dma source(%arg11 : memref<512x32xf32, #tpu.memory_space<vmem>>) target(%dma_start3A_128 : memref<512x32xf32, #tpu.memory_space<hbm>>) target_semaphore(%run_scoped3A : memref<!tpu.dma_semaphore, #tpu.memory_space<semaphore_mem>>)
      %dma_wait3A_129 = arith.constant 0 : i32
      %dma_wait3A_130 = arith.constant 0 : i32
      %dma_wait3A_131 = tpu.memref_slice %arg6[%arg0, %dma_wait3A_129, %dma_wait3A_130] : memref<2x10112x32xf32, #tpu.memory_space<hbm>> -> memref<1x10112x32xf32, #tpu.memory_space<hbm>>
      %dma_wait3A_132 = tpu.memref_squeeze %dma_wait3A_131 : memref<1x10112x32xf32, #tpu.memory_space<hbm>> -> memref<10112x32xf32, #tpu.memory_space<hbm>>
      %dma_wait3A_133 = arith.constant 0 : i32
      %dma_wait3A_134 = tpu.memref_slice %dma_wait3A_132[%multiple_of3A, %dma_wait3A_133] : memref<10112x32xf32, #tpu.memory_space<hbm>> -> memref<512x32xf32, #tpu.memory_space<hbm>>
      %dma_wait3A_135 = arith.constant 0 : i32
      %dma_wait3A_136 = arith.constant 0 : i32
      %dma_wait3A_137 = tpu.memref_slice %arg6[%arg0, %dma_wait3A_135, %dma_wait3A_136] : memref<2x10112x32xf32, #tpu.memory_space<hbm>> -> memref<1x10112x32xf32, #tpu.memory_space<hbm>>
      %dma_wait3A_138 = tpu.memref_squeeze %dma_wait3A_137 : memref<1x10112x32xf32, #tpu.memory_space<hbm>> -> memref<10112x32xf32, #tpu.memory_space<hbm>>
      %dma_wait3A_139 = arith.constant 0 : i32
      %dma_wait3A_140 = tpu.memref_slice %dma_wait3A_138[%multiple_of3A, %dma_wait3A_139] : memref<10112x32xf32, #tpu.memory_space<hbm>> -> memref<512x32xf32, #tpu.memory_space<hbm>>
      tpu.wait_dma2 semaphore(%run_scoped3A : memref<!tpu.dma_semaphore, #tpu.memory_space<semaphore_mem>>) src(%arg11 : memref<512x32xf32, #tpu.memory_space<vmem>>) dst(%dma_wait3A_140 : memref<512x32xf32, #tpu.memory_space<hbm>>)
      tpu.yield
    }) : () -> ()
    "tpu.region"() ({
      %run_scoped3A = tpu.sem_alloc : memref<!tpu.dma_semaphore, #tpu.memory_space<semaphore_mem>>
      %dma_start3A_117 = arith.constant 0 : i32
      %dma_start3A_118 = arith.constant 0 : i32
      %dma_start3A_119 = tpu.memref_slice %arg12[%dma_start3A_117, %dma_start3A_118] : memref<512x32xf32, #tpu.memory_space<vmem>> -> memref<120x32xf32, #tpu.memory_space<vmem>>
      %dma_start3A_120 = arith.constant 0 : i32
      %dma_start3A_121 = tpu.memref_slice %arg17[%multiple_of3A_2, %dma_start3A_120] : memref<10112x32xf32, #tpu.memory_space<vmem_shared>> -> memref<120x32xf32, #tpu.memory_space<vmem_shared>>
      %dma_start3A_122 = arith.constant 0 : i32
      %dma_start3A_123 = arith.constant 0 : i32
      %dma_start3A_124 = tpu.memref_slice %arg12[%dma_start3A_122, %dma_start3A_123] : memref<512x32xf32, #tpu.memory_space<vmem>> -> memref<120x32xf32, #tpu.memory_space<vmem>>
      %dma_start3A_125 = arith.constant 0 : i32
      %dma_start3A_126 = tpu.memref_slice %arg17[%multiple_of3A_2, %dma_start3A_125] : memref<10112x32xf32, #tpu.memory_space<vmem_shared>> -> memref<120x32xf32, #tpu.memory_space<vmem_shared>>
      tpu.enqueue_dma source(%dma_start3A_126 : memref<120x32xf32, #tpu.memory_space<vmem_shared>>) target(%dma_start3A_124 : memref<120x32xf32, #tpu.memory_space<vmem>>) target_semaphore(%run_scoped3A : memref<!tpu.dma_semaphore, #tpu.memory_space<semaphore_mem>>)
      %dma_wait3A_127 = arith.constant 0 : i32
      %dma_wait3A_128 = arith.constant 0 : i32
      %dma_wait3A_129 = tpu.memref_slice %arg12[%dma_wait3A_127, %dma_wait3A_128] : memref<512x32xf32, #tpu.memory_space<vmem>> -> memref<120x32xf32, #tpu.memory_space<vmem>>
      %dma_wait3A_130 = arith.constant 0 : i32
      %dma_wait3A_131 = tpu.memref_slice %arg17[%multiple_of3A_2, %dma_wait3A_130] : memref<10112x32xf32, #tpu.memory_space<vmem_shared>> -> memref<120x32xf32, #tpu.memory_space<vmem_shared>>
      %dma_wait3A_132 = arith.constant 0 : i32
      %dma_wait3A_133 = arith.constant 0 : i32
      %dma_wait3A_134 = tpu.memref_slice %arg12[%dma_wait3A_132, %dma_wait3A_133] : memref<512x32xf32, #tpu.memory_space<vmem>> -> memref<120x32xf32, #tpu.memory_space<vmem>>
      %dma_wait3A_135 = arith.constant 0 : i32
      %dma_wait3A_136 = tpu.memref_slice %arg17[%multiple_of3A_2, %dma_wait3A_135] : memref<10112x32xf32, #tpu.memory_space<vmem_shared>> -> memref<120x32xf32, #tpu.memory_space<vmem_shared>>
      tpu.wait_dma2 semaphore(%run_scoped3A : memref<!tpu.dma_semaphore, #tpu.memory_space<semaphore_mem>>) src(%dma_wait3A_136 : memref<120x32xf32, #tpu.memory_space<vmem_shared>>) dst(%dma_wait3A_134 : memref<120x32xf32, #tpu.memory_space<vmem>>)
      tpu.yield
    }) : () -> ()
    "tpu.region"() ({
      %run_scoped3A = tpu.sem_alloc : memref<!tpu.dma_semaphore, #tpu.memory_space<semaphore_mem>>
      %dma_start3A_117 = arith.constant 0 : i32
      %dma_start3A_118 = arith.constant 0 : i32
      %dma_start3A_119 = tpu.memref_slice %arg12[%dma_start3A_117, %dma_start3A_118] : memref<512x32xf32, #tpu.memory_space<vmem>> -> memref<120x32xf32, #tpu.memory_space<vmem>>
      %dma_start3A_120 = arith.constant 0 : i32
      %dma_start3A_121 = arith.constant 0 : i32
      %dma_start3A_122 = tpu.memref_slice %arg6[%arg0, %dma_start3A_120, %dma_start3A_121] : memref<2x10112x32xf32, #tpu.memory_space<hbm>> -> memref<1x10112x32xf32, #tpu.memory_space<hbm>>
      %dma_start3A_123 = tpu.memref_squeeze %dma_start3A_122 : memref<1x10112x32xf32, #tpu.memory_space<hbm>> -> memref<10112x32xf32, #tpu.memory_space<hbm>>
      %dma_start3A_124 = arith.constant 0 : i32
      %dma_start3A_125 = tpu.memref_slice %dma_start3A_123[%multiple_of3A_2, %dma_start3A_124] : memref<10112x32xf32, #tpu.memory_space<hbm>> -> memref<120x32xf32, #tpu.memory_space<hbm>>
      %dma_start3A_126 = arith.constant 0 : i32
      %dma_start3A_127 = arith.constant 0 : i32
      %dma_start3A_128 = tpu.memref_slice %arg6[%arg0, %dma_start3A_126, %dma_start3A_127] : memref<2x10112x32xf32, #tpu.memory_space<hbm>> -> memref<1x10112x32xf32, #tpu.memory_space<hbm>>
      %dma_start3A_129 = tpu.memref_squeeze %dma_start3A_128 : memref<1x10112x32xf32, #tpu.memory_space<hbm>> -> memref<10112x32xf32, #tpu.memory_space<hbm>>
      %dma_start3A_130 = arith.constant 0 : i32
      %dma_start3A_131 = tpu.memref_slice %dma_start3A_129[%multiple_of3A_2, %dma_start3A_130] : memref<10112x32xf32, #tpu.memory_space<hbm>> -> memref<120x32xf32, #tpu.memory_space<hbm>>
      %dma_start3A_132 = arith.constant 0 : i32
      %dma_start3A_133 = arith.constant 0 : i32
      %dma_start3A_134 = tpu.memref_slice %arg12[%dma_start3A_132, %dma_start3A_133] : memref<512x32xf32, #tpu.memory_space<vmem>> -> memref<120x32xf32, #tpu.memory_space<vmem>>
      tpu.enqueue_dma source(%dma_start3A_134 : memref<120x32xf32, #tpu.memory_space<vmem>>) target(%dma_start3A_131 : memref<120x32xf32, #tpu.memory_space<hbm>>) target_semaphore(%run_scoped3A : memref<!tpu.dma_semaphore, #tpu.memory_space<semaphore_mem>>)
      %dma_wait3A_135 = arith.constant 0 : i32
      %dma_wait3A_136 = arith.constant 0 : i32
      %dma_wait3A_137 = tpu.memref_slice %arg12[%dma_wait3A_135, %dma_wait3A_136] : memref<512x32xf32, #tpu.memory_space<vmem>> -> memref<120x32xf32, #tpu.memory_space<vmem>>
      %dma_wait3A_138 = arith.constant 0 : i32
      %dma_wait3A_139 = arith.constant 0 : i32
      %dma_wait3A_140 = tpu.memref_slice %arg6[%arg0, %dma_wait3A_138, %dma_wait3A_139] : memref<2x10112x32xf32, #tpu.memory_space<hbm>> -> memref<1x10112x32xf32, #tpu.memory_space<hbm>>
      %dma_wait3A_141 = tpu.memref_squeeze %dma_wait3A_140 : memref<1x10112x32xf32, #tpu.memory_space<hbm>> -> memref<10112x32xf32, #tpu.memory_space<hbm>>
      %dma_wait3A_142 = arith.constant 0 : i32
      %dma_wait3A_143 = tpu.memref_slice %dma_wait3A_141[%multiple_of3A_2, %dma_wait3A_142] : memref<10112x32xf32, #tpu.memory_space<hbm>> -> memref<120x32xf32, #tpu.memory_space<hbm>>
      %dma_wait3A_144 = arith.constant 0 : i32
      %dma_wait3A_145 = arith.constant 0 : i32
      %dma_wait3A_146 = tpu.memref_slice %arg6[%arg0, %dma_wait3A_144, %dma_wait3A_145] : memref<2x10112x32xf32, #tpu.memory_space<hbm>> -> memref<1x10112x32xf32, #tpu.memory_space<hbm>>
      %dma_wait3A_147 = tpu.memref_squeeze %dma_wait3A_146 : memref<1x10112x32xf32, #tpu.memory_space<hbm>> -> memref<10112x32xf32, #tpu.memory_space<hbm>>
      %dma_wait3A_148 = arith.constant 0 : i32
      %dma_wait3A_149 = tpu.memref_slice %dma_wait3A_147[%multiple_of3A_2, %dma_wait3A_148] : memref<10112x32xf32, #tpu.memory_space<hbm>> -> memref<120x32xf32, #tpu.memory_space<hbm>>
      %dma_wait3A_150 = arith.constant 0 : i32
      %dma_wait3A_151 = arith.constant 0 : i32
      %dma_wait3A_152 = tpu.memref_slice %arg12[%dma_wait3A_150, %dma_wait3A_151] : memref<512x32xf32, #tpu.memory_space<vmem>> -> memref<120x32xf32, #tpu.memory_space<vmem>>
      tpu.wait_dma2 semaphore(%run_scoped3A : memref<!tpu.dma_semaphore, #tpu.memory_space<semaphore_mem>>) src(%dma_wait3A_152 : memref<120x32xf32, #tpu.memory_space<vmem>>) dst(%dma_wait3A_149 : memref<120x32xf32, #tpu.memory_space<hbm>>)
      tpu.yield
    }) : () -> ()
    %barrier3A_116 = arith.constant 0 : index
    tpu.barrier barrier_id(%barrier3A_116)
    return
  }
}

module attributes {stable_mosaic.version = 14 : i64} {
  func.func @_tc0_body(%arg0: memref<2x2560x128xi32, #tpu.memory_space<vmem>>, %arg1: memref<2560x128xi32, #tpu.memory_space<vmem>>) attributes {dimension_semantics = [], scalar_prefetch = 0 : i64, scratch_operands = 0 : i64, tpu.core_type = #tpu.core_type<tc>} {
    %get3A = arith.constant 0 : index
    %get3A_0 = arith.constant 0 : index
    %get3A_1 = arith.constant 0 : index
    %get3A_2 = vector.load %arg0[%get3A, %get3A_0, %get3A_1] : memref<2x2560x128xi32, #tpu.memory_space<vmem>>, vector<1x2560x128xi32>
    %get3A_3 = vector.shape_cast %get3A_2 : vector<1x2560x128xi32> to vector<2560x128xi32>
    %get3A_4 = arith.constant 1 : index
    %get3A_5 = arith.constant 0 : index
    %get3A_6 = arith.constant 0 : index
    %get3A_7 = vector.load %arg0[%get3A_4, %get3A_5, %get3A_6] : memref<2x2560x128xi32, #tpu.memory_space<vmem>>, vector<1x2560x128xi32>
    %get3A_8 = vector.shape_cast %get3A_7 : vector<1x2560x128xi32> to vector<2560x128xi32>
    %ne3A = arith.cmpi ne, %get3A_3, %get3A_8 : vector<2560x128xi32>
    %jit3A = arith.constant 10000 : i32
    %broadcast_in_dim3A = vector.broadcast %jit3A : i32 to vector<2560x128xi32>
    %select_n3A = arith.select %ne3A, %get3A_8, %broadcast_in_dim3A : vector<2560x128xi1>, vector<2560x128xi32>
    %swap3A = arith.constant 0 : index
    %swap3A_9 = arith.constant 0 : index
    %swap3A_10 = vector.load %arg1[%swap3A, %swap3A_9] : memref<2560x128xi32, #tpu.memory_space<vmem>>, vector<2560x128xi32>
    tpu.vector_store %arg1[%swap3A, %swap3A_9], %select_n3A {strides = array<i32>} : memref<2560x128xi32, #tpu.memory_space<vmem>>, vector<2560x128xi32>,
    return
  }
}

module attributes {stable_mosaic.version = 14 : i64} {
  func.func @_layer1_body(%arg0: memref<2x10112x128xf32, #tpu.memory_space<vmem>>, %arg1: memref<128x32xf32, #tpu.memory_space<vmem>>, %arg2: memref<1x32xf32, #tpu.memory_space<vmem>>, %arg3: memref<32x32xf32, #tpu.memory_space<vmem>>, %arg4: memref<1x32xf32, #tpu.memory_space<vmem>>, %arg5: memref<1x32xf32, #tpu.memory_space<vmem>>, %arg6: memref<1x32xf32, #tpu.memory_space<vmem>>, %arg7: memref<10000x32xf32, #tpu.memory_space<vmem>>, %arg8: memref<10112x32xf32, #tpu.memory_space<vmem>>) attributes {dimension_semantics = [], scalar_prefetch = 0 : i64, scratch_operands = 0 : i64, tpu.core_type = #tpu.core_type<tc>} {
    %get3A = arith.constant 0 : index
    %get3A_0 = arith.constant 0 : index
    %get3A_1 = arith.constant 0 : index
    %get3A_2 = vector.load %arg0[%get3A, %get3A_0, %get3A_1] : memref<2x10112x128xf32, #tpu.memory_space<vmem>>, vector<1x10000x128xf32>
    %get3A_3 = vector.shape_cast %get3A_2 : vector<1x10000x128xf32> to vector<10000x128xf32>
    %get3A_4 = arith.constant 1 : index
    %get3A_5 = arith.constant 0 : index
    %get3A_6 = arith.constant 0 : index
    %get3A_7 = vector.load %arg0[%get3A_4, %get3A_5, %get3A_6] : memref<2x10112x128xf32, #tpu.memory_space<vmem>>, vector<1x10000x128xf32>
    %get3A_8 = vector.shape_cast %get3A_7 : vector<1x10000x128xf32> to vector<10000x128xf32>
    %add3A = arith.addf %get3A_3, %get3A_8 : vector<10000x128xf32>
    %get3A_9 = arith.constant 0 : index
    %get3A_10 = arith.constant 0 : index
    %get3A_11 = vector.load %arg1[%get3A_9, %get3A_10] : memref<128x32xf32, #tpu.memory_space<vmem>>, vector<128x32xf32>
    %dot_general3A = arith.constant dense<0.000000e+00> : vector<10000x32xf32>
    %dot_general3A_12 = tpu.matmul %add3A, %get3A_11, %dot_general3A {dimension_numbers = #tpu.dot_dimension_numbers<[1], [0], [0], [1], [0, 0, 1, 1], [], []>, transpose_lhs_hint = false} : vector<10000x128xf32>, vector<128x32xf32>, vector<10000x32xf32> -> vector<10000x32xf32>
    %get3A_13 = arith.constant 0 : index
    %get3A_14 = arith.constant 0 : index
    %get3A_15 = vector.load %arg2[%get3A_13, %get3A_14] : memref<1x32xf32, #tpu.memory_space<vmem>>, vector<1x32xf32>
    %add3A_16 = vector.broadcast %get3A_15 : vector<1x32xf32> to vector<10000x32xf32>
    %add3A_17 = arith.addf %dot_general3A_12, %add3A_16 : vector<10000x32xf32>
    %max3A = arith.constant 0.000000e+00 : f32
    %max3A_18 = vector.broadcast %max3A : f32 to vector<10000x32xf32>
    %max3A_19 = arith.maximumf %add3A_17, %max3A_18 : vector<10000x32xf32>
    %get3A_20 = arith.constant 0 : index
    %get3A_21 = arith.constant 0 : index
    %get3A_22 = vector.load %arg3[%get3A_20, %get3A_21] : memref<32x32xf32, #tpu.memory_space<vmem>>, vector<32x32xf32>
    %dot_general3A_23 = arith.constant dense<0.000000e+00> : vector<10000x32xf32>
    %dot_general3A_24 = tpu.matmul %max3A_19, %get3A_22, %dot_general3A_23 {dimension_numbers = #tpu.dot_dimension_numbers<[1], [0], [0], [1], [0, 0, 1, 1], [], []>, transpose_lhs_hint = false} : vector<10000x32xf32>, vector<32x32xf32>, vector<10000x32xf32> -> vector<10000x32xf32>
    %get3A_25 = arith.constant 0 : index
    %get3A_26 = arith.constant 0 : index
    %get3A_27 = vector.load %arg4[%get3A_25, %get3A_26] : memref<1x32xf32, #tpu.memory_space<vmem>>, vector<1x32xf32>
    %add3A_28 = vector.broadcast %get3A_27 : vector<1x32xf32> to vector<10000x32xf32>
    %add3A_29 = arith.addf %dot_general3A_24, %add3A_28 : vector<10000x32xf32>
    %max3A_30 = arith.constant 0.000000e+00 : f32
    %max3A_31 = vector.broadcast %max3A_30 : f32 to vector<10000x32xf32>
    %max3A_32 = arith.maximumf %add3A_29, %max3A_31 : vector<10000x32xf32>
    %get3A_33 = arith.constant 0 : index
    %get3A_34 = arith.constant 0 : index
    %get3A_35 = vector.load %arg5[%get3A_33, %get3A_34] : memref<1x32xf32, #tpu.memory_space<vmem>>, vector<1x32xf32>
    %get3A_36 = arith.constant 0 : index
    %get3A_37 = arith.constant 0 : index
    %get3A_38 = vector.load %arg6[%get3A_36, %get3A_37] : memref<1x32xf32, #tpu.memory_space<vmem>>, vector<1x32xf32>
    %reduce_sum3A = arith.constant dense<0.000000e+00> : vector<32xf32>
    %reduce_sum3A_39 = vector.multi_reduction <add>, %max3A_32, %reduce_sum3A [0] : vector<10000x32xf32> to vector<32xf32>
    %div3A = arith.constant 1.000000e+04 : f32
    %div3A_40 = vector.broadcast %div3A : f32 to vector<32xf32>
    %div3A_41 = arith.divf %reduce_sum3A_39, %div3A_40 : vector<32xf32>
    %jit3A = arith.constant 0 : i32
    %reduce_sum3A_42 = arith.constant dense<0.000000e+00> : vector<32xf32>
    %reduce_sum3A_43 = vector.multi_reduction <add>, %max3A_32, %reduce_sum3A_42 [0] : vector<10000x32xf32> to vector<32xf32>
    %broadcast_in_dim3A = vector.shape_cast %reduce_sum3A_43 : vector<32xf32> to vector<1x32xf32>
    %div3A_44 = arith.constant 1.000000e+04 : f32
    %div3A_45 = vector.broadcast %div3A_44 : f32 to vector<1x32xf32>
    %div3A_46 = arith.divf %broadcast_in_dim3A, %div3A_45 : vector<1x32xf32>
    %sub3A = vector.broadcast %div3A_46 : vector<1x32xf32> to vector<10000x32xf32>
    %sub3A_47 = arith.subf %max3A_32, %sub3A : vector<10000x32xf32>
    %square3A = arith.mulf %sub3A_47, %sub3A_47 : vector<10000x32xf32>
    %convert_element_type3A = arith.sitofp %jit3A : i32 to f32
    %sub3A_48 = arith.constant 1.000000e+04 : f32
    %sub3A_49 = arith.subf %sub3A_48, %convert_element_type3A : f32
    %reduce_sum3A_50 = arith.constant dense<0.000000e+00> : vector<32xf32>
    %reduce_sum3A_51 = vector.multi_reduction <add>, %square3A, %reduce_sum3A_50 [0] : vector<10000x32xf32> to vector<32xf32>
    %div3A_52 = vector.broadcast %sub3A_49 : f32 to vector<32xf32>
    %div3A_53 = arith.divf %reduce_sum3A_51, %div3A_52 : vector<32xf32>
    %gt3A = arith.constant 0.000000e+00 : f32
    %gt3A_54 = arith.cmpf ogt, %sub3A_49, %gt3A : f32
    %jit3A_55 = arith.constant 0x7FC00000 : f32
    %broadcast_in_dim3A_56 = vector.broadcast %jit3A_55 : f32 to vector<32xf32>
    %select_n3A = arith.select %gt3A_54, %div3A_53, %broadcast_in_dim3A_56 : vector<32xf32>
    %broadcast_in_dim3A_57 = vector.shape_cast %div3A_41 : vector<32xf32> to vector<1x32xf32>
    %sub3A_58 = vector.broadcast %broadcast_in_dim3A_57 : vector<1x32xf32> to vector<10000x32xf32>
    %sub3A_59 = arith.subf %max3A_32, %sub3A_58 : vector<10000x32xf32>
    %add3A_60 = arith.constant 9.99999974E-6 : f32
    %add3A_61 = vector.broadcast %add3A_60 : f32 to vector<32xf32>
    %add3A_62 = arith.addf %select_n3A, %add3A_61 : vector<32xf32>
    %sqrt3A = math.sqrt %add3A_62 : vector<32xf32>
    %broadcast_in_dim3A_63 = vector.shape_cast %sqrt3A : vector<32xf32> to vector<1x32xf32>
    %div3A_64 = vector.broadcast %broadcast_in_dim3A_63 : vector<1x32xf32> to vector<10000x32xf32>
    %div3A_65 = arith.divf %sub3A_59, %div3A_64 : vector<10000x32xf32>
    %mul3A = vector.broadcast %get3A_35 : vector<1x32xf32> to vector<10000x32xf32>
    %mul3A_66 = arith.mulf %div3A_65, %mul3A : vector<10000x32xf32>
    %add3A_67 = vector.broadcast %get3A_38 : vector<1x32xf32> to vector<10000x32xf32>
    %add3A_68 = arith.addf %mul3A_66, %add3A_67 : vector<10000x32xf32>
    %swap3A = arith.constant 0 : index
    %swap3A_69 = arith.constant 0 : index
    %swap3A_70 = vector.load %arg7[%swap3A, %swap3A_69] : memref<10000x32xf32, #tpu.memory_space<vmem>>, vector<10000x32xf32>
    tpu.vector_store %arg7[%swap3A, %swap3A_69], %add3A_68 {strides = array<i32>} : memref<10000x32xf32, #tpu.memory_space<vmem>>, vector<10000x32xf32>,
    %swap3A_71 = arith.constant 0 : index
    %swap3A_72 = arith.constant 0 : index
    %swap3A_73 = vector.load %arg8[%swap3A_71, %swap3A_72] : memref<10112x32xf32, #tpu.memory_space<vmem>>, vector<10000x32xf32>
    tpu.vector_store %arg8[%swap3A_71, %swap3A_72], %add3A_68 {strides = array<i32>} : memref<10112x32xf32, #tpu.memory_space<vmem>>, vector<10000x32xf32>,
    %broadcast_in_dim3A_74 = arith.constant 0.000000e+00 : f32
    %broadcast_in_dim3A_75 = vector.broadcast %broadcast_in_dim3A_74 : f32 to vector<112x32xf32>
    %swap3A_76 = arith.constant 10000 : index
    %swap3A_77 = arith.constant 0 : index
    %swap3A_78 = vector.load %arg8[%swap3A_76, %swap3A_77] : memref<10112x32xf32, #tpu.memory_space<vmem>>, vector<112x32xf32>
    tpu.vector_store %arg8[%swap3A_76, %swap3A_77], %broadcast_in_dim3A_75 {strides = array<i32>} : memref<10112x32xf32, #tpu.memory_space<vmem>>, vector<112x32xf32>,
    return
  }
}

module attributes {stable_mosaic.version = 14 : i64} {
  func.func @_layer_mid_body(%arg0: memref<2x10112x32xf32, #tpu.memory_space<vmem>>, %arg1: memref<32x32xf32, #tpu.memory_space<vmem>>, %arg2: memref<1x32xf32, #tpu.memory_space<vmem>>, %arg3: memref<32x32xf32, #tpu.memory_space<vmem>>, %arg4: memref<1x32xf32, #tpu.memory_space<vmem>>, %arg5: memref<1x32xf32, #tpu.memory_space<vmem>>, %arg6: memref<1x32xf32, #tpu.memory_space<vmem>>, %arg7: memref<10000x32xf32, #tpu.memory_space<vmem>>, %arg8: memref<10112x32xf32, #tpu.memory_space<vmem>>) attributes {dimension_semantics = [], scalar_prefetch = 0 : i64, scratch_operands = 0 : i64, tpu.core_type = #tpu.core_type<tc>} {
    %get3A = arith.constant 0 : index
    %get3A_0 = arith.constant 0 : index
    %get3A_1 = arith.constant 0 : index
    %get3A_2 = vector.load %arg0[%get3A, %get3A_0, %get3A_1] : memref<2x10112x32xf32, #tpu.memory_space<vmem>>, vector<1x10000x32xf32>
    %get3A_3 = vector.shape_cast %get3A_2 : vector<1x10000x32xf32> to vector<10000x32xf32>
    %get3A_4 = arith.constant 1 : index
    %get3A_5 = arith.constant 0 : index
    %get3A_6 = arith.constant 0 : index
    %get3A_7 = vector.load %arg0[%get3A_4, %get3A_5, %get3A_6] : memref<2x10112x32xf32, #tpu.memory_space<vmem>>, vector<1x10000x32xf32>
    %get3A_8 = vector.shape_cast %get3A_7 : vector<1x10000x32xf32> to vector<10000x32xf32>
    %add3A = arith.addf %get3A_3, %get3A_8 : vector<10000x32xf32>
    %get3A_9 = arith.constant 0 : index
    %get3A_10 = arith.constant 0 : index
    %get3A_11 = vector.load %arg1[%get3A_9, %get3A_10] : memref<32x32xf32, #tpu.memory_space<vmem>>, vector<32x32xf32>
    %dot_general3A = arith.constant dense<0.000000e+00> : vector<10000x32xf32>
    %dot_general3A_12 = tpu.matmul %add3A, %get3A_11, %dot_general3A {dimension_numbers = #tpu.dot_dimension_numbers<[1], [0], [0], [1], [0, 0, 1, 1], [], []>, transpose_lhs_hint = false} : vector<10000x32xf32>, vector<32x32xf32>, vector<10000x32xf32> -> vector<10000x32xf32>
    %get3A_13 = arith.constant 0 : index
    %get3A_14 = arith.constant 0 : index
    %get3A_15 = vector.load %arg2[%get3A_13, %get3A_14] : memref<1x32xf32, #tpu.memory_space<vmem>>, vector<1x32xf32>
    %add3A_16 = vector.broadcast %get3A_15 : vector<1x32xf32> to vector<10000x32xf32>
    %add3A_17 = arith.addf %dot_general3A_12, %add3A_16 : vector<10000x32xf32>
    %max3A = arith.constant 0.000000e+00 : f32
    %max3A_18 = vector.broadcast %max3A : f32 to vector<10000x32xf32>
    %max3A_19 = arith.maximumf %add3A_17, %max3A_18 : vector<10000x32xf32>
    %get3A_20 = arith.constant 0 : index
    %get3A_21 = arith.constant 0 : index
    %get3A_22 = vector.load %arg3[%get3A_20, %get3A_21] : memref<32x32xf32, #tpu.memory_space<vmem>>, vector<32x32xf32>
    %dot_general3A_23 = arith.constant dense<0.000000e+00> : vector<10000x32xf32>
    %dot_general3A_24 = tpu.matmul %max3A_19, %get3A_22, %dot_general3A_23 {dimension_numbers = #tpu.dot_dimension_numbers<[1], [0], [0], [1], [0, 0, 1, 1], [], []>, transpose_lhs_hint = false} : vector<10000x32xf32>, vector<32x32xf32>, vector<10000x32xf32> -> vector<10000x32xf32>
    %get3A_25 = arith.constant 0 : index
    %get3A_26 = arith.constant 0 : index
    %get3A_27 = vector.load %arg4[%get3A_25, %get3A_26] : memref<1x32xf32, #tpu.memory_space<vmem>>, vector<1x32xf32>
    %add3A_28 = vector.broadcast %get3A_27 : vector<1x32xf32> to vector<10000x32xf32>
    %add3A_29 = arith.addf %dot_general3A_24, %add3A_28 : vector<10000x32xf32>
    %max3A_30 = arith.constant 0.000000e+00 : f32
    %max3A_31 = vector.broadcast %max3A_30 : f32 to vector<10000x32xf32>
    %max3A_32 = arith.maximumf %add3A_29, %max3A_31 : vector<10000x32xf32>
    %get3A_33 = arith.constant 0 : index
    %get3A_34 = arith.constant 0 : index
    %get3A_35 = vector.load %arg5[%get3A_33, %get3A_34] : memref<1x32xf32, #tpu.memory_space<vmem>>, vector<1x32xf32>
    %get3A_36 = arith.constant 0 : index
    %get3A_37 = arith.constant 0 : index
    %get3A_38 = vector.load %arg6[%get3A_36, %get3A_37] : memref<1x32xf32, #tpu.memory_space<vmem>>, vector<1x32xf32>
    %reduce_sum3A = arith.constant dense<0.000000e+00> : vector<32xf32>
    %reduce_sum3A_39 = vector.multi_reduction <add>, %max3A_32, %reduce_sum3A [0] : vector<10000x32xf32> to vector<32xf32>
    %div3A = arith.constant 1.000000e+04 : f32
    %div3A_40 = vector.broadcast %div3A : f32 to vector<32xf32>
    %div3A_41 = arith.divf %reduce_sum3A_39, %div3A_40 : vector<32xf32>
    %jit3A = arith.constant 0 : i32
    %reduce_sum3A_42 = arith.constant dense<0.000000e+00> : vector<32xf32>
    %reduce_sum3A_43 = vector.multi_reduction <add>, %max3A_32, %reduce_sum3A_42 [0] : vector<10000x32xf32> to vector<32xf32>
    %broadcast_in_dim3A = vector.shape_cast %reduce_sum3A_43 : vector<32xf32> to vector<1x32xf32>
    %div3A_44 = arith.constant 1.000000e+04 : f32
    %div3A_45 = vector.broadcast %div3A_44 : f32 to vector<1x32xf32>
    %div3A_46 = arith.divf %broadcast_in_dim3A, %div3A_45 : vector<1x32xf32>
    %sub3A = vector.broadcast %div3A_46 : vector<1x32xf32> to vector<10000x32xf32>
    %sub3A_47 = arith.subf %max3A_32, %sub3A : vector<10000x32xf32>
    %square3A = arith.mulf %sub3A_47, %sub3A_47 : vector<10000x32xf32>
    %convert_element_type3A = arith.sitofp %jit3A : i32 to f32
    %sub3A_48 = arith.constant 1.000000e+04 : f32
    %sub3A_49 = arith.subf %sub3A_48, %convert_element_type3A : f32
    %reduce_sum3A_50 = arith.constant dense<0.000000e+00> : vector<32xf32>
    %reduce_sum3A_51 = vector.multi_reduction <add>, %square3A, %reduce_sum3A_50 [0] : vector<10000x32xf32> to vector<32xf32>
    %div3A_52 = vector.broadcast %sub3A_49 : f32 to vector<32xf32>
    %div3A_53 = arith.divf %reduce_sum3A_51, %div3A_52 : vector<32xf32>
    %gt3A = arith.constant 0.000000e+00 : f32
    %gt3A_54 = arith.cmpf ogt, %sub3A_49, %gt3A : f32
    %jit3A_55 = arith.constant 0x7FC00000 : f32
    %broadcast_in_dim3A_56 = vector.broadcast %jit3A_55 : f32 to vector<32xf32>
    %select_n3A = arith.select %gt3A_54, %div3A_53, %broadcast_in_dim3A_56 : vector<32xf32>
    %broadcast_in_dim3A_57 = vector.shape_cast %div3A_41 : vector<32xf32> to vector<1x32xf32>
    %sub3A_58 = vector.broadcast %broadcast_in_dim3A_57 : vector<1x32xf32> to vector<10000x32xf32>
    %sub3A_59 = arith.subf %max3A_32, %sub3A_58 : vector<10000x32xf32>
    %add3A_60 = arith.constant 9.99999974E-6 : f32
    %add3A_61 = vector.broadcast %add3A_60 : f32 to vector<32xf32>
    %add3A_62 = arith.addf %select_n3A, %add3A_61 : vector<32xf32>
    %sqrt3A = math.sqrt %add3A_62 : vector<32xf32>
    %broadcast_in_dim3A_63 = vector.shape_cast %sqrt3A : vector<32xf32> to vector<1x32xf32>
    %div3A_64 = vector.broadcast %broadcast_in_dim3A_63 : vector<1x32xf32> to vector<10000x32xf32>
    %div3A_65 = arith.divf %sub3A_59, %div3A_64 : vector<10000x32xf32>
    %mul3A = vector.broadcast %get3A_35 : vector<1x32xf32> to vector<10000x32xf32>
    %mul3A_66 = arith.mulf %div3A_65, %mul3A : vector<10000x32xf32>
    %add3A_67 = vector.broadcast %get3A_38 : vector<1x32xf32> to vector<10000x32xf32>
    %add3A_68 = arith.addf %mul3A_66, %add3A_67 : vector<10000x32xf32>
    %swap3A = arith.constant 0 : index
    %swap3A_69 = arith.constant 0 : index
    %swap3A_70 = vector.load %arg7[%swap3A, %swap3A_69] : memref<10000x32xf32, #tpu.memory_space<vmem>>, vector<10000x32xf32>
    tpu.vector_store %arg7[%swap3A, %swap3A_69], %add3A_68 {strides = array<i32>} : memref<10000x32xf32, #tpu.memory_space<vmem>>, vector<10000x32xf32>,
    %swap3A_71 = arith.constant 0 : index
    %swap3A_72 = arith.constant 0 : index
    %swap3A_73 = vector.load %arg8[%swap3A_71, %swap3A_72] : memref<10112x32xf32, #tpu.memory_space<vmem>>, vector<10000x32xf32>
    tpu.vector_store %arg8[%swap3A_71, %swap3A_72], %add3A_68 {strides = array<i32>} : memref<10112x32xf32, #tpu.memory_space<vmem>>, vector<10000x32xf32>,
    %broadcast_in_dim3A_74 = arith.constant 0.000000e+00 : f32
    %broadcast_in_dim3A_75 = vector.broadcast %broadcast_in_dim3A_74 : f32 to vector<112x32xf32>
    %swap3A_76 = arith.constant 10000 : index
    %swap3A_77 = arith.constant 0 : index
    %swap3A_78 = vector.load %arg8[%swap3A_76, %swap3A_77] : memref<10112x32xf32, #tpu.memory_space<vmem>>, vector<112x32xf32>
    tpu.vector_store %arg8[%swap3A_76, %swap3A_77], %broadcast_in_dim3A_75 {strides = array<i32>} : memref<10112x32xf32, #tpu.memory_space<vmem>>, vector<112x32xf32>,
    return
  }
}

module attributes {stable_mosaic.version = 14 : i64} {
  func.func @_tc_final_body(%arg0: memref<2x10112x32xf32, #tpu.memory_space<vmem>>, %arg1: memref<32x32xf32, #tpu.memory_space<vmem>>, %arg2: memref<1x32xf32, #tpu.memory_space<vmem>>, %arg3: memref<32x32xf32, #tpu.memory_space<vmem>>, %arg4: memref<1x32xf32, #tpu.memory_space<vmem>>, %arg5: memref<10000x32xf32, #tpu.memory_space<vmem>>, %arg6: memref<10000x32xf32, #tpu.memory_space<vmem>>, %arg7: memref<32x10xf32, #tpu.memory_space<vmem>>, %arg8: memref<32x10xf32, #tpu.memory_space<vmem>>, %arg9: memref<32x10xf32, #tpu.memory_space<vmem>>, %arg10: memref<1x10xf32, #tpu.memory_space<vmem>>, %arg11: memref<10000x10xf32, #tpu.memory_space<vmem>>) attributes {dimension_semantics = [], scalar_prefetch = 0 : i64, scratch_operands = 0 : i64, tpu.core_type = #tpu.core_type<tc>} {
    %get3A = arith.constant 0 : index
    %get3A_0 = arith.constant 0 : index
    %get3A_1 = arith.constant 0 : index
    %get3A_2 = vector.load %arg0[%get3A, %get3A_0, %get3A_1] : memref<2x10112x32xf32, #tpu.memory_space<vmem>>, vector<1x10000x32xf32>
    %get3A_3 = vector.shape_cast %get3A_2 : vector<1x10000x32xf32> to vector<10000x32xf32>
    %get3A_4 = arith.constant 1 : index
    %get3A_5 = arith.constant 0 : index
    %get3A_6 = arith.constant 0 : index
    %get3A_7 = vector.load %arg0[%get3A_4, %get3A_5, %get3A_6] : memref<2x10112x32xf32, #tpu.memory_space<vmem>>, vector<1x10000x32xf32>
    %get3A_8 = vector.shape_cast %get3A_7 : vector<1x10000x32xf32> to vector<10000x32xf32>
    %add3A = arith.addf %get3A_3, %get3A_8 : vector<10000x32xf32>
    %get3A_9 = arith.constant 0 : index
    %get3A_10 = arith.constant 0 : index
    %get3A_11 = vector.load %arg1[%get3A_9, %get3A_10] : memref<32x32xf32, #tpu.memory_space<vmem>>, vector<32x32xf32>
    %dot_general3A = arith.constant dense<0.000000e+00> : vector<10000x32xf32>
    %dot_general3A_12 = tpu.matmul %add3A, %get3A_11, %dot_general3A {dimension_numbers = #tpu.dot_dimension_numbers<[1], [0], [0], [1], [0, 0, 1, 1], [], []>, transpose_lhs_hint = false} : vector<10000x32xf32>, vector<32x32xf32>, vector<10000x32xf32> -> vector<10000x32xf32>
    %get3A_13 = arith.constant 0 : index
    %get3A_14 = arith.constant 0 : index
    %get3A_15 = vector.load %arg2[%get3A_13, %get3A_14] : memref<1x32xf32, #tpu.memory_space<vmem>>, vector<1x32xf32>
    %add3A_16 = vector.broadcast %get3A_15 : vector<1x32xf32> to vector<10000x32xf32>
    %add3A_17 = arith.addf %dot_general3A_12, %add3A_16 : vector<10000x32xf32>
    %max3A = arith.constant 0.000000e+00 : f32
    %max3A_18 = vector.broadcast %max3A : f32 to vector<10000x32xf32>
    %max3A_19 = arith.maximumf %add3A_17, %max3A_18 : vector<10000x32xf32>
    %get3A_20 = arith.constant 0 : index
    %get3A_21 = arith.constant 0 : index
    %get3A_22 = vector.load %arg3[%get3A_20, %get3A_21] : memref<32x32xf32, #tpu.memory_space<vmem>>, vector<32x32xf32>
    %dot_general3A_23 = arith.constant dense<0.000000e+00> : vector<10000x32xf32>
    %dot_general3A_24 = tpu.matmul %max3A_19, %get3A_22, %dot_general3A_23 {dimension_numbers = #tpu.dot_dimension_numbers<[1], [0], [0], [1], [0, 0, 1, 1], [], []>, transpose_lhs_hint = false} : vector<10000x32xf32>, vector<32x32xf32>, vector<10000x32xf32> -> vector<10000x32xf32>
    %get3A_25 = arith.constant 0 : index
    %get3A_26 = arith.constant 0 : index
    %get3A_27 = vector.load %arg4[%get3A_25, %get3A_26] : memref<1x32xf32, #tpu.memory_space<vmem>>, vector<1x32xf32>
    %add3A_28 = vector.broadcast %get3A_27 : vector<1x32xf32> to vector<10000x32xf32>
    %add3A_29 = arith.addf %dot_general3A_24, %add3A_28 : vector<10000x32xf32>
    %max3A_30 = arith.constant 0.000000e+00 : f32
    %max3A_31 = vector.broadcast %max3A_30 : f32 to vector<10000x32xf32>
    %max3A_32 = arith.maximumf %add3A_29, %max3A_31 : vector<10000x32xf32>
    %get3A_33 = arith.constant 0 : index
    %get3A_34 = arith.constant 0 : index
    %get3A_35 = vector.load %arg5[%get3A_33, %get3A_34] : memref<10000x32xf32, #tpu.memory_space<vmem>>, vector<10000x32xf32>
    %get3A_36 = arith.constant 0 : index
    %get3A_37 = arith.constant 0 : index
    %get3A_38 = vector.load %arg7[%get3A_36, %get3A_37] : memref<32x10xf32, #tpu.memory_space<vmem>>, vector<32x10xf32>
    %dot_general3A_39 = arith.constant dense<0.000000e+00> : vector<10000x10xf32>
    %dot_general3A_40 = tpu.matmul %get3A_35, %get3A_38, %dot_general3A_39 {dimension_numbers = #tpu.dot_dimension_numbers<[1], [0], [0], [1], [0, 0, 1, 1], [], []>, transpose_lhs_hint = false} : vector<10000x32xf32>, vector<32x10xf32>, vector<10000x10xf32> -> vector<10000x10xf32>
    %get3A_41 = arith.constant 0 : index
    %get3A_42 = arith.constant 0 : index
    %get3A_43 = vector.load %arg6[%get3A_41, %get3A_42] : memref<10000x32xf32, #tpu.memory_space<vmem>>, vector<10000x32xf32>
    %get3A_44 = arith.constant 0 : index
    %get3A_45 = arith.constant 0 : index
    %get3A_46 = vector.load %arg8[%get3A_44, %get3A_45] : memref<32x10xf32, #tpu.memory_space<vmem>>, vector<32x10xf32>
    %dot_general3A_47 = arith.constant dense<0.000000e+00> : vector<10000x10xf32>
    %dot_general3A_48 = tpu.matmul %get3A_43, %get3A_46, %dot_general3A_47 {dimension_numbers = #tpu.dot_dimension_numbers<[1], [0], [0], [1], [0, 0, 1, 1], [], []>, transpose_lhs_hint = false} : vector<10000x32xf32>, vector<32x10xf32>, vector<10000x10xf32> -> vector<10000x10xf32>
    %add3A_49 = arith.addf %dot_general3A_40, %dot_general3A_48 : vector<10000x10xf32>
    %get3A_50 = arith.constant 0 : index
    %get3A_51 = arith.constant 0 : index
    %get3A_52 = vector.load %arg9[%get3A_50, %get3A_51] : memref<32x10xf32, #tpu.memory_space<vmem>>, vector<32x10xf32>
    %dot_general3A_53 = arith.constant dense<0.000000e+00> : vector<10000x10xf32>
    %dot_general3A_54 = tpu.matmul %max3A_32, %get3A_52, %dot_general3A_53 {dimension_numbers = #tpu.dot_dimension_numbers<[1], [0], [0], [1], [0, 0, 1, 1], [], []>, transpose_lhs_hint = false} : vector<10000x32xf32>, vector<32x10xf32>, vector<10000x10xf32> -> vector<10000x10xf32>
    %add3A_55 = arith.addf %add3A_49, %dot_general3A_54 : vector<10000x10xf32>
    %get3A_56 = arith.constant 0 : index
    %get3A_57 = arith.constant 0 : index
    %get3A_58 = vector.load %arg10[%get3A_56, %get3A_57] : memref<1x10xf32, #tpu.memory_space<vmem>>, vector<1x10xf32>
    %add3A_59 = vector.broadcast %get3A_58 : vector<1x10xf32> to vector<10000x10xf32>
    %add3A_60 = arith.addf %add3A_55, %add3A_59 : vector<10000x10xf32>
    %swap3A = arith.constant 0 : index
    %swap3A_61 = arith.constant 0 : index
    %swap3A_62 = vector.load %arg11[%swap3A, %swap3A_61] : memref<10000x10xf32, #tpu.memory_space<vmem>>, vector<10000x10xf32>
    tpu.vector_store %arg11[%swap3A, %swap3A_61], %add3A_60 {strides = array<i32>} : memref<10000x10xf32, #tpu.memory_space<vmem>>, vector<10000x10xf32>,
    return
  }
}

</mosaic_0001>

<sc_bundles>
// kernel: kernel.12.cloned.1.call-start
scs
__scs_entry_jumppad:
0x0: {  	(pc) =	sbr.rel $0x88, $3  }
0x1: {  	(tag) =	ssettag $0x0;
	lr =	simm.s32 $0x1  }
0x2: {  	[smem:$0x3F8D] =	sst lr;
	_ =	strace $0xD0000000  }
0x3: {  	_ = 	snop  }
0x4: {  	_ = 	snop  }
0x5: {  	_ = 	snop  }
0x6: {  	_ = 	snop  }
0x7: {  	_ = 	snop  }
__scs_overlays_trampoline_lowered:
0x8: {  	[smem:$0x3F9C] =	sst s0  }
0x9: {  	[smem:$0x3F9D] =	sst s1  }
0xa: {  	[smem:$0x3F9E] =	sst s2  }
0xb: {  	[smem:$0x3F9F] =	sst s3  }
0xc: {  	[smem:$0x3FA0] =	sst s4  }
0xd: {  	[smem:$0x3FA1] =	sst s5  }
0xe: {  	[smem:$0x3FA2] =	sst s6  }
0xf: {  	[smem:$0x3FA3] =	sst s7  }
0x10: {  	[smem:$0x3FA4] =	sst s8  }
0x11: {  	[smem:$0x3FA5] =	sst s9;
	s0 =	simm.s32 @!p0 $0x0  }
0x12: {  	s1 =	sld [smem:$0x3F8B];
	s0 =	simm.s32 @p0 $0x1  }
0x13: {  	[smem:$0x3FA6] =	sst s0;
	s0 =	simm.s32 @!p1 $0x0  }
0x14: {  	s2 =	sld [smem:$0x3F8A];
	s0 =	simm.s32 @p1 $0x1  }
0x15: {  	[smem:$0x3FA7] =	sst s0;
	s0 =	simm.s32 @!p2 $0x0  }
0x16: {  	s3 =	sld [smem:$0x3FDB];
	s0 =	simm.s32 @p2 $0x1  }
0x17: {  	s4 =	simm.s32 $0x1BF5;
	[smem:$0x3FA9] =	sst s0  }
0x18: {  	s0 =	sld [smem:$0x3F8C];
	_ =	swait.ge [sflag:s4], $0x0  }
0x19: {  	s7 =	sld [smem:$0x3F8D]  }
0x1a: {  	s8 =	sadd.s32 $0xFFFFE003, lr  }
0x1b: {  	s9 =	sadd.s32 $0xFFFFFEF7, lr;
	s5 =	simm.s32 $0xFFFFFFFF;
	p2 =	slt.u32 s8, $0xFFFFF086  }
0x1c: {  	p1 =	slt.u32 s9, $0xF7A;
	s5 =	simm.s32 @!p2 $0x0  }
0x1d: {  	s5 =	simm.s32 @p1 $0x1;
	p0 =	seq.s32 s7, s2  }
0x1e: {  	s7 =	smul.u32 @!p0 $0xF7A, s2;
	p2 =	seq.s32 @!p0 s5, $0x0  }
0x1f: {  	s9 =	smul.u32 $0xF7A, s1;
	s8 =	simm.s32 @!p0 $0x1BF5;
	p2 =	por !p2, p0  }
0x20: {  	[sflag:s8] =	ssyncset.s32 @!p0 $0xFFFFF086;
	s6 =	sadd.s32 @!p0 s3, s7;
	s7 =	simm.s32 @!p0 $0x108  }
0x21: {  	s3 =	sadd.s32 s3, s9;
	s6 =	sadd.s32 @!p0 $0x88, s6;
	s7 =	simm.s32 @p2 $0x1082  }
0x22: {  	[simem:s7], [sflag:s8] =	dma.local @!p0 [hbm:s6], $0xF7A  }
0x23: {  	s9 =	sor.u32 $0xD0000000, s2;
	s6 =	simm.s32 $0x108;
	_ =	swait.ge @!p0 [sflag:s8], $0x0  }
0x24: {  	s3 =	sadd.s32 $0x88, s3;
	s6 =	simm.s32 @!p1 $0x1082;
	[sflag:s4] =	ssyncset.s32 $0xFFFFF086  }
0x25: {  	[simem:s6], [sflag:s4] =	dma.local [hbm:s3], $0xF7A  }
0x26: {  	[smem:$0x3F8D] =	sst s1;
	(tag) =	ssettag s2;
	_ =	strace s9  }
0x27: {  	s1 =	sld [smem:$0x3F9D]  }
0x28: {  	s2 =	sld [smem:$0x3F9E]  }
0x29: {  	s4 =	sld [smem:$0x3FA0]  }
0x2a: {  	p0 =	seq.s32 s5, $0x0;
	s5 =	sld [smem:$0x3FA1]  }
0x2b: {  	s6 =	sld [smem:$0x3FA2]  }
0x2c: {  	s7 =	sld [smem:$0x3FA3]  }
0x2d: {  	s3 =	simm.s32 $0x108;
	s8 =	sld [smem:$0x3FA4]  }
0x2e: {  	s3 =	simm.s32 @!p0 $0x1082;
	s9 =	sld [smem:$0x3FA5]  }
0x2f: {  	lr =	sadd.s32 s0, s3;
	s0 =	sld [smem:$0x3F9C]  }
0x30: {  	s3 =	sld [smem:$0x3F9F]  }
0x31: {  	[smem:$0x3FA8] =	sst s10  }
0x32: {  	s10 =	sld [smem:$0x3FA6];
	_ =	sdelay $0x3  }
0x33: {  	p0 =	seq.s32 s10, $0x1;
	s10 =	sld [smem:$0x3FA8];
	_ =	sdelay $0x3  }
0x34: {  	[smem:$0x3FA8] =	sst s10  }
0x35: {  	s10 =	sld [smem:$0x3FA7];
	_ =	sdelay $0x3  }
0x36: {  	p1 =	seq.s32 s10, $0x1;
	s10 =	sld [smem:$0x3FA8];
	_ =	sdelay $0x3  }
0x37: {  	[smem:$0x3FA8] =	sst s10  }
0x38: {  	s10 =	sld [smem:$0x3FA9]  }
0x39: {  	_ = 	snop;
	(pc) =	sbr.ind lr, $3  }
0x3a: {  	_ = 	snop  }
0x3b: {  	_ = 	snop  }
0x3c: {  	p2 =	seq.s32 s10, $0x1;
	s10 =	sld [smem:$0x3FA8]  }
0x3d: {  	_ =	shalt  }
0x3e: {  	_ =	shalt  }
0x3f: {  	_ =	shalt  }
0x40: {  	_ =	shalt  }
0x41: {  	_ =	shalt  }
0x42: {  	_ =	shalt  }
0x43: {  	_ =	shalt  }
0x44: {  	_ =	shalt  }
0x45: {  	_ =	shalt  }
0x46: {  	_ =	shalt  }
0x47: {  	_ =	shalt  }
0x48: {  	_ =	shalt  }
0x49: {  	_ =	shalt  }
0x4a: {  	_ =	shalt  }
0x4b: {  	_ =	shalt  }
0x4c: {  	_ =	shalt  }
0x4d: {  	_ =	shalt  }
0x4e: {  	_ =	shalt  }
0x4f: {  	_ =	shalt  }
0x50: {  	_ =	shalt  }
0x51: {  	_ =	shalt  }
0x52: {  	_ =	shalt  }
0x53: {  	_ =	shalt  }
0x54: {  	_ =	shalt  }
0x55: {  	_ =	shalt  }
0x56: {  	_ =	shalt  }
0x57: {  	_ =	shalt  }
0x58: {  	_ =	shalt  }
0x59: {  	_ =	shalt  }
0x5a: {  	_ =	shalt  }
0x5b: {  	_ =	shalt  }
0x5c: {  	_ =	shalt  }
0x5d: {  	_ =	shalt  }
0x5e: {  	_ =	shalt  }
0x5f: {  	_ =	shalt  }
0x60: {  	_ =	shalt  }
0x61: {  	_ =	shalt  }
0x62: {  	_ =	shalt  }
0x63: {  	_ =	shalt  }
0x64: {  	_ =	shalt  }
0x65: {  	_ =	shalt  }
0x66: {  	_ =	shalt  }
0x67: {  	_ =	shalt  }
0x68: {  	_ =	shalt  }
0x69: {  	_ =	shalt  }
0x6a: {  	_ =	shalt  }
0x6b: {  	_ =	shalt  }
0x6c: {  	_ =	shalt  }
0x6d: {  	_ =	shalt  }
0x6e: {  	_ =	shalt  }
0x6f: {  	_ =	shalt  }
0x70: {  	_ =	shalt  }
0x71: {  	_ =	shalt  }
0x72: {  	_ =	shalt  }
0x73: {  	_ =	shalt  }
0x74: {  	_ =	shalt  }
0x75: {  	_ =	shalt  }
0x76: {  	_ =	shalt  }
0x77: {  	_ =	shalt  }
0x78: {  	_ =	shalt  }
0x79: {  	_ =	shalt  }
0x7a: {  	_ =	shalt  }
0x7b: {  	_ =	shalt  }
0x7c: {  	_ =	shalt  }
0x7d: {  	_ =	shalt  }
0x7e: {  	_ =	shalt  }
0x7f: {  	_ =	shalt  }
0x80: {  	_ =	shalt  }
0x81: {  	_ =	shalt  }
0x82: {  	_ =	shalt  }
0x83: {  	_ =	shalt  }
0x84: {  	_ =	shalt  }
0x85: {  	_ =	shalt  }
0x86: {  	_ =	shalt  }
0x87: {  	_ =	shalt  }
.Lfunc_end0:
.L_simem_size_0:
called_computation.1_lowered:
.L_overlay_start_0:
0x88: {  	s2 =	sld [smem:$0x3FD9]  }
0x89: {  	s3 =	sld [smem:$0x3FFE];
	_ =	sdelay $0x1  }
0x8a: {  	s1 =	srdreg.scid  }
0x8b: {  	s0 =	sand.u32 $0x1, s1  }
0x8c: {  	s16 =	sshll.u32 s0, $0xA;
	s2 =	sadd.s32 s3, s2  }
0x8d: {  	s2 =	sadd.s32 s2, s16  }
0x8e: {  	[smem:$0x3FB4] =	sst s2  }
0x8f: {  	_ = 	snop  }
0x90: {  	(tm) =	ssettm $0x1  }
0x91: {  	s17 =	sld [smem:$0x3FFB];
	_ =	sdelay $0x3  }
0x92: {  	_ =	strace s17  }
0x93: {  	s2 =	sld [smem:$0x3FFC];
	_ =	sdelay $0x3  }
0x94: {  	_ =	strace s2  }
0x95: {  	s2 =	sld [smem:$0x3FFD];
	_ =	sdelay $0x3  }
0x96: {  	_ =	strace s2  }
0x97: {  	_ =	strace $0x8FFFFFFF  }
0x98: {  	s18 =	sld [smem:$0x3FDB];
	_ =	sdelay $0x1  }
0x99: {  	s19 =	simm.s32 $_scs_section_size  }
0x9a: {  	s4 =	simm.s32 $_size__tile_overlayer_lowered;
	s5 =	simm.s32 $_tile_overlayer_lowered  }
0x9b: {  	s22 =	simm.s32 $0x1BFF;
	s21 =	sshll.u32 s5, $0x1;
	s2 =	sadd.s32 s19, s18  }
0x9c: {  	s6 =	simm.s32 $0x0;
	s20 =	sshll.u32 s4, $0x1;
	s4 =	sadd.s32 s21, s2  }
0x9d: {  	[timem:s6], [sflag:s22] =	dma.local [hbm:s4], s20  }
0x9e: {  	_ =	swait.ge [sflag:s22], s20  }
0x9f: {  	s3 =	ssub.s32 $0x0, s20;
	[sflag:s22] =	ssyncset.done $0x0  }
0xa0: {  	[sflag:s22] =	ssyncadd.s32 s3;
	_ =	sdelay $0x1  }
0xa1: {  	s23 =	simm.s32 $0x1B8B  }
0xa2: {  	_ =	swait.ge [sflag:s23], $0x1  }
0xa3: {  	[sflag:s23] =	ssyncset.done $0x0  }
0xa4: {  	s25 =	simm.s32 $0x1B8E;
	s24 =	sld [smem:$0x3FFE];
	[sflag:s23] =	ssyncadd.s32 $0xFFFFFFFF  }
0xa5: {  	s26 =	simm.s32 $execute0_lowered;
	[smem:$0x3FD2] =	sst s25  }
0xa6: {  	s4 =	sshll.u32 s26, $0x1;
	_ =	strace $0x80000049;
	[dreg:$0x1] =	wrdreg $0xFFFFFFFF  }
0xa7: {  	s28 =	simm.s32 $_size_execute0_lowered;
	s2 =	sadd.s32 s2, s4;
	[dreg:$0x0] =	wrdreg $0x0  }
0xa8: {  	s4 =	sshll.u32 s28, $0x1;
	[dreg:$0x2] =	wrdreg s2  }
0xa9: {  	[dreg:$0x3] =	wrdreg s4  }
0xaa: {  	[dreg:$0x4] =	wrdreg $0xC0  }
0xab: {  	_ =	task [dreg:s6], $0x5FFFF  }
0xac: {  	[dreg:$0x1] =	wrdreg $0xFFFFFFFF  }
0xad: {  	[dreg:$0x0] =	wrdreg $0x60  }
0xae: {  	[dreg:$0x2] =	wrdreg s24  }
0xaf: {  	[dreg:$0x3] =	wrdreg $0x88000  }
0xb0: {  	[dreg:$0x4] =	wrdreg $0x9  }
0xb1: {  	_ =	task.clear_ibuf [dreg:s6], $0x5FFFF;
	_ =	strace $0x90000049  }
0xb2: {  	s29 =	simm.s32 $0x9;
	_ =	strace $0x8000004B  }
0xb3: {  	_ =	swait.ge [sflag:s29], $0x1  }
0xb4: {  	[sflag:s29] =	ssyncadd.s32 $0xFFFFFFFF  }
0xb5: {  	_ =	strace $0x9000004B  }
0xb6: {  	_ =	sfence  }
0xb7: {  	s30 =	sld [smem:$0x0];
	_ =	sdelay $0x2  }
0xb8: {  	s31 =	sshll.u32 s1, $0xD;
	s1 =	sshrl.u32 s1, $0x2  }
0xb9: {  	s3 =	sand.u32 $0x4000, s31;
	s1 =	sadd.s32 s1, s30  }
0xba: {  	s0 =	sor.u32 s3, s0;
	s1 =	sshll.u32 s1, $0x11  }
0xbb: {  	s0 =	sor.u32 s1, s0  }
0xbc: {  	s0 =	sadd.s32 $0x8F2B, s0  }
0xbd: {  	[sflag:s0] =	ssyncadd.remote.s32 $0x1  }
0xbe: {  	_ =	sfence.sel $0xFFFF  }
0xbf: {  	[dreg:$0x0] =	wrdreg $0xFFFFFFFF;
	(pc) =	sbr.abs _section_cstart, $3  }
0xc0: {  	[dreg:$0x1] =	wrdreg $0xFFFFFFFF  }
0xc1: {  	_ =	task.clear_ibuf [dreg:s6], $0x2FFFF;
	_ =	strace $0x9FFFFFFF  }
0xc2: {  	(tm) =	ssettm $0x7FFFFFFF  }
0xc3: {  	_ =	shalt  }
tec
execute0_lowered:
.L_overlay_start_1:
0x0: {  	(tag) =	ssettag $0x1  }
0x1: {  	s0 =	rddreg [dreg:$0x0]  }
0x2: {  	s1 =	srdreg.scid;
	s2 =	rddreg [dreg:$0x1]  }
0x3: {  	s10 =	stileid.u32;
	s3 =	simm.s32 $0x0;
	s15 =	simm.s32 $0x800  }
0x4: {  	s16 =	simm.s32 $0x5;
	s17 =	simm.s32 $0x4800;
	s18 =	simm.s32 $0x200  }
0x5: {  	s19 =	simm.s32 $0x80;
	s28 =	simm.s32 $0x1;
	s12 =	simm.s32 $0x580  }
0x6: {  	s13 =	simm.s32 $0x7800;
	s14 =	simm.s32 $0x2;
	s5 =	smul.u32 $0x2800, s10  }
0x7: {  	s31 =	simm.s32 $0x0;
	s1 =	sand.u32 $0x1, s1;
	s8 =	smul.u32 $0x278, s10  }
0x8: {  	[smem:$0x7FF] =	sst s3;
	s11 =	sadd.s32 $0x23000, s0;
	s10 =	smul.u32 $0x4F00, s10  }
0x9: {  	s4 =	smul.u32 $0x28000, s1;
	_ =	strace $0x8000004A;
	s7 =	ssub.s32 $0x2, s1  }
0xa: {  	s6 =	smul.u32 $0x9E00, s1;
	p0 =	seq.s32 s1, $0x1;
	s9 =	sshrl.u32 s7, $0x1  }
0xb: {  	s21 =	sadd.s32 $0x200, s8;
	s22 =	sshrl.u32 s10, $0x3;
	s29 =	sadd.s32 s10, s2  }
0xc: {  	s8 =	simm.s32 $0x700;
	s5 =	sadd.s32 s5, s4;
	s4 =	sadd.s32 $0x19200, s0  }
0xd: {  	s20 =	ssub.s32 s7, s9;
	s23 =	sshll.u32 s21, $0x5;
	[dreg:$0x3] =	wrdreg s22  }
0xe: {  	s7 =	sshll.u32 s21, $0x2;
	s21 =	simm.s32 $0x3;
	[dreg:$0x4] =	wrdreg s29  }
0xf: {  	s5 =	sshrl.u32 s5, $0x3;
	s30 =	sadd.s32 s23, s2;
	s1 =	smov.u32 s4  }
0x10: {  	s24 =	smax.u32 s20, $0x1;
	[dreg:$0x5] =	wrdreg s7;
	s20 =	simm.s32 $0x1800  }
0x11: {  	s5 =	sadd.s32 s5, s0;
	s0 =	sadd.s32 s6, s0;
	s1 =	smov.u32 @p0 s11  }
0x12: {  	[dreg:$0x8] =	wrdreg s24;
	s24 =	simm.s32 $0x3800;
	s6 =	simm.s32 $0x680  }
0x13: {  	s11 =	simm.s32 $0x780;
	[dreg:$0x6] =	wrdreg s30;
	s9 =	sadd.s32 $0xF200, s5  }
.Ltmp0:
0x14: {  	s10 =	sadd.s32 $0x5200, s5;
	s0 =	sadd.s32 $0x2CE00, s0;
	(pc) =	sbr.rel .LBB2_1-.Ltmp0, $4  }
0x15: {  	s25 =	sadd.s32 s1, s22;
	s26 =	sadd.s32 s1, s7;
	[dreg:$0x7] =	wrdreg s0  }
0x16: {  	s22 =	simm.s32 $0x2800;
	s1 =	simm.s32 $0x5800;
	[dreg:$0x9] =	wrdreg s25  }
0x17: {  	s5 =	simm.s32 $0x500;
	s7 =	simm.s32 $0x6800;
	[dreg:$0xa] =	wrdreg s26  }
0x18: {  	s25 =	simm.s32 $0x400;
	s26 =	simm.s32 $0x600;
	s0 =	simm.s32 $0x480  }
.LBB2_4:
0x19: {  	s23 =	simm.s32 $0x4  }
0x1a: {  	_ =	swait.ge [sflag:s23], $0x1000  }
0x1b: {  	[sflag:s23] =	ssyncset.done $0x0  }
0x1c: {  	[sflag:s23] =	ssyncadd.s32 $0xFFFFF000  }
0x1d: {  	_ =	swait.ge [sflag:s23], $0x1000  }
0x1e: {  	[sflag:s23] =	ssyncset.done $0x0  }
0x1f: {  	[sflag:s23] =	ssyncadd.s32 $0xFFFFF000  }
0x20: {  	_ =	swait.ge [sflag:s23], $0x1000  }
0x21: {  	[sflag:s23] =	ssyncset.done $0x0  }
0x22: {  	[sflag:s23] =	ssyncadd.s32 $0xFFFFF000  }
0x23: {  	_ =	swait.ge [sflag:s23], $0x1000  }
0x24: {  	[sflag:s23] =	ssyncset.done $0x0  }
0x25: {  	[sflag:s23] =	ssyncadd.s32 $0xFFFFF000  }
0x26: {  	[bflag:$0x0] =	sbarrier.arrive $0xFFFF  }
0x27: {  	s29 =	rddreg [dreg:$0x4]  }
0x28: {  	[tilespmem:s15], [sflag:$0x5] =	stream.linear.gather [spmem:s29], $0x4000, $0x38;
	[tilespmem:$0xD700] =	vst v63  }
0x29: {  	_ =	swait.ge [sflag:s16], $0x4000  }
0x2a: {  	s23 =	rddreg [dreg:$0x3]  }
0x2b: {  	[sflag:s16] =	ssyncset.done $0x0;
	s31 =	rddreg [dreg:$0x7]  }
0x2c: {  	[sflag:s16] =	ssyncadd.s32 $0xFFFFC000;
	s23 =	sadd.s32 s23, s31  }
0x2d: {  	[hbm4b:s23+s3] =	stream.linear.scatter [tilespmem:s15], [sflag:$0x5], $0x4000, $0x38;
	[tilespmem:$0xD700] =	vst v63  }
0x2e: {  	_ =	swait.ge [sflag:s16], $0x4000  }
0x2f: {  	[sflag:s16] =	ssyncset.done $0x0  }
0x30: {  	s30 =	rddreg [dreg:$0x6];
	[sflag:s16] =	ssyncadd.s32 $0xFFFFC000  }
0x31: {  	[tilespmem:s17], [sflag:$0x5] =	stream.linear.gather [spmem:s30], $0xF00, $0x38;
	[tilespmem:$0xD700] =	vst v63  }
0x32: {  	_ =	swait.ge [sflag:s16], $0xF00  }
0x33: {  	[sflag:s16] =	ssyncset.done $0x0;
	s23 =	rddreg [dreg:$0x5]  }
0x34: {  	[sflag:s16] =	ssyncadd.s32 $0xFFFFF100;
	s23 =	sadd.s32 s23, s31  }
0x35: {  	[hbm4b:s23+s3] =	stream.linear.scatter [tilespmem:s17], [sflag:$0x5], $0xF00, $0x38;
	[tilespmem:$0xD700] =	vst v63  }
0x36: {  	_ =	swait.ge [sflag:s16], $0xF00  }
0x37: {  	s31 =	rddreg [dreg:$0xb]  }
0x38: {  	s23 =	rddreg [dreg:$0x8];
	s31 =	sadd.s32 $0x1, s31  }
0x39: {  	p0 =	sne.s32 s31, s23  }
.Ltmp1:
0x3a: {  	_ = 	snop;
	(pc) =	sbr.rel @!p0 .LBB2_5-.Ltmp1, $3  }
0x3b: {  	[sflag:s16] =	ssyncset.done $0x0  }
0x3c: {  	[sflag:s16] =	ssyncadd.s32 $0xFFFFF100  }
0x3d: {  	[bflag:$0x0] =	sbarrier.arrive $0xFFFF;
	_ =	sdelay $0x1  }
.LBB2_1:
0x3e: {  	[dreg:$0xb] =	wrdreg s31  }
0x3f: {  	s23 =	rddreg [dreg:$0x9]  }
0x40: {  	[tilespmem:s15], [sflag:$0x5] =	stream.linear.gather [hbm4b:s23+s3], $0x4000, $0x38;
	[tilespmem:$0xD700] =	vst v63  }
0x41: {  	_ =	swait.ge [sflag:s16], $0x4000  }
0x42: {  	[sflag:s16] =	ssyncset.done $0x0  }
0x43: {  	[sflag:s16] =	ssyncadd.s32 $0xFFFFC000  }
0x44: {  	[spmem:s29] =	stream.linear.scatter [tilespmem:s15], [sflag:$0x5], $0x4000, $0x38;
	[tilespmem:$0xD700] =	vst v63  }
0x45: {  	_ =	swait.ge [sflag:s16], $0x4000  }
0x46: {  	[sflag:s16] =	ssyncset.done $0x0  }
0x47: {  	s29 =	rddreg [dreg:$0xa];
	[sflag:s16] =	ssyncadd.s32 $0xFFFFC000  }
0x48: {  	[tilespmem:s17], [sflag:$0x5] =	stream.linear.gather [hbm4b:s29+s3], $0xF00, $0x38;
	[tilespmem:$0xD700] =	vst v63  }
0x49: {  	_ =	swait.ge [sflag:s16], $0xF00  }
0x4a: {  	[sflag:s16] =	ssyncset.done $0x0  }
0x4b: {  	[sflag:s16] =	ssyncadd.s32 $0xFFFFF100  }
0x4c: {  	[spmem:s30] =	stream.linear.scatter [tilespmem:s17], [sflag:$0x5], $0xF00, $0x38;
	[tilespmem:$0xD700] =	vst v63  }
0x4d: {  	_ =	swait.ge [sflag:s16], $0xF00  }
0x4e: {  	[sflag:s16] =	ssyncset.done $0x0  }
0x4f: {  	[sflag:s16] =	ssyncadd.s32 $0xFFFFF100  }
0x50: {  	[bflag:$0x0] =	sbarrier.arrive $0xFFFF  }
0x51: {  	[tilespmem:s3], [sflag:$0x5] =	stream.linear.gather [hbm4b:s9+s3], $0x200, $0x38;
	[tilespmem:$0xD700] =	vst v63  }
0x52: {  	_ =	swait.ge [sflag:s16], $0x200  }
0x53: {  	[sflag:s16] =	ssyncset.done $0x0  }
0x54: {  	[sflag:s16] =	ssyncadd.s32 $0xFFFFFE00  }
0x55: {  	[tilespmem:s18], [sflag:$0x5] =	stream.linear.gather [hbm4b:s10+s3], $0x200, $0x38;
	[tilespmem:$0xD700] =	vst v63  }
0x56: {  	_ =	swait.ge [sflag:s16], $0x200  }
0x57: {  	[sflag:s16] =	ssyncset.done $0x0  }
0x58: {  	[sflag:s16] =	ssyncadd.s32 $0xFFFFFE00  }
0x59: {  	[tilespmem:s15], [sflag:$0x1] =	stream.indirect.gather [hbm4b:s4+s19], $0x20, s3, s19, $0xb8;
	[tilespmem:$0xD700] =	vst v63  }
0x5a: {  	_ = 	snop  }
0x5b: {  	[tilespmem:s20], [sflag:$0x1] =	stream.indirect.gather [hbm4b:s4+s19], $0x20, s19, s19, $0xb8;
	[tilespmem:$0xD700] =	vst v63  }
0x5c: {  	s30 =	simm.s32 $0x100  }
0x5d: {  	[tilespmem:s22], [sflag:$0x1] =	stream.indirect.gather [hbm4b:s4+s19], $0x20, s30, s19, $0xb8;
	[tilespmem:$0xD700] =	vst v63  }
0x5e: {  	s31 =	simm.s32 $0x180;
	s23 =	simm.s32 $0x0  }
0x5f: {  	[tilespmem:s24], [sflag:$0x1] =	stream.indirect.gather [hbm4b:s4+s19], $0x20, s31, s19, $0xb8;
	[tilespmem:$0xD700] =	vst v63  }
.LBB2_2:
0x60: {  	p0 =	seq.s32 s23, $0x0  }
0x61: {  	s30 =	simm.s32 @!p0 $0x4  }
0x62: {  	_ =	swait.ge @!p0 [sflag:s30], $0x1000  }
0x63: {  	[sflag:s30] =	ssyncset.done @!p0 $0x0  }
0x64: {  	[sflag:s30] =	ssyncadd.s32 @!p0 $0xFFFFF000  }
0x65: {  	_ =	swait.ge @!p0 [sflag:s30], $0x1000  }
0x66: {  	[sflag:s30] =	ssyncset.done @!p0 $0x0  }
0x67: {  	[sflag:s30] =	ssyncadd.s32 @!p0 $0xFFFFF000  }
0x68: {  	_ =	swait.ge @!p0 [sflag:s30], $0x1000  }
0x69: {  	[sflag:s30] =	ssyncset.done @!p0 $0x0  }
0x6a: {  	[sflag:s30] =	ssyncadd.s32 @!p0 $0xFFFFF000  }
0x6b: {  	_ =	swait.ge @!p0 [sflag:s30], $0x1000  }
0x6c: {  	s29 =	sadd.s32 s23, s9;
	[sflag:s30] =	ssyncset.done @!p0 $0x0  }
0x6d: {  	[sflag:s30] =	ssyncadd.s32 @!p0 $0xFFFFF000;
	s30 =	sadd.s32 $0x40, s29  }
0x6e: {  	[tilespmem:s25], [sflag:$0x5] =	stream.linear.gather [hbm4b:s30+s3], $0x200, $0x38;
	[tilespmem:$0xD700] =	vst v63  }
0x6f: {  	_ =	swait.ge [sflag:s16], $0x200  }
0x70: {  	s30 =	sadd.s32 s23, s10;
	[sflag:s16] =	ssyncset.done $0x0  }
0x71: {  	s31 =	sadd.s32 $0x40, s30;
	[sflag:s16] =	ssyncadd.s32 $0xFFFFFE00  }
0x72: {  	[tilespmem:s26], [sflag:$0x5] =	stream.linear.gather [hbm4b:s31+s3], $0x200, $0x38;
	[tilespmem:$0xD700] =	vst v63  }
0x73: {  	_ =	swait.ge [sflag:s16], $0x200  }
0x74: {  	[sflag:s16] =	ssyncset.done $0x0  }
0x75: {  	[sflag:s16] =	ssyncadd.s32 $0xFFFFFE00  }
0x76: {  	_ =	swait.ge [sflag:s28], $0x1000  }
0x77: {  	[sflag:s28] =	ssyncset.done $0x0  }
0x78: {  	[sflag:s28] =	ssyncadd.s32 $0xFFFFF000  }
0x79: {  	_ =	swait.ge [sflag:s28], $0x1000  }
0x7a: {  	[sflag:s28] =	ssyncset.done $0x0  }
0x7b: {  	[sflag:s28] =	ssyncadd.s32 $0xFFFFF000  }
0x7c: {  	_ =	swait.ge [sflag:s28], $0x1000  }
0x7d: {  	[sflag:s28] =	ssyncset.done $0x0  }
0x7e: {  	[sflag:s28] =	ssyncadd.s32 $0xFFFFF000  }
0x7f: {  	_ =	swait.ge [sflag:s28], $0x1000  }
0x80: {  	[sflag:s28] =	ssyncset.done $0x0  }
0x81: {  	[sflag:s28] =	ssyncadd.s32 $0xFFFFF000  }
0x82: {  	[spmem:s2] =	stream.indirect.scatter.add.f32 [tilespmem:s15], [sflag:$0x3], $0x20, s18, s19, $0xb8;
	[tilespmem:$0xD700] =	vst v63  }
0x83: {  	s31 =	simm.s32 $0x280  }
0x84: {  	[spmem:s2] =	stream.indirect.scatter.add.f32 [tilespmem:s20], [sflag:$0x3], $0x20, s31, s19, $0xb8;
	[tilespmem:$0xD700] =	vst v63  }
0x85: {  	s31 =	simm.s32 $0x300  }
0x86: {  	[spmem:s2] =	stream.indirect.scatter.add.f32 [tilespmem:s22], [sflag:$0x3], $0x20, s31, s19, $0xb8;
	[tilespmem:$0xD700] =	vst v63  }
0x87: {  	s31 =	simm.s32 $0x380  }
0x88: {  	[spmem:s2] =	stream.indirect.scatter.add.f32 [tilespmem:s24], [sflag:$0x3], $0x20, s31, s19, $0xb8;
	[tilespmem:$0xD700] =	vst v63  }
0x89: {  	_ = 	snop  }
0x8a: {  	[tilespmem:s17], [sflag:$0x2] =	stream.indirect.gather [hbm4b:s4+s19], $0x20, s25, s19, $0xb8;
	[tilespmem:$0xD700] =	vst v63  }
0x8b: {  	_ = 	snop  }
0x8c: {  	[tilespmem:s1], [sflag:$0x2] =	stream.indirect.gather [hbm4b:s4+s19], $0x20, s0, s19, $0xb8;
	[tilespmem:$0xD700] =	vst v63  }
0x8d: {  	_ = 	snop  }
0x8e: {  	[tilespmem:s7], [sflag:$0x2] =	stream.indirect.gather [hbm4b:s4+s19], $0x20, s5, s19, $0xb8;
	[tilespmem:$0xD700] =	vst v63  }
0x8f: {  	_ = 	snop  }
0x90: {  	[tilespmem:s13], [sflag:$0x2] =	stream.indirect.gather [hbm4b:s4+s19], $0x20, s12, s19, $0xb8;
	[tilespmem:$0xD700] =	vst v63  }
0x91: {  	_ =	swait.ge [sflag:s14], $0x1000  }
0x92: {  	[sflag:s14] =	ssyncset.done $0x0  }
0x93: {  	[sflag:s14] =	ssyncadd.s32 $0xFFFFF000  }
0x94: {  	_ =	swait.ge [sflag:s14], $0x1000  }
0x95: {  	[sflag:s14] =	ssyncset.done $0x0  }
0x96: {  	[sflag:s14] =	ssyncadd.s32 $0xFFFFF000  }
0x97: {  	_ =	swait.ge [sflag:s14], $0x1000  }
0x98: {  	[sflag:s14] =	ssyncset.done $0x0  }
0x99: {  	[sflag:s14] =	ssyncadd.s32 $0xFFFFF000  }
0x9a: {  	_ =	swait.ge [sflag:s14], $0x1000  }
0x9b: {  	[sflag:s14] =	ssyncset.done $0x0  }
0x9c: {  	[sflag:s14] =	ssyncadd.s32 $0xFFFFF000  }
0x9d: {  	[spmem:s2] =	stream.indirect.scatter.add.f32 [tilespmem:s17], [sflag:$0x4], $0x20, s26, s19, $0xb8;
	[tilespmem:$0xD700] =	vst v63  }
0x9e: {  	_ = 	snop  }
0x9f: {  	[spmem:s2] =	stream.indirect.scatter.add.f32 [tilespmem:s1], [sflag:$0x4], $0x20, s6, s19, $0xb8;
	[tilespmem:$0xD700] =	vst v63  }
0xa0: {  	_ = 	snop  }
0xa1: {  	[spmem:s2] =	stream.indirect.scatter.add.f32 [tilespmem:s7], [sflag:$0x4], $0x20, s8, s19, $0xb8;
	[tilespmem:$0xD700] =	vst v63  }
0xa2: {  	_ = 	snop  }
0xa3: {  	[spmem:s2] =	stream.indirect.scatter.add.f32 [tilespmem:s13], [sflag:$0x4], $0x20, s11, s19, $0xb8;
	[tilespmem:$0xD700] =	vst v63  }
0xa4: {  	_ =	swait.ge [sflag:s21], $0x1000  }
0xa5: {  	[sflag:s21] =	ssyncset.done $0x0  }
0xa6: {  	[sflag:s21] =	ssyncadd.s32 $0xFFFFF000  }
0xa7: {  	_ =	swait.ge [sflag:s21], $0x1000  }
0xa8: {  	[sflag:s21] =	ssyncset.done $0x0  }
0xa9: {  	[sflag:s21] =	ssyncadd.s32 $0xFFFFF000  }
0xaa: {  	p0 =	seq.s32 s23, $0x480;
	_ =	swait.ge [sflag:s21], $0x1000  }
.Ltmp2:
0xab: {  	[sflag:s21] =	ssyncset.done $0x0;
	(pc) =	sbr.rel @p0 .LBB2_4-.Ltmp2, $4  }
0xac: {  	[sflag:s21] =	ssyncadd.s32 $0xFFFFF000  }
0xad: {  	_ =	swait.ge [sflag:s21], $0x1000  }
0xae: {  	[sflag:s21] =	ssyncset.done $0x0  }
0xaf: {  	[sflag:s21] =	ssyncadd.s32 $0xFFFFF000  }
0xb0: {  	s29 =	sadd.s32 $0x80, s29  }
0xb1: {  	[tilespmem:s3], [sflag:$0x5] =	stream.linear.gather [hbm4b:s29+s3], $0x200, $0x38;
	[tilespmem:$0xD700] =	vst v63  }
0xb2: {  	_ =	swait.ge [sflag:s16], $0x200  }
0xb3: {  	[sflag:s16] =	ssyncset.done $0x0  }
0xb4: {  	s31 =	sadd.s32 $0x80, s30;
	[sflag:s16] =	ssyncadd.s32 $0xFFFFFE00  }
0xb5: {  	[tilespmem:s18], [sflag:$0x5] =	stream.linear.gather [hbm4b:s31+s3], $0x200, $0x38;
	[tilespmem:$0xD700] =	vst v63  }
0xb6: {  	_ =	swait.ge [sflag:s16], $0x200  }
0xb7: {  	[sflag:s16] =	ssyncset.done $0x0  }
0xb8: {  	[sflag:s16] =	ssyncadd.s32 $0xFFFFFE00  }
0xb9: {  	[tilespmem:s15], [sflag:$0x1] =	stream.indirect.gather [hbm4b:s4+s19], $0x20, s3, s19, $0xb8;
	[tilespmem:$0xD700] =	vst v63  }
0xba: {  	_ = 	snop  }
0xbb: {  	[tilespmem:s20], [sflag:$0x1] =	stream.indirect.gather [hbm4b:s4+s19], $0x20, s19, s19, $0xb8;
	[tilespmem:$0xD700] =	vst v63  }
.Ltmp3:
0xbc: {  	_ = 	snop;
	(pc) =	sbr.rel .LBB2_2-.Ltmp3, $4  }
0xbd: {  	s30 =	simm.s32 $0x100  }
0xbe: {  	[tilespmem:s22], [sflag:$0x1] =	stream.indirect.gather [hbm4b:s4+s19], $0x20, s30, s19, $0xb8;
	[tilespmem:$0xD700] =	vst v63  }
0xbf: {  	s23 =	sadd.s32 $0x80, s23;
	s31 =	simm.s32 $0x180  }
0xc0: {  	[tilespmem:s24], [sflag:$0x1] =	stream.indirect.gather [hbm4b:s4+s19], $0x20, s31, s19, $0xb8;
	[tilespmem:$0xD700] =	vst v63  }
.LBB2_5:
0xc1: {  	_ =	sfence.sel $0x180000  }
0xc2: {  	[bflag:$0x0] =	sbarrier.arrive $0xFFFF  }
0xc3: {  	_ =	strace $0x9000004A  }
0xc4: {  	s0 =	stileid.u32;
	[bflag:$0x2] =	sbarrier.arrive $0xFFFF  }
0xc5: {  	p0 =	sne.s32 s0, $0x0;
	s0 =	rddreg [dreg:$0x2]  }
0xc6: {  	s0 =	sadd.s32 @!p0 $0x100000, s0  }
0xc7: {  	[sflag:s0] =	ssyncadd.tile.s32 @!p0 $0x1;
	_ =	shalt  }
.Lfunc_end2:
_tile_overlayer_lowered:
.L_overlay_start_2:
0xc8: {  	(tag) =	ssettag $0x2  }
0xc9: {  	s0 =	rddreg [dreg:$0x0];
	s2 =	stileid.u32  }
0xca: {  	s1 =	rddreg [dreg:$0x1];
	p0 =	sne.s32 s2, $0x0  }
0xcb: {  	s3 =	rddreg [dreg:$0x2];
	[bflag:$0x3] =	sbarrier.arrive $0xFFFF;
	s2 =	simm.s32 @!p0 $0x1C05  }
0xcc: {  	[timem:s3], [sflag:s2] =	dma.local @!p0 [hbm:s0], s1  }
0xcd: {  	s0 =	simm.s32 @!p0 $0x5  }
0xce: {  	_ =	swait.ge @!p0 [sflag:s0], s1  }
0xcf: {  	s1 =	ssub.s32 @!p0 $0x0, s1;
	[sflag:s0] =	ssyncset.done @!p0 $0x0  }
0xd0: {  	[sflag:s0] =	ssyncadd.s32 @!p0 s1  }
0xd1: {  	[bflag:$0x3] =	sbarrier.arrive $0xFFFF  }
0xd2: {  	_ =	shalt  }

// kernel: kernel.15.cloned.1.call-start
scs
__scs_entry_jumppad:
0x0: {  	(pc) =	sbr.rel $0x88, $3  }
0x1: {  	(tag) =	ssettag $0x0;
	lr =	simm.s32 $0x1  }
0x2: {  	[smem:$0x3F8D] =	sst lr;
	_ =	strace $0xD0000000  }
0x3: {  	_ = 	snop  }
0x4: {  	_ = 	snop  }
0x5: {  	_ = 	snop  }
0x6: {  	_ = 	snop  }
0x7: {  	_ = 	snop  }
__scs_overlays_trampoline_lowered:
0x8: {  	[smem:$0x3F9C] =	sst s0  }
0x9: {  	[smem:$0x3F9D] =	sst s1  }
0xa: {  	[smem:$0x3F9E] =	sst s2  }
0xb: {  	[smem:$0x3F9F] =	sst s3  }
0xc: {  	[smem:$0x3FA0] =	sst s4  }
0xd: {  	[smem:$0x3FA1] =	sst s5  }
0xe: {  	[smem:$0x3FA2] =	sst s6  }
0xf: {  	[smem:$0x3FA3] =	sst s7  }
0x10: {  	[smem:$0x3FA4] =	sst s8  }
0x11: {  	[smem:$0x3FA5] =	sst s9;
	s0 =	simm.s32 @!p0 $0x0  }
0x12: {  	s1 =	sld [smem:$0x3F8B];
	s0 =	simm.s32 @p0 $0x1  }
0x13: {  	[smem:$0x3FA6] =	sst s0;
	s0 =	simm.s32 @!p1 $0x0  }
0x14: {  	s2 =	sld [smem:$0x3F8A];
	s0 =	simm.s32 @p1 $0x1  }
0x15: {  	[smem:$0x3FA7] =	sst s0;
	s0 =	simm.s32 @!p2 $0x0  }
0x16: {  	s3 =	sld [smem:$0x3FDB];
	s0 =	simm.s32 @p2 $0x1  }
0x17: {  	s4 =	simm.s32 $0x1BF5;
	[smem:$0x3FA9] =	sst s0  }
0x18: {  	s0 =	sld [smem:$0x3F8C];
	_ =	swait.ge [sflag:s4], $0x0  }
0x19: {  	s7 =	sld [smem:$0x3F8D]  }
0x1a: {  	s8 =	sadd.s32 $0xFFFFE003, lr  }
0x1b: {  	s9 =	sadd.s32 $0xFFFFFEF7, lr;
	s5 =	simm.s32 $0xFFFFFFFF;
	p2 =	slt.u32 s8, $0xFFFFF086  }
0x1c: {  	p1 =	slt.u32 s9, $0xF7A;
	s5 =	simm.s32 @!p2 $0x0  }
0x1d: {  	s5 =	simm.s32 @p1 $0x1;
	p0 =	seq.s32 s7, s2  }
0x1e: {  	s7 =	smul.u32 @!p0 $0xF7A, s2;
	p2 =	seq.s32 @!p0 s5, $0x0  }
0x1f: {  	s9 =	smul.u32 $0xF7A, s1;
	s8 =	simm.s32 @!p0 $0x1BF5;
	p2 =	por !p2, p0  }
0x20: {  	[sflag:s8] =	ssyncset.s32 @!p0 $0xFFFFF086;
	s6 =	sadd.s32 @!p0 s3, s7;
	s7 =	simm.s32 @!p0 $0x108  }
0x21: {  	s3 =	sadd.s32 s3, s9;
	s6 =	sadd.s32 @!p0 $0x88, s6;
	s7 =	simm.s32 @p2 $0x1082  }
0x22: {  	[simem:s7], [sflag:s8] =	dma.local @!p0 [hbm:s6], $0xF7A  }
0x23: {  	s9 =	sor.u32 $0xD0000000, s2;
	s6 =	simm.s32 $0x108;
	_ =	swait.ge @!p0 [sflag:s8], $0x0  }
0x24: {  	s3 =	sadd.s32 $0x88, s3;
	s6 =	simm.s32 @!p1 $0x1082;
	[sflag:s4] =	ssyncset.s32 $0xFFFFF086  }
0x25: {  	[simem:s6], [sflag:s4] =	dma.local [hbm:s3], $0xF7A  }
0x26: {  	[smem:$0x3F8D] =	sst s1;
	(tag) =	ssettag s2;
	_ =	strace s9  }
0x27: {  	s1 =	sld [smem:$0x3F9D]  }
0x28: {  	s2 =	sld [smem:$0x3F9E]  }
0x29: {  	s4 =	sld [smem:$0x3FA0]  }
0x2a: {  	p0 =	seq.s32 s5, $0x0;
	s5 =	sld [smem:$0x3FA1]  }
0x2b: {  	s6 =	sld [smem:$0x3FA2]  }
0x2c: {  	s7 =	sld [smem:$0x3FA3]  }
0x2d: {  	s3 =	simm.s32 $0x108;
	s8 =	sld [smem:$0x3FA4]  }
0x2e: {  	s3 =	simm.s32 @!p0 $0x1082;
	s9 =	sld [smem:$0x3FA5]  }
0x2f: {  	lr =	sadd.s32 s0, s3;
	s0 =	sld [smem:$0x3F9C]  }
0x30: {  	s3 =	sld [smem:$0x3F9F]  }
0x31: {  	[smem:$0x3FA8] =	sst s10  }
0x32: {  	s10 =	sld [smem:$0x3FA6];
	_ =	sdelay $0x3  }
0x33: {  	p0 =	seq.s32 s10, $0x1;
	s10 =	sld [smem:$0x3FA8];
	_ =	sdelay $0x3  }
0x34: {  	[smem:$0x3FA8] =	sst s10  }
0x35: {  	s10 =	sld [smem:$0x3FA7];
	_ =	sdelay $0x3  }
0x36: {  	p1 =	seq.s32 s10, $0x1;
	s10 =	sld [smem:$0x3FA8];
	_ =	sdelay $0x3  }
0x37: {  	[smem:$0x3FA8] =	sst s10  }
0x38: {  	s10 =	sld [smem:$0x3FA9]  }
0x39: {  	_ = 	snop;
	(pc) =	sbr.ind lr, $3  }
0x3a: {  	_ = 	snop  }
0x3b: {  	_ = 	snop  }
0x3c: {  	p2 =	seq.s32 s10, $0x1;
	s10 =	sld [smem:$0x3FA8]  }
0x3d: {  	_ =	shalt  }
0x3e: {  	_ =	shalt  }
0x3f: {  	_ =	shalt  }
0x40: {  	_ =	shalt  }
0x41: {  	_ =	shalt  }
0x42: {  	_ =	shalt  }
0x43: {  	_ =	shalt  }
0x44: {  	_ =	shalt  }
0x45: {  	_ =	shalt  }
0x46: {  	_ =	shalt  }
0x47: {  	_ =	shalt  }
0x48: {  	_ =	shalt  }
0x49: {  	_ =	shalt  }
0x4a: {  	_ =	shalt  }
0x4b: {  	_ =	shalt  }
0x4c: {  	_ =	shalt  }
0x4d: {  	_ =	shalt  }
0x4e: {  	_ =	shalt  }
0x4f: {  	_ =	shalt  }
0x50: {  	_ =	shalt  }
0x51: {  	_ =	shalt  }
0x52: {  	_ =	shalt  }
0x53: {  	_ =	shalt  }
0x54: {  	_ =	shalt  }
0x55: {  	_ =	shalt  }
0x56: {  	_ =	shalt  }
0x57: {  	_ =	shalt  }
0x58: {  	_ =	shalt  }
0x59: {  	_ =	shalt  }
0x5a: {  	_ =	shalt  }
0x5b: {  	_ =	shalt  }
0x5c: {  	_ =	shalt  }
0x5d: {  	_ =	shalt  }
0x5e: {  	_ =	shalt  }
0x5f: {  	_ =	shalt  }
0x60: {  	_ =	shalt  }
0x61: {  	_ =	shalt  }
0x62: {  	_ =	shalt  }
0x63: {  	_ =	shalt  }
0x64: {  	_ =	shalt  }
0x65: {  	_ =	shalt  }
0x66: {  	_ =	shalt  }
0x67: {  	_ =	shalt  }
0x68: {  	_ =	shalt  }
0x69: {  	_ =	shalt  }
0x6a: {  	_ =	shalt  }
0x6b: {  	_ =	shalt  }
0x6c: {  	_ =	shalt  }
0x6d: {  	_ =	shalt  }
0x6e: {  	_ =	shalt  }
0x6f: {  	_ =	shalt  }
0x70: {  	_ =	shalt  }
0x71: {  	_ =	shalt  }
0x72: {  	_ =	shalt  }
0x73: {  	_ =	shalt  }
0x74: {  	_ =	shalt  }
0x75: {  	_ =	shalt  }
0x76: {  	_ =	shalt  }
0x77: {  	_ =	shalt  }
0x78: {  	_ =	shalt  }
0x79: {  	_ =	shalt  }
0x7a: {  	_ =	shalt  }
0x7b: {  	_ =	shalt  }
0x7c: {  	_ =	shalt  }
0x7d: {  	_ =	shalt  }
0x7e: {  	_ =	shalt  }
0x7f: {  	_ =	shalt  }
0x80: {  	_ =	shalt  }
0x81: {  	_ =	shalt  }
0x82: {  	_ =	shalt  }
0x83: {  	_ =	shalt  }
0x84: {  	_ =	shalt  }
0x85: {  	_ =	shalt  }
0x86: {  	_ =	shalt  }
0x87: {  	_ =	shalt  }
.Lfunc_end0:
.L_simem_size_0:
called_computation.2_lowered:
.L_overlay_start_0:
0x88: {  	s2 =	sld [smem:$0x3FD9]  }
0x89: {  	s3 =	sld [smem:$0x3FFE];
	_ =	sdelay $0x1  }
0x8a: {  	s1 =	srdreg.scid  }
0x8b: {  	s0 =	sand.u32 $0x1, s1  }
0x8c: {  	s16 =	sshll.u32 s0, $0xA;
	s2 =	sadd.s32 s3, s2  }
0x8d: {  	s2 =	sadd.s32 s2, s16  }
0x8e: {  	[smem:$0x3FB4] =	sst s2  }
0x8f: {  	_ = 	snop  }
0x90: {  	(tm) =	ssettm $0x1  }
0x91: {  	s17 =	sld [smem:$0x3FFB];
	_ =	sdelay $0x3  }
0x92: {  	_ =	strace s17  }
0x93: {  	s2 =	sld [smem:$0x3FFC];
	_ =	sdelay $0x3  }
0x94: {  	_ =	strace s2  }
0x95: {  	s2 =	sld [smem:$0x3FFD];
	_ =	sdelay $0x3  }
0x96: {  	_ =	strace s2  }
0x97: {  	_ =	strace $0x8FFFFFFF  }
0x98: {  	s18 =	sld [smem:$0x3FDB];
	_ =	sdelay $0x1  }
0x99: {  	s19 =	simm.s32 $_scs_section_size  }
0x9a: {  	s4 =	simm.s32 $_size__tile_overlayer_lowered;
	s5 =	simm.s32 $_tile_overlayer_lowered  }
0x9b: {  	s22 =	simm.s32 $0x1BFF;
	s21 =	sshll.u32 s5, $0x1;
	s2 =	sadd.s32 s19, s18  }
0x9c: {  	s6 =	simm.s32 $0x0;
	s20 =	sshll.u32 s4, $0x1;
	s4 =	sadd.s32 s21, s2  }
0x9d: {  	[timem:s6], [sflag:s22] =	dma.local [hbm:s4], s20  }
0x9e: {  	_ =	swait.ge [sflag:s22], s20  }
0x9f: {  	s3 =	ssub.s32 $0x0, s20;
	[sflag:s22] =	ssyncset.done $0x0  }
0xa0: {  	[sflag:s22] =	ssyncadd.s32 s3;
	_ =	sdelay $0x1  }
0xa1: {  	s23 =	simm.s32 $0x1B8B  }
0xa2: {  	_ =	swait.ge [sflag:s23], $0x1  }
0xa3: {  	[sflag:s23] =	ssyncset.done $0x0  }
0xa4: {  	s25 =	simm.s32 $0x1B8E;
	s24 =	sld [smem:$0x3FFE];
	[sflag:s23] =	ssyncadd.s32 $0xFFFFFFFF  }
0xa5: {  	s26 =	simm.s32 $execute0_lowered;
	[smem:$0x3FD2] =	sst s25  }
0xa6: {  	s4 =	sshll.u32 s26, $0x1;
	_ =	strace $0x8000004C;
	[dreg:$0x1] =	wrdreg $0xFFFFFFFF  }
0xa7: {  	s28 =	simm.s32 $_size_execute0_lowered;
	s2 =	sadd.s32 s2, s4;
	[dreg:$0x0] =	wrdreg $0x0  }
0xa8: {  	s4 =	sshll.u32 s28, $0x1;
	[dreg:$0x2] =	wrdreg s2  }
0xa9: {  	[dreg:$0x3] =	wrdreg s4  }
0xaa: {  	[dreg:$0x4] =	wrdreg $0xC0  }
0xab: {  	_ =	task [dreg:s6], $0x5FFFF  }
0xac: {  	[dreg:$0x1] =	wrdreg $0xFFFFFFFF  }
0xad: {  	[dreg:$0x0] =	wrdreg $0x60  }
0xae: {  	[dreg:$0x2] =	wrdreg s24  }
0xaf: {  	[dreg:$0x3] =	wrdreg $0x88000  }
0xb0: {  	[dreg:$0x4] =	wrdreg $0x9  }
0xb1: {  	_ =	task.clear_ibuf [dreg:s6], $0x5FFFF;
	_ =	strace $0x9000004C  }
0xb2: {  	s29 =	simm.s32 $0x9;
	_ =	strace $0x8000004E  }
0xb3: {  	_ =	swait.ge [sflag:s29], $0x1  }
0xb4: {  	[sflag:s29] =	ssyncadd.s32 $0xFFFFFFFF  }
0xb5: {  	_ =	strace $0x9000004E  }
0xb6: {  	_ =	sfence  }
0xb7: {  	s30 =	sld [smem:$0x0];
	_ =	sdelay $0x2  }
0xb8: {  	s31 =	sshll.u32 s1, $0xD;
	s1 =	sshrl.u32 s1, $0x2  }
0xb9: {  	s3 =	sand.u32 $0x4000, s31;
	s1 =	sadd.s32 s1, s30  }
0xba: {  	s0 =	sor.u32 s3, s0;
	s1 =	sshll.u32 s1, $0x11  }
0xbb: {  	s0 =	sor.u32 s1, s0  }
0xbc: {  	s0 =	sadd.s32 $0x8F2B, s0  }
0xbd: {  	[sflag:s0] =	ssyncadd.remote.s32 $0x1  }
0xbe: {  	_ =	sfence.sel $0xFFFF  }
0xbf: {  	[dreg:$0x0] =	wrdreg $0xFFFFFFFF;
	(pc) =	sbr.abs _section_cstart, $3  }
0xc0: {  	[dreg:$0x1] =	wrdreg $0xFFFFFFFF  }
0xc1: {  	_ =	task.clear_ibuf [dreg:s6], $0x2FFFF;
	_ =	strace $0x9FFFFFFF  }
0xc2: {  	(tm) =	ssettm $0x7FFFFFFF  }
0xc3: {  	_ =	shalt  }
tec
execute0_lowered:
.L_overlay_start_1:
0x0: {  	(tag) =	ssettag $0x1  }
0x1: {  	s0 =	rddreg [dreg:$0x0]  }
0x2: {  	s1 =	srdreg.scid;
	s2 =	rddreg [dreg:$0x1]  }
0x3: {  	s10 =	stileid.u32;
	s3 =	simm.s32 $0x0;
	s15 =	simm.s32 $0x800  }
0x4: {  	s16 =	simm.s32 $0x5;
	s17 =	simm.s32 $0x4800;
	s18 =	simm.s32 $0x200  }
0x5: {  	s19 =	simm.s32 $0x80;
	s28 =	simm.s32 $0x1;
	s12 =	simm.s32 $0x580  }
0x6: {  	s13 =	simm.s32 $0x7800;
	s14 =	simm.s32 $0x2;
	s5 =	smul.u32 $0x2800, s10  }
0x7: {  	s31 =	simm.s32 $0x0;
	s1 =	sand.u32 $0x1, s1;
	s8 =	smul.u32 $0x278, s10  }
0x8: {  	[smem:$0x7FF] =	sst s3;
	s11 =	sadd.s32 $0x23000, s0;
	s10 =	smul.u32 $0x4F00, s10  }
0x9: {  	s4 =	smul.u32 $0x28000, s1;
	_ =	strace $0x8000004D;
	s7 =	ssub.s32 $0x2, s1  }
0xa: {  	s6 =	smul.u32 $0x9E00, s1;
	p0 =	seq.s32 s1, $0x1;
	s9 =	sshrl.u32 s7, $0x1  }
0xb: {  	s21 =	sadd.s32 $0x200, s8;
	s22 =	sshrl.u32 s10, $0x3;
	s29 =	sadd.s32 s10, s2  }
0xc: {  	s8 =	simm.s32 $0x700;
	s5 =	sadd.s32 s5, s4;
	s4 =	sadd.s32 $0x19200, s0  }
0xd: {  	s20 =	ssub.s32 s7, s9;
	s23 =	sshll.u32 s21, $0x5;
	[dreg:$0x3] =	wrdreg s22  }
0xe: {  	s7 =	sshll.u32 s21, $0x2;
	s21 =	simm.s32 $0x3;
	[dreg:$0x4] =	wrdreg s29  }
0xf: {  	s5 =	sshrl.u32 s5, $0x3;
	s30 =	sadd.s32 s23, s2;
	s1 =	smov.u32 s4  }
0x10: {  	s24 =	smax.u32 s20, $0x1;
	[dreg:$0x5] =	wrdreg s7;
	s20 =	simm.s32 $0x1800  }
0x11: {  	s5 =	sadd.s32 s5, s0;
	s0 =	sadd.s32 s6, s0;
	s1 =	smov.u32 @p0 s11  }
0x12: {  	[dreg:$0x8] =	wrdreg s24;
	s24 =	simm.s32 $0x3800;
	s6 =	simm.s32 $0x680  }
0x13: {  	s11 =	simm.s32 $0x780;
	[dreg:$0x6] =	wrdreg s30;
	s9 =	sadd.s32 $0xF200, s5  }
.Ltmp0:
0x14: {  	s10 =	sadd.s32 $0x5200, s5;
	s0 =	sadd.s32 $0x2CE00, s0;
	(pc) =	sbr.rel .LBB2_1-.Ltmp0, $4  }
0x15: {  	s25 =	sadd.s32 s1, s22;
	s26 =	sadd.s32 s1, s7;
	[dreg:$0x7] =	wrdreg s0  }
0x16: {  	s22 =	simm.s32 $0x2800;
	s1 =	simm.s32 $0x5800;
	[dreg:$0x9] =	wrdreg s25  }
0x17: {  	s5 =	simm.s32 $0x500;
	s7 =	simm.s32 $0x6800;
	[dreg:$0xa] =	wrdreg s26  }
0x18: {  	s25 =	simm.s32 $0x400;
	s26 =	simm.s32 $0x600;
	s0 =	simm.s32 $0x480  }
.LBB2_4:
0x19: {  	s23 =	simm.s32 $0x4  }
0x1a: {  	_ =	swait.ge [sflag:s23], $0x1000  }
0x1b: {  	[sflag:s23] =	ssyncset.done $0x0  }
0x1c: {  	[sflag:s23] =	ssyncadd.s32 $0xFFFFF000  }
0x1d: {  	_ =	swait.ge [sflag:s23], $0x1000  }
0x1e: {  	[sflag:s23] =	ssyncset.done $0x0  }
0x1f: {  	[sflag:s23] =	ssyncadd.s32 $0xFFFFF000  }
0x20: {  	_ =	swait.ge [sflag:s23], $0x1000  }
0x21: {  	[sflag:s23] =	ssyncset.done $0x0  }
0x22: {  	[sflag:s23] =	ssyncadd.s32 $0xFFFFF000  }
0x23: {  	_ =	swait.ge [sflag:s23], $0x1000  }
0x24: {  	[sflag:s23] =	ssyncset.done $0x0  }
0x25: {  	[sflag:s23] =	ssyncadd.s32 $0xFFFFF000  }
0x26: {  	[bflag:$0x0] =	sbarrier.arrive $0xFFFF  }
0x27: {  	s29 =	rddreg [dreg:$0x4]  }
0x28: {  	[tilespmem:s15], [sflag:$0x5] =	stream.linear.gather [spmem:s29], $0x4000, $0x38;
	[tilespmem:$0xD700] =	vst v63  }
0x29: {  	_ =	swait.ge [sflag:s16], $0x4000  }
0x2a: {  	s23 =	rddreg [dreg:$0x3]  }
0x2b: {  	[sflag:s16] =	ssyncset.done $0x0;
	s31 =	rddreg [dreg:$0x7]  }
0x2c: {  	[sflag:s16] =	ssyncadd.s32 $0xFFFFC000;
	s23 =	sadd.s32 s23, s31  }
0x2d: {  	[hbm4b:s23+s3] =	stream.linear.scatter [tilespmem:s15], [sflag:$0x5], $0x4000, $0x38;
	[tilespmem:$0xD700] =	vst v63  }
0x2e: {  	_ =	swait.ge [sflag:s16], $0x4000  }
0x2f: {  	[sflag:s16] =	ssyncset.done $0x0  }
0x30: {  	s30 =	rddreg [dreg:$0x6];
	[sflag:s16] =	ssyncadd.s32 $0xFFFFC000  }
0x31: {  	[tilespmem:s17], [sflag:$0x5] =	stream.linear.gather [spmem:s30], $0xF00, $0x38;
	[tilespmem:$0xD700] =	vst v63  }
0x32: {  	_ =	swait.ge [sflag:s16], $0xF00  }
0x33: {  	[sflag:s16] =	ssyncset.done $0x0;
	s23 =	rddreg [dreg:$0x5]  }
0x34: {  	[sflag:s16] =	ssyncadd.s32 $0xFFFFF100;
	s23 =	sadd.s32 s23, s31  }
0x35: {  	[hbm4b:s23+s3] =	stream.linear.scatter [tilespmem:s17], [sflag:$0x5], $0xF00, $0x38;
	[tilespmem:$0xD700] =	vst v63  }
0x36: {  	_ =	swait.ge [sflag:s16], $0xF00  }
0x37: {  	s31 =	rddreg [dreg:$0xb]  }
0x38: {  	s23 =	rddreg [dreg:$0x8];
	s31 =	sadd.s32 $0x1, s31  }
0x39: {  	p0 =	sne.s32 s31, s23  }
.Ltmp1:
0x3a: {  	_ = 	snop;
	(pc) =	sbr.rel @!p0 .LBB2_5-.Ltmp1, $3  }
0x3b: {  	[sflag:s16] =	ssyncset.done $0x0  }
0x3c: {  	[sflag:s16] =	ssyncadd.s32 $0xFFFFF100  }
0x3d: {  	[bflag:$0x0] =	sbarrier.arrive $0xFFFF;
	_ =	sdelay $0x1  }
.LBB2_1:
0x3e: {  	[dreg:$0xb] =	wrdreg s31  }
0x3f: {  	s23 =	rddreg [dreg:$0x9]  }
0x40: {  	[tilespmem:s15], [sflag:$0x5] =	stream.linear.gather [hbm4b:s23+s3], $0x4000, $0x38;
	[tilespmem:$0xD700] =	vst v63  }
0x41: {  	_ =	swait.ge [sflag:s16], $0x4000  }
0x42: {  	[sflag:s16] =	ssyncset.done $0x0  }
0x43: {  	[sflag:s16] =	ssyncadd.s32 $0xFFFFC000  }
0x44: {  	[spmem:s29] =	stream.linear.scatter [tilespmem:s15], [sflag:$0x5], $0x4000, $0x38;
	[tilespmem:$0xD700] =	vst v63  }
0x45: {  	_ =	swait.ge [sflag:s16], $0x4000  }
0x46: {  	[sflag:s16] =	ssyncset.done $0x0  }
0x47: {  	s29 =	rddreg [dreg:$0xa];
	[sflag:s16] =	ssyncadd.s32 $0xFFFFC000  }
0x48: {  	[tilespmem:s17], [sflag:$0x5] =	stream.linear.gather [hbm4b:s29+s3], $0xF00, $0x38;
	[tilespmem:$0xD700] =	vst v63  }
0x49: {  	_ =	swait.ge [sflag:s16], $0xF00  }
0x4a: {  	[sflag:s16] =	ssyncset.done $0x0  }
0x4b: {  	[sflag:s16] =	ssyncadd.s32 $0xFFFFF100  }
0x4c: {  	[spmem:s30] =	stream.linear.scatter [tilespmem:s17], [sflag:$0x5], $0xF00, $0x38;
	[tilespmem:$0xD700] =	vst v63  }
0x4d: {  	_ =	swait.ge [sflag:s16], $0xF00  }
0x4e: {  	[sflag:s16] =	ssyncset.done $0x0  }
0x4f: {  	[sflag:s16] =	ssyncadd.s32 $0xFFFFF100  }
0x50: {  	[bflag:$0x0] =	sbarrier.arrive $0xFFFF  }
0x51: {  	[tilespmem:s3], [sflag:$0x5] =	stream.linear.gather [hbm4b:s9+s3], $0x200, $0x38;
	[tilespmem:$0xD700] =	vst v63  }
0x52: {  	_ =	swait.ge [sflag:s16], $0x200  }
0x53: {  	[sflag:s16] =	ssyncset.done $0x0  }
0x54: {  	[sflag:s16] =	ssyncadd.s32 $0xFFFFFE00  }
0x55: {  	[tilespmem:s18], [sflag:$0x5] =	stream.linear.gather [hbm4b:s10+s3], $0x200, $0x38;
	[tilespmem:$0xD700] =	vst v63  }
0x56: {  	_ =	swait.ge [sflag:s16], $0x200  }
0x57: {  	[sflag:s16] =	ssyncset.done $0x0  }
0x58: {  	[sflag:s16] =	ssyncadd.s32 $0xFFFFFE00  }
0x59: {  	[tilespmem:s15], [sflag:$0x1] =	stream.indirect.gather [hbm4b:s4+s19], $0x20, s3, s19, $0xb8;
	[tilespmem:$0xD700] =	vst v63  }
0x5a: {  	_ = 	snop  }
0x5b: {  	[tilespmem:s20], [sflag:$0x1] =	stream.indirect.gather [hbm4b:s4+s19], $0x20, s19, s19, $0xb8;
	[tilespmem:$0xD700] =	vst v63  }
0x5c: {  	s30 =	simm.s32 $0x100  }
0x5d: {  	[tilespmem:s22], [sflag:$0x1] =	stream.indirect.gather [hbm4b:s4+s19], $0x20, s30, s19, $0xb8;
	[tilespmem:$0xD700] =	vst v63  }
0x5e: {  	s31 =	simm.s32 $0x180;
	s23 =	simm.s32 $0x0  }
0x5f: {  	[tilespmem:s24], [sflag:$0x1] =	stream.indirect.gather [hbm4b:s4+s19], $0x20, s31, s19, $0xb8;
	[tilespmem:$0xD700] =	vst v63  }
.LBB2_2:
0x60: {  	p0 =	seq.s32 s23, $0x0  }
0x61: {  	s30 =	simm.s32 @!p0 $0x4  }
0x62: {  	_ =	swait.ge @!p0 [sflag:s30], $0x1000  }
0x63: {  	[sflag:s30] =	ssyncset.done @!p0 $0x0  }
0x64: {  	[sflag:s30] =	ssyncadd.s32 @!p0 $0xFFFFF000  }
0x65: {  	_ =	swait.ge @!p0 [sflag:s30], $0x1000  }
0x66: {  	[sflag:s30] =	ssyncset.done @!p0 $0x0  }
0x67: {  	[sflag:s30] =	ssyncadd.s32 @!p0 $0xFFFFF000  }
0x68: {  	_ =	swait.ge @!p0 [sflag:s30], $0x1000  }
0x69: {  	[sflag:s30] =	ssyncset.done @!p0 $0x0  }
0x6a: {  	[sflag:s30] =	ssyncadd.s32 @!p0 $0xFFFFF000  }
0x6b: {  	_ =	swait.ge @!p0 [sflag:s30], $0x1000  }
0x6c: {  	s29 =	sadd.s32 s23, s9;
	[sflag:s30] =	ssyncset.done @!p0 $0x0  }
0x6d: {  	[sflag:s30] =	ssyncadd.s32 @!p0 $0xFFFFF000;
	s30 =	sadd.s32 $0x40, s29  }
0x6e: {  	[tilespmem:s25], [sflag:$0x5] =	stream.linear.gather [hbm4b:s30+s3], $0x200, $0x38;
	[tilespmem:$0xD700] =	vst v63  }
0x6f: {  	_ =	swait.ge [sflag:s16], $0x200  }
0x70: {  	s30 =	sadd.s32 s23, s10;
	[sflag:s16] =	ssyncset.done $0x0  }
0x71: {  	s31 =	sadd.s32 $0x40, s30;
	[sflag:s16] =	ssyncadd.s32 $0xFFFFFE00  }
0x72: {  	[tilespmem:s26], [sflag:$0x5] =	stream.linear.gather [hbm4b:s31+s3], $0x200, $0x38;
	[tilespmem:$0xD700] =	vst v63  }
0x73: {  	_ =	swait.ge [sflag:s16], $0x200  }
0x74: {  	[sflag:s16] =	ssyncset.done $0x0  }
0x75: {  	[sflag:s16] =	ssyncadd.s32 $0xFFFFFE00  }
0x76: {  	_ =	swait.ge [sflag:s28], $0x1000  }
0x77: {  	[sflag:s28] =	ssyncset.done $0x0  }
0x78: {  	[sflag:s28] =	ssyncadd.s32 $0xFFFFF000  }
0x79: {  	_ =	swait.ge [sflag:s28], $0x1000  }
0x7a: {  	[sflag:s28] =	ssyncset.done $0x0  }
0x7b: {  	[sflag:s28] =	ssyncadd.s32 $0xFFFFF000  }
0x7c: {  	_ =	swait.ge [sflag:s28], $0x1000  }
0x7d: {  	[sflag:s28] =	ssyncset.done $0x0  }
0x7e: {  	[sflag:s28] =	ssyncadd.s32 $0xFFFFF000  }
0x7f: {  	_ =	swait.ge [sflag:s28], $0x1000  }
0x80: {  	[sflag:s28] =	ssyncset.done $0x0  }
0x81: {  	[sflag:s28] =	ssyncadd.s32 $0xFFFFF000  }
0x82: {  	[spmem:s2] =	stream.indirect.scatter.add.f32 [tilespmem:s15], [sflag:$0x3], $0x20, s18, s19, $0xb8;
	[tilespmem:$0xD700] =	vst v63  }
0x83: {  	s31 =	simm.s32 $0x280  }
0x84: {  	[spmem:s2] =	stream.indirect.scatter.add.f32 [tilespmem:s20], [sflag:$0x3], $0x20, s31, s19, $0xb8;
	[tilespmem:$0xD700] =	vst v63  }
0x85: {  	s31 =	simm.s32 $0x300  }
0x86: {  	[spmem:s2] =	stream.indirect.scatter.add.f32 [tilespmem:s22], [sflag:$0x3], $0x20, s31, s19, $0xb8;
	[tilespmem:$0xD700] =	vst v63  }
0x87: {  	s31 =	simm.s32 $0x380  }
0x88: {  	[spmem:s2] =	stream.indirect.scatter.add.f32 [tilespmem:s24], [sflag:$0x3], $0x20, s31, s19, $0xb8;
	[tilespmem:$0xD700] =	vst v63  }
0x89: {  	_ = 	snop  }
0x8a: {  	[tilespmem:s17], [sflag:$0x2] =	stream.indirect.gather [hbm4b:s4+s19], $0x20, s25, s19, $0xb8;
	[tilespmem:$0xD700] =	vst v63  }
0x8b: {  	_ = 	snop  }
0x8c: {  	[tilespmem:s1], [sflag:$0x2] =	stream.indirect.gather [hbm4b:s4+s19], $0x20, s0, s19, $0xb8;
	[tilespmem:$0xD700] =	vst v63  }
0x8d: {  	_ = 	snop  }
0x8e: {  	[tilespmem:s7], [sflag:$0x2] =	stream.indirect.gather [hbm4b:s4+s19], $0x20, s5, s19, $0xb8;
	[tilespmem:$0xD700] =	vst v63  }
0x8f: {  	_ = 	snop  }
0x90: {  	[tilespmem:s13], [sflag:$0x2] =	stream.indirect.gather [hbm4b:s4+s19], $0x20, s12, s19, $0xb8;
	[tilespmem:$0xD700] =	vst v63  }
0x91: {  	_ =	swait.ge [sflag:s14], $0x1000  }
0x92: {  	[sflag:s14] =	ssyncset.done $0x0  }
0x93: {  	[sflag:s14] =	ssyncadd.s32 $0xFFFFF000  }
0x94: {  	_ =	swait.ge [sflag:s14], $0x1000  }
0x95: {  	[sflag:s14] =	ssyncset.done $0x0  }
0x96: {  	[sflag:s14] =	ssyncadd.s32 $0xFFFFF000  }
0x97: {  	_ =	swait.ge [sflag:s14], $0x1000  }
0x98: {  	[sflag:s14] =	ssyncset.done $0x0  }
0x99: {  	[sflag:s14] =	ssyncadd.s32 $0xFFFFF000  }
0x9a: {  	_ =	swait.ge [sflag:s14], $0x1000  }
0x9b: {  	[sflag:s14] =	ssyncset.done $0x0  }
0x9c: {  	[sflag:s14] =	ssyncadd.s32 $0xFFFFF000  }
0x9d: {  	[spmem:s2] =	stream.indirect.scatter.add.f32 [tilespmem:s17], [sflag:$0x4], $0x20, s26, s19, $0xb8;
	[tilespmem:$0xD700] =	vst v63  }
0x9e: {  	_ = 	snop  }
0x9f: {  	[spmem:s2] =	stream.indirect.scatter.add.f32 [tilespmem:s1], [sflag:$0x4], $0x20, s6, s19, $0xb8;
	[tilespmem:$0xD700] =	vst v63  }
0xa0: {  	_ = 	snop  }
0xa1: {  	[spmem:s2] =	stream.indirect.scatter.add.f32 [tilespmem:s7], [sflag:$0x4], $0x20, s8, s19, $0xb8;
	[tilespmem:$0xD700] =	vst v63  }
0xa2: {  	_ = 	snop  }
0xa3: {  	[spmem:s2] =	stream.indirect.scatter.add.f32 [tilespmem:s13], [sflag:$0x4], $0x20, s11, s19, $0xb8;
	[tilespmem:$0xD700] =	vst v63  }
0xa4: {  	_ =	swait.ge [sflag:s21], $0x1000  }
0xa5: {  	[sflag:s21] =	ssyncset.done $0x0  }
0xa6: {  	[sflag:s21] =	ssyncadd.s32 $0xFFFFF000  }
0xa7: {  	_ =	swait.ge [sflag:s21], $0x1000  }
0xa8: {  	[sflag:s21] =	ssyncset.done $0x0  }
0xa9: {  	[sflag:s21] =	ssyncadd.s32 $0xFFFFF000  }
0xaa: {  	p0 =	seq.s32 s23, $0x480;
	_ =	swait.ge [sflag:s21], $0x1000  }
.Ltmp2:
0xab: {  	[sflag:s21] =	ssyncset.done $0x0;
	(pc) =	sbr.rel @p0 .LBB2_4-.Ltmp2, $4  }
0xac: {  	[sflag:s21] =	ssyncadd.s32 $0xFFFFF000  }
0xad: {  	_ =	swait.ge [sflag:s21], $0x1000  }
0xae: {  	[sflag:s21] =	ssyncset.done $0x0  }
0xaf: {  	[sflag:s21] =	ssyncadd.s32 $0xFFFFF000  }
0xb0: {  	s29 =	sadd.s32 $0x80, s29  }
0xb1: {  	[tilespmem:s3], [sflag:$0x5] =	stream.linear.gather [hbm4b:s29+s3], $0x200, $0x38;
	[tilespmem:$0xD700] =	vst v63  }
0xb2: {  	_ =	swait.ge [sflag:s16], $0x200  }
0xb3: {  	[sflag:s16] =	ssyncset.done $0x0  }
0xb4: {  	s31 =	sadd.s32 $0x80, s30;
	[sflag:s16] =	ssyncadd.s32 $0xFFFFFE00  }
0xb5: {  	[tilespmem:s18], [sflag:$0x5] =	stream.linear.gather [hbm4b:s31+s3], $0x200, $0x38;
	[tilespmem:$0xD700] =	vst v63  }
0xb6: {  	_ =	swait.ge [sflag:s16], $0x200  }
0xb7: {  	[sflag:s16] =	ssyncset.done $0x0  }
0xb8: {  	[sflag:s16] =	ssyncadd.s32 $0xFFFFFE00  }
0xb9: {  	[tilespmem:s15], [sflag:$0x1] =	stream.indirect.gather [hbm4b:s4+s19], $0x20, s3, s19, $0xb8;
	[tilespmem:$0xD700] =	vst v63  }
0xba: {  	_ = 	snop  }
0xbb: {  	[tilespmem:s20], [sflag:$0x1] =	stream.indirect.gather [hbm4b:s4+s19], $0x20, s19, s19, $0xb8;
	[tilespmem:$0xD700] =	vst v63  }
.Ltmp3:
0xbc: {  	_ = 	snop;
	(pc) =	sbr.rel .LBB2_2-.Ltmp3, $4  }
0xbd: {  	s30 =	simm.s32 $0x100  }
0xbe: {  	[tilespmem:s22], [sflag:$0x1] =	stream.indirect.gather [hbm4b:s4+s19], $0x20, s30, s19, $0xb8;
	[tilespmem:$0xD700] =	vst v63  }
0xbf: {  	s23 =	sadd.s32 $0x80, s23;
	s31 =	simm.s32 $0x180  }
0xc0: {  	[tilespmem:s24], [sflag:$0x1] =	stream.indirect.gather [hbm4b:s4+s19], $0x20, s31, s19, $0xb8;
	[tilespmem:$0xD700] =	vst v63  }
.LBB2_5:
0xc1: {  	_ =	sfence.sel $0x180000  }
0xc2: {  	[bflag:$0x0] =	sbarrier.arrive $0xFFFF  }
0xc3: {  	_ =	strace $0x9000004D  }
0xc4: {  	s0 =	stileid.u32;
	[bflag:$0x2] =	sbarrier.arrive $0xFFFF  }
0xc5: {  	p0 =	sne.s32 s0, $0x0;
	s0 =	rddreg [dreg:$0x2]  }
0xc6: {  	s0 =	sadd.s32 @!p0 $0x100000, s0  }
0xc7: {  	[sflag:s0] =	ssyncadd.tile.s32 @!p0 $0x1;
	_ =	shalt  }
.Lfunc_end2:
_tile_overlayer_lowered:
.L_overlay_start_2:
0xc8: {  	(tag) =	ssettag $0x2  }
0xc9: {  	s0 =	rddreg [dreg:$0x0];
	s2 =	stileid.u32  }
0xca: {  	s1 =	rddreg [dreg:$0x1];
	p0 =	sne.s32 s2, $0x0  }
0xcb: {  	s3 =	rddreg [dreg:$0x2];
	[bflag:$0x3] =	sbarrier.arrive $0xFFFF;
	s2 =	simm.s32 @!p0 $0x1C05  }
0xcc: {  	[timem:s3], [sflag:s2] =	dma.local @!p0 [hbm:s0], s1  }
0xcd: {  	s0 =	simm.s32 @!p0 $0x5  }
0xce: {  	_ =	swait.ge @!p0 [sflag:s0], s1  }
0xcf: {  	s1 =	ssub.s32 @!p0 $0x0, s1;
	[sflag:s0] =	ssyncset.done @!p0 $0x0  }
0xd0: {  	[sflag:s0] =	ssyncadd.s32 @!p0 s1  }
0xd1: {  	[bflag:$0x3] =	sbarrier.arrive $0xFFFF  }
0xd2: {  	_ =	shalt  }

// kernel: kernel.9.cloned.1.call-start
scs
__scs_entry_jumppad:
0x0: {  	(pc) =	sbr.rel $0x88, $3  }
0x1: {  	(tag) =	ssettag $0x0;
	lr =	simm.s32 $0x1  }
0x2: {  	[smem:$0x3F8D] =	sst lr;
	_ =	strace $0xD0000000  }
0x3: {  	_ = 	snop  }
0x4: {  	_ = 	snop  }
0x5: {  	_ = 	snop  }
0x6: {  	_ = 	snop  }
0x7: {  	_ = 	snop  }
__scs_overlays_trampoline_lowered:
0x8: {  	[smem:$0x3F9C] =	sst s0  }
0x9: {  	[smem:$0x3F9D] =	sst s1  }
0xa: {  	[smem:$0x3F9E] =	sst s2  }
0xb: {  	[smem:$0x3F9F] =	sst s3  }
0xc: {  	[smem:$0x3FA0] =	sst s4  }
0xd: {  	[smem:$0x3FA1] =	sst s5  }
0xe: {  	[smem:$0x3FA2] =	sst s6  }
0xf: {  	[smem:$0x3FA3] =	sst s7  }
0x10: {  	[smem:$0x3FA4] =	sst s8  }
0x11: {  	[smem:$0x3FA5] =	sst s9;
	s0 =	simm.s32 @!p0 $0x0  }
0x12: {  	s1 =	sld [smem:$0x3F8B];
	s0 =	simm.s32 @p0 $0x1  }
0x13: {  	[smem:$0x3FA6] =	sst s0;
	s0 =	simm.s32 @!p1 $0x0  }
0x14: {  	s2 =	sld [smem:$0x3F8A];
	s0 =	simm.s32 @p1 $0x1  }
0x15: {  	[smem:$0x3FA7] =	sst s0;
	s0 =	simm.s32 @!p2 $0x0  }
0x16: {  	s3 =	sld [smem:$0x3FDB];
	s0 =	simm.s32 @p2 $0x1  }
0x17: {  	s4 =	simm.s32 $0x1BF5;
	[smem:$0x3FA9] =	sst s0  }
0x18: {  	s0 =	sld [smem:$0x3F8C];
	_ =	swait.ge [sflag:s4], $0x0  }
0x19: {  	s7 =	sld [smem:$0x3F8D]  }
0x1a: {  	s8 =	sadd.s32 $0xFFFFE003, lr  }
0x1b: {  	s9 =	sadd.s32 $0xFFFFFEF7, lr;
	s5 =	simm.s32 $0xFFFFFFFF;
	p2 =	slt.u32 s8, $0xFFFFF086  }
0x1c: {  	p1 =	slt.u32 s9, $0xF7A;
	s5 =	simm.s32 @!p2 $0x0  }
0x1d: {  	s5 =	simm.s32 @p1 $0x1;
	p0 =	seq.s32 s7, s2  }
0x1e: {  	s7 =	smul.u32 @!p0 $0xF7A, s2;
	p2 =	seq.s32 @!p0 s5, $0x0  }
0x1f: {  	s9 =	smul.u32 $0xF7A, s1;
	s8 =	simm.s32 @!p0 $0x1BF5;
	p2 =	por !p2, p0  }
0x20: {  	[sflag:s8] =	ssyncset.s32 @!p0 $0xFFFFF086;
	s6 =	sadd.s32 @!p0 s3, s7;
	s7 =	simm.s32 @!p0 $0x108  }
0x21: {  	s3 =	sadd.s32 s3, s9;
	s6 =	sadd.s32 @!p0 $0x88, s6;
	s7 =	simm.s32 @p2 $0x1082  }
0x22: {  	[simem:s7], [sflag:s8] =	dma.local @!p0 [hbm:s6], $0xF7A  }
0x23: {  	s9 =	sor.u32 $0xD0000000, s2;
	s6 =	simm.s32 $0x108;
	_ =	swait.ge @!p0 [sflag:s8], $0x0  }
0x24: {  	s3 =	sadd.s32 $0x88, s3;
	s6 =	simm.s32 @!p1 $0x1082;
	[sflag:s4] =	ssyncset.s32 $0xFFFFF086  }
0x25: {  	[simem:s6], [sflag:s4] =	dma.local [hbm:s3], $0xF7A  }
0x26: {  	[smem:$0x3F8D] =	sst s1;
	(tag) =	ssettag s2;
	_ =	strace s9  }
0x27: {  	s1 =	sld [smem:$0x3F9D]  }
0x28: {  	s2 =	sld [smem:$0x3F9E]  }
0x29: {  	s4 =	sld [smem:$0x3FA0]  }
0x2a: {  	p0 =	seq.s32 s5, $0x0;
	s5 =	sld [smem:$0x3FA1]  }
0x2b: {  	s6 =	sld [smem:$0x3FA2]  }
0x2c: {  	s7 =	sld [smem:$0x3FA3]  }
0x2d: {  	s3 =	simm.s32 $0x108;
	s8 =	sld [smem:$0x3FA4]  }
0x2e: {  	s3 =	simm.s32 @!p0 $0x1082;
	s9 =	sld [smem:$0x3FA5]  }
0x2f: {  	lr =	sadd.s32 s0, s3;
	s0 =	sld [smem:$0x3F9C]  }
0x30: {  	s3 =	sld [smem:$0x3F9F]  }
0x31: {  	[smem:$0x3FA8] =	sst s10  }
0x32: {  	s10 =	sld [smem:$0x3FA6];
	_ =	sdelay $0x3  }
0x33: {  	p0 =	seq.s32 s10, $0x1;
	s10 =	sld [smem:$0x3FA8];
	_ =	sdelay $0x3  }
0x34: {  	[smem:$0x3FA8] =	sst s10  }
0x35: {  	s10 =	sld [smem:$0x3FA7];
	_ =	sdelay $0x3  }
0x36: {  	p1 =	seq.s32 s10, $0x1;
	s10 =	sld [smem:$0x3FA8];
	_ =	sdelay $0x3  }
0x37: {  	[smem:$0x3FA8] =	sst s10  }
0x38: {  	s10 =	sld [smem:$0x3FA9]  }
0x39: {  	_ = 	snop;
	(pc) =	sbr.ind lr, $3  }
0x3a: {  	_ = 	snop  }
0x3b: {  	_ = 	snop  }
0x3c: {  	p2 =	seq.s32 s10, $0x1;
	s10 =	sld [smem:$0x3FA8]  }
0x3d: {  	_ =	shalt  }
0x3e: {  	_ =	shalt  }
0x3f: {  	_ =	shalt  }
0x40: {  	_ =	shalt  }
0x41: {  	_ =	shalt  }
0x42: {  	_ =	shalt  }
0x43: {  	_ =	shalt  }
0x44: {  	_ =	shalt  }
0x45: {  	_ =	shalt  }
0x46: {  	_ =	shalt  }
0x47: {  	_ =	shalt  }
0x48: {  	_ =	shalt  }
0x49: {  	_ =	shalt  }
0x4a: {  	_ =	shalt  }
0x4b: {  	_ =	shalt  }
0x4c: {  	_ =	shalt  }
0x4d: {  	_ =	shalt  }
0x4e: {  	_ =	shalt  }
0x4f: {  	_ =	shalt  }
0x50: {  	_ =	shalt  }
0x51: {  	_ =	shalt  }
0x52: {  	_ =	shalt  }
0x53: {  	_ =	shalt  }
0x54: {  	_ =	shalt  }
0x55: {  	_ =	shalt  }
0x56: {  	_ =	shalt  }
0x57: {  	_ =	shalt  }
0x58: {  	_ =	shalt  }
0x59: {  	_ =	shalt  }
0x5a: {  	_ =	shalt  }
0x5b: {  	_ =	shalt  }
0x5c: {  	_ =	shalt  }
0x5d: {  	_ =	shalt  }
0x5e: {  	_ =	shalt  }
0x5f: {  	_ =	shalt  }
0x60: {  	_ =	shalt  }
0x61: {  	_ =	shalt  }
0x62: {  	_ =	shalt  }
0x63: {  	_ =	shalt  }
0x64: {  	_ =	shalt  }
0x65: {  	_ =	shalt  }
0x66: {  	_ =	shalt  }
0x67: {  	_ =	shalt  }
0x68: {  	_ =	shalt  }
0x69: {  	_ =	shalt  }
0x6a: {  	_ =	shalt  }
0x6b: {  	_ =	shalt  }
0x6c: {  	_ =	shalt  }
0x6d: {  	_ =	shalt  }
0x6e: {  	_ =	shalt  }
0x6f: {  	_ =	shalt  }
0x70: {  	_ =	shalt  }
0x71: {  	_ =	shalt  }
0x72: {  	_ =	shalt  }
0x73: {  	_ =	shalt  }
0x74: {  	_ =	shalt  }
0x75: {  	_ =	shalt  }
0x76: {  	_ =	shalt  }
0x77: {  	_ =	shalt  }
0x78: {  	_ =	shalt  }
0x79: {  	_ =	shalt  }
0x7a: {  	_ =	shalt  }
0x7b: {  	_ =	shalt  }
0x7c: {  	_ =	shalt  }
0x7d: {  	_ =	shalt  }
0x7e: {  	_ =	shalt  }
0x7f: {  	_ =	shalt  }
0x80: {  	_ =	shalt  }
0x81: {  	_ =	shalt  }
0x82: {  	_ =	shalt  }
0x83: {  	_ =	shalt  }
0x84: {  	_ =	shalt  }
0x85: {  	_ =	shalt  }
0x86: {  	_ =	shalt  }
0x87: {  	_ =	shalt  }
.Lfunc_end0:
.L_simem_size_0:
called_computation_lowered:
.L_overlay_start_0:
0x88: {  	s2 =	sld [smem:$0x3FD9]  }
0x89: {  	s3 =	sld [smem:$0x3FFE];
	_ =	sdelay $0x1  }
0x8a: {  	s1 =	srdreg.scid  }
0x8b: {  	s0 =	sand.u32 $0x1, s1  }
0x8c: {  	s16 =	sshll.u32 s0, $0xA;
	s2 =	sadd.s32 s3, s2  }
0x8d: {  	s2 =	sadd.s32 s2, s16  }
0x8e: {  	[smem:$0x3FB4] =	sst s2  }
0x8f: {  	_ = 	snop  }
0x90: {  	(tm) =	ssettm $0x1  }
0x91: {  	s17 =	sld [smem:$0x3FFB];
	_ =	sdelay $0x3  }
0x92: {  	_ =	strace s17  }
0x93: {  	s2 =	sld [smem:$0x3FFC];
	_ =	sdelay $0x3  }
0x94: {  	_ =	strace s2  }
0x95: {  	s2 =	sld [smem:$0x3FFD];
	_ =	sdelay $0x3  }
0x96: {  	_ =	strace s2  }
0x97: {  	_ =	strace $0x8FFFFFFF  }
0x98: {  	s18 =	sld [smem:$0x3FDB];
	_ =	sdelay $0x1  }
0x99: {  	s19 =	simm.s32 $_scs_section_size  }
0x9a: {  	s4 =	simm.s32 $_size__tile_overlayer_lowered;
	s5 =	simm.s32 $_tile_overlayer_lowered  }
0x9b: {  	s22 =	simm.s32 $0x1BFF;
	s21 =	sshll.u32 s5, $0x1;
	s2 =	sadd.s32 s19, s18  }
0x9c: {  	s6 =	simm.s32 $0x0;
	s20 =	sshll.u32 s4, $0x1;
	s4 =	sadd.s32 s21, s2  }
0x9d: {  	[timem:s6], [sflag:s22] =	dma.local [hbm:s4], s20  }
0x9e: {  	_ =	swait.ge [sflag:s22], s20  }
0x9f: {  	s3 =	ssub.s32 $0x0, s20;
	[sflag:s22] =	ssyncset.done $0x0  }
0xa0: {  	[sflag:s22] =	ssyncadd.s32 s3;
	_ =	sdelay $0x1  }
0xa1: {  	s23 =	simm.s32 $0x1B8B  }
0xa2: {  	_ =	swait.ge [sflag:s23], $0x1  }
0xa3: {  	[sflag:s23] =	ssyncset.done $0x0  }
0xa4: {  	s25 =	simm.s32 $0x1B8E;
	s24 =	sld [smem:$0x3FFE];
	[sflag:s23] =	ssyncadd.s32 $0xFFFFFFFF  }
0xa5: {  	s26 =	simm.s32 $execute0_lowered;
	[smem:$0x3FD2] =	sst s25  }
0xa6: {  	s4 =	sshll.u32 s26, $0x1;
	_ =	strace $0x80000046;
	[dreg:$0x1] =	wrdreg $0xFFFFFFFF  }
0xa7: {  	s28 =	simm.s32 $_size_execute0_lowered;
	s2 =	sadd.s32 s2, s4;
	[dreg:$0x0] =	wrdreg $0x0  }
0xa8: {  	s4 =	sshll.u32 s28, $0x1;
	[dreg:$0x2] =	wrdreg s2  }
0xa9: {  	[dreg:$0x3] =	wrdreg s4  }
0xaa: {  	[dreg:$0x4] =	wrdreg $0xC0  }
0xab: {  	_ =	task [dreg:s6], $0x5FFFF  }
0xac: {  	[dreg:$0x1] =	wrdreg $0xFFFFFFFF  }
0xad: {  	[dreg:$0x0] =	wrdreg $0x60  }
0xae: {  	[dreg:$0x2] =	wrdreg s24  }
0xaf: {  	[dreg:$0x3] =	wrdreg $0x108000  }
0xb0: {  	[dreg:$0x4] =	wrdreg $0x9  }
0xb1: {  	_ =	task.clear_ibuf [dreg:s6], $0x5FFFF;
	_ =	strace $0x90000046  }
0xb2: {  	s29 =	simm.s32 $0x9;
	_ =	strace $0x80000048  }
0xb3: {  	_ =	swait.ge [sflag:s29], $0x1  }
0xb4: {  	[sflag:s29] =	ssyncadd.s32 $0xFFFFFFFF  }
0xb5: {  	_ =	strace $0x90000048  }
0xb6: {  	_ =	sfence  }
0xb7: {  	s30 =	sld [smem:$0x0];
	_ =	sdelay $0x2  }
0xb8: {  	s31 =	sshll.u32 s1, $0xD;
	s1 =	sshrl.u32 s1, $0x2  }
0xb9: {  	s3 =	sand.u32 $0x4000, s31;
	s1 =	sadd.s32 s1, s30  }
0xba: {  	s0 =	sor.u32 s3, s0;
	s1 =	sshll.u32 s1, $0x11  }
0xbb: {  	s0 =	sor.u32 s1, s0  }
0xbc: {  	s0 =	sadd.s32 $0x8F2B, s0  }
0xbd: {  	[sflag:s0] =	ssyncadd.remote.s32 $0x1  }
0xbe: {  	_ =	sfence.sel $0xFFFF  }
0xbf: {  	[dreg:$0x0] =	wrdreg $0xFFFFFFFF;
	(pc) =	sbr.abs _section_cstart, $3  }
0xc0: {  	[dreg:$0x1] =	wrdreg $0xFFFFFFFF  }
0xc1: {  	_ =	task.clear_ibuf [dreg:s6], $0x2FFFF;
	_ =	strace $0x9FFFFFFF  }
0xc2: {  	(tm) =	ssettm $0x7FFFFFFF  }
0xc3: {  	_ =	shalt  }
tec
execute0_lowered:
.L_overlay_start_1:
0x0: {  	(tag) =	ssettag $0x1  }
0x1: {  	s0 =	rddreg [dreg:$0x0]  }
0x2: {  	s1 =	rddreg [dreg:$0x1];
	s2 =	srdreg.scid;
	s3 =	simm.s32 $0x0  }
0x3: {  	s14 =	stileid.u32;
	s19 =	simm.s32 $0x5;
	s20 =	simm.s32 $0x8800  }
0x4: {  	s28 =	simm.s32 $0x6800;
	s29 =	simm.s32 $0x400;
	s6 =	smul.u32 $0x2800, s14  }
0x5: {  	s30 =	simm.s32 $0x600;
	s31 =	simm.s32 $0x1;
	s8 =	smul.u32 $0x278, s14  }
0x6: {  	s2 =	sand.u32 $0x1, s2;
	[smem:$0x7FF] =	sst s3;
	s10 =	smul.u32 $0x9E00, s14  }
0x7: {  	s4 =	sadd.s32 $0x2CE00, s0;
	s11 =	sadd.s32 $0x40A00, s0;
	s25 =	smul.u32 $0x2780, s14  }
0x8: {  	s14 =	simm.s32 $0xE800;
	s5 =	smul.u32 $0x28000, s2;
	_ =	strace $0x80000047  }
0x9: {  	s7 =	smul.u32 $0x27800, s2;
	s9 =	ssub.s32 $0x2, s2;
	p0 =	seq.s32 s2, $0x0  }
0xa: {  	s21 =	sshrl.u32 s9, $0x1;
	s8 =	sadd.s32 $0x200, s8;
	s22 =	sshrl.u32 s10, $0x3  }
0xb: {  	s17 =	sadd.s32 s10, s1;
	[dreg:$0x8] =	wrdreg s25;
	s25 =	simm.s32 $0x4800  }
0xc: {  	s6 =	sadd.s32 s6, s5;
	s5 =	sadd.s32 $0x19200, s0;
	s15 =	sadd.s32 s11, s22  }
0xd: {  	s23 =	sshll.u32 s8, $0x3;
	s24 =	sshll.u32 s8, $0x6;
	s12 =	sadd.s32 s4, s22  }
0xe: {  	s26 =	sshll.u32 s8, $0x4;
	[dreg:$0x4] =	wrdreg s17;
	s6 =	sshrl.u32 s6, $0x3  }
0xf: {  	s16 =	sadd.s32 s11, s23;
	s18 =	sadd.s32 s24, s1;
	s13 =	sadd.s32 s4, s23  }
0x10: {  	[dreg:$0x9] =	wrdreg s26;
	s8 =	smov.u32 s15;
	s2 =	sadd.s32 s5, s23  }
0x11: {  	s23 =	simm.s32 $0x2800;
	s24 =	simm.s32 $0x780;
	s26 =	simm.s32 $0x3  }
0x12: {  	s6 =	sadd.s32 s6, s0;
	s0 =	sadd.s32 s7, s0;
	s7 =	ssub.s32 s9, s21  }
0x13: {  	s9 =	smov.u32 s16;
	s8 =	smov.u32 @p0 s12;
	s16 =	smov.u32 @p0 s2  }
0x14: {  	s21 =	simm.s32 $0x200;
	s12 =	simm.s32 $0x2;
	s2 =	simm.s32 $0x0  }
0x15: {  	s10 =	sadd.s32 $0xF200, s6;
	s11 =	sadd.s32 $0x5200, s6;
	s6 =	smov.u32 s18  }
0x16: {  	s0 =	sadd.s32 $0x54600, s0;
	[dreg:$0xa] =	wrdreg s8;
	s9 =	smov.u32 @p0 s13  }
0x17: {  	s7 =	smax.u32 s7, $0x1;
	[dreg:$0x5] =	wrdreg s16;
	s18 =	simm.s32 $0x800  }
.Ltmp0:
0x18: {  	s8 =	simm.s32 $0xA800;
	[dreg:$0x7] =	wrdreg s0;
	(pc) =	sbr.rel .LBB2_1-.Ltmp0, $4  }
0x19: {  	s16 =	simm.s32 $0xC800;
	s13 =	simm.s32 $0x580;
	[dreg:$0xb] =	wrdreg s9  }
0x1a: {  	s0 =	sadd.s32 s5, s22;
	[dreg:$0xc] =	wrdreg s7;
	s22 =	simm.s32 $0x80  }
0x1b: {  	s7 =	simm.s32 $0x680;
	[dreg:$0x6] =	wrdreg s6;
	s15 =	smov.u32 @p0 s0  }
0x1c: {  	s9 =	simm.s32 $0x700;
	[dreg:$0x3] =	wrdreg s15;
	s15 =	simm.s32 $0x500  }
.LBB2_7:
0x1d: {  	s0 =	simm.s32 $0x4  }
0x1e: {  	_ =	swait.ge [sflag:s0], $0x2000  }
0x1f: {  	[sflag:s0] =	ssyncset.done $0x0  }
0x20: {  	[sflag:s0] =	ssyncadd.s32 $0xFFFFE000  }
0x21: {  	_ =	swait.ge [sflag:s0], $0x2000  }
0x22: {  	[sflag:s0] =	ssyncset.done $0x0  }
0x23: {  	[sflag:s0] =	ssyncadd.s32 $0xFFFFE000  }
0x24: {  	_ =	swait.ge [sflag:s0], $0x2000  }
0x25: {  	[sflag:s0] =	ssyncset.done $0x0  }
0x26: {  	[sflag:s0] =	ssyncadd.s32 $0xFFFFE000  }
0x27: {  	_ =	swait.ge [sflag:s0], $0x2000  }
0x28: {  	[sflag:s0] =	ssyncset.done $0x0  }
0x29: {  	[sflag:s0] =	ssyncadd.s32 $0xFFFFE000  }
0x2a: {  	[bflag:$0x0] =	sbarrier.arrive $0xFFFF  }
0x2b: {  	s17 =	rddreg [dreg:$0x4]  }
0x2c: {  	[tilespmem:s18], [sflag:$0x5] =	stream.linear.gather [spmem:s17], $0x8000, $0x38;
	[tilespmem:$0x1A600] =	vst v63  }
0x2d: {  	_ =	swait.ge [sflag:s19], $0x8000  }
0x2e: {  	s6 =	rddreg [dreg:$0x7]  }
0x2f: {  	[sflag:s19] =	ssyncset.done $0x0;
	s2 =	rddreg [dreg:$0x8];
	s0 =	sadd.s32 $0x8, s6  }
0x30: {  	[sflag:s19] =	ssyncadd.s32 $0xFFFF8000;
	s6 =	simm.s32 $0x40;
	s2 =	sadd.s32 s2, s0  }
0x31: {  	[hbm4b:s2+s6] =	stream.strided.scatter [tilespmem:s18], [sflag:$0x5], $0x8000, s22, s6, $0x38;
	[tilespmem:$0x1A600] =	vst v63  }
0x32: {  	_ =	swait.ge [sflag:s19], $0x8000  }
0x33: {  	[sflag:s19] =	ssyncset.done $0x0  }
0x34: {  	s6 =	rddreg [dreg:$0x6];
	[sflag:s19] =	ssyncadd.s32 $0xFFFF8000  }
0x35: {  	[tilespmem:s20], [sflag:$0x5] =	stream.linear.gather [spmem:s6], $0x1E00, $0x38;
	[tilespmem:$0x1A600] =	vst v63  }
0x36: {  	_ =	swait.ge [sflag:s19], $0x1E00  }
0x37: {  	[sflag:s19] =	ssyncset.done $0x0;
	s2 =	rddreg [dreg:$0x9]  }
0x38: {  	[sflag:s19] =	ssyncadd.s32 $0xFFFFE200;
	s0 =	sadd.s32 s2, s0;
	s2 =	simm.s32 $0x40  }
0x39: {  	[hbm4b:s0+s2] =	stream.strided.scatter [tilespmem:s20], [sflag:$0x5], $0x1E00, s22, s2, $0x38;
	[tilespmem:$0x1A600] =	vst v63  }
0x3a: {  	_ =	swait.ge [sflag:s19], $0x1E00  }
0x3b: {  	s0 =	rddreg [dreg:$0xd]  }
0x3c: {  	s2 =	sadd.s32 $0x1, s0;
	s0 =	rddreg [dreg:$0xc]  }
0x3d: {  	p0 =	sne.s32 s2, s0  }
.Ltmp1:
0x3e: {  	_ = 	snop;
	(pc) =	sbr.rel @!p0 .LBB2_8-.Ltmp1, $3  }
0x3f: {  	[sflag:s19] =	ssyncset.done $0x0  }
0x40: {  	[sflag:s19] =	ssyncadd.s32 $0xFFFFE200  }
0x41: {  	[bflag:$0x0] =	sbarrier.arrive $0xFFFF;
	_ =	sdelay $0x1  }
.LBB2_1:
0x42: {  	[dreg:$0xd] =	wrdreg s2  }
0x43: {  	s0 =	rddreg [dreg:$0xa]  }
0x44: {  	[tilespmem:s18], [sflag:$0x5] =	stream.linear.gather [hbm4b:s0+s3], $0x8000, $0x38;
	[tilespmem:$0x1A600] =	vst v63  }
0x45: {  	_ =	swait.ge [sflag:s19], $0x8000  }
0x46: {  	[sflag:s19] =	ssyncset.done $0x0  }
0x47: {  	[sflag:s19] =	ssyncadd.s32 $0xFFFF8000  }
0x48: {  	[spmem:s17] =	stream.linear.scatter [tilespmem:s18], [sflag:$0x5], $0x8000, $0x38;
	[tilespmem:$0x1A600] =	vst v63  }
0x49: {  	_ =	swait.ge [sflag:s19], $0x8000  }
0x4a: {  	[sflag:s19] =	ssyncset.done $0x0  }
0x4b: {  	s2 =	rddreg [dreg:$0xb];
	[sflag:s19] =	ssyncadd.s32 $0xFFFF8000  }
0x4c: {  	[tilespmem:s20], [sflag:$0x5] =	stream.linear.gather [hbm4b:s2+s3], $0x1E00, $0x38;
	[tilespmem:$0x1A600] =	vst v63  }
0x4d: {  	_ =	swait.ge [sflag:s19], $0x1E00  }
0x4e: {  	[sflag:s19] =	ssyncset.done $0x0  }
0x4f: {  	[sflag:s19] =	ssyncadd.s32 $0xFFFFE200  }
0x50: {  	[spmem:s6] =	stream.linear.scatter [tilespmem:s20], [sflag:$0x5], $0x1E00, $0x38;
	[tilespmem:$0x1A600] =	vst v63  }
0x51: {  	_ =	swait.ge [sflag:s19], $0x1E00  }
0x52: {  	[sflag:s19] =	ssyncset.done $0x0  }
0x53: {  	[sflag:s19] =	ssyncadd.s32 $0xFFFFE200  }
0x54: {  	[bflag:$0x0] =	sbarrier.arrive $0xFFFF  }
0x55: {  	[tilespmem:s3], [sflag:$0x5] =	stream.linear.gather [hbm4b:s10+s3], $0x200, $0x38;
	[tilespmem:$0x1A600] =	vst v63  }
0x56: {  	_ =	swait.ge [sflag:s19], $0x200  }
0x57: {  	[sflag:s19] =	ssyncset.done $0x0  }
0x58: {  	[sflag:s19] =	ssyncadd.s32 $0xFFFFFE00  }
0x59: {  	[tilespmem:s21], [sflag:$0x5] =	stream.linear.gather [hbm4b:s11+s3], $0x200, $0x38;
	[tilespmem:$0x1A600] =	vst v63  }
0x5a: {  	_ =	swait.ge [sflag:s19], $0x200  }
0x5b: {  	[sflag:s19] =	ssyncset.done $0x0  }
0x5c: {  	[sflag:s19] =	ssyncadd.s32 $0xFFFFFE00  }
0x5d: {  	[tilespmem:s18], [sflag:$0x1] =	stream.indirect.gather [hbm4b:s4+s22], $0x40, s3, s22, $0xb8;
	[tilespmem:$0x1A600] =	vst v63  }
0x5e: {  	_ = 	snop  }
0x5f: {  	[tilespmem:s23], [sflag:$0x1] =	stream.indirect.gather [hbm4b:s4+s22], $0x40, s22, s22, $0xb8;
	[tilespmem:$0x1A600] =	vst v63  }
0x60: {  	s6 =	simm.s32 $0x100  }
0x61: {  	[tilespmem:s25], [sflag:$0x1] =	stream.indirect.gather [hbm4b:s4+s22], $0x40, s6, s22, $0xb8;
	[tilespmem:$0x1A600] =	vst v63  }
0x62: {  	s0 =	simm.s32 $0x0;
	s17 =	simm.s32 $0x180  }
0x63: {  	[tilespmem:s28], [sflag:$0x1] =	stream.indirect.gather [hbm4b:s4+s22], $0x40, s17, s22, $0xb8;
	[tilespmem:$0x1A600] =	vst v63  }
.LBB2_2:
0x64: {  	p0 =	seq.s32 s0, $0x0  }
0x65: {  	s17 =	simm.s32 @!p0 $0x4  }
0x66: {  	_ =	swait.ge @!p0 [sflag:s17], $0x2000  }
0x67: {  	[sflag:s17] =	ssyncset.done @!p0 $0x0  }
0x68: {  	[sflag:s17] =	ssyncadd.s32 @!p0 $0xFFFFE000  }
0x69: {  	_ =	swait.ge @!p0 [sflag:s17], $0x2000  }
0x6a: {  	[sflag:s17] =	ssyncset.done @!p0 $0x0  }
0x6b: {  	[sflag:s17] =	ssyncadd.s32 @!p0 $0xFFFFE000  }
0x6c: {  	_ =	swait.ge @!p0 [sflag:s17], $0x2000  }
0x6d: {  	[sflag:s17] =	ssyncset.done @!p0 $0x0  }
0x6e: {  	[sflag:s17] =	ssyncadd.s32 @!p0 $0xFFFFE000  }
0x6f: {  	_ =	swait.ge @!p0 [sflag:s17], $0x2000  }
0x70: {  	s2 =	sadd.s32 s0, s10;
	[sflag:s17] =	ssyncset.done @!p0 $0x0  }
0x71: {  	s6 =	sadd.s32 $0x40, s2;
	[sflag:s17] =	ssyncadd.s32 @!p0 $0xFFFFE000  }
0x72: {  	[tilespmem:s29], [sflag:$0x5] =	stream.linear.gather [hbm4b:s6+s3], $0x200, $0x38;
	[tilespmem:$0x1A600] =	vst v63  }
0x73: {  	_ =	swait.ge [sflag:s19], $0x200  }
0x74: {  	s17 =	sadd.s32 s0, s11;
	[sflag:s19] =	ssyncset.done $0x0  }
0x75: {  	s6 =	sadd.s32 $0x40, s17;
	[sflag:s19] =	ssyncadd.s32 $0xFFFFFE00  }
0x76: {  	[tilespmem:s30], [sflag:$0x5] =	stream.linear.gather [hbm4b:s6+s3], $0x200, $0x38;
	[tilespmem:$0x1A600] =	vst v63  }
0x77: {  	_ =	swait.ge [sflag:s19], $0x200  }
0x78: {  	[sflag:s19] =	ssyncset.done $0x0  }
0x79: {  	[sflag:s19] =	ssyncadd.s32 $0xFFFFFE00  }
0x7a: {  	_ =	swait.ge [sflag:s31], $0x2000  }
0x7b: {  	[sflag:s31] =	ssyncset.done $0x0  }
0x7c: {  	[sflag:s31] =	ssyncadd.s32 $0xFFFFE000  }
0x7d: {  	_ =	swait.ge [sflag:s31], $0x2000  }
0x7e: {  	[sflag:s31] =	ssyncset.done $0x0  }
0x7f: {  	[sflag:s31] =	ssyncadd.s32 $0xFFFFE000  }
0x80: {  	_ =	swait.ge [sflag:s31], $0x2000  }
0x81: {  	[sflag:s31] =	ssyncset.done $0x0  }
0x82: {  	[sflag:s31] =	ssyncadd.s32 $0xFFFFE000  }
0x83: {  	_ =	swait.ge [sflag:s31], $0x2000  }
0x84: {  	[sflag:s31] =	ssyncset.done $0x0  }
0x85: {  	[sflag:s31] =	ssyncadd.s32 $0xFFFFE000  }
0x86: {  	[spmem:s1] =	stream.indirect.scatter.add.f32 [tilespmem:s18], [sflag:$0x3], $0x40, s21, s22, $0xb8;
	[tilespmem:$0x1A600] =	vst v63  }
0x87: {  	s6 =	simm.s32 $0x280  }
0x88: {  	[spmem:s1] =	stream.indirect.scatter.add.f32 [tilespmem:s23], [sflag:$0x3], $0x40, s6, s22, $0xb8;
	[tilespmem:$0x1A600] =	vst v63  }
0x89: {  	s6 =	simm.s32 $0x300  }
0x8a: {  	[spmem:s1] =	stream.indirect.scatter.add.f32 [tilespmem:s25], [sflag:$0x3], $0x40, s6, s22, $0xb8;
	[tilespmem:$0x1A600] =	vst v63  }
0x8b: {  	s6 =	simm.s32 $0x380  }
0x8c: {  	[spmem:s1] =	stream.indirect.scatter.add.f32 [tilespmem:s28], [sflag:$0x3], $0x40, s6, s22, $0xb8;
	[tilespmem:$0x1A600] =	vst v63  }
0x8d: {  	_ = 	snop  }
0x8e: {  	[tilespmem:s20], [sflag:$0x2] =	stream.indirect.gather [hbm4b:s4+s22], $0x40, s29, s22, $0xb8;
	[tilespmem:$0x1A600] =	vst v63  }
0x8f: {  	s6 =	simm.s32 $0x480  }
0x90: {  	[tilespmem:s8], [sflag:$0x2] =	stream.indirect.gather [hbm4b:s4+s22], $0x40, s6, s22, $0xb8;
	[tilespmem:$0x1A600] =	vst v63  }
0x91: {  	_ = 	snop  }
0x92: {  	[tilespmem:s16], [sflag:$0x2] =	stream.indirect.gather [hbm4b:s4+s22], $0x40, s15, s22, $0xb8;
	[tilespmem:$0x1A600] =	vst v63  }
0x93: {  	_ = 	snop  }
0x94: {  	[tilespmem:s14], [sflag:$0x2] =	stream.indirect.gather [hbm4b:s4+s22], $0x40, s13, s22, $0xb8;
	[tilespmem:$0x1A600] =	vst v63  }
0x95: {  	_ =	swait.ge [sflag:s12], $0x2000  }
0x96: {  	[sflag:s12] =	ssyncset.done $0x0  }
0x97: {  	[sflag:s12] =	ssyncadd.s32 $0xFFFFE000  }
0x98: {  	_ =	swait.ge [sflag:s12], $0x2000  }
0x99: {  	[sflag:s12] =	ssyncset.done $0x0  }
0x9a: {  	[sflag:s12] =	ssyncadd.s32 $0xFFFFE000  }
0x9b: {  	_ =	swait.ge [sflag:s12], $0x2000  }
0x9c: {  	[sflag:s12] =	ssyncset.done $0x0  }
0x9d: {  	[sflag:s12] =	ssyncadd.s32 $0xFFFFE000  }
0x9e: {  	_ =	swait.ge [sflag:s12], $0x2000  }
0x9f: {  	[sflag:s12] =	ssyncset.done $0x0  }
0xa0: {  	[sflag:s12] =	ssyncadd.s32 $0xFFFFE000  }
0xa1: {  	[spmem:s1] =	stream.indirect.scatter.add.f32 [tilespmem:s20], [sflag:$0x4], $0x40, s30, s22, $0xb8;
	[tilespmem:$0x1A600] =	vst v63  }
0xa2: {  	_ = 	snop  }
0xa3: {  	[spmem:s1] =	stream.indirect.scatter.add.f32 [tilespmem:s8], [sflag:$0x4], $0x40, s7, s22, $0xb8;
	[tilespmem:$0x1A600] =	vst v63  }
0xa4: {  	_ = 	snop  }
0xa5: {  	[spmem:s1] =	stream.indirect.scatter.add.f32 [tilespmem:s16], [sflag:$0x4], $0x40, s9, s22, $0xb8;
	[tilespmem:$0x1A600] =	vst v63  }
0xa6: {  	_ = 	snop  }
0xa7: {  	[spmem:s1] =	stream.indirect.scatter.add.f32 [tilespmem:s14], [sflag:$0x4], $0x40, s24, s22, $0xb8;
	[tilespmem:$0x1A600] =	vst v63  }
0xa8: {  	_ =	swait.ge [sflag:s26], $0x2000  }
0xa9: {  	[sflag:s26] =	ssyncset.done $0x0  }
0xaa: {  	[sflag:s26] =	ssyncadd.s32 $0xFFFFE000  }
0xab: {  	_ =	swait.ge [sflag:s26], $0x2000  }
0xac: {  	[sflag:s26] =	ssyncset.done $0x0  }
0xad: {  	[sflag:s26] =	ssyncadd.s32 $0xFFFFE000  }
0xae: {  	p0 =	seq.s32 s0, $0x480;
	_ =	swait.ge [sflag:s26], $0x2000  }
.Ltmp2:
0xaf: {  	[sflag:s26] =	ssyncset.done $0x0;
	(pc) =	sbr.rel @p0 .LBB2_4-.Ltmp2, $4  }
0xb0: {  	[sflag:s26] =	ssyncadd.s32 $0xFFFFE000  }
0xb1: {  	_ =	swait.ge [sflag:s26], $0x2000  }
0xb2: {  	[sflag:s26] =	ssyncset.done $0x0  }
0xb3: {  	[sflag:s26] =	ssyncadd.s32 $0xFFFFE000  }
0xb4: {  	s2 =	sadd.s32 $0x80, s2  }
0xb5: {  	[tilespmem:s3], [sflag:$0x5] =	stream.linear.gather [hbm4b:s2+s3], $0x200, $0x38;
	[tilespmem:$0x1A600] =	vst v63  }
0xb6: {  	_ =	swait.ge [sflag:s19], $0x200  }
0xb7: {  	[sflag:s19] =	ssyncset.done $0x0  }
0xb8: {  	s17 =	sadd.s32 $0x80, s17;
	[sflag:s19] =	ssyncadd.s32 $0xFFFFFE00  }
0xb9: {  	[tilespmem:s21], [sflag:$0x5] =	stream.linear.gather [hbm4b:s17+s3], $0x200, $0x38;
	[tilespmem:$0x1A600] =	vst v63  }
0xba: {  	_ =	swait.ge [sflag:s19], $0x200  }
0xbb: {  	[sflag:s19] =	ssyncset.done $0x0  }
0xbc: {  	[sflag:s19] =	ssyncadd.s32 $0xFFFFFE00  }
0xbd: {  	[tilespmem:s18], [sflag:$0x1] =	stream.indirect.gather [hbm4b:s4+s22], $0x40, s3, s22, $0xb8;
	[tilespmem:$0x1A600] =	vst v63  }
0xbe: {  	_ = 	snop  }
0xbf: {  	[tilespmem:s23], [sflag:$0x1] =	stream.indirect.gather [hbm4b:s4+s22], $0x40, s22, s22, $0xb8;
	[tilespmem:$0x1A600] =	vst v63  }
.Ltmp3:
0xc0: {  	_ = 	snop;
	(pc) =	sbr.rel .LBB2_2-.Ltmp3, $4  }
0xc1: {  	s6 =	simm.s32 $0x100  }
0xc2: {  	[tilespmem:s25], [sflag:$0x1] =	stream.indirect.gather [hbm4b:s4+s22], $0x40, s6, s22, $0xb8;
	[tilespmem:$0x1A600] =	vst v63  }
0xc3: {  	s0 =	sadd.s32 $0x80, s0;
	s17 =	simm.s32 $0x180  }
0xc4: {  	[tilespmem:s28], [sflag:$0x1] =	stream.indirect.gather [hbm4b:s4+s22], $0x40, s17, s22, $0xb8;
	[tilespmem:$0x1A600] =	vst v63  }
.LBB2_4:
0xc5: {  	s0 =	simm.s32 $0x4  }
0xc6: {  	_ =	swait.ge [sflag:s0], $0x2000  }
0xc7: {  	[sflag:s0] =	ssyncset.done $0x0  }
0xc8: {  	[sflag:s0] =	ssyncadd.s32 $0xFFFFE000  }
0xc9: {  	_ =	swait.ge [sflag:s0], $0x2000  }
0xca: {  	[sflag:s0] =	ssyncset.done $0x0  }
0xcb: {  	[sflag:s0] =	ssyncadd.s32 $0xFFFFE000  }
0xcc: {  	_ =	swait.ge [sflag:s0], $0x2000  }
0xcd: {  	[sflag:s0] =	ssyncset.done $0x0  }
0xce: {  	[sflag:s0] =	ssyncadd.s32 $0xFFFFE000  }
0xcf: {  	_ =	swait.ge [sflag:s0], $0x2000  }
0xd0: {  	[sflag:s0] =	ssyncset.done $0x0  }
0xd1: {  	[sflag:s0] =	ssyncadd.s32 $0xFFFFE000  }
0xd2: {  	[bflag:$0x0] =	sbarrier.arrive $0xFFFF  }
0xd3: {  	s6 =	rddreg [dreg:$0x4]  }
0xd4: {  	[tilespmem:s18], [sflag:$0x5] =	stream.linear.gather [spmem:s6], $0x8000, $0x38;
	[tilespmem:$0x1A600] =	vst v63  }
0xd5: {  	_ =	swait.ge [sflag:s19], $0x8000  }
0xd6: {  	s2 =	rddreg [dreg:$0x7]  }
0xd7: {  	[sflag:s19] =	ssyncset.done $0x0;
	s17 =	rddreg [dreg:$0x8]  }
0xd8: {  	[sflag:s19] =	ssyncadd.s32 $0xFFFF8000;
	s0 =	sadd.s32 s17, s2;
	s17 =	simm.s32 $0x40  }
0xd9: {  	[hbm4b:s0+s17] =	stream.strided.scatter [tilespmem:s18], [sflag:$0x5], $0x8000, s22, s17, $0x38;
	[tilespmem:$0x1A600] =	vst v63  }
0xda: {  	_ =	swait.ge [sflag:s19], $0x8000  }
0xdb: {  	[sflag:s19] =	ssyncset.done $0x0  }
0xdc: {  	s17 =	rddreg [dreg:$0x6];
	[sflag:s19] =	ssyncadd.s32 $0xFFFF8000  }
0xdd: {  	[tilespmem:s20], [sflag:$0x5] =	stream.linear.gather [spmem:s17], $0x1E00, $0x38;
	[tilespmem:$0x1A600] =	vst v63  }
0xde: {  	_ =	swait.ge [sflag:s19], $0x1E00  }
0xdf: {  	[sflag:s19] =	ssyncset.done $0x0;
	s0 =	rddreg [dreg:$0x9]  }
0xe0: {  	[sflag:s19] =	ssyncadd.s32 $0xFFFFE200;
	s0 =	sadd.s32 s0, s2;
	s2 =	simm.s32 $0x40  }
0xe1: {  	[hbm4b:s0+s2] =	stream.strided.scatter [tilespmem:s20], [sflag:$0x5], $0x1E00, s22, s2, $0x38;
	[tilespmem:$0x1A600] =	vst v63  }
0xe2: {  	_ =	swait.ge [sflag:s19], $0x1E00  }
0xe3: {  	[sflag:s19] =	ssyncset.done $0x0  }
0xe4: {  	[sflag:s19] =	ssyncadd.s32 $0xFFFFE200  }
0xe5: {  	[bflag:$0x0] =	sbarrier.arrive $0xFFFF  }
0xe6: {  	s0 =	simm.s32 $0x0;
	s2 =	rddreg [dreg:$0x3]  }
0xe7: {  	[tilespmem:s18], [sflag:$0x5] =	stream.linear.gather [hbm4b:s2+s0], $0x8000, $0x38;
	[tilespmem:$0x1A600] =	vst v63  }
0xe8: {  	_ =	swait.ge [sflag:s19], $0x8000  }
0xe9: {  	[sflag:s19] =	ssyncset.done $0x0  }
0xea: {  	[sflag:s19] =	ssyncadd.s32 $0xFFFF8000  }
0xeb: {  	[spmem:s6] =	stream.linear.scatter [tilespmem:s18], [sflag:$0x5], $0x8000, $0x38;
	[tilespmem:$0x1A600] =	vst v63  }
0xec: {  	_ =	swait.ge [sflag:s19], $0x8000  }
0xed: {  	[sflag:s19] =	ssyncset.done $0x0  }
0xee: {  	s6 =	rddreg [dreg:$0x5];
	[sflag:s19] =	ssyncadd.s32 $0xFFFF8000  }
0xef: {  	[tilespmem:s20], [sflag:$0x5] =	stream.linear.gather [hbm4b:s6+s0], $0x1E00, $0x38;
	[tilespmem:$0x1A600] =	vst v63  }
0xf0: {  	_ =	swait.ge [sflag:s19], $0x1E00  }
0xf1: {  	[sflag:s19] =	ssyncset.done $0x0  }
0xf2: {  	[sflag:s19] =	ssyncadd.s32 $0xFFFFE200  }
0xf3: {  	[spmem:s17] =	stream.linear.scatter [tilespmem:s20], [sflag:$0x5], $0x1E00, $0x38;
	[tilespmem:$0x1A600] =	vst v63  }
0xf4: {  	_ =	swait.ge [sflag:s19], $0x1E00  }
0xf5: {  	[sflag:s19] =	ssyncset.done $0x0  }
0xf6: {  	[sflag:s19] =	ssyncadd.s32 $0xFFFFE200  }
0xf7: {  	[bflag:$0x0] =	sbarrier.arrive $0xFFFF  }
0xf8: {  	[tilespmem:s0], [sflag:$0x5] =	stream.linear.gather [hbm4b:s10+s0], $0x200, $0x38;
	[tilespmem:$0x1A600] =	vst v63  }
0xf9: {  	_ =	swait.ge [sflag:s19], $0x200  }
0xfa: {  	[sflag:s19] =	ssyncset.done $0x0  }
0xfb: {  	[sflag:s19] =	ssyncadd.s32 $0xFFFFFE00  }
0xfc: {  	[tilespmem:s21], [sflag:$0x5] =	stream.linear.gather [hbm4b:s11+s0], $0x200, $0x38;
	[tilespmem:$0x1A600] =	vst v63  }
0xfd: {  	_ =	swait.ge [sflag:s19], $0x200  }
0xfe: {  	[sflag:s19] =	ssyncset.done $0x0  }
0xff: {  	[sflag:s19] =	ssyncadd.s32 $0xFFFFFE00  }
0x100: {  	[tilespmem:s18], [sflag:$0x1] =	stream.indirect.gather [hbm4b:s5+s22], $0x40, s0, s22, $0xb8;
	[tilespmem:$0x1A600] =	vst v63  }
0x101: {  	_ = 	snop  }
0x102: {  	[tilespmem:s23], [sflag:$0x1] =	stream.indirect.gather [hbm4b:s5+s22], $0x40, s22, s22, $0xb8;
	[tilespmem:$0x1A600] =	vst v63  }
0x103: {  	s6 =	simm.s32 $0x100  }
0x104: {  	[tilespmem:s25], [sflag:$0x1] =	stream.indirect.gather [hbm4b:s5+s22], $0x40, s6, s22, $0xb8;
	[tilespmem:$0x1A600] =	vst v63  }
0x105: {  	s17 =	simm.s32 $0x180  }
0x106: {  	[tilespmem:s28], [sflag:$0x1] =	stream.indirect.gather [hbm4b:s5+s22], $0x40, s17, s22, $0xb8;
	[tilespmem:$0x1A600] =	vst v63  }
.LBB2_5:
0x107: {  	p0 =	seq.s32 s0, $0x0  }
0x108: {  	s6 =	simm.s32 @!p0 $0x4  }
0x109: {  	_ =	swait.ge @!p0 [sflag:s6], $0x2000  }
0x10a: {  	[sflag:s6] =	ssyncset.done @!p0 $0x0  }
0x10b: {  	[sflag:s6] =	ssyncadd.s32 @!p0 $0xFFFFE000  }
0x10c: {  	_ =	swait.ge @!p0 [sflag:s6], $0x2000  }
0x10d: {  	[sflag:s6] =	ssyncset.done @!p0 $0x0  }
0x10e: {  	[sflag:s6] =	ssyncadd.s32 @!p0 $0xFFFFE000  }
0x10f: {  	_ =	swait.ge @!p0 [sflag:s6], $0x2000  }
0x110: {  	[sflag:s6] =	ssyncset.done @!p0 $0x0  }
0x111: {  	[sflag:s6] =	ssyncadd.s32 @!p0 $0xFFFFE000  }
0x112: {  	_ =	swait.ge @!p0 [sflag:s6], $0x2000  }
0x113: {  	s2 =	sadd.s32 s0, s10;
	[sflag:s6] =	ssyncset.done @!p0 $0x0  }
0x114: {  	s17 =	sadd.s32 $0x40, s2;
	[sflag:s6] =	ssyncadd.s32 @!p0 $0xFFFFE000  }
0x115: {  	[tilespmem:s29], [sflag:$0x5] =	stream.linear.gather [hbm4b:s17+s3], $0x200, $0x38;
	[tilespmem:$0x1A600] =	vst v63  }
0x116: {  	_ =	swait.ge [sflag:s19], $0x200  }
0x117: {  	s17 =	sadd.s32 s0, s11;
	[sflag:s19] =	ssyncset.done $0x0  }
0x118: {  	s6 =	sadd.s32 $0x40, s17;
	[sflag:s19] =	ssyncadd.s32 $0xFFFFFE00  }
0x119: {  	[tilespmem:s30], [sflag:$0x5] =	stream.linear.gather [hbm4b:s6+s3], $0x200, $0x38;
	[tilespmem:$0x1A600] =	vst v63  }
0x11a: {  	_ =	swait.ge [sflag:s19], $0x200  }
0x11b: {  	[sflag:s19] =	ssyncset.done $0x0  }
0x11c: {  	[sflag:s19] =	ssyncadd.s32 $0xFFFFFE00  }
0x11d: {  	_ =	swait.ge [sflag:s31], $0x2000  }
0x11e: {  	[sflag:s31] =	ssyncset.done $0x0  }
0x11f: {  	[sflag:s31] =	ssyncadd.s32 $0xFFFFE000  }
0x120: {  	_ =	swait.ge [sflag:s31], $0x2000  }
0x121: {  	[sflag:s31] =	ssyncset.done $0x0  }
0x122: {  	[sflag:s31] =	ssyncadd.s32 $0xFFFFE000  }
0x123: {  	_ =	swait.ge [sflag:s31], $0x2000  }
0x124: {  	[sflag:s31] =	ssyncset.done $0x0  }
0x125: {  	[sflag:s31] =	ssyncadd.s32 $0xFFFFE000  }
0x126: {  	_ =	swait.ge [sflag:s31], $0x2000  }
0x127: {  	[sflag:s31] =	ssyncset.done $0x0  }
0x128: {  	[sflag:s31] =	ssyncadd.s32 $0xFFFFE000  }
0x129: {  	[spmem:s1] =	stream.indirect.scatter.add.f32 [tilespmem:s18], [sflag:$0x3], $0x40, s21, s22, $0xb8;
	[tilespmem:$0x1A600] =	vst v63  }
0x12a: {  	s6 =	simm.s32 $0x280  }
0x12b: {  	[spmem:s1] =	stream.indirect.scatter.add.f32 [tilespmem:s23], [sflag:$0x3], $0x40, s6, s22, $0xb8;
	[tilespmem:$0x1A600] =	vst v63  }
0x12c: {  	s6 =	simm.s32 $0x300  }
0x12d: {  	[spmem:s1] =	stream.indirect.scatter.add.f32 [tilespmem:s25], [sflag:$0x3], $0x40, s6, s22, $0xb8;
	[tilespmem:$0x1A600] =	vst v63  }
0x12e: {  	s6 =	simm.s32 $0x380  }
0x12f: {  	[spmem:s1] =	stream.indirect.scatter.add.f32 [tilespmem:s28], [sflag:$0x3], $0x40, s6, s22, $0xb8;
	[tilespmem:$0x1A600] =	vst v63  }
0x130: {  	_ = 	snop  }
0x131: {  	[tilespmem:s20], [sflag:$0x2] =	stream.indirect.gather [hbm4b:s5+s22], $0x40, s29, s22, $0xb8;
	[tilespmem:$0x1A600] =	vst v63  }
0x132: {  	s6 =	simm.s32 $0x480  }
0x133: {  	[tilespmem:s8], [sflag:$0x2] =	stream.indirect.gather [hbm4b:s5+s22], $0x40, s6, s22, $0xb8;
	[tilespmem:$0x1A600] =	vst v63  }
0x134: {  	_ = 	snop  }
0x135: {  	[tilespmem:s16], [sflag:$0x2] =	stream.indirect.gather [hbm4b:s5+s22], $0x40, s15, s22, $0xb8;
	[tilespmem:$0x1A600] =	vst v63  }
0x136: {  	_ = 	snop  }
0x137: {  	[tilespmem:s14], [sflag:$0x2] =	stream.indirect.gather [hbm4b:s5+s22], $0x40, s13, s22, $0xb8;
	[tilespmem:$0x1A600] =	vst v63  }
0x138: {  	_ =	swait.ge [sflag:s12], $0x2000  }
0x139: {  	[sflag:s12] =	ssyncset.done $0x0  }
0x13a: {  	[sflag:s12] =	ssyncadd.s32 $0xFFFFE000  }
0x13b: {  	_ =	swait.ge [sflag:s12], $0x2000  }
0x13c: {  	[sflag:s12] =	ssyncset.done $0x0  }
0x13d: {  	[sflag:s12] =	ssyncadd.s32 $0xFFFFE000  }
0x13e: {  	_ =	swait.ge [sflag:s12], $0x2000  }
0x13f: {  	[sflag:s12] =	ssyncset.done $0x0  }
0x140: {  	[sflag:s12] =	ssyncadd.s32 $0xFFFFE000  }
0x141: {  	_ =	swait.ge [sflag:s12], $0x2000  }
0x142: {  	[sflag:s12] =	ssyncset.done $0x0  }
0x143: {  	[sflag:s12] =	ssyncadd.s32 $0xFFFFE000  }
0x144: {  	[spmem:s1] =	stream.indirect.scatter.add.f32 [tilespmem:s20], [sflag:$0x4], $0x40, s30, s22, $0xb8;
	[tilespmem:$0x1A600] =	vst v63  }
0x145: {  	_ = 	snop  }
0x146: {  	[spmem:s1] =	stream.indirect.scatter.add.f32 [tilespmem:s8], [sflag:$0x4], $0x40, s7, s22, $0xb8;
	[tilespmem:$0x1A600] =	vst v63  }
0x147: {  	_ = 	snop  }
0x148: {  	[spmem:s1] =	stream.indirect.scatter.add.f32 [tilespmem:s16], [sflag:$0x4], $0x40, s9, s22, $0xb8;
	[tilespmem:$0x1A600] =	vst v63  }
0x149: {  	_ = 	snop  }
0x14a: {  	[spmem:s1] =	stream.indirect.scatter.add.f32 [tilespmem:s14], [sflag:$0x4], $0x40, s24, s22, $0xb8;
	[tilespmem:$0x1A600] =	vst v63  }
0x14b: {  	_ =	swait.ge [sflag:s26], $0x2000  }
0x14c: {  	[sflag:s26] =	ssyncset.done $0x0  }
0x14d: {  	[sflag:s26] =	ssyncadd.s32 $0xFFFFE000  }
0x14e: {  	_ =	swait.ge [sflag:s26], $0x2000  }
0x14f: {  	[sflag:s26] =	ssyncset.done $0x0  }
0x150: {  	[sflag:s26] =	ssyncadd.s32 $0xFFFFE000  }
0x151: {  	p0 =	seq.s32 s0, $0x480;
	_ =	swait.ge [sflag:s26], $0x2000  }
.Ltmp4:
0x152: {  	[sflag:s26] =	ssyncset.done $0x0;
	(pc) =	sbr.rel @p0 .LBB2_7-.Ltmp4, $4  }
0x153: {  	[sflag:s26] =	ssyncadd.s32 $0xFFFFE000  }
0x154: {  	_ =	swait.ge [sflag:s26], $0x2000  }
0x155: {  	[sflag:s26] =	ssyncset.done $0x0  }
0x156: {  	[sflag:s26] =	ssyncadd.s32 $0xFFFFE000  }
0x157: {  	s2 =	sadd.s32 $0x80, s2  }
0x158: {  	[tilespmem:s3], [sflag:$0x5] =	stream.linear.gather [hbm4b:s2+s3], $0x200, $0x38;
	[tilespmem:$0x1A600] =	vst v63  }
0x159: {  	_ =	swait.ge [sflag:s19], $0x200  }
0x15a: {  	[sflag:s19] =	ssyncset.done $0x0  }
0x15b: {  	s17 =	sadd.s32 $0x80, s17;
	[sflag:s19] =	ssyncadd.s32 $0xFFFFFE00  }
0x15c: {  	[tilespmem:s21], [sflag:$0x5] =	stream.linear.gather [hbm4b:s17+s3], $0x200, $0x38;
	[tilespmem:$0x1A600] =	vst v63  }
0x15d: {  	_ =	swait.ge [sflag:s19], $0x200  }
0x15e: {  	[sflag:s19] =	ssyncset.done $0x0  }
0x15f: {  	[sflag:s19] =	ssyncadd.s32 $0xFFFFFE00  }
0x160: {  	[tilespmem:s18], [sflag:$0x1] =	stream.indirect.gather [hbm4b:s5+s22], $0x40, s3, s22, $0xb8;
	[tilespmem:$0x1A600] =	vst v63  }
0x161: {  	_ = 	snop  }
0x162: {  	[tilespmem:s23], [sflag:$0x1] =	stream.indirect.gather [hbm4b:s5+s22], $0x40, s22, s22, $0xb8;
	[tilespmem:$0x1A600] =	vst v63  }
.Ltmp5:
0x163: {  	_ = 	snop;
	(pc) =	sbr.rel .LBB2_5-.Ltmp5, $4  }
0x164: {  	s6 =	simm.s32 $0x100  }
0x165: {  	[tilespmem:s25], [sflag:$0x1] =	stream.indirect.gather [hbm4b:s5+s22], $0x40, s6, s22, $0xb8;
	[tilespmem:$0x1A600] =	vst v63  }
0x166: {  	s0 =	sadd.s32 $0x80, s0;
	s17 =	simm.s32 $0x180  }
0x167: {  	[tilespmem:s28], [sflag:$0x1] =	stream.indirect.gather [hbm4b:s5+s22], $0x40, s17, s22, $0xb8;
	[tilespmem:$0x1A600] =	vst v63  }
.LBB2_8:
0x168: {  	_ =	sfence.sel $0x180000  }
0x169: {  	[bflag:$0x0] =	sbarrier.arrive $0xFFFF  }
0x16a: {  	_ =	strace $0x90000047  }
0x16b: {  	s0 =	stileid.u32;
	[bflag:$0x2] =	sbarrier.arrive $0xFFFF  }
0x16c: {  	p0 =	sne.s32 s0, $0x0;
	s0 =	rddreg [dreg:$0x2]  }
0x16d: {  	s0 =	sadd.s32 @!p0 $0x100000, s0  }
0x16e: {  	[sflag:s0] =	ssyncadd.tile.s32 @!p0 $0x1;
	_ =	shalt  }
.Lfunc_end2:
_tile_overlayer_lowered:
.L_overlay_start_2:
0x16f: {  	(tag) =	ssettag $0x2  }
0x170: {  	s0 =	rddreg [dreg:$0x0];
	s2 =	stileid.u32  }
0x171: {  	s1 =	rddreg [dreg:$0x1];
	p0 =	sne.s32 s2, $0x0  }
0x172: {  	s3 =	rddreg [dreg:$0x2];
	[bflag:$0x3] =	sbarrier.arrive $0xFFFF;
	s2 =	simm.s32 @!p0 $0x1C05  }
0x173: {  	[timem:s3], [sflag:s2] =	dma.local @!p0 [hbm:s0], s1  }
0x174: {  	s0 =	simm.s32 @!p0 $0x5  }
0x175: {  	_ =	swait.ge @!p0 [sflag:s0], s1  }
0x176: {  	s1 =	ssub.s32 @!p0 $0x0, s1;
	[sflag:s0] =	ssyncset.done @!p0 $0x0  }
0x177: {  	[sflag:s0] =	ssyncadd.s32 @!p0 s1  }
0x178: {  	[bflag:$0x3] =	sbarrier.arrive $0xFFFF  }
0x179: {  	_ =	shalt  }

</sc_bundles>
